<compile_context>
chip_gen: v7x
topology: tpu7x:2x2x1
jax: 0.10.2.dev20260603
libtpu: 0.0.44.dev20260713+nightly
codegen_flags: <defaults>
</compile_context>

<pallas_src>
import jax
import jax.numpy as jnp
from jax.experimental import pallas as pl
from jax.experimental.pallas import tpu as pltpu
from jax.experimental.pallas import tpu_sc as plsc

_B = 16
_SC_CORES = 2
_SC_SUBCORES = 16
_UNITS = _SC_CORES * _SC_SUBCORES
_CHUNK = 16
_LANES = 16
_TC_ROWS = 28672
_TC_BLK = 512


def _sc_partial_sums(flat, ids_r, row_base):
    total, d = flat.shape
    nunits, nchunks, _ = ids_r.shape
    rows_per_unit = nchunks * _CHUNK
    mesh = plsc.VectorSubcoreMesh(core_axis_name="c", subcore_axis_name="s")

    @pl.kernel(
        out_type=jax.ShapeDtypeStruct((_UNITS, _B, d), jnp.float32),
        mesh=mesh,
        scratch_types=[
            pltpu.VMEM((nchunks, _CHUNK), jnp.int32),
            pltpu.VMEM((_CHUNK, d), jnp.float32),
            pltpu.VMEM((_CHUNK, d), jnp.float32),
            pltpu.VMEM((_B, d), jnp.float32),
            pltpu.SemaphoreType.DMA,
            pltpu.SemaphoreType.DMA,
            pltpu.SemaphoreType.DMA,
        ],
    )
    def sc_kernel(flat_hbm, ids_hbm, out_hbm, ids_v, buf_a, buf_b, acc,
                  sem_a, sem_b, sem_i):
        c = jax.lax.axis_index("c")
        s = jax.lax.axis_index("s")
        u = c * _SC_SUBCORES + s
        ids_cp = pltpu.async_copy(ids_hbm.at[u], ids_v, sem_i)

        row0_pre = row_base + u * rows_per_unit
        cp_pre_a = pltpu.async_copy(
            flat_hbm.at[pl.ds(row0_pre, _CHUNK)], buf_a, sem_a)
        cp_pre_b = pltpu.async_copy(
            flat_hbm.at[pl.ds(row0_pre + _CHUNK, _CHUNK)], buf_b, sem_b)

        zeros = jnp.zeros((_LANES,), jnp.float32)

        @pl.loop(0, _B)
        def _(r):
            @pl.loop(0, d, step=_LANES)
            def _(col):
                acc[r, pl.ds(col, _LANES)] = zeros

        row0 = row_base + u * rows_per_unit

        def process(buf, k):
            idvec = ids_v[k]
            first = idvec[0]
            same = first == idvec[_CHUNK - 1]

            @pl.when(same)
            def _fast():
                @pl.loop(0, d, step=2 * _LANES)
                def _(col):
                    cols = [col, col + _LANES]
                    trees = []
                    for cc in cols:
                        xs = [buf[r, pl.ds(cc, _LANES)]
                              for r in range(_CHUNK)]
                        trees.append(xs)
                    vals = []
                    for xs in trees:
                        while len(xs) > 1:
                            pairs = [xs[i] + xs[i + 1]
                                     for i in range(0, len(xs) - 1, 2)]
                            if len(xs) % 2:
                                pairs.append(xs[-1])
                            xs = pairs
                        vals.append(xs[0])
                    for cc, v in zip(cols, vals):
                        plsc.addupdate(acc.at[first, pl.ds(cc, _LANES)], v)

            @pl.when(jnp.logical_not(same))
            def _slow():
                for r in range(_CHUNK):
                    seg = idvec[r]

                    @pl.loop(0, d, step=_LANES)
                    def _(col):
                        plsc.addupdate(acc.at[seg, pl.ds(col, _LANES)],
                                       buf[r, pl.ds(col, _LANES)])

        ids_cp.wait()
        cp_pre_a.wait()
        process(buf_a, 0)

        @pl.loop(1, nchunks - 1, step=2)
        def _(kb):
            cp_a = pltpu.async_copy(
                flat_hbm.at[pl.ds(row0 + (kb + 1) * _CHUNK, _CHUNK)], buf_a,
                sem_a)
            pltpu.make_async_copy(
                flat_hbm.at[pl.ds(row0 + kb * _CHUNK, _CHUNK)], buf_b,
                sem_b).wait()
            process(buf_b, kb)
            cp_b = pltpu.async_copy(
                flat_hbm.at[pl.ds(row0 + (kb + 2) * _CHUNK, _CHUNK)], buf_b,
                sem_b)
            cp_a.wait()
            process(buf_a, kb + 1)

        pltpu.make_async_copy(
            flat_hbm.at[pl.ds(row0 + (nchunks - 1) * _CHUNK, _CHUNK)], buf_b,
            sem_b).wait()
        process(buf_b, nchunks - 1)

        pltpu.async_copy(acc, out_hbm.at[u], sem_a).wait()

    return sc_kernel(flat, ids_r)


def _tc_partial_body(ids_ref, x_ref, out_ref):
    i = pl.program_id(0)

    @pl.when(i == 0)
    def _init():
        out_ref[...] = jnp.zeros_like(out_ref)

    ids = ids_ref[0, 0, :]
    onehot = (
        ids[:, None] == jax.lax.broadcasted_iota(jnp.int32, (_TC_BLK, _B), 1)
    ).astype(jnp.float32)
    out_ref[...] += jax.lax.dot_general(
        onehot, x_ref[...], (((0,), (0,)), ((), ())),
        preferred_element_type=jnp.float32,
    )


def _tc_partial_sums(flat, ids_tc):
    d = flat.shape[1]
    n_blocks = _TC_ROWS // _TC_BLK
    ids3 = ids_tc.reshape(n_blocks, 1, _TC_BLK)
    return pl.pallas_call(
        _tc_partial_body,
        grid=(n_blocks,),
        in_specs=[
            pl.BlockSpec((1, 1, _TC_BLK), lambda i: (i, 0, 0)),
            pl.BlockSpec((_TC_BLK, d), lambda i: (i, 0)),
        ],
        out_specs=pl.BlockSpec((_B, d), lambda i: (0, 0)),
        out_shape=jax.ShapeDtypeStruct((_B, d), jnp.float32),
        compiler_params=pltpu.CompilerParams(
            dimension_semantics=("arbitrary",),
        ),
    )(ids3, flat)


def _combine_body(ids_ref, tcp_ref, scp_ref, out_ref):
    total = ids_ref.shape[1]
    counts = jnp.sum(
        (ids_ref[0][None, :]
         == jax.lax.broadcasted_iota(jnp.int32, (_B, total), 0)
         ).astype(jnp.float32),
        axis=1,
    )
    sums = tcp_ref[...] + jnp.sum(scp_ref[...], axis=0)
    out_ref[...] = sums / jnp.maximum(counts, 1.0)[:, None]


def _combine(tc_partial, sc_partials, ids):
    total = ids.shape[0]
    units, b, d = sc_partials.shape
    return pl.pallas_call(
        _combine_body,
        in_specs=[
            pl.BlockSpec((1, total), lambda: (0, 0)),
            pl.BlockSpec((b, d), lambda: (0, 0)),
            pl.BlockSpec((units, b, d), lambda: (0, 0, 0)),
        ],
        out_specs=pl.BlockSpec((b, d), lambda: (0, 0)),
        out_shape=jax.ShapeDtypeStruct((b, d), jnp.float32),
    )(ids.reshape(1, total), tc_partial, sc_partials)


def kernel(flat, segment_ids):
    ids = segment_ids.astype(jnp.int32)
    ids_sc = ids[_TC_ROWS:].reshape(_UNITS, -1, _CHUNK)
    sc_partials = _sc_partial_sums(flat, ids_sc, _TC_ROWS)
    tc_partial = _tc_partial_sums(flat, ids[:_TC_ROWS])
    return _combine(tc_partial, sc_partials, ids)

# --- scband reference (transcript-rebuilt; emitter-appended) ---
"""Pipeline reference for scband-line-encoder-cbow-83674552860751 (READ-ONLY COPY).

The authoritative reference and input builder live on the scoring server;
editing this copy changes nothing except your own understanding.
"""

import jax, jax.numpy as jnp
import numpy as np

B = 16
TOTAL = 32768
D = 2048


def setup_inputs(seed: int = 0) -> dict:
    key = jax.random.key(seed)
    k1, k2 = jax.random.split(key)
    flat = jax.random.normal(k1, (TOTAL, D), dtype=jnp.float32)
    segment_ids = jnp.sort(jax.random.randint(k2, (TOTAL,), 0, B).astype(jnp.int64))
    return {"flat": flat, "segment_ids": segment_ids}


def reference(flat, segment_ids):
    # LineEncoderCBOW: torch.stack([xi.mean(0) for xi in x])
    # Ragged list-of-tensors expressed as flat tokens + segment_ids.
    # Per-segment mean = segment_sum / segment_count.
    sums = jax.ops.segment_sum(flat, segment_ids, num_segments=B)
    counts = jax.ops.segment_sum(
        jnp.ones((flat.shape[0],), dtype=flat.dtype), segment_ids, num_segments=B
    )
    means = sums / jnp.maximum(counts, 1.0)[:, None]
    return means

if __name__ == "__main__":
    import jax
    _d = setup_inputs()
    print(jax.jit(kernel)(*tuple(_d.values())))

</pallas_src>

<mosaic_0001>
#map = affine_map<(d0, d1) -> (0, 0)>
#map1 = affine_map<(d0, d1) -> (0, 0, 0)>
module attributes {stable_mosaic.version = 14 : i64} {
  func.func @sc_kernel(%arg0: i32, %arg1: i32, %arg2: memref<32768x2048xf32, #tpu.memory_space<hbm>>, %arg3: memref<32x8x16xi32, #tpu.memory_space<hbm>>, %arg4: memref<32x16x2048xf32, #tpu.memory_space<hbm>>, %arg5: memref<8x16xi32, #tpu.memory_space<vmem>>, %arg6: memref<16x2048xf32, #tpu.memory_space<vmem>>, %arg7: memref<16x2048xf32, #tpu.memory_space<vmem>>, %arg8: memref<16x2048xf32, #tpu.memory_space<vmem>>, %arg9: memref<!tpu.dma_semaphore, #tpu.memory_space<semaphore_mem>>, %arg10: memref<!tpu.dma_semaphore, #tpu.memory_space<semaphore_mem>>, %arg11: memref<!tpu.dma_semaphore, #tpu.memory_space<semaphore_mem>>) attributes {dimension_semantics = [#tpu.dimension_semantics<core_parallel>, #tpu.dimension_semantics<subcore_parallel>], iteration_bounds = array<i64: 2, 16>, scalar_prefetch = 0 : i64, scratch_operands = 7 : i64, tpu.core_type = #tpu.core_type<sc_vector_subcore>, window_params = [{transform_indices = #map}, {transform_indices = #map1}, {transform_indices = #map1}]} {
    %mul3A = arith.constant 16 : i32
    %mul3A_0 = arith.muli %arg0, %mul3A : i32
    %add3A = arith.addi %mul3A_0, %arg1 : i32
    %dma_start3A = arith.constant 0 : i32
    %dma_start3A_1 = arith.constant 0 : i32
    %dma_start3A_2 = tpu.memref_slice %arg3[%add3A, %dma_start3A, %dma_start3A_1] : memref<32x8x16xi32, #tpu.memory_space<hbm>> -> memref<1x8x16xi32, #tpu.memory_space<hbm>>
    %dma_start3A_3 = tpu.memref_squeeze %dma_start3A_2 : memref<1x8x16xi32, #tpu.memory_space<hbm>> -> memref<8x16xi32, #tpu.memory_space<hbm>>
    %dma_start3A_4 = arith.constant 0 : i32
    %dma_start3A_5 = arith.constant 0 : i32
    %dma_start3A_6 = tpu.memref_slice %arg3[%add3A, %dma_start3A_4, %dma_start3A_5] : memref<32x8x16xi32, #tpu.memory_space<hbm>> -> memref<1x8x16xi32, #tpu.memory_space<hbm>>
    %dma_start3A_7 = tpu.memref_squeeze %dma_start3A_6 : memref<1x8x16xi32, #tpu.memory_space<hbm>> -> memref<8x16xi32, #tpu.memory_space<hbm>>
    tpu.enqueue_dma source(%dma_start3A_7 : memref<8x16xi32, #tpu.memory_space<hbm>>) target(%arg5 : memref<8x16xi32, #tpu.memory_space<vmem>>) target_semaphore(%arg11 : memref<!tpu.dma_semaphore, #tpu.memory_space<semaphore_mem>>)
    %mul3A_8 = arith.constant 128 : i32
    %mul3A_9 = arith.muli %add3A, %mul3A_8 : i32
    %add3A_10 = arith.constant 28672 : i32
    %add3A_11 = arith.addi %add3A_10, %mul3A_9 : i32
    %dma_start3A_12 = arith.constant 0 : i32
    %dma_start3A_13 = tpu.memref_slice %arg2[%add3A_11, %dma_start3A_12] : memref<32768x2048xf32, #tpu.memory_space<hbm>> -> memref<16x2048xf32, #tpu.memory_space<hbm>>
    %dma_start3A_14 = arith.constant 0 : i32
    %dma_start3A_15 = tpu.memref_slice %arg2[%add3A_11, %dma_start3A_14] : memref<32768x2048xf32, #tpu.memory_space<hbm>> -> memref<16x2048xf32, #tpu.memory_space<hbm>>
    tpu.enqueue_dma source(%dma_start3A_15 : memref<16x2048xf32, #tpu.memory_space<hbm>>) target(%arg6 : memref<16x2048xf32, #tpu.memory_space<vmem>>) target_semaphore(%arg9 : memref<!tpu.dma_semaphore, #tpu.memory_space<semaphore_mem>>)
    %add3A_16 = arith.constant 16 : i32
    %add3A_17 = arith.addi %add3A_11, %add3A_16 : i32
    %dma_start3A_18 = arith.constant 0 : i32
    %dma_start3A_19 = tpu.memref_slice %arg2[%add3A_17, %dma_start3A_18] : memref<32768x2048xf32, #tpu.memory_space<hbm>> -> memref<16x2048xf32, #tpu.memory_space<hbm>>
    %dma_start3A_20 = arith.constant 0 : i32
    %dma_start3A_21 = tpu.memref_slice %arg2[%add3A_17, %dma_start3A_20] : memref<32768x2048xf32, #tpu.memory_space<hbm>> -> memref<16x2048xf32, #tpu.memory_space<hbm>>
    tpu.enqueue_dma source(%dma_start3A_21 : memref<16x2048xf32, #tpu.memory_space<hbm>>) target(%arg7 : memref<16x2048xf32, #tpu.memory_space<vmem>>) target_semaphore(%arg10 : memref<!tpu.dma_semaphore, #tpu.memory_space<semaphore_mem>>)
    %broadcast_in_dim3A = arith.constant 0.000000e+00 : f32
    %broadcast_in_dim3A_22 = vector.broadcast %broadcast_in_dim3A : f32 to vector<16xf32>
    %scan3A = arith.constant 0 : i32
    %scan3A_23 = arith.constant 16 : i32
    %scan3A_24 = arith.addi %scan3A, %scan3A_23 : i32
    %scan3A_25 = arith.constant 1 : i32
    scf.for %scan3A_98 = %scan3A to %scan3A_24 step %scan3A_25  : i32 {
      %mul3A_99 = arith.constant 1 : i32
      %mul3A_100 = arith.muli %scan3A_98, %mul3A_99 : i32
      %add3A_101 = arith.constant 0 : i32
      %add3A_102 = arith.addi %add3A_101, %mul3A_100 : i32
      %scan3A_103 = arith.constant 0 : i32
      %scan3A_104 = arith.constant 128 : i32
      %scan3A_105 = arith.addi %scan3A_103, %scan3A_104 : i32
      %scan3A_106 = arith.constant 1 : i32
      scf.for %scan3A_108 = %scan3A_103 to %scan3A_105 step %scan3A_106  : i32 {
        %mul3A_109 = arith.constant 16 : i32
        %mul3A_110 = arith.muli %scan3A_108, %mul3A_109 : i32
        %add3A_111 = arith.constant 0 : i32
        %add3A_112 = arith.addi %add3A_111, %mul3A_110 : i32
        %swap3A = arith.index_cast %add3A_102 : i32 to index
        %swap3A_113 = arith.index_cast %add3A_112 : i32 to index
        %swap3A_114 = tpu.vector_load %arg8[%swap3A, %swap3A_113] {strides = array<i32>} : memref<16x2048xf32, #tpu.memory_space<vmem>>, vector<1x16xf32>,
        %swap3A_115 = vector.shape_cast %swap3A_114 : vector<1x16xf32> to vector<16xf32>
        %swap3A_116 = vector.shape_cast %broadcast_in_dim3A_22 : vector<16xf32> to vector<1x16xf32>
        tpu.vector_store %arg8[%swap3A, %swap3A_113], %swap3A_116 {strides = array<i32>} : memref<16x2048xf32, #tpu.memory_space<vmem>>, vector<1x16xf32>,
      }
      %scan3A_107 = arith.constant 128 : i32
    }
    %scan3A_26 = arith.constant 16 : i32
    %mul3A_27 = arith.constant 128 : i32
    %mul3A_28 = arith.muli %add3A, %mul3A_27 : i32
    %add3A_29 = arith.constant 28672 : i32
    %add3A_30 = arith.addi %add3A_29, %mul3A_28 : i32
    %dma_wait3A = arith.constant 0 : i32
    %dma_wait3A_31 = arith.constant 0 : i32
    %dma_wait3A_32 = tpu.memref_slice %arg3[%add3A, %dma_wait3A, %dma_wait3A_31] : memref<32x8x16xi32, #tpu.memory_space<hbm>> -> memref<1x8x16xi32, #tpu.memory_space<hbm>>
    %dma_wait3A_33 = tpu.memref_squeeze %dma_wait3A_32 : memref<1x8x16xi32, #tpu.memory_space<hbm>> -> memref<8x16xi32, #tpu.memory_space<hbm>>
    %dma_wait3A_34 = arith.constant 0 : i32
    %dma_wait3A_35 = arith.constant 0 : i32
    %dma_wait3A_36 = tpu.memref_slice %arg3[%add3A, %dma_wait3A_34, %dma_wait3A_35] : memref<32x8x16xi32, #tpu.memory_space<hbm>> -> memref<1x8x16xi32, #tpu.memory_space<hbm>>
    %dma_wait3A_37 = tpu.memref_squeeze %dma_wait3A_36 : memref<1x8x16xi32, #tpu.memory_space<hbm>> -> memref<8x16xi32, #tpu.memory_space<hbm>>
    tpu.wait_dma2 semaphore(%arg11 : memref<!tpu.dma_semaphore, #tpu.memory_space<semaphore_mem>>) src(%dma_wait3A_37 : memref<8x16xi32, #tpu.memory_space<hbm>>) dst(%arg5 : memref<8x16xi32, #tpu.memory_space<vmem>>)
    %dma_wait3A_38 = arith.constant 0 : i32
    %dma_wait3A_39 = tpu.memref_slice %arg2[%add3A_11, %dma_wait3A_38] : memref<32768x2048xf32, #tpu.memory_space<hbm>> -> memref<16x2048xf32, #tpu.memory_space<hbm>>
    %dma_wait3A_40 = arith.constant 0 : i32
    %dma_wait3A_41 = tpu.memref_slice %arg2[%add3A_11, %dma_wait3A_40] : memref<32768x2048xf32, #tpu.memory_space<hbm>> -> memref<16x2048xf32, #tpu.memory_space<hbm>>
    tpu.wait_dma2 semaphore(%arg9 : memref<!tpu.dma_semaphore, #tpu.memory_space<semaphore_mem>>) src(%dma_wait3A_41 : memref<16x2048xf32, #tpu.memory_space<hbm>>) dst(%arg6 : memref<16x2048xf32, #tpu.memory_space<vmem>>)
    %get3A = arith.constant 0 : i32
    %get3A_42 = arith.index_cast %get3A : i32 to index
    %get3A_43 = arith.constant 0 : index
    %get3A_44 = tpu.vector_load %arg5[%get3A_42, %get3A_43] {strides = array<i32>} : memref<8x16xi32, #tpu.memory_space<vmem>>, vector<1x16xi32>,
    %get3A_45 = vector.shape_cast %get3A_44 : vector<1x16xi32> to vector<16xi32>
    %slice3A = vector.extract_strided_slice %get3A_45 {offsets = [0], sizes = [1], strides = [1]} : vector<16xi32> to vector<1xi32>
    %squeeze3A = vector.extract %slice3A[0] : i32 from vector<1xi32>
    %slice3A_46 = vector.extract_strided_slice %get3A_45 {offsets = [15], sizes = [1], strides = [1]} : vector<16xi32> to vector<1xi32>
    %squeeze3A_47 = vector.extract %slice3A_46[0] : i32 from vector<1xi32>
    %eq3A = arith.cmpi eq, %squeeze3A, %squeeze3A_47 : i32
    %convert_element_type3A = arith.extui %eq3A : i1 to i32
    %cond3A = arith.constant 0 : i32
    %cond3A_48 = arith.cmpi ne, %convert_element_type3A, %cond3A : i32
    scf.if %cond3A_48 {
      %scan3A_98 = arith.constant 0 : i32
      %scan3A_99 = arith.constant 64 : i32
      %scan3A_100 = arith.addi %scan3A_98, %scan3A_99 : i32
      %scan3A_101 = arith.constant 1 : i32
      scf.for %scan3A_103 = %scan3A_98 to %scan3A_100 step %scan3A_101  : i32 {
        %mul3A_104 = arith.constant 32 : i32
        %mul3A_105 = arith.muli %scan3A_103, %mul3A_104 : i32
        %add3A_106 = arith.constant 0 : i32
        %add3A_107 = arith.addi %add3A_106, %mul3A_105 : i32
        %add3A_108 = arith.constant 16 : i32
        %add3A_109 = arith.addi %add3A_107, %add3A_108 : i32
        %get3A_110 = arith.constant 0 : i32
        %get3A_111 = arith.index_cast %get3A_110 : i32 to index
        %get3A_112 = arith.index_cast %add3A_107 : i32 to index
        %get3A_113 = tpu.vector_load %arg6[%get3A_111, %get3A_112] {strides = array<i32>} : memref<16x2048xf32, #tpu.memory_space<vmem>>, vector<1x16xf32>,
        %get3A_114 = vector.shape_cast %get3A_113 : vector<1x16xf32> to vector<16xf32>
        %get3A_115 = arith.constant 1 : i32
        %get3A_116 = arith.index_cast %get3A_115 : i32 to index
        %get3A_117 = arith.index_cast %add3A_107 : i32 to index
        %get3A_118 = tpu.vector_load %arg6[%get3A_116, %get3A_117] {strides = array<i32>} : memref<16x2048xf32, #tpu.memory_space<vmem>>, vector<1x16xf32>,
        %get3A_119 = vector.shape_cast %get3A_118 : vector<1x16xf32> to vector<16xf32>
        %get3A_120 = arith.constant 2 : i32
        %get3A_121 = arith.index_cast %get3A_120 : i32 to index
        %get3A_122 = arith.index_cast %add3A_107 : i32 to index
        %get3A_123 = tpu.vector_load %arg6[%get3A_121, %get3A_122] {strides = array<i32>} : memref<16x2048xf32, #tpu.memory_space<vmem>>, vector<1x16xf32>,
        %get3A_124 = vector.shape_cast %get3A_123 : vector<1x16xf32> to vector<16xf32>
        %get3A_125 = arith.constant 3 : i32
        %get3A_126 = arith.index_cast %get3A_125 : i32 to index
        %get3A_127 = arith.index_cast %add3A_107 : i32 to index
        %get3A_128 = tpu.vector_load %arg6[%get3A_126, %get3A_127] {strides = array<i32>} : memref<16x2048xf32, #tpu.memory_space<vmem>>, vector<1x16xf32>,
        %get3A_129 = vector.shape_cast %get3A_128 : vector<1x16xf32> to vector<16xf32>
        %get3A_130 = arith.constant 4 : i32
        %get3A_131 = arith.index_cast %get3A_130 : i32 to index
        %get3A_132 = arith.index_cast %add3A_107 : i32 to index
        %get3A_133 = tpu.vector_load %arg6[%get3A_131, %get3A_132] {strides = array<i32>} : memref<16x2048xf32, #tpu.memory_space<vmem>>, vector<1x16xf32>,
        %get3A_134 = vector.shape_cast %get3A_133 : vector<1x16xf32> to vector<16xf32>
        %get3A_135 = arith.constant 5 : i32
        %get3A_136 = arith.index_cast %get3A_135 : i32 to index
        %get3A_137 = arith.index_cast %add3A_107 : i32 to index
        %get3A_138 = tpu.vector_load %arg6[%get3A_136, %get3A_137] {strides = array<i32>} : memref<16x2048xf32, #tpu.memory_space<vmem>>, vector<1x16xf32>,
        %get3A_139 = vector.shape_cast %get3A_138 : vector<1x16xf32> to vector<16xf32>
        %get3A_140 = arith.constant 6 : i32
        %get3A_141 = arith.index_cast %get3A_140 : i32 to index
        %get3A_142 = arith.index_cast %add3A_107 : i32 to index
        %get3A_143 = tpu.vector_load %arg6[%get3A_141, %get3A_142] {strides = array<i32>} : memref<16x2048xf32, #tpu.memory_space<vmem>>, vector<1x16xf32>,
        %get3A_144 = vector.shape_cast %get3A_143 : vector<1x16xf32> to vector<16xf32>
        %get3A_145 = arith.constant 7 : i32
        %get3A_146 = arith.index_cast %get3A_145 : i32 to index
        %get3A_147 = arith.index_cast %add3A_107 : i32 to index
        %get3A_148 = tpu.vector_load %arg6[%get3A_146, %get3A_147] {strides = array<i32>} : memref<16x2048xf32, #tpu.memory_space<vmem>>, vector<1x16xf32>,
        %get3A_149 = vector.shape_cast %get3A_148 : vector<1x16xf32> to vector<16xf32>
        %get3A_150 = arith.constant 8 : i32
        %get3A_151 = arith.index_cast %get3A_150 : i32 to index
        %get3A_152 = arith.index_cast %add3A_107 : i32 to index
        %get3A_153 = tpu.vector_load %arg6[%get3A_151, %get3A_152] {strides = array<i32>} : memref<16x2048xf32, #tpu.memory_space<vmem>>, vector<1x16xf32>,
        %get3A_154 = vector.shape_cast %get3A_153 : vector<1x16xf32> to vector<16xf32>
        %get3A_155 = arith.constant 9 : i32
        %get3A_156 = arith.index_cast %get3A_155 : i32 to index
        %get3A_157 = arith.index_cast %add3A_107 : i32 to index
        %get3A_158 = tpu.vector_load %arg6[%get3A_156, %get3A_157] {strides = array<i32>} : memref<16x2048xf32, #tpu.memory_space<vmem>>, vector<1x16xf32>,
        %get3A_159 = vector.shape_cast %get3A_158 : vector<1x16xf32> to vector<16xf32>
        %get3A_160 = arith.constant 10 : i32
        %get3A_161 = arith.index_cast %get3A_160 : i32 to index
        %get3A_162 = arith.index_cast %add3A_107 : i32 to index
        %get3A_163 = tpu.vector_load %arg6[%get3A_161, %get3A_162] {strides = array<i32>} : memref<16x2048xf32, #tpu.memory_space<vmem>>, vector<1x16xf32>,
        %get3A_164 = vector.shape_cast %get3A_163 : vector<1x16xf32> to vector<16xf32>
        %get3A_165 = arith.constant 11 : i32
        %get3A_166 = arith.index_cast %get3A_165 : i32 to index
        %get3A_167 = arith.index_cast %add3A_107 : i32 to index
        %get3A_168 = tpu.vector_load %arg6[%get3A_166, %get3A_167] {strides = array<i32>} : memref<16x2048xf32, #tpu.memory_space<vmem>>, vector<1x16xf32>,
        %get3A_169 = vector.shape_cast %get3A_168 : vector<1x16xf32> to vector<16xf32>
        %get3A_170 = arith.constant 12 : i32
        %get3A_171 = arith.index_cast %get3A_170 : i32 to index
        %get3A_172 = arith.index_cast %add3A_107 : i32 to index
        %get3A_173 = tpu.vector_load %arg6[%get3A_171, %get3A_172] {strides = array<i32>} : memref<16x2048xf32, #tpu.memory_space<vmem>>, vector<1x16xf32>,
        %get3A_174 = vector.shape_cast %get3A_173 : vector<1x16xf32> to vector<16xf32>
        %get3A_175 = arith.constant 13 : i32
        %get3A_176 = arith.index_cast %get3A_175 : i32 to index
        %get3A_177 = arith.index_cast %add3A_107 : i32 to index
        %get3A_178 = tpu.vector_load %arg6[%get3A_176, %get3A_177] {strides = array<i32>} : memref<16x2048xf32, #tpu.memory_space<vmem>>, vector<1x16xf32>,
        %get3A_179 = vector.shape_cast %get3A_178 : vector<1x16xf32> to vector<16xf32>
        %get3A_180 = arith.constant 14 : i32
        %get3A_181 = arith.index_cast %get3A_180 : i32 to index
        %get3A_182 = arith.index_cast %add3A_107 : i32 to index
        %get3A_183 = tpu.vector_load %arg6[%get3A_181, %get3A_182] {strides = array<i32>} : memref<16x2048xf32, #tpu.memory_space<vmem>>, vector<1x16xf32>,
        %get3A_184 = vector.shape_cast %get3A_183 : vector<1x16xf32> to vector<16xf32>
        %get3A_185 = arith.constant 15 : i32
        %get3A_186 = arith.index_cast %get3A_185 : i32 to index
        %get3A_187 = arith.index_cast %add3A_107 : i32 to index
        %get3A_188 = tpu.vector_load %arg6[%get3A_186, %get3A_187] {strides = array<i32>} : memref<16x2048xf32, #tpu.memory_space<vmem>>, vector<1x16xf32>,
        %get3A_189 = vector.shape_cast %get3A_188 : vector<1x16xf32> to vector<16xf32>
        %get3A_190 = arith.constant 0 : i32
        %get3A_191 = arith.index_cast %get3A_190 : i32 to index
        %get3A_192 = arith.index_cast %add3A_109 : i32 to index
        %get3A_193 = tpu.vector_load %arg6[%get3A_191, %get3A_192] {strides = array<i32>} : memref<16x2048xf32, #tpu.memory_space<vmem>>, vector<1x16xf32>,
        %get3A_194 = vector.shape_cast %get3A_193 : vector<1x16xf32> to vector<16xf32>
        %get3A_195 = arith.constant 1 : i32
        %get3A_196 = arith.index_cast %get3A_195 : i32 to index
        %get3A_197 = arith.index_cast %add3A_109 : i32 to index
        %get3A_198 = tpu.vector_load %arg6[%get3A_196, %get3A_197] {strides = array<i32>} : memref<16x2048xf32, #tpu.memory_space<vmem>>, vector<1x16xf32>,
        %get3A_199 = vector.shape_cast %get3A_198 : vector<1x16xf32> to vector<16xf32>
        %get3A_200 = arith.constant 2 : i32
        %get3A_201 = arith.index_cast %get3A_200 : i32 to index
        %get3A_202 = arith.index_cast %add3A_109 : i32 to index
        %get3A_203 = tpu.vector_load %arg6[%get3A_201, %get3A_202] {strides = array<i32>} : memref<16x2048xf32, #tpu.memory_space<vmem>>, vector<1x16xf32>,
        %get3A_204 = vector.shape_cast %get3A_203 : vector<1x16xf32> to vector<16xf32>
        %get3A_205 = arith.constant 3 : i32
        %get3A_206 = arith.index_cast %get3A_205 : i32 to index
        %get3A_207 = arith.index_cast %add3A_109 : i32 to index
        %get3A_208 = tpu.vector_load %arg6[%get3A_206, %get3A_207] {strides = array<i32>} : memref<16x2048xf32, #tpu.memory_space<vmem>>, vector<1x16xf32>,
        %get3A_209 = vector.shape_cast %get3A_208 : vector<1x16xf32> to vector<16xf32>
        %get3A_210 = arith.constant 4 : i32
        %get3A_211 = arith.index_cast %get3A_210 : i32 to index
        %get3A_212 = arith.index_cast %add3A_109 : i32 to index
        %get3A_213 = tpu.vector_load %arg6[%get3A_211, %get3A_212] {strides = array<i32>} : memref<16x2048xf32, #tpu.memory_space<vmem>>, vector<1x16xf32>,
        %get3A_214 = vector.shape_cast %get3A_213 : vector<1x16xf32> to vector<16xf32>
        %get3A_215 = arith.constant 5 : i32
        %get3A_216 = arith.index_cast %get3A_215 : i32 to index
        %get3A_217 = arith.index_cast %add3A_109 : i32 to index
        %get3A_218 = tpu.vector_load %arg6[%get3A_216, %get3A_217] {strides = array<i32>} : memref<16x2048xf32, #tpu.memory_space<vmem>>, vector<1x16xf32>,
        %get3A_219 = vector.shape_cast %get3A_218 : vector<1x16xf32> to vector<16xf32>
        %get3A_220 = arith.constant 6 : i32
        %get3A_221 = arith.index_cast %get3A_220 : i32 to index
        %get3A_222 = arith.index_cast %add3A_109 : i32 to index
        %get3A_223 = tpu.vector_load %arg6[%get3A_221, %get3A_222] {strides = array<i32>} : memref<16x2048xf32, #tpu.memory_space<vmem>>, vector<1x16xf32>,
        %get3A_224 = vector.shape_cast %get3A_223 : vector<1x16xf32> to vector<16xf32>
        %get3A_225 = arith.constant 7 : i32
        %get3A_226 = arith.index_cast %get3A_225 : i32 to index
        %get3A_227 = arith.index_cast %add3A_109 : i32 to index
        %get3A_228 = tpu.vector_load %arg6[%get3A_226, %get3A_227] {strides = array<i32>} : memref<16x2048xf32, #tpu.memory_space<vmem>>, vector<1x16xf32>,
        %get3A_229 = vector.shape_cast %get3A_228 : vector<1x16xf32> to vector<16xf32>
        %get3A_230 = arith.constant 8 : i32
        %get3A_231 = arith.index_cast %get3A_230 : i32 to index
        %get3A_232 = arith.index_cast %add3A_109 : i32 to index
        %get3A_233 = tpu.vector_load %arg6[%get3A_231, %get3A_232] {strides = array<i32>} : memref<16x2048xf32, #tpu.memory_space<vmem>>, vector<1x16xf32>,
        %get3A_234 = vector.shape_cast %get3A_233 : vector<1x16xf32> to vector<16xf32>
        %get3A_235 = arith.constant 9 : i32
        %get3A_236 = arith.index_cast %get3A_235 : i32 to index
        %get3A_237 = arith.index_cast %add3A_109 : i32 to index
        %get3A_238 = tpu.vector_load %arg6[%get3A_236, %get3A_237] {strides = array<i32>} : memref<16x2048xf32, #tpu.memory_space<vmem>>, vector<1x16xf32>,
        %get3A_239 = vector.shape_cast %get3A_238 : vector<1x16xf32> to vector<16xf32>
        %get3A_240 = arith.constant 10 : i32
        %get3A_241 = arith.index_cast %get3A_240 : i32 to index
        %get3A_242 = arith.index_cast %add3A_109 : i32 to index
        %get3A_243 = tpu.vector_load %arg6[%get3A_241, %get3A_242] {strides = array<i32>} : memref<16x2048xf32, #tpu.memory_space<vmem>>, vector<1x16xf32>,
        %get3A_244 = vector.shape_cast %get3A_243 : vector<1x16xf32> to vector<16xf32>
        %get3A_245 = arith.constant 11 : i32
        %get3A_246 = arith.index_cast %get3A_245 : i32 to index
        %get3A_247 = arith.index_cast %add3A_109 : i32 to index
        %get3A_248 = tpu.vector_load %arg6[%get3A_246, %get3A_247] {strides = array<i32>} : memref<16x2048xf32, #tpu.memory_space<vmem>>, vector<1x16xf32>,
        %get3A_249 = vector.shape_cast %get3A_248 : vector<1x16xf32> to vector<16xf32>
        %get3A_250 = arith.constant 12 : i32
        %get3A_251 = arith.index_cast %get3A_250 : i32 to index
        %get3A_252 = arith.index_cast %add3A_109 : i32 to index
        %get3A_253 = tpu.vector_load %arg6[%get3A_251, %get3A_252] {strides = array<i32>} : memref<16x2048xf32, #tpu.memory_space<vmem>>, vector<1x16xf32>,
        %get3A_254 = vector.shape_cast %get3A_253 : vector<1x16xf32> to vector<16xf32>
        %get3A_255 = arith.constant 13 : i32
        %get3A_256 = arith.index_cast %get3A_255 : i32 to index
        %get3A_257 = arith.index_cast %add3A_109 : i32 to index
        %get3A_258 = tpu.vector_load %arg6[%get3A_256, %get3A_257] {strides = array<i32>} : memref<16x2048xf32, #tpu.memory_space<vmem>>, vector<1x16xf32>,
        %get3A_259 = vector.shape_cast %get3A_258 : vector<1x16xf32> to vector<16xf32>
        %get3A_260 = arith.constant 14 : i32
        %get3A_261 = arith.index_cast %get3A_260 : i32 to index
        %get3A_262 = arith.index_cast %add3A_109 : i32 to index
        %get3A_263 = tpu.vector_load %arg6[%get3A_261, %get3A_262] {strides = array<i32>} : memref<16x2048xf32, #tpu.memory_space<vmem>>, vector<1x16xf32>,
        %get3A_264 = vector.shape_cast %get3A_263 : vector<1x16xf32> to vector<16xf32>
        %get3A_265 = arith.constant 15 : i32
        %get3A_266 = arith.index_cast %get3A_265 : i32 to index
        %get3A_267 = arith.index_cast %add3A_109 : i32 to index
        %get3A_268 = tpu.vector_load %arg6[%get3A_266, %get3A_267] {strides = array<i32>} : memref<16x2048xf32, #tpu.memory_space<vmem>>, vector<1x16xf32>,
        %get3A_269 = vector.shape_cast %get3A_268 : vector<1x16xf32> to vector<16xf32>
        %add3A_270 = arith.addf %get3A_114, %get3A_119 : vector<16xf32>
        %add3A_271 = arith.addf %get3A_124, %get3A_129 : vector<16xf32>
        %add3A_272 = arith.addf %get3A_134, %get3A_139 : vector<16xf32>
        %add3A_273 = arith.addf %get3A_144, %get3A_149 : vector<16xf32>
        %add3A_274 = arith.addf %get3A_154, %get3A_159 : vector<16xf32>
        %add3A_275 = arith.addf %get3A_164, %get3A_169 : vector<16xf32>
        %add3A_276 = arith.addf %get3A_174, %get3A_179 : vector<16xf32>
        %add3A_277 = arith.addf %get3A_184, %get3A_189 : vector<16xf32>
        %add3A_278 = arith.addf %add3A_270, %add3A_271 : vector<16xf32>
        %add3A_279 = arith.addf %add3A_272, %add3A_273 : vector<16xf32>
        %add3A_280 = arith.addf %add3A_274, %add3A_275 : vector<16xf32>
        %add3A_281 = arith.addf %add3A_276, %add3A_277 : vector<16xf32>
        %add3A_282 = arith.addf %add3A_278, %add3A_279 : vector<16xf32>
        %add3A_283 = arith.addf %add3A_280, %add3A_281 : vector<16xf32>
        %add3A_284 = arith.addf %add3A_282, %add3A_283 : vector<16xf32>
        %add3A_285 = arith.addf %get3A_194, %get3A_199 : vector<16xf32>
        %add3A_286 = arith.addf %get3A_204, %get3A_209 : vector<16xf32>
        %add3A_287 = arith.addf %get3A_214, %get3A_219 : vector<16xf32>
        %add3A_288 = arith.addf %get3A_224, %get3A_229 : vector<16xf32>
        %add3A_289 = arith.addf %get3A_234, %get3A_239 : vector<16xf32>
        %add3A_290 = arith.addf %get3A_244, %get3A_249 : vector<16xf32>
        %add3A_291 = arith.addf %get3A_254, %get3A_259 : vector<16xf32>
        %add3A_292 = arith.addf %get3A_264, %get3A_269 : vector<16xf32>
        %add3A_293 = arith.addf %add3A_285, %add3A_286 : vector<16xf32>
        %add3A_294 = arith.addf %add3A_287, %add3A_288 : vector<16xf32>
        %add3A_295 = arith.addf %add3A_289, %add3A_290 : vector<16xf32>
        %add3A_296 = arith.addf %add3A_291, %add3A_292 : vector<16xf32>
        %add3A_297 = arith.addf %add3A_293, %add3A_294 : vector<16xf32>
        %add3A_298 = arith.addf %add3A_295, %add3A_296 : vector<16xf32>
        %add3A_299 = arith.addf %add3A_297, %add3A_298 : vector<16xf32>
        %swap3A = arith.index_cast %squeeze3A : i32 to index
        %swap3A_300 = arith.index_cast %add3A_107 : i32 to index
        %swap3A_301 = tpu.vector_load %arg8[%swap3A, %swap3A_300] {strides = array<i32>} : memref<16x2048xf32, #tpu.memory_space<vmem>>, vector<1x16xf32>,
        %swap3A_302 = vector.shape_cast %swap3A_301 : vector<1x16xf32> to vector<16xf32>
        %swap3A_303 = vector.shape_cast %add3A_284 : vector<16xf32> to vector<1x16xf32>
        tpu.vector_store %arg8[%swap3A, %swap3A_300], %swap3A_303 {add = true, strides = array<i32>} : memref<16x2048xf32, #tpu.memory_space<vmem>>, vector<1x16xf32>,
        %swap3A_304 = arith.index_cast %squeeze3A : i32 to index
        %swap3A_305 = arith.index_cast %add3A_109 : i32 to index
        %swap3A_306 = tpu.vector_load %arg8[%swap3A_304, %swap3A_305] {strides = array<i32>} : memref<16x2048xf32, #tpu.memory_space<vmem>>, vector<1x16xf32>,
        %swap3A_307 = vector.shape_cast %swap3A_306 : vector<1x16xf32> to vector<16xf32>
        %swap3A_308 = vector.shape_cast %add3A_299 : vector<16xf32> to vector<1x16xf32>
        tpu.vector_store %arg8[%swap3A_304, %swap3A_305], %swap3A_308 {add = true, strides = array<i32>} : memref<16x2048xf32, #tpu.memory_space<vmem>>, vector<1x16xf32>,
      }
      %scan3A_102 = arith.constant 64 : i32
    } else {
    }
    %not3A = arith.constant true
    %not3A_49 = arith.xori %eq3A, %not3A : i1
    %convert_element_type3A_50 = arith.extui %not3A_49 : i1 to i32
    %cond3A_51 = arith.constant 0 : i32
    %cond3A_52 = arith.cmpi ne, %convert_element_type3A_50, %cond3A_51 : i32
    scf.if %cond3A_52 {
      %slice3A_98 = vector.extract_strided_slice %get3A_45 {offsets = [0], sizes = [1], strides = [1]} : vector<16xi32> to vector<1xi32>
      %squeeze3A_99 = vector.extract %slice3A_98[0] : i32 from vector<1xi32>
      %scan3A_100 = arith.constant 0 : i32
      %scan3A_101 = arith.constant 128 : i32
      %scan3A_102 = arith.addi %scan3A_100, %scan3A_101 : i32
      %scan3A_103 = arith.constant 1 : i32
      scf.for %scan3A_210 = %scan3A_100 to %scan3A_102 step %scan3A_103  : i32 {
        %mul3A_211 = arith.constant 16 : i32
        %mul3A_212 = arith.muli %scan3A_210, %mul3A_211 : i32
        %add3A_213 = arith.constant 0 : i32
        %add3A_214 = arith.addi %add3A_213, %mul3A_212 : i32
        %get3A_215 = arith.constant 0 : i32
        %get3A_216 = arith.index_cast %get3A_215 : i32 to index
        %get3A_217 = arith.index_cast %add3A_214 : i32 to index
        %get3A_218 = tpu.vector_load %arg6[%get3A_216, %get3A_217] {strides = array<i32>} : memref<16x2048xf32, #tpu.memory_space<vmem>>, vector<1x16xf32>,
        %get3A_219 = vector.shape_cast %get3A_218 : vector<1x16xf32> to vector<16xf32>
        %swap3A = arith.index_cast %squeeze3A_99 : i32 to index
        %swap3A_220 = arith.index_cast %add3A_214 : i32 to index
        %swap3A_221 = tpu.vector_load %arg8[%swap3A, %swap3A_220] {strides = array<i32>} : memref<16x2048xf32, #tpu.memory_space<vmem>>, vector<1x16xf32>,
        %swap3A_222 = vector.shape_cast %swap3A_221 : vector<1x16xf32> to vector<16xf32>
        %swap3A_223 = vector.shape_cast %get3A_219 : vector<16xf32> to vector<1x16xf32>
        tpu.vector_store %arg8[%swap3A, %swap3A_220], %swap3A_223 {add = true, strides = array<i32>} : memref<16x2048xf32, #tpu.memory_space<vmem>>, vector<1x16xf32>,
      }
      %scan3A_104 = arith.constant 128 : i32
      %slice3A_105 = vector.extract_strided_slice %get3A_45 {offsets = [1], sizes = [1], strides = [1]} : vector<16xi32> to vector<1xi32>
      %squeeze3A_106 = vector.extract %slice3A_105[0] : i32 from vector<1xi32>
      %scan3A_107 = arith.constant 0 : i32
      %scan3A_108 = arith.constant 128 : i32
      %scan3A_109 = arith.addi %scan3A_107, %scan3A_108 : i32
      %scan3A_110 = arith.constant 1 : i32
      scf.for %scan3A_210 = %scan3A_107 to %scan3A_109 step %scan3A_110  : i32 {
        %mul3A_211 = arith.constant 16 : i32
        %mul3A_212 = arith.muli %scan3A_210, %mul3A_211 : i32
        %add3A_213 = arith.constant 0 : i32
        %add3A_214 = arith.addi %add3A_213, %mul3A_212 : i32
        %get3A_215 = arith.constant 1 : i32
        %get3A_216 = arith.index_cast %get3A_215 : i32 to index
        %get3A_217 = arith.index_cast %add3A_214 : i32 to index
        %get3A_218 = tpu.vector_load %arg6[%get3A_216, %get3A_217] {strides = array<i32>} : memref<16x2048xf32, #tpu.memory_space<vmem>>, vector<1x16xf32>,
        %get3A_219 = vector.shape_cast %get3A_218 : vector<1x16xf32> to vector<16xf32>
        %swap3A = arith.index_cast %squeeze3A_106 : i32 to index
        %swap3A_220 = arith.index_cast %add3A_214 : i32 to index
        %swap3A_221 = tpu.vector_load %arg8[%swap3A, %swap3A_220] {strides = array<i32>} : memref<16x2048xf32, #tpu.memory_space<vmem>>, vector<1x16xf32>,
        %swap3A_222 = vector.shape_cast %swap3A_221 : vector<1x16xf32> to vector<16xf32>
        %swap3A_223 = vector.shape_cast %get3A_219 : vector<16xf32> to vector<1x16xf32>
        tpu.vector_store %arg8[%swap3A, %swap3A_220], %swap3A_223 {add = true, strides = array<i32>} : memref<16x2048xf32, #tpu.memory_space<vmem>>, vector<1x16xf32>,
      }
      %scan3A_111 = arith.constant 128 : i32
      %slice3A_112 = vector.extract_strided_slice %get3A_45 {offsets = [2], sizes = [1], strides = [1]} : vector<16xi32> to vector<1xi32>
      %squeeze3A_113 = vector.extract %slice3A_112[0] : i32 from vector<1xi32>
      %scan3A_114 = arith.constant 0 : i32
      %scan3A_115 = arith.constant 128 : i32
      %scan3A_116 = arith.addi %scan3A_114, %scan3A_115 : i32
      %scan3A_117 = arith.constant 1 : i32
      scf.for %scan3A_210 = %scan3A_114 to %scan3A_116 step %scan3A_117  : i32 {
        %mul3A_211 = arith.constant 16 : i32
        %mul3A_212 = arith.muli %scan3A_210, %mul3A_211 : i32
        %add3A_213 = arith.constant 0 : i32
        %add3A_214 = arith.addi %add3A_213, %mul3A_212 : i32
        %get3A_215 = arith.constant 2 : i32
        %get3A_216 = arith.index_cast %get3A_215 : i32 to index
        %get3A_217 = arith.index_cast %add3A_214 : i32 to index
        %get3A_218 = tpu.vector_load %arg6[%get3A_216, %get3A_217] {strides = array<i32>} : memref<16x2048xf32, #tpu.memory_space<vmem>>, vector<1x16xf32>,
        %get3A_219 = vector.shape_cast %get3A_218 : vector<1x16xf32> to vector<16xf32>
        %swap3A = arith.index_cast %squeeze3A_113 : i32 to index
        %swap3A_220 = arith.index_cast %add3A_214 : i32 to index
        %swap3A_221 = tpu.vector_load %arg8[%swap3A, %swap3A_220] {strides = array<i32>} : memref<16x2048xf32, #tpu.memory_space<vmem>>, vector<1x16xf32>,
        %swap3A_222 = vector.shape_cast %swap3A_221 : vector<1x16xf32> to vector<16xf32>
        %swap3A_223 = vector.shape_cast %get3A_219 : vector<16xf32> to vector<1x16xf32>
        tpu.vector_store %arg8[%swap3A, %swap3A_220], %swap3A_223 {add = true, strides = array<i32>} : memref<16x2048xf32, #tpu.memory_space<vmem>>, vector<1x16xf32>,
      }
      %scan3A_118 = arith.constant 128 : i32
      %slice3A_119 = vector.extract_strided_slice %get3A_45 {offsets = [3], sizes = [1], strides = [1]} : vector<16xi32> to vector<1xi32>
      %squeeze3A_120 = vector.extract %slice3A_119[0] : i32 from vector<1xi32>
      %scan3A_121 = arith.constant 0 : i32
      %scan3A_122 = arith.constant 128 : i32
      %scan3A_123 = arith.addi %scan3A_121, %scan3A_122 : i32
      %scan3A_124 = arith.constant 1 : i32
      scf.for %scan3A_210 = %scan3A_121 to %scan3A_123 step %scan3A_124  : i32 {
        %mul3A_211 = arith.constant 16 : i32
        %mul3A_212 = arith.muli %scan3A_210, %mul3A_211 : i32
        %add3A_213 = arith.constant 0 : i32
        %add3A_214 = arith.addi %add3A_213, %mul3A_212 : i32
        %get3A_215 = arith.constant 3 : i32
        %get3A_216 = arith.index_cast %get3A_215 : i32 to index
        %get3A_217 = arith.index_cast %add3A_214 : i32 to index
        %get3A_218 = tpu.vector_load %arg6[%get3A_216, %get3A_217] {strides = array<i32>} : memref<16x2048xf32, #tpu.memory_space<vmem>>, vector<1x16xf32>,
        %get3A_219 = vector.shape_cast %get3A_218 : vector<1x16xf32> to vector<16xf32>
        %swap3A = arith.index_cast %squeeze3A_120 : i32 to index
        %swap3A_220 = arith.index_cast %add3A_214 : i32 to index
        %swap3A_221 = tpu.vector_load %arg8[%swap3A, %swap3A_220] {strides = array<i32>} : memref<16x2048xf32, #tpu.memory_space<vmem>>, vector<1x16xf32>,
        %swap3A_222 = vector.shape_cast %swap3A_221 : vector<1x16xf32> to vector<16xf32>
        %swap3A_223 = vector.shape_cast %get3A_219 : vector<16xf32> to vector<1x16xf32>
        tpu.vector_store %arg8[%swap3A, %swap3A_220], %swap3A_223 {add = true, strides = array<i32>} : memref<16x2048xf32, #tpu.memory_space<vmem>>, vector<1x16xf32>,
      }
      %scan3A_125 = arith.constant 128 : i32
      %slice3A_126 = vector.extract_strided_slice %get3A_45 {offsets = [4], sizes = [1], strides = [1]} : vector<16xi32> to vector<1xi32>
      %squeeze3A_127 = vector.extract %slice3A_126[0] : i32 from vector<1xi32>
      %scan3A_128 = arith.constant 0 : i32
      %scan3A_129 = arith.constant 128 : i32
      %scan3A_130 = arith.addi %scan3A_128, %scan3A_129 : i32
      %scan3A_131 = arith.constant 1 : i32
      scf.for %scan3A_210 = %scan3A_128 to %scan3A_130 step %scan3A_131  : i32 {
        %mul3A_211 = arith.constant 16 : i32
        %mul3A_212 = arith.muli %scan3A_210, %mul3A_211 : i32
        %add3A_213 = arith.constant 0 : i32
        %add3A_214 = arith.addi %add3A_213, %mul3A_212 : i32
        %get3A_215 = arith.constant 4 : i32
        %get3A_216 = arith.index_cast %get3A_215 : i32 to index
        %get3A_217 = arith.index_cast %add3A_214 : i32 to index
        %get3A_218 = tpu.vector_load %arg6[%get3A_216, %get3A_217] {strides = array<i32>} : memref<16x2048xf32, #tpu.memory_space<vmem>>, vector<1x16xf32>,
        %get3A_219 = vector.shape_cast %get3A_218 : vector<1x16xf32> to vector<16xf32>
        %swap3A = arith.index_cast %squeeze3A_127 : i32 to index
        %swap3A_220 = arith.index_cast %add3A_214 : i32 to index
        %swap3A_221 = tpu.vector_load %arg8[%swap3A, %swap3A_220] {strides = array<i32>} : memref<16x2048xf32, #tpu.memory_space<vmem>>, vector<1x16xf32>,
        %swap3A_222 = vector.shape_cast %swap3A_221 : vector<1x16xf32> to vector<16xf32>
        %swap3A_223 = vector.shape_cast %get3A_219 : vector<16xf32> to vector<1x16xf32>
        tpu.vector_store %arg8[%swap3A, %swap3A_220], %swap3A_223 {add = true, strides = array<i32>} : memref<16x2048xf32, #tpu.memory_space<vmem>>, vector<1x16xf32>,
      }
      %scan3A_132 = arith.constant 128 : i32
      %slice3A_133 = vector.extract_strided_slice %get3A_45 {offsets = [5], sizes = [1], strides = [1]} : vector<16xi32> to vector<1xi32>
      %squeeze3A_134 = vector.extract %slice3A_133[0] : i32 from vector<1xi32>
      %scan3A_135 = arith.constant 0 : i32
      %scan3A_136 = arith.constant 128 : i32
      %scan3A_137 = arith.addi %scan3A_135, %scan3A_136 : i32
      %scan3A_138 = arith.constant 1 : i32
      scf.for %scan3A_210 = %scan3A_135 to %scan3A_137 step %scan3A_138  : i32 {
        %mul3A_211 = arith.constant 16 : i32
        %mul3A_212 = arith.muli %scan3A_210, %mul3A_211 : i32
        %add3A_213 = arith.constant 0 : i32
        %add3A_214 = arith.addi %add3A_213, %mul3A_212 : i32
        %get3A_215 = arith.constant 5 : i32
        %get3A_216 = arith.index_cast %get3A_215 : i32 to index
        %get3A_217 = arith.index_cast %add3A_214 : i32 to index
        %get3A_218 = tpu.vector_load %arg6[%get3A_216, %get3A_217] {strides = array<i32>} : memref<16x2048xf32, #tpu.memory_space<vmem>>, vector<1x16xf32>,
        %get3A_219 = vector.shape_cast %get3A_218 : vector<1x16xf32> to vector<16xf32>
        %swap3A = arith.index_cast %squeeze3A_134 : i32 to index
        %swap3A_220 = arith.index_cast %add3A_214 : i32 to index
        %swap3A_221 = tpu.vector_load %arg8[%swap3A, %swap3A_220] {strides = array<i32>} : memref<16x2048xf32, #tpu.memory_space<vmem>>, vector<1x16xf32>,
        %swap3A_222 = vector.shape_cast %swap3A_221 : vector<1x16xf32> to vector<16xf32>
        %swap3A_223 = vector.shape_cast %get3A_219 : vector<16xf32> to vector<1x16xf32>
        tpu.vector_store %arg8[%swap3A, %swap3A_220], %swap3A_223 {add = true, strides = array<i32>} : memref<16x2048xf32, #tpu.memory_space<vmem>>, vector<1x16xf32>,
      }
      %scan3A_139 = arith.constant 128 : i32
      %slice3A_140 = vector.extract_strided_slice %get3A_45 {offsets = [6], sizes = [1], strides = [1]} : vector<16xi32> to vector<1xi32>
      %squeeze3A_141 = vector.extract %slice3A_140[0] : i32 from vector<1xi32>
      %scan3A_142 = arith.constant 0 : i32
      %scan3A_143 = arith.constant 128 : i32
      %scan3A_144 = arith.addi %scan3A_142, %scan3A_143 : i32
      %scan3A_145 = arith.constant 1 : i32
      scf.for %scan3A_210 = %scan3A_142 to %scan3A_144 step %scan3A_145  : i32 {
        %mul3A_211 = arith.constant 16 : i32
        %mul3A_212 = arith.muli %scan3A_210, %mul3A_211 : i32
        %add3A_213 = arith.constant 0 : i32
        %add3A_214 = arith.addi %add3A_213, %mul3A_212 : i32
        %get3A_215 = arith.constant 6 : i32
        %get3A_216 = arith.index_cast %get3A_215 : i32 to index
        %get3A_217 = arith.index_cast %add3A_214 : i32 to index
        %get3A_218 = tpu.vector_load %arg6[%get3A_216, %get3A_217] {strides = array<i32>} : memref<16x2048xf32, #tpu.memory_space<vmem>>, vector<1x16xf32>,
        %get3A_219 = vector.shape_cast %get3A_218 : vector<1x16xf32> to vector<16xf32>
        %swap3A = arith.index_cast %squeeze3A_141 : i32 to index
        %swap3A_220 = arith.index_cast %add3A_214 : i32 to index
        %swap3A_221 = tpu.vector_load %arg8[%swap3A, %swap3A_220] {strides = array<i32>} : memref<16x2048xf32, #tpu.memory_space<vmem>>, vector<1x16xf32>,
        %swap3A_222 = vector.shape_cast %swap3A_221 : vector<1x16xf32> to vector<16xf32>
        %swap3A_223 = vector.shape_cast %get3A_219 : vector<16xf32> to vector<1x16xf32>
        tpu.vector_store %arg8[%swap3A, %swap3A_220], %swap3A_223 {add = true, strides = array<i32>} : memref<16x2048xf32, #tpu.memory_space<vmem>>, vector<1x16xf32>,
      }
      %scan3A_146 = arith.constant 128 : i32
      %slice3A_147 = vector.extract_strided_slice %get3A_45 {offsets = [7], sizes = [1], strides = [1]} : vector<16xi32> to vector<1xi32>
      %squeeze3A_148 = vector.extract %slice3A_147[0] : i32 from vector<1xi32>
      %scan3A_149 = arith.constant 0 : i32
      %scan3A_150 = arith.constant 128 : i32
      %scan3A_151 = arith.addi %scan3A_149, %scan3A_150 : i32
      %scan3A_152 = arith.constant 1 : i32
      scf.for %scan3A_210 = %scan3A_149 to %scan3A_151 step %scan3A_152  : i32 {
        %mul3A_211 = arith.constant 16 : i32
        %mul3A_212 = arith.muli %scan3A_210, %mul3A_211 : i32
        %add3A_213 = arith.constant 0 : i32
        %add3A_214 = arith.addi %add3A_213, %mul3A_212 : i32
        %get3A_215 = arith.constant 7 : i32
        %get3A_216 = arith.index_cast %get3A_215 : i32 to index
        %get3A_217 = arith.index_cast %add3A_214 : i32 to index
        %get3A_218 = tpu.vector_load %arg6[%get3A_216, %get3A_217] {strides = array<i32>} : memref<16x2048xf32, #tpu.memory_space<vmem>>, vector<1x16xf32>,
        %get3A_219 = vector.shape_cast %get3A_218 : vector<1x16xf32> to vector<16xf32>
        %swap3A = arith.index_cast %squeeze3A_148 : i32 to index
        %swap3A_220 = arith.index_cast %add3A_214 : i32 to index
        %swap3A_221 = tpu.vector_load %arg8[%swap3A, %swap3A_220] {strides = array<i32>} : memref<16x2048xf32, #tpu.memory_space<vmem>>, vector<1x16xf32>,
        %swap3A_222 = vector.shape_cast %swap3A_221 : vector<1x16xf32> to vector<16xf32>
        %swap3A_223 = vector.shape_cast %get3A_219 : vector<16xf32> to vector<1x16xf32>
        tpu.vector_store %arg8[%swap3A, %swap3A_220], %swap3A_223 {add = true, strides = array<i32>} : memref<16x2048xf32, #tpu.memory_space<vmem>>, vector<1x16xf32>,
      }
      %scan3A_153 = arith.constant 128 : i32
      %slice3A_154 = vector.extract_strided_slice %get3A_45 {offsets = [8], sizes = [1], strides = [1]} : vector<16xi32> to vector<1xi32>
      %squeeze3A_155 = vector.extract %slice3A_154[0] : i32 from vector<1xi32>
      %scan3A_156 = arith.constant 0 : i32
      %scan3A_157 = arith.constant 128 : i32
      %scan3A_158 = arith.addi %scan3A_156, %scan3A_157 : i32
      %scan3A_159 = arith.constant 1 : i32
      scf.for %scan3A_210 = %scan3A_156 to %scan3A_158 step %scan3A_159  : i32 {
        %mul3A_211 = arith.constant 16 : i32
        %mul3A_212 = arith.muli %scan3A_210, %mul3A_211 : i32
        %add3A_213 = arith.constant 0 : i32
        %add3A_214 = arith.addi %add3A_213, %mul3A_212 : i32
        %get3A_215 = arith.constant 8 : i32
        %get3A_216 = arith.index_cast %get3A_215 : i32 to index
        %get3A_217 = arith.index_cast %add3A_214 : i32 to index
        %get3A_218 = tpu.vector_load %arg6[%get3A_216, %get3A_217] {strides = array<i32>} : memref<16x2048xf32, #tpu.memory_space<vmem>>, vector<1x16xf32>,
        %get3A_219 = vector.shape_cast %get3A_218 : vector<1x16xf32> to vector<16xf32>
        %swap3A = arith.index_cast %squeeze3A_155 : i32 to index
        %swap3A_220 = arith.index_cast %add3A_214 : i32 to index
        %swap3A_221 = tpu.vector_load %arg8[%swap3A, %swap3A_220] {strides = array<i32>} : memref<16x2048xf32, #tpu.memory_space<vmem>>, vector<1x16xf32>,
        %swap3A_222 = vector.shape_cast %swap3A_221 : vector<1x16xf32> to vector<16xf32>
        %swap3A_223 = vector.shape_cast %get3A_219 : vector<16xf32> to vector<1x16xf32>
        tpu.vector_store %arg8[%swap3A, %swap3A_220], %swap3A_223 {add = true, strides = array<i32>} : memref<16x2048xf32, #tpu.memory_space<vmem>>, vector<1x16xf32>,
      }
      %scan3A_160 = arith.constant 128 : i32
      %slice3A_161 = vector.extract_strided_slice %get3A_45 {offsets = [9], sizes = [1], strides = [1]} : vector<16xi32> to vector<1xi32>
      %squeeze3A_162 = vector.extract %slice3A_161[0] : i32 from vector<1xi32>
      %scan3A_163 = arith.constant 0 : i32
      %scan3A_164 = arith.constant 128 : i32
      %scan3A_165 = arith.addi %scan3A_163, %scan3A_164 : i32
      %scan3A_166 = arith.constant 1 : i32
      scf.for %scan3A_210 = %scan3A_163 to %scan3A_165 step %scan3A_166  : i32 {
        %mul3A_211 = arith.constant 16 : i32
        %mul3A_212 = arith.muli %scan3A_210, %mul3A_211 : i32
        %add3A_213 = arith.constant 0 : i32
        %add3A_214 = arith.addi %add3A_213, %mul3A_212 : i32
        %get3A_215 = arith.constant 9 : i32
        %get3A_216 = arith.index_cast %get3A_215 : i32 to index
        %get3A_217 = arith.index_cast %add3A_214 : i32 to index
        %get3A_218 = tpu.vector_load %arg6[%get3A_216, %get3A_217] {strides = array<i32>} : memref<16x2048xf32, #tpu.memory_space<vmem>>, vector<1x16xf32>,
        %get3A_219 = vector.shape_cast %get3A_218 : vector<1x16xf32> to vector<16xf32>
        %swap3A = arith.index_cast %squeeze3A_162 : i32 to index
        %swap3A_220 = arith.index_cast %add3A_214 : i32 to index
        %swap3A_221 = tpu.vector_load %arg8[%swap3A, %swap3A_220] {strides = array<i32>} : memref<16x2048xf32, #tpu.memory_space<vmem>>, vector<1x16xf32>,
        %swap3A_222 = vector.shape_cast %swap3A_221 : vector<1x16xf32> to vector<16xf32>
        %swap3A_223 = vector.shape_cast %get3A_219 : vector<16xf32> to vector<1x16xf32>
        tpu.vector_store %arg8[%swap3A, %swap3A_220], %swap3A_223 {add = true, strides = array<i32>} : memref<16x2048xf32, #tpu.memory_space<vmem>>, vector<1x16xf32>,
      }
      %scan3A_167 = arith.constant 128 : i32
      %slice3A_168 = vector.extract_strided_slice %get3A_45 {offsets = [10], sizes = [1], strides = [1]} : vector<16xi32> to vector<1xi32>
      %squeeze3A_169 = vector.extract %slice3A_168[0] : i32 from vector<1xi32>
      %scan3A_170 = arith.constant 0 : i32
      %scan3A_171 = arith.constant 128 : i32
      %scan3A_172 = arith.addi %scan3A_170, %scan3A_171 : i32
      %scan3A_173 = arith.constant 1 : i32
      scf.for %scan3A_210 = %scan3A_170 to %scan3A_172 step %scan3A_173  : i32 {
        %mul3A_211 = arith.constant 16 : i32
        %mul3A_212 = arith.muli %scan3A_210, %mul3A_211 : i32
        %add3A_213 = arith.constant 0 : i32
        %add3A_214 = arith.addi %add3A_213, %mul3A_212 : i32
        %get3A_215 = arith.constant 10 : i32
        %get3A_216 = arith.index_cast %get3A_215 : i32 to index
        %get3A_217 = arith.index_cast %add3A_214 : i32 to index
        %get3A_218 = tpu.vector_load %arg6[%get3A_216, %get3A_217] {strides = array<i32>} : memref<16x2048xf32, #tpu.memory_space<vmem>>, vector<1x16xf32>,
        %get3A_219 = vector.shape_cast %get3A_218 : vector<1x16xf32> to vector<16xf32>
        %swap3A = arith.index_cast %squeeze3A_169 : i32 to index
        %swap3A_220 = arith.index_cast %add3A_214 : i32 to index
        %swap3A_221 = tpu.vector_load %arg8[%swap3A, %swap3A_220] {strides = array<i32>} : memref<16x2048xf32, #tpu.memory_space<vmem>>, vector<1x16xf32>,
        %swap3A_222 = vector.shape_cast %swap3A_221 : vector<1x16xf32> to vector<16xf32>
        %swap3A_223 = vector.shape_cast %get3A_219 : vector<16xf32> to vector<1x16xf32>
        tpu.vector_store %arg8[%swap3A, %swap3A_220], %swap3A_223 {add = true, strides = array<i32>} : memref<16x2048xf32, #tpu.memory_space<vmem>>, vector<1x16xf32>,
      }
      %scan3A_174 = arith.constant 128 : i32
      %slice3A_175 = vector.extract_strided_slice %get3A_45 {offsets = [11], sizes = [1], strides = [1]} : vector<16xi32> to vector<1xi32>
      %squeeze3A_176 = vector.extract %slice3A_175[0] : i32 from vector<1xi32>
      %scan3A_177 = arith.constant 0 : i32
      %scan3A_178 = arith.constant 128 : i32
      %scan3A_179 = arith.addi %scan3A_177, %scan3A_178 : i32
      %scan3A_180 = arith.constant 1 : i32
      scf.for %scan3A_210 = %scan3A_177 to %scan3A_179 step %scan3A_180  : i32 {
        %mul3A_211 = arith.constant 16 : i32
        %mul3A_212 = arith.muli %scan3A_210, %mul3A_211 : i32
        %add3A_213 = arith.constant 0 : i32
        %add3A_214 = arith.addi %add3A_213, %mul3A_212 : i32
        %get3A_215 = arith.constant 11 : i32
        %get3A_216 = arith.index_cast %get3A_215 : i32 to index
        %get3A_217 = arith.index_cast %add3A_214 : i32 to index
        %get3A_218 = tpu.vector_load %arg6[%get3A_216, %get3A_217] {strides = array<i32>} : memref<16x2048xf32, #tpu.memory_space<vmem>>, vector<1x16xf32>,
        %get3A_219 = vector.shape_cast %get3A_218 : vector<1x16xf32> to vector<16xf32>
        %swap3A = arith.index_cast %squeeze3A_176 : i32 to index
        %swap3A_220 = arith.index_cast %add3A_214 : i32 to index
        %swap3A_221 = tpu.vector_load %arg8[%swap3A, %swap3A_220] {strides = array<i32>} : memref<16x2048xf32, #tpu.memory_space<vmem>>, vector<1x16xf32>,
        %swap3A_222 = vector.shape_cast %swap3A_221 : vector<1x16xf32> to vector<16xf32>
        %swap3A_223 = vector.shape_cast %get3A_219 : vector<16xf32> to vector<1x16xf32>
        tpu.vector_store %arg8[%swap3A, %swap3A_220], %swap3A_223 {add = true, strides = array<i32>} : memref<16x2048xf32, #tpu.memory_space<vmem>>, vector<1x16xf32>,
      }
      %scan3A_181 = arith.constant 128 : i32
      %slice3A_182 = vector.extract_strided_slice %get3A_45 {offsets = [12], sizes = [1], strides = [1]} : vector<16xi32> to vector<1xi32>
      %squeeze3A_183 = vector.extract %slice3A_182[0] : i32 from vector<1xi32>
      %scan3A_184 = arith.constant 0 : i32
      %scan3A_185 = arith.constant 128 : i32
      %scan3A_186 = arith.addi %scan3A_184, %scan3A_185 : i32
      %scan3A_187 = arith.constant 1 : i32
      scf.for %scan3A_210 = %scan3A_184 to %scan3A_186 step %scan3A_187  : i32 {
        %mul3A_211 = arith.constant 16 : i32
        %mul3A_212 = arith.muli %scan3A_210, %mul3A_211 : i32
        %add3A_213 = arith.constant 0 : i32
        %add3A_214 = arith.addi %add3A_213, %mul3A_212 : i32
        %get3A_215 = arith.constant 12 : i32
        %get3A_216 = arith.index_cast %get3A_215 : i32 to index
        %get3A_217 = arith.index_cast %add3A_214 : i32 to index
        %get3A_218 = tpu.vector_load %arg6[%get3A_216, %get3A_217] {strides = array<i32>} : memref<16x2048xf32, #tpu.memory_space<vmem>>, vector<1x16xf32>,
        %get3A_219 = vector.shape_cast %get3A_218 : vector<1x16xf32> to vector<16xf32>
        %swap3A = arith.index_cast %squeeze3A_183 : i32 to index
        %swap3A_220 = arith.index_cast %add3A_214 : i32 to index
        %swap3A_221 = tpu.vector_load %arg8[%swap3A, %swap3A_220] {strides = array<i32>} : memref<16x2048xf32, #tpu.memory_space<vmem>>, vector<1x16xf32>,
        %swap3A_222 = vector.shape_cast %swap3A_221 : vector<1x16xf32> to vector<16xf32>
        %swap3A_223 = vector.shape_cast %get3A_219 : vector<16xf32> to vector<1x16xf32>
        tpu.vector_store %arg8[%swap3A, %swap3A_220], %swap3A_223 {add = true, strides = array<i32>} : memref<16x2048xf32, #tpu.memory_space<vmem>>, vector<1x16xf32>,
      }
      %scan3A_188 = arith.constant 128 : i32
      %slice3A_189 = vector.extract_strided_slice %get3A_45 {offsets = [13], sizes = [1], strides = [1]} : vector<16xi32> to vector<1xi32>
      %squeeze3A_190 = vector.extract %slice3A_189[0] : i32 from vector<1xi32>
      %scan3A_191 = arith.constant 0 : i32
      %scan3A_192 = arith.constant 128 : i32
      %scan3A_193 = arith.addi %scan3A_191, %scan3A_192 : i32
      %scan3A_194 = arith.constant 1 : i32
      scf.for %scan3A_210 = %scan3A_191 to %scan3A_193 step %scan3A_194  : i32 {
        %mul3A_211 = arith.constant 16 : i32
        %mul3A_212 = arith.muli %scan3A_210, %mul3A_211 : i32
        %add3A_213 = arith.constant 0 : i32
        %add3A_214 = arith.addi %add3A_213, %mul3A_212 : i32
        %get3A_215 = arith.constant 13 : i32
        %get3A_216 = arith.index_cast %get3A_215 : i32 to index
        %get3A_217 = arith.index_cast %add3A_214 : i32 to index
        %get3A_218 = tpu.vector_load %arg6[%get3A_216, %get3A_217] {strides = array<i32>} : memref<16x2048xf32, #tpu.memory_space<vmem>>, vector<1x16xf32>,
        %get3A_219 = vector.shape_cast %get3A_218 : vector<1x16xf32> to vector<16xf32>
        %swap3A = arith.index_cast %squeeze3A_190 : i32 to index
        %swap3A_220 = arith.index_cast %add3A_214 : i32 to index
        %swap3A_221 = tpu.vector_load %arg8[%swap3A, %swap3A_220] {strides = array<i32>} : memref<16x2048xf32, #tpu.memory_space<vmem>>, vector<1x16xf32>,
        %swap3A_222 = vector.shape_cast %swap3A_221 : vector<1x16xf32> to vector<16xf32>
        %swap3A_223 = vector.shape_cast %get3A_219 : vector<16xf32> to vector<1x16xf32>
        tpu.vector_store %arg8[%swap3A, %swap3A_220], %swap3A_223 {add = true, strides = array<i32>} : memref<16x2048xf32, #tpu.memory_space<vmem>>, vector<1x16xf32>,
      }
      %scan3A_195 = arith.constant 128 : i32
      %slice3A_196 = vector.extract_strided_slice %get3A_45 {offsets = [14], sizes = [1], strides = [1]} : vector<16xi32> to vector<1xi32>
      %squeeze3A_197 = vector.extract %slice3A_196[0] : i32 from vector<1xi32>
      %scan3A_198 = arith.constant 0 : i32
      %scan3A_199 = arith.constant 128 : i32
      %scan3A_200 = arith.addi %scan3A_198, %scan3A_199 : i32
      %scan3A_201 = arith.constant 1 : i32
      scf.for %scan3A_210 = %scan3A_198 to %scan3A_200 step %scan3A_201  : i32 {
        %mul3A_211 = arith.constant 16 : i32
        %mul3A_212 = arith.muli %scan3A_210, %mul3A_211 : i32
        %add3A_213 = arith.constant 0 : i32
        %add3A_214 = arith.addi %add3A_213, %mul3A_212 : i32
        %get3A_215 = arith.constant 14 : i32
        %get3A_216 = arith.index_cast %get3A_215 : i32 to index
        %get3A_217 = arith.index_cast %add3A_214 : i32 to index
        %get3A_218 = tpu.vector_load %arg6[%get3A_216, %get3A_217] {strides = array<i32>} : memref<16x2048xf32, #tpu.memory_space<vmem>>, vector<1x16xf32>,
        %get3A_219 = vector.shape_cast %get3A_218 : vector<1x16xf32> to vector<16xf32>
        %swap3A = arith.index_cast %squeeze3A_197 : i32 to index
        %swap3A_220 = arith.index_cast %add3A_214 : i32 to index
        %swap3A_221 = tpu.vector_load %arg8[%swap3A, %swap3A_220] {strides = array<i32>} : memref<16x2048xf32, #tpu.memory_space<vmem>>, vector<1x16xf32>,
        %swap3A_222 = vector.shape_cast %swap3A_221 : vector<1x16xf32> to vector<16xf32>
        %swap3A_223 = vector.shape_cast %get3A_219 : vector<16xf32> to vector<1x16xf32>
        tpu.vector_store %arg8[%swap3A, %swap3A_220], %swap3A_223 {add = true, strides = array<i32>} : memref<16x2048xf32, #tpu.memory_space<vmem>>, vector<1x16xf32>,
      }
      %scan3A_202 = arith.constant 128 : i32
      %slice3A_203 = vector.extract_strided_slice %get3A_45 {offsets = [15], sizes = [1], strides = [1]} : vector<16xi32> to vector<1xi32>
      %squeeze3A_204 = vector.extract %slice3A_203[0] : i32 from vector<1xi32>
      %scan3A_205 = arith.constant 0 : i32
      %scan3A_206 = arith.constant 128 : i32
      %scan3A_207 = arith.addi %scan3A_205, %scan3A_206 : i32
      %scan3A_208 = arith.constant 1 : i32
      scf.for %scan3A_210 = %scan3A_205 to %scan3A_207 step %scan3A_208  : i32 {
        %mul3A_211 = arith.constant 16 : i32
        %mul3A_212 = arith.muli %scan3A_210, %mul3A_211 : i32
        %add3A_213 = arith.constant 0 : i32
        %add3A_214 = arith.addi %add3A_213, %mul3A_212 : i32
        %get3A_215 = arith.constant 15 : i32
        %get3A_216 = arith.index_cast %get3A_215 : i32 to index
        %get3A_217 = arith.index_cast %add3A_214 : i32 to index
        %get3A_218 = tpu.vector_load %arg6[%get3A_216, %get3A_217] {strides = array<i32>} : memref<16x2048xf32, #tpu.memory_space<vmem>>, vector<1x16xf32>,
        %get3A_219 = vector.shape_cast %get3A_218 : vector<1x16xf32> to vector<16xf32>
        %swap3A = arith.index_cast %squeeze3A_204 : i32 to index
        %swap3A_220 = arith.index_cast %add3A_214 : i32 to index
        %swap3A_221 = tpu.vector_load %arg8[%swap3A, %swap3A_220] {strides = array<i32>} : memref<16x2048xf32, #tpu.memory_space<vmem>>, vector<1x16xf32>,
        %swap3A_222 = vector.shape_cast %swap3A_221 : vector<1x16xf32> to vector<16xf32>
        %swap3A_223 = vector.shape_cast %get3A_219 : vector<16xf32> to vector<1x16xf32>
        tpu.vector_store %arg8[%swap3A, %swap3A_220], %swap3A_223 {add = true, strides = array<i32>} : memref<16x2048xf32, #tpu.memory_space<vmem>>, vector<1x16xf32>,
      }
      %scan3A_209 = arith.constant 128 : i32
    } else {
    }
    %scan3A_53 = arith.constant 0 : i32
    %scan3A_54 = arith.constant 3 : i32
    %scan3A_55 = arith.addi %scan3A_53, %scan3A_54 : i32
    %scan3A_56 = arith.constant 1 : i32
    scf.for %scan3A_98 = %scan3A_53 to %scan3A_55 step %scan3A_56  : i32 {
      %mul3A_99 = arith.constant 2 : i32
      %mul3A_100 = arith.muli %scan3A_98, %mul3A_99 : i32
      %add3A_101 = arith.constant 1 : i32
      %add3A_102 = arith.addi %add3A_101, %mul3A_100 : i32
      %add3A_103 = arith.constant 1 : i32
      %add3A_104 = arith.addi %add3A_102, %add3A_103 : i32
      %mul3A_105 = arith.constant 16 : i32
      %mul3A_106 = arith.muli %add3A_104, %mul3A_105 : i32
      %add3A_107 = arith.addi %add3A_30, %mul3A_106 : i32
      %dma_start3A_108 = arith.constant 0 : i32
      %dma_start3A_109 = tpu.memref_slice %arg2[%add3A_107, %dma_start3A_108] : memref<32768x2048xf32, #tpu.memory_space<hbm>> -> memref<16x2048xf32, #tpu.memory_space<hbm>>
      %dma_start3A_110 = arith.constant 0 : i32
      %dma_start3A_111 = tpu.memref_slice %arg2[%add3A_107, %dma_start3A_110] : memref<32768x2048xf32, #tpu.memory_space<hbm>> -> memref<16x2048xf32, #tpu.memory_space<hbm>>
      tpu.enqueue_dma source(%dma_start3A_111 : memref<16x2048xf32, #tpu.memory_space<hbm>>) target(%arg6 : memref<16x2048xf32, #tpu.memory_space<vmem>>) target_semaphore(%arg9 : memref<!tpu.dma_semaphore, #tpu.memory_space<semaphore_mem>>)
      %mul3A_112 = arith.constant 16 : i32
      %mul3A_113 = arith.muli %add3A_102, %mul3A_112 : i32
      %add3A_114 = arith.addi %add3A_30, %mul3A_113 : i32
      %dma_wait3A_115 = arith.constant 0 : i32
      %dma_wait3A_116 = tpu.memref_slice %arg2[%add3A_114, %dma_wait3A_115] : memref<32768x2048xf32, #tpu.memory_space<hbm>> -> memref<16x2048xf32, #tpu.memory_space<hbm>>
      %dma_wait3A_117 = arith.constant 0 : i32
      %dma_wait3A_118 = tpu.memref_slice %arg2[%add3A_114, %dma_wait3A_117] : memref<32768x2048xf32, #tpu.memory_space<hbm>> -> memref<16x2048xf32, #tpu.memory_space<hbm>>
      tpu.wait_dma2 semaphore(%arg10 : memref<!tpu.dma_semaphore, #tpu.memory_space<semaphore_mem>>) src(%dma_wait3A_118 : memref<16x2048xf32, #tpu.memory_space<hbm>>) dst(%arg7 : memref<16x2048xf32, #tpu.memory_space<vmem>>)
      %get3A_119 = arith.index_cast %add3A_102 : i32 to index
      %get3A_120 = arith.constant 0 : index
      %get3A_121 = tpu.vector_load %arg5[%get3A_119, %get3A_120] {strides = array<i32>} : memref<8x16xi32, #tpu.memory_space<vmem>>, vector<1x16xi32>,
      %get3A_122 = vector.shape_cast %get3A_121 : vector<1x16xi32> to vector<16xi32>
      %slice3A_123 = vector.extract_strided_slice %get3A_122 {offsets = [0], sizes = [1], strides = [1]} : vector<16xi32> to vector<1xi32>
      %squeeze3A_124 = vector.extract %slice3A_123[0] : i32 from vector<1xi32>
      %slice3A_125 = vector.extract_strided_slice %get3A_122 {offsets = [15], sizes = [1], strides = [1]} : vector<16xi32> to vector<1xi32>
      %squeeze3A_126 = vector.extract %slice3A_125[0] : i32 from vector<1xi32>
      %eq3A_127 = arith.cmpi eq, %squeeze3A_124, %squeeze3A_126 : i32
      %convert_element_type3A_128 = arith.extui %eq3A_127 : i1 to i32
      %cond3A_129 = arith.constant 0 : i32
      %cond3A_130 = arith.cmpi ne, %convert_element_type3A_128, %cond3A_129 : i32
      scf.if %cond3A_130 {
        %scan3A_168 = arith.constant 0 : i32
        %scan3A_169 = arith.constant 64 : i32
        %scan3A_170 = arith.addi %scan3A_168, %scan3A_169 : i32
        %scan3A_171 = arith.constant 1 : i32
        scf.for %scan3A_173 = %scan3A_168 to %scan3A_170 step %scan3A_171  : i32 {
          %mul3A_174 = arith.constant 32 : i32
          %mul3A_175 = arith.muli %scan3A_173, %mul3A_174 : i32
          %add3A_176 = arith.constant 0 : i32
          %add3A_177 = arith.addi %add3A_176, %mul3A_175 : i32
          %add3A_178 = arith.constant 16 : i32
          %add3A_179 = arith.addi %add3A_177, %add3A_178 : i32
          %get3A_180 = arith.constant 0 : i32
          %get3A_181 = arith.index_cast %get3A_180 : i32 to index
          %get3A_182 = arith.index_cast %add3A_177 : i32 to index
          %get3A_183 = tpu.vector_load %arg7[%get3A_181, %get3A_182] {strides = array<i32>} : memref<16x2048xf32, #tpu.memory_space<vmem>>, vector<1x16xf32>,
          %get3A_184 = vector.shape_cast %get3A_183 : vector<1x16xf32> to vector<16xf32>
          %get3A_185 = arith.constant 1 : i32
          %get3A_186 = arith.index_cast %get3A_185 : i32 to index
          %get3A_187 = arith.index_cast %add3A_177 : i32 to index
          %get3A_188 = tpu.vector_load %arg7[%get3A_186, %get3A_187] {strides = array<i32>} : memref<16x2048xf32, #tpu.memory_space<vmem>>, vector<1x16xf32>,
          %get3A_189 = vector.shape_cast %get3A_188 : vector<1x16xf32> to vector<16xf32>
          %get3A_190 = arith.constant 2 : i32
          %get3A_191 = arith.index_cast %get3A_190 : i32 to index
          %get3A_192 = arith.index_cast %add3A_177 : i32 to index
          %get3A_193 = tpu.vector_load %arg7[%get3A_191, %get3A_192] {strides = array<i32>} : memref<16x2048xf32, #tpu.memory_space<vmem>>, vector<1x16xf32>,
          %get3A_194 = vector.shape_cast %get3A_193 : vector<1x16xf32> to vector<16xf32>
          %get3A_195 = arith.constant 3 : i32
          %get3A_196 = arith.index_cast %get3A_195 : i32 to index
          %get3A_197 = arith.index_cast %add3A_177 : i32 to index
          %get3A_198 = tpu.vector_load %arg7[%get3A_196, %get3A_197] {strides = array<i32>} : memref<16x2048xf32, #tpu.memory_space<vmem>>, vector<1x16xf32>,
          %get3A_199 = vector.shape_cast %get3A_198 : vector<1x16xf32> to vector<16xf32>
          %get3A_200 = arith.constant 4 : i32
          %get3A_201 = arith.index_cast %get3A_200 : i32 to index
          %get3A_202 = arith.index_cast %add3A_177 : i32 to index
          %get3A_203 = tpu.vector_load %arg7[%get3A_201, %get3A_202] {strides = array<i32>} : memref<16x2048xf32, #tpu.memory_space<vmem>>, vector<1x16xf32>,
          %get3A_204 = vector.shape_cast %get3A_203 : vector<1x16xf32> to vector<16xf32>
          %get3A_205 = arith.constant 5 : i32
          %get3A_206 = arith.index_cast %get3A_205 : i32 to index
          %get3A_207 = arith.index_cast %add3A_177 : i32 to index
          %get3A_208 = tpu.vector_load %arg7[%get3A_206, %get3A_207] {strides = array<i32>} : memref<16x2048xf32, #tpu.memory_space<vmem>>, vector<1x16xf32>,
          %get3A_209 = vector.shape_cast %get3A_208 : vector<1x16xf32> to vector<16xf32>
          %get3A_210 = arith.constant 6 : i32
          %get3A_211 = arith.index_cast %get3A_210 : i32 to index
          %get3A_212 = arith.index_cast %add3A_177 : i32 to index
          %get3A_213 = tpu.vector_load %arg7[%get3A_211, %get3A_212] {strides = array<i32>} : memref<16x2048xf32, #tpu.memory_space<vmem>>, vector<1x16xf32>,
          %get3A_214 = vector.shape_cast %get3A_213 : vector<1x16xf32> to vector<16xf32>
          %get3A_215 = arith.constant 7 : i32
          %get3A_216 = arith.index_cast %get3A_215 : i32 to index
          %get3A_217 = arith.index_cast %add3A_177 : i32 to index
          %get3A_218 = tpu.vector_load %arg7[%get3A_216, %get3A_217] {strides = array<i32>} : memref<16x2048xf32, #tpu.memory_space<vmem>>, vector<1x16xf32>,
          %get3A_219 = vector.shape_cast %get3A_218 : vector<1x16xf32> to vector<16xf32>
          %get3A_220 = arith.constant 8 : i32
          %get3A_221 = arith.index_cast %get3A_220 : i32 to index
          %get3A_222 = arith.index_cast %add3A_177 : i32 to index
          %get3A_223 = tpu.vector_load %arg7[%get3A_221, %get3A_222] {strides = array<i32>} : memref<16x2048xf32, #tpu.memory_space<vmem>>, vector<1x16xf32>,
          %get3A_224 = vector.shape_cast %get3A_223 : vector<1x16xf32> to vector<16xf32>
          %get3A_225 = arith.constant 9 : i32
          %get3A_226 = arith.index_cast %get3A_225 : i32 to index
          %get3A_227 = arith.index_cast %add3A_177 : i32 to index
          %get3A_228 = tpu.vector_load %arg7[%get3A_226, %get3A_227] {strides = array<i32>} : memref<16x2048xf32, #tpu.memory_space<vmem>>, vector<1x16xf32>,
          %get3A_229 = vector.shape_cast %get3A_228 : vector<1x16xf32> to vector<16xf32>
          %get3A_230 = arith.constant 10 : i32
          %get3A_231 = arith.index_cast %get3A_230 : i32 to index
          %get3A_232 = arith.index_cast %add3A_177 : i32 to index
          %get3A_233 = tpu.vector_load %arg7[%get3A_231, %get3A_232] {strides = array<i32>} : memref<16x2048xf32, #tpu.memory_space<vmem>>, vector<1x16xf32>,
          %get3A_234 = vector.shape_cast %get3A_233 : vector<1x16xf32> to vector<16xf32>
          %get3A_235 = arith.constant 11 : i32
          %get3A_236 = arith.index_cast %get3A_235 : i32 to index
          %get3A_237 = arith.index_cast %add3A_177 : i32 to index
          %get3A_238 = tpu.vector_load %arg7[%get3A_236, %get3A_237] {strides = array<i32>} : memref<16x2048xf32, #tpu.memory_space<vmem>>, vector<1x16xf32>,
          %get3A_239 = vector.shape_cast %get3A_238 : vector<1x16xf32> to vector<16xf32>
          %get3A_240 = arith.constant 12 : i32
          %get3A_241 = arith.index_cast %get3A_240 : i32 to index
          %get3A_242 = arith.index_cast %add3A_177 : i32 to index
          %get3A_243 = tpu.vector_load %arg7[%get3A_241, %get3A_242] {strides = array<i32>} : memref<16x2048xf32, #tpu.memory_space<vmem>>, vector<1x16xf32>,
          %get3A_244 = vector.shape_cast %get3A_243 : vector<1x16xf32> to vector<16xf32>
          %get3A_245 = arith.constant 13 : i32
          %get3A_246 = arith.index_cast %get3A_245 : i32 to index
          %get3A_247 = arith.index_cast %add3A_177 : i32 to index
          %get3A_248 = tpu.vector_load %arg7[%get3A_246, %get3A_247] {strides = array<i32>} : memref<16x2048xf32, #tpu.memory_space<vmem>>, vector<1x16xf32>,
          %get3A_249 = vector.shape_cast %get3A_248 : vector<1x16xf32> to vector<16xf32>
          %get3A_250 = arith.constant 14 : i32
          %get3A_251 = arith.index_cast %get3A_250 : i32 to index
          %get3A_252 = arith.index_cast %add3A_177 : i32 to index
          %get3A_253 = tpu.vector_load %arg7[%get3A_251, %get3A_252] {strides = array<i32>} : memref<16x2048xf32, #tpu.memory_space<vmem>>, vector<1x16xf32>,
          %get3A_254 = vector.shape_cast %get3A_253 : vector<1x16xf32> to vector<16xf32>
          %get3A_255 = arith.constant 15 : i32
          %get3A_256 = arith.index_cast %get3A_255 : i32 to index
          %get3A_257 = arith.index_cast %add3A_177 : i32 to index
          %get3A_258 = tpu.vector_load %arg7[%get3A_256, %get3A_257] {strides = array<i32>} : memref<16x2048xf32, #tpu.memory_space<vmem>>, vector<1x16xf32>,
          %get3A_259 = vector.shape_cast %get3A_258 : vector<1x16xf32> to vector<16xf32>
          %get3A_260 = arith.constant 0 : i32
          %get3A_261 = arith.index_cast %get3A_260 : i32 to index
          %get3A_262 = arith.index_cast %add3A_179 : i32 to index
          %get3A_263 = tpu.vector_load %arg7[%get3A_261, %get3A_262] {strides = array<i32>} : memref<16x2048xf32, #tpu.memory_space<vmem>>, vector<1x16xf32>,
          %get3A_264 = vector.shape_cast %get3A_263 : vector<1x16xf32> to vector<16xf32>
          %get3A_265 = arith.constant 1 : i32
          %get3A_266 = arith.index_cast %get3A_265 : i32 to index
          %get3A_267 = arith.index_cast %add3A_179 : i32 to index
          %get3A_268 = tpu.vector_load %arg7[%get3A_266, %get3A_267] {strides = array<i32>} : memref<16x2048xf32, #tpu.memory_space<vmem>>, vector<1x16xf32>,
          %get3A_269 = vector.shape_cast %get3A_268 : vector<1x16xf32> to vector<16xf32>
          %get3A_270 = arith.constant 2 : i32
          %get3A_271 = arith.index_cast %get3A_270 : i32 to index
          %get3A_272 = arith.index_cast %add3A_179 : i32 to index
          %get3A_273 = tpu.vector_load %arg7[%get3A_271, %get3A_272] {strides = array<i32>} : memref<16x2048xf32, #tpu.memory_space<vmem>>, vector<1x16xf32>,
          %get3A_274 = vector.shape_cast %get3A_273 : vector<1x16xf32> to vector<16xf32>
          %get3A_275 = arith.constant 3 : i32
          %get3A_276 = arith.index_cast %get3A_275 : i32 to index
          %get3A_277 = arith.index_cast %add3A_179 : i32 to index
          %get3A_278 = tpu.vector_load %arg7[%get3A_276, %get3A_277] {strides = array<i32>} : memref<16x2048xf32, #tpu.memory_space<vmem>>, vector<1x16xf32>,
          %get3A_279 = vector.shape_cast %get3A_278 : vector<1x16xf32> to vector<16xf32>
          %get3A_280 = arith.constant 4 : i32
          %get3A_281 = arith.index_cast %get3A_280 : i32 to index
          %get3A_282 = arith.index_cast %add3A_179 : i32 to index
          %get3A_283 = tpu.vector_load %arg7[%get3A_281, %get3A_282] {strides = array<i32>} : memref<16x2048xf32, #tpu.memory_space<vmem>>, vector<1x16xf32>,
          %get3A_284 = vector.shape_cast %get3A_283 : vector<1x16xf32> to vector<16xf32>
          %get3A_285 = arith.constant 5 : i32
          %get3A_286 = arith.index_cast %get3A_285 : i32 to index
          %get3A_287 = arith.index_cast %add3A_179 : i32 to index
          %get3A_288 = tpu.vector_load %arg7[%get3A_286, %get3A_287] {strides = array<i32>} : memref<16x2048xf32, #tpu.memory_space<vmem>>, vector<1x16xf32>,
          %get3A_289 = vector.shape_cast %get3A_288 : vector<1x16xf32> to vector<16xf32>
          %get3A_290 = arith.constant 6 : i32
          %get3A_291 = arith.index_cast %get3A_290 : i32 to index
          %get3A_292 = arith.index_cast %add3A_179 : i32 to index
          %get3A_293 = tpu.vector_load %arg7[%get3A_291, %get3A_292] {strides = array<i32>} : memref<16x2048xf32, #tpu.memory_space<vmem>>, vector<1x16xf32>,
          %get3A_294 = vector.shape_cast %get3A_293 : vector<1x16xf32> to vector<16xf32>
          %get3A_295 = arith.constant 7 : i32
          %get3A_296 = arith.index_cast %get3A_295 : i32 to index
          %get3A_297 = arith.index_cast %add3A_179 : i32 to index
          %get3A_298 = tpu.vector_load %arg7[%get3A_296, %get3A_297] {strides = array<i32>} : memref<16x2048xf32, #tpu.memory_space<vmem>>, vector<1x16xf32>,
          %get3A_299 = vector.shape_cast %get3A_298 : vector<1x16xf32> to vector<16xf32>
          %get3A_300 = arith.constant 8 : i32
          %get3A_301 = arith.index_cast %get3A_300 : i32 to index
          %get3A_302 = arith.index_cast %add3A_179 : i32 to index
          %get3A_303 = tpu.vector_load %arg7[%get3A_301, %get3A_302] {strides = array<i32>} : memref<16x2048xf32, #tpu.memory_space<vmem>>, vector<1x16xf32>,
          %get3A_304 = vector.shape_cast %get3A_303 : vector<1x16xf32> to vector<16xf32>
          %get3A_305 = arith.constant 9 : i32
          %get3A_306 = arith.index_cast %get3A_305 : i32 to index
          %get3A_307 = arith.index_cast %add3A_179 : i32 to index
          %get3A_308 = tpu.vector_load %arg7[%get3A_306, %get3A_307] {strides = array<i32>} : memref<16x2048xf32, #tpu.memory_space<vmem>>, vector<1x16xf32>,
          %get3A_309 = vector.shape_cast %get3A_308 : vector<1x16xf32> to vector<16xf32>
          %get3A_310 = arith.constant 10 : i32
          %get3A_311 = arith.index_cast %get3A_310 : i32 to index
          %get3A_312 = arith.index_cast %add3A_179 : i32 to index
          %get3A_313 = tpu.vector_load %arg7[%get3A_311, %get3A_312] {strides = array<i32>} : memref<16x2048xf32, #tpu.memory_space<vmem>>, vector<1x16xf32>,
          %get3A_314 = vector.shape_cast %get3A_313 : vector<1x16xf32> to vector<16xf32>
          %get3A_315 = arith.constant 11 : i32
          %get3A_316 = arith.index_cast %get3A_315 : i32 to index
          %get3A_317 = arith.index_cast %add3A_179 : i32 to index
          %get3A_318 = tpu.vector_load %arg7[%get3A_316, %get3A_317] {strides = array<i32>} : memref<16x2048xf32, #tpu.memory_space<vmem>>, vector<1x16xf32>,
          %get3A_319 = vector.shape_cast %get3A_318 : vector<1x16xf32> to vector<16xf32>
          %get3A_320 = arith.constant 12 : i32
          %get3A_321 = arith.index_cast %get3A_320 : i32 to index
          %get3A_322 = arith.index_cast %add3A_179 : i32 to index
          %get3A_323 = tpu.vector_load %arg7[%get3A_321, %get3A_322] {strides = array<i32>} : memref<16x2048xf32, #tpu.memory_space<vmem>>, vector<1x16xf32>,
          %get3A_324 = vector.shape_cast %get3A_323 : vector<1x16xf32> to vector<16xf32>
          %get3A_325 = arith.constant 13 : i32
          %get3A_326 = arith.index_cast %get3A_325 : i32 to index
          %get3A_327 = arith.index_cast %add3A_179 : i32 to index
          %get3A_328 = tpu.vector_load %arg7[%get3A_326, %get3A_327] {strides = array<i32>} : memref<16x2048xf32, #tpu.memory_space<vmem>>, vector<1x16xf32>,
          %get3A_329 = vector.shape_cast %get3A_328 : vector<1x16xf32> to vector<16xf32>
          %get3A_330 = arith.constant 14 : i32
          %get3A_331 = arith.index_cast %get3A_330 : i32 to index
          %get3A_332 = arith.index_cast %add3A_179 : i32 to index
          %get3A_333 = tpu.vector_load %arg7[%get3A_331, %get3A_332] {strides = array<i32>} : memref<16x2048xf32, #tpu.memory_space<vmem>>, vector<1x16xf32>,
          %get3A_334 = vector.shape_cast %get3A_333 : vector<1x16xf32> to vector<16xf32>
          %get3A_335 = arith.constant 15 : i32
          %get3A_336 = arith.index_cast %get3A_335 : i32 to index
          %get3A_337 = arith.index_cast %add3A_179 : i32 to index
          %get3A_338 = tpu.vector_load %arg7[%get3A_336, %get3A_337] {strides = array<i32>} : memref<16x2048xf32, #tpu.memory_space<vmem>>, vector<1x16xf32>,
          %get3A_339 = vector.shape_cast %get3A_338 : vector<1x16xf32> to vector<16xf32>
          %add3A_340 = arith.addf %get3A_184, %get3A_189 : vector<16xf32>
          %add3A_341 = arith.addf %get3A_194, %get3A_199 : vector<16xf32>
          %add3A_342 = arith.addf %get3A_204, %get3A_209 : vector<16xf32>
          %add3A_343 = arith.addf %get3A_214, %get3A_219 : vector<16xf32>
          %add3A_344 = arith.addf %get3A_224, %get3A_229 : vector<16xf32>
          %add3A_345 = arith.addf %get3A_234, %get3A_239 : vector<16xf32>
          %add3A_346 = arith.addf %get3A_244, %get3A_249 : vector<16xf32>
          %add3A_347 = arith.addf %get3A_254, %get3A_259 : vector<16xf32>
          %add3A_348 = arith.addf %add3A_340, %add3A_341 : vector<16xf32>
          %add3A_349 = arith.addf %add3A_342, %add3A_343 : vector<16xf32>
          %add3A_350 = arith.addf %add3A_344, %add3A_345 : vector<16xf32>
          %add3A_351 = arith.addf %add3A_346, %add3A_347 : vector<16xf32>
          %add3A_352 = arith.addf %add3A_348, %add3A_349 : vector<16xf32>
          %add3A_353 = arith.addf %add3A_350, %add3A_351 : vector<16xf32>
          %add3A_354 = arith.addf %add3A_352, %add3A_353 : vector<16xf32>
          %add3A_355 = arith.addf %get3A_264, %get3A_269 : vector<16xf32>
          %add3A_356 = arith.addf %get3A_274, %get3A_279 : vector<16xf32>
          %add3A_357 = arith.addf %get3A_284, %get3A_289 : vector<16xf32>
          %add3A_358 = arith.addf %get3A_294, %get3A_299 : vector<16xf32>
          %add3A_359 = arith.addf %get3A_304, %get3A_309 : vector<16xf32>
          %add3A_360 = arith.addf %get3A_314, %get3A_319 : vector<16xf32>
          %add3A_361 = arith.addf %get3A_324, %get3A_329 : vector<16xf32>
          %add3A_362 = arith.addf %get3A_334, %get3A_339 : vector<16xf32>
          %add3A_363 = arith.addf %add3A_355, %add3A_356 : vector<16xf32>
          %add3A_364 = arith.addf %add3A_357, %add3A_358 : vector<16xf32>
          %add3A_365 = arith.addf %add3A_359, %add3A_360 : vector<16xf32>
          %add3A_366 = arith.addf %add3A_361, %add3A_362 : vector<16xf32>
          %add3A_367 = arith.addf %add3A_363, %add3A_364 : vector<16xf32>
          %add3A_368 = arith.addf %add3A_365, %add3A_366 : vector<16xf32>
          %add3A_369 = arith.addf %add3A_367, %add3A_368 : vector<16xf32>
          %swap3A = arith.index_cast %squeeze3A_124 : i32 to index
          %swap3A_370 = arith.index_cast %add3A_177 : i32 to index
          %swap3A_371 = tpu.vector_load %arg8[%swap3A, %swap3A_370] {strides = array<i32>} : memref<16x2048xf32, #tpu.memory_space<vmem>>, vector<1x16xf32>,
          %swap3A_372 = vector.shape_cast %swap3A_371 : vector<1x16xf32> to vector<16xf32>
          %swap3A_373 = vector.shape_cast %add3A_354 : vector<16xf32> to vector<1x16xf32>
          tpu.vector_store %arg8[%swap3A, %swap3A_370], %swap3A_373 {add = true, strides = array<i32>} : memref<16x2048xf32, #tpu.memory_space<vmem>>, vector<1x16xf32>,
          %swap3A_374 = arith.index_cast %squeeze3A_124 : i32 to index
          %swap3A_375 = arith.index_cast %add3A_179 : i32 to index
          %swap3A_376 = tpu.vector_load %arg8[%swap3A_374, %swap3A_375] {strides = array<i32>} : memref<16x2048xf32, #tpu.memory_space<vmem>>, vector<1x16xf32>,
          %swap3A_377 = vector.shape_cast %swap3A_376 : vector<1x16xf32> to vector<16xf32>
          %swap3A_378 = vector.shape_cast %add3A_369 : vector<16xf32> to vector<1x16xf32>
          tpu.vector_store %arg8[%swap3A_374, %swap3A_375], %swap3A_378 {add = true, strides = array<i32>} : memref<16x2048xf32, #tpu.memory_space<vmem>>, vector<1x16xf32>,
        }
        %scan3A_172 = arith.constant 64 : i32
      } else {
      }
      %not3A_131 = arith.constant true
      %not3A_132 = arith.xori %eq3A_127, %not3A_131 : i1
      %convert_element_type3A_133 = arith.extui %not3A_132 : i1 to i32
      %cond3A_134 = arith.constant 0 : i32
      %cond3A_135 = arith.cmpi ne, %convert_element_type3A_133, %cond3A_134 : i32
      scf.if %cond3A_135 {
        %slice3A_168 = vector.extract_strided_slice %get3A_122 {offsets = [0], sizes = [1], strides = [1]} : vector<16xi32> to vector<1xi32>
        %squeeze3A_169 = vector.extract %slice3A_168[0] : i32 from vector<1xi32>
        %scan3A_170 = arith.constant 0 : i32
        %scan3A_171 = arith.constant 128 : i32
        %scan3A_172 = arith.addi %scan3A_170, %scan3A_171 : i32
        %scan3A_173 = arith.constant 1 : i32
        scf.for %scan3A_280 = %scan3A_170 to %scan3A_172 step %scan3A_173  : i32 {
          %mul3A_281 = arith.constant 16 : i32
          %mul3A_282 = arith.muli %scan3A_280, %mul3A_281 : i32
          %add3A_283 = arith.constant 0 : i32
          %add3A_284 = arith.addi %add3A_283, %mul3A_282 : i32
          %get3A_285 = arith.constant 0 : i32
          %get3A_286 = arith.index_cast %get3A_285 : i32 to index
          %get3A_287 = arith.index_cast %add3A_284 : i32 to index
          %get3A_288 = tpu.vector_load %arg7[%get3A_286, %get3A_287] {strides = array<i32>} : memref<16x2048xf32, #tpu.memory_space<vmem>>, vector<1x16xf32>,
          %get3A_289 = vector.shape_cast %get3A_288 : vector<1x16xf32> to vector<16xf32>
          %swap3A = arith.index_cast %squeeze3A_169 : i32 to index
          %swap3A_290 = arith.index_cast %add3A_284 : i32 to index
          %swap3A_291 = tpu.vector_load %arg8[%swap3A, %swap3A_290] {strides = array<i32>} : memref<16x2048xf32, #tpu.memory_space<vmem>>, vector<1x16xf32>,
          %swap3A_292 = vector.shape_cast %swap3A_291 : vector<1x16xf32> to vector<16xf32>
          %swap3A_293 = vector.shape_cast %get3A_289 : vector<16xf32> to vector<1x16xf32>
          tpu.vector_store %arg8[%swap3A, %swap3A_290], %swap3A_293 {add = true, strides = array<i32>} : memref<16x2048xf32, #tpu.memory_space<vmem>>, vector<1x16xf32>,
        }
        %scan3A_174 = arith.constant 128 : i32
        %slice3A_175 = vector.extract_strided_slice %get3A_122 {offsets = [1], sizes = [1], strides = [1]} : vector<16xi32> to vector<1xi32>
        %squeeze3A_176 = vector.extract %slice3A_175[0] : i32 from vector<1xi32>
        %scan3A_177 = arith.constant 0 : i32
        %scan3A_178 = arith.constant 128 : i32
        %scan3A_179 = arith.addi %scan3A_177, %scan3A_178 : i32
        %scan3A_180 = arith.constant 1 : i32
        scf.for %scan3A_280 = %scan3A_177 to %scan3A_179 step %scan3A_180  : i32 {
          %mul3A_281 = arith.constant 16 : i32
          %mul3A_282 = arith.muli %scan3A_280, %mul3A_281 : i32
          %add3A_283 = arith.constant 0 : i32
          %add3A_284 = arith.addi %add3A_283, %mul3A_282 : i32
          %get3A_285 = arith.constant 1 : i32
          %get3A_286 = arith.index_cast %get3A_285 : i32 to index
          %get3A_287 = arith.index_cast %add3A_284 : i32 to index
          %get3A_288 = tpu.vector_load %arg7[%get3A_286, %get3A_287] {strides = array<i32>} : memref<16x2048xf32, #tpu.memory_space<vmem>>, vector<1x16xf32>,
          %get3A_289 = vector.shape_cast %get3A_288 : vector<1x16xf32> to vector<16xf32>
          %swap3A = arith.index_cast %squeeze3A_176 : i32 to index
          %swap3A_290 = arith.index_cast %add3A_284 : i32 to index
          %swap3A_291 = tpu.vector_load %arg8[%swap3A, %swap3A_290] {strides = array<i32>} : memref<16x2048xf32, #tpu.memory_space<vmem>>, vector<1x16xf32>,
          %swap3A_292 = vector.shape_cast %swap3A_291 : vector<1x16xf32> to vector<16xf32>
          %swap3A_293 = vector.shape_cast %get3A_289 : vector<16xf32> to vector<1x16xf32>
          tpu.vector_store %arg8[%swap3A, %swap3A_290], %swap3A_293 {add = true, strides = array<i32>} : memref<16x2048xf32, #tpu.memory_space<vmem>>, vector<1x16xf32>,
        }
        %scan3A_181 = arith.constant 128 : i32
        %slice3A_182 = vector.extract_strided_slice %get3A_122 {offsets = [2], sizes = [1], strides = [1]} : vector<16xi32> to vector<1xi32>
        %squeeze3A_183 = vector.extract %slice3A_182[0] : i32 from vector<1xi32>
        %scan3A_184 = arith.constant 0 : i32
        %scan3A_185 = arith.constant 128 : i32
        %scan3A_186 = arith.addi %scan3A_184, %scan3A_185 : i32
        %scan3A_187 = arith.constant 1 : i32
        scf.for %scan3A_280 = %scan3A_184 to %scan3A_186 step %scan3A_187  : i32 {
          %mul3A_281 = arith.constant 16 : i32
          %mul3A_282 = arith.muli %scan3A_280, %mul3A_281 : i32
          %add3A_283 = arith.constant 0 : i32
          %add3A_284 = arith.addi %add3A_283, %mul3A_282 : i32
          %get3A_285 = arith.constant 2 : i32
          %get3A_286 = arith.index_cast %get3A_285 : i32 to index
          %get3A_287 = arith.index_cast %add3A_284 : i32 to index
          %get3A_288 = tpu.vector_load %arg7[%get3A_286, %get3A_287] {strides = array<i32>} : memref<16x2048xf32, #tpu.memory_space<vmem>>, vector<1x16xf32>,
          %get3A_289 = vector.shape_cast %get3A_288 : vector<1x16xf32> to vector<16xf32>
          %swap3A = arith.index_cast %squeeze3A_183 : i32 to index
          %swap3A_290 = arith.index_cast %add3A_284 : i32 to index
          %swap3A_291 = tpu.vector_load %arg8[%swap3A, %swap3A_290] {strides = array<i32>} : memref<16x2048xf32, #tpu.memory_space<vmem>>, vector<1x16xf32>,
          %swap3A_292 = vector.shape_cast %swap3A_291 : vector<1x16xf32> to vector<16xf32>
          %swap3A_293 = vector.shape_cast %get3A_289 : vector<16xf32> to vector<1x16xf32>
          tpu.vector_store %arg8[%swap3A, %swap3A_290], %swap3A_293 {add = true, strides = array<i32>} : memref<16x2048xf32, #tpu.memory_space<vmem>>, vector<1x16xf32>,
        }
        %scan3A_188 = arith.constant 128 : i32
        %slice3A_189 = vector.extract_strided_slice %get3A_122 {offsets = [3], sizes = [1], strides = [1]} : vector<16xi32> to vector<1xi32>
        %squeeze3A_190 = vector.extract %slice3A_189[0] : i32 from vector<1xi32>
        %scan3A_191 = arith.constant 0 : i32
        %scan3A_192 = arith.constant 128 : i32
        %scan3A_193 = arith.addi %scan3A_191, %scan3A_192 : i32
        %scan3A_194 = arith.constant 1 : i32
        scf.for %scan3A_280 = %scan3A_191 to %scan3A_193 step %scan3A_194  : i32 {
          %mul3A_281 = arith.constant 16 : i32
          %mul3A_282 = arith.muli %scan3A_280, %mul3A_281 : i32
          %add3A_283 = arith.constant 0 : i32
          %add3A_284 = arith.addi %add3A_283, %mul3A_282 : i32
          %get3A_285 = arith.constant 3 : i32
          %get3A_286 = arith.index_cast %get3A_285 : i32 to index
          %get3A_287 = arith.index_cast %add3A_284 : i32 to index
          %get3A_288 = tpu.vector_load %arg7[%get3A_286, %get3A_287] {strides = array<i32>} : memref<16x2048xf32, #tpu.memory_space<vmem>>, vector<1x16xf32>,
          %get3A_289 = vector.shape_cast %get3A_288 : vector<1x16xf32> to vector<16xf32>
          %swap3A = arith.index_cast %squeeze3A_190 : i32 to index
          %swap3A_290 = arith.index_cast %add3A_284 : i32 to index
          %swap3A_291 = tpu.vector_load %arg8[%swap3A, %swap3A_290] {strides = array<i32>} : memref<16x2048xf32, #tpu.memory_space<vmem>>, vector<1x16xf32>,
          %swap3A_292 = vector.shape_cast %swap3A_291 : vector<1x16xf32> to vector<16xf32>
          %swap3A_293 = vector.shape_cast %get3A_289 : vector<16xf32> to vector<1x16xf32>
          tpu.vector_store %arg8[%swap3A, %swap3A_290], %swap3A_293 {add = true, strides = array<i32>} : memref<16x2048xf32, #tpu.memory_space<vmem>>, vector<1x16xf32>,
        }
        %scan3A_195 = arith.constant 128 : i32
        %slice3A_196 = vector.extract_strided_slice %get3A_122 {offsets = [4], sizes = [1], strides = [1]} : vector<16xi32> to vector<1xi32>
        %squeeze3A_197 = vector.extract %slice3A_196[0] : i32 from vector<1xi32>
        %scan3A_198 = arith.constant 0 : i32
        %scan3A_199 = arith.constant 128 : i32
        %scan3A_200 = arith.addi %scan3A_198, %scan3A_199 : i32
        %scan3A_201 = arith.constant 1 : i32
        scf.for %scan3A_280 = %scan3A_198 to %scan3A_200 step %scan3A_201  : i32 {
          %mul3A_281 = arith.constant 16 : i32
          %mul3A_282 = arith.muli %scan3A_280, %mul3A_281 : i32
          %add3A_283 = arith.constant 0 : i32
          %add3A_284 = arith.addi %add3A_283, %mul3A_282 : i32
          %get3A_285 = arith.constant 4 : i32
          %get3A_286 = arith.index_cast %get3A_285 : i32 to index
          %get3A_287 = arith.index_cast %add3A_284 : i32 to index
          %get3A_288 = tpu.vector_load %arg7[%get3A_286, %get3A_287] {strides = array<i32>} : memref<16x2048xf32, #tpu.memory_space<vmem>>, vector<1x16xf32>,
          %get3A_289 = vector.shape_cast %get3A_288 : vector<1x16xf32> to vector<16xf32>
          %swap3A = arith.index_cast %squeeze3A_197 : i32 to index
          %swap3A_290 = arith.index_cast %add3A_284 : i32 to index
          %swap3A_291 = tpu.vector_load %arg8[%swap3A, %swap3A_290] {strides = array<i32>} : memref<16x2048xf32, #tpu.memory_space<vmem>>, vector<1x16xf32>,
          %swap3A_292 = vector.shape_cast %swap3A_291 : vector<1x16xf32> to vector<16xf32>
          %swap3A_293 = vector.shape_cast %get3A_289 : vector<16xf32> to vector<1x16xf32>
          tpu.vector_store %arg8[%swap3A, %swap3A_290], %swap3A_293 {add = true, strides = array<i32>} : memref<16x2048xf32, #tpu.memory_space<vmem>>, vector<1x16xf32>,
        }
        %scan3A_202 = arith.constant 128 : i32
        %slice3A_203 = vector.extract_strided_slice %get3A_122 {offsets = [5], sizes = [1], strides = [1]} : vector<16xi32> to vector<1xi32>
        %squeeze3A_204 = vector.extract %slice3A_203[0] : i32 from vector<1xi32>
        %scan3A_205 = arith.constant 0 : i32
        %scan3A_206 = arith.constant 128 : i32
        %scan3A_207 = arith.addi %scan3A_205, %scan3A_206 : i32
        %scan3A_208 = arith.constant 1 : i32
        scf.for %scan3A_280 = %scan3A_205 to %scan3A_207 step %scan3A_208  : i32 {
          %mul3A_281 = arith.constant 16 : i32
          %mul3A_282 = arith.muli %scan3A_280, %mul3A_281 : i32
          %add3A_283 = arith.constant 0 : i32
          %add3A_284 = arith.addi %add3A_283, %mul3A_282 : i32
          %get3A_285 = arith.constant 5 : i32
          %get3A_286 = arith.index_cast %get3A_285 : i32 to index
          %get3A_287 = arith.index_cast %add3A_284 : i32 to index
          %get3A_288 = tpu.vector_load %arg7[%get3A_286, %get3A_287] {strides = array<i32>} : memref<16x2048xf32, #tpu.memory_space<vmem>>, vector<1x16xf32>,
          %get3A_289 = vector.shape_cast %get3A_288 : vector<1x16xf32> to vector<16xf32>
          %swap3A = arith.index_cast %squeeze3A_204 : i32 to index
          %swap3A_290 = arith.index_cast %add3A_284 : i32 to index
          %swap3A_291 = tpu.vector_load %arg8[%swap3A, %swap3A_290] {strides = array<i32>} : memref<16x2048xf32, #tpu.memory_space<vmem>>, vector<1x16xf32>,
          %swap3A_292 = vector.shape_cast %swap3A_291 : vector<1x16xf32> to vector<16xf32>
          %swap3A_293 = vector.shape_cast %get3A_289 : vector<16xf32> to vector<1x16xf32>
          tpu.vector_store %arg8[%swap3A, %swap3A_290], %swap3A_293 {add = true, strides = array<i32>} : memref<16x2048xf32, #tpu.memory_space<vmem>>, vector<1x16xf32>,
        }
        %scan3A_209 = arith.constant 128 : i32
        %slice3A_210 = vector.extract_strided_slice %get3A_122 {offsets = [6], sizes = [1], strides = [1]} : vector<16xi32> to vector<1xi32>
        %squeeze3A_211 = vector.extract %slice3A_210[0] : i32 from vector<1xi32>
        %scan3A_212 = arith.constant 0 : i32
        %scan3A_213 = arith.constant 128 : i32
        %scan3A_214 = arith.addi %scan3A_212, %scan3A_213 : i32
        %scan3A_215 = arith.constant 1 : i32
        scf.for %scan3A_280 = %scan3A_212 to %scan3A_214 step %scan3A_215  : i32 {
          %mul3A_281 = arith.constant 16 : i32
          %mul3A_282 = arith.muli %scan3A_280, %mul3A_281 : i32
          %add3A_283 = arith.constant 0 : i32
          %add3A_284 = arith.addi %add3A_283, %mul3A_282 : i32
          %get3A_285 = arith.constant 6 : i32
          %get3A_286 = arith.index_cast %get3A_285 : i32 to index
          %get3A_287 = arith.index_cast %add3A_284 : i32 to index
          %get3A_288 = tpu.vector_load %arg7[%get3A_286, %get3A_287] {strides = array<i32>} : memref<16x2048xf32, #tpu.memory_space<vmem>>, vector<1x16xf32>,
          %get3A_289 = vector.shape_cast %get3A_288 : vector<1x16xf32> to vector<16xf32>
          %swap3A = arith.index_cast %squeeze3A_211 : i32 to index
          %swap3A_290 = arith.index_cast %add3A_284 : i32 to index
          %swap3A_291 = tpu.vector_load %arg8[%swap3A, %swap3A_290] {strides = array<i32>} : memref<16x2048xf32, #tpu.memory_space<vmem>>, vector<1x16xf32>,
          %swap3A_292 = vector.shape_cast %swap3A_291 : vector<1x16xf32> to vector<16xf32>
          %swap3A_293 = vector.shape_cast %get3A_289 : vector<16xf32> to vector<1x16xf32>
          tpu.vector_store %arg8[%swap3A, %swap3A_290], %swap3A_293 {add = true, strides = array<i32>} : memref<16x2048xf32, #tpu.memory_space<vmem>>, vector<1x16xf32>,
        }
        %scan3A_216 = arith.constant 128 : i32
        %slice3A_217 = vector.extract_strided_slice %get3A_122 {offsets = [7], sizes = [1], strides = [1]} : vector<16xi32> to vector<1xi32>
        %squeeze3A_218 = vector.extract %slice3A_217[0] : i32 from vector<1xi32>
        %scan3A_219 = arith.constant 0 : i32
        %scan3A_220 = arith.constant 128 : i32
        %scan3A_221 = arith.addi %scan3A_219, %scan3A_220 : i32
        %scan3A_222 = arith.constant 1 : i32
        scf.for %scan3A_280 = %scan3A_219 to %scan3A_221 step %scan3A_222  : i32 {
          %mul3A_281 = arith.constant 16 : i32
          %mul3A_282 = arith.muli %scan3A_280, %mul3A_281 : i32
          %add3A_283 = arith.constant 0 : i32
          %add3A_284 = arith.addi %add3A_283, %mul3A_282 : i32
          %get3A_285 = arith.constant 7 : i32
          %get3A_286 = arith.index_cast %get3A_285 : i32 to index
          %get3A_287 = arith.index_cast %add3A_284 : i32 to index
          %get3A_288 = tpu.vector_load %arg7[%get3A_286, %get3A_287] {strides = array<i32>} : memref<16x2048xf32, #tpu.memory_space<vmem>>, vector<1x16xf32>,
          %get3A_289 = vector.shape_cast %get3A_288 : vector<1x16xf32> to vector<16xf32>
          %swap3A = arith.index_cast %squeeze3A_218 : i32 to index
          %swap3A_290 = arith.index_cast %add3A_284 : i32 to index
          %swap3A_291 = tpu.vector_load %arg8[%swap3A, %swap3A_290] {strides = array<i32>} : memref<16x2048xf32, #tpu.memory_space<vmem>>, vector<1x16xf32>,
          %swap3A_292 = vector.shape_cast %swap3A_291 : vector<1x16xf32> to vector<16xf32>
          %swap3A_293 = vector.shape_cast %get3A_289 : vector<16xf32> to vector<1x16xf32>
          tpu.vector_store %arg8[%swap3A, %swap3A_290], %swap3A_293 {add = true, strides = array<i32>} : memref<16x2048xf32, #tpu.memory_space<vmem>>, vector<1x16xf32>,
        }
        %scan3A_223 = arith.constant 128 : i32
        %slice3A_224 = vector.extract_strided_slice %get3A_122 {offsets = [8], sizes = [1], strides = [1]} : vector<16xi32> to vector<1xi32>
        %squeeze3A_225 = vector.extract %slice3A_224[0] : i32 from vector<1xi32>
        %scan3A_226 = arith.constant 0 : i32
        %scan3A_227 = arith.constant 128 : i32
        %scan3A_228 = arith.addi %scan3A_226, %scan3A_227 : i32
        %scan3A_229 = arith.constant 1 : i32
        scf.for %scan3A_280 = %scan3A_226 to %scan3A_228 step %scan3A_229  : i32 {
          %mul3A_281 = arith.constant 16 : i32
          %mul3A_282 = arith.muli %scan3A_280, %mul3A_281 : i32
          %add3A_283 = arith.constant 0 : i32
          %add3A_284 = arith.addi %add3A_283, %mul3A_282 : i32
          %get3A_285 = arith.constant 8 : i32
          %get3A_286 = arith.index_cast %get3A_285 : i32 to index
          %get3A_287 = arith.index_cast %add3A_284 : i32 to index
          %get3A_288 = tpu.vector_load %arg7[%get3A_286, %get3A_287] {strides = array<i32>} : memref<16x2048xf32, #tpu.memory_space<vmem>>, vector<1x16xf32>,
          %get3A_289 = vector.shape_cast %get3A_288 : vector<1x16xf32> to vector<16xf32>
          %swap3A = arith.index_cast %squeeze3A_225 : i32 to index
          %swap3A_290 = arith.index_cast %add3A_284 : i32 to index
          %swap3A_291 = tpu.vector_load %arg8[%swap3A, %swap3A_290] {strides = array<i32>} : memref<16x2048xf32, #tpu.memory_space<vmem>>, vector<1x16xf32>,
          %swap3A_292 = vector.shape_cast %swap3A_291 : vector<1x16xf32> to vector<16xf32>
          %swap3A_293 = vector.shape_cast %get3A_289 : vector<16xf32> to vector<1x16xf32>
          tpu.vector_store %arg8[%swap3A, %swap3A_290], %swap3A_293 {add = true, strides = array<i32>} : memref<16x2048xf32, #tpu.memory_space<vmem>>, vector<1x16xf32>,
        }
        %scan3A_230 = arith.constant 128 : i32
        %slice3A_231 = vector.extract_strided_slice %get3A_122 {offsets = [9], sizes = [1], strides = [1]} : vector<16xi32> to vector<1xi32>
        %squeeze3A_232 = vector.extract %slice3A_231[0] : i32 from vector<1xi32>
        %scan3A_233 = arith.constant 0 : i32
        %scan3A_234 = arith.constant 128 : i32
        %scan3A_235 = arith.addi %scan3A_233, %scan3A_234 : i32
        %scan3A_236 = arith.constant 1 : i32
        scf.for %scan3A_280 = %scan3A_233 to %scan3A_235 step %scan3A_236  : i32 {
          %mul3A_281 = arith.constant 16 : i32
          %mul3A_282 = arith.muli %scan3A_280, %mul3A_281 : i32
          %add3A_283 = arith.constant 0 : i32
          %add3A_284 = arith.addi %add3A_283, %mul3A_282 : i32
          %get3A_285 = arith.constant 9 : i32
          %get3A_286 = arith.index_cast %get3A_285 : i32 to index
          %get3A_287 = arith.index_cast %add3A_284 : i32 to index
          %get3A_288 = tpu.vector_load %arg7[%get3A_286, %get3A_287] {strides = array<i32>} : memref<16x2048xf32, #tpu.memory_space<vmem>>, vector<1x16xf32>,
          %get3A_289 = vector.shape_cast %get3A_288 : vector<1x16xf32> to vector<16xf32>
          %swap3A = arith.index_cast %squeeze3A_232 : i32 to index
          %swap3A_290 = arith.index_cast %add3A_284 : i32 to index
          %swap3A_291 = tpu.vector_load %arg8[%swap3A, %swap3A_290] {strides = array<i32>} : memref<16x2048xf32, #tpu.memory_space<vmem>>, vector<1x16xf32>,
          %swap3A_292 = vector.shape_cast %swap3A_291 : vector<1x16xf32> to vector<16xf32>
          %swap3A_293 = vector.shape_cast %get3A_289 : vector<16xf32> to vector<1x16xf32>
          tpu.vector_store %arg8[%swap3A, %swap3A_290], %swap3A_293 {add = true, strides = array<i32>} : memref<16x2048xf32, #tpu.memory_space<vmem>>, vector<1x16xf32>,
        }
        %scan3A_237 = arith.constant 128 : i32
        %slice3A_238 = vector.extract_strided_slice %get3A_122 {offsets = [10], sizes = [1], strides = [1]} : vector<16xi32> to vector<1xi32>
        %squeeze3A_239 = vector.extract %slice3A_238[0] : i32 from vector<1xi32>
        %scan3A_240 = arith.constant 0 : i32
        %scan3A_241 = arith.constant 128 : i32
        %scan3A_242 = arith.addi %scan3A_240, %scan3A_241 : i32
        %scan3A_243 = arith.constant 1 : i32
        scf.for %scan3A_280 = %scan3A_240 to %scan3A_242 step %scan3A_243  : i32 {
          %mul3A_281 = arith.constant 16 : i32
          %mul3A_282 = arith.muli %scan3A_280, %mul3A_281 : i32
          %add3A_283 = arith.constant 0 : i32
          %add3A_284 = arith.addi %add3A_283, %mul3A_282 : i32
          %get3A_285 = arith.constant 10 : i32
          %get3A_286 = arith.index_cast %get3A_285 : i32 to index
          %get3A_287 = arith.index_cast %add3A_284 : i32 to index
          %get3A_288 = tpu.vector_load %arg7[%get3A_286, %get3A_287] {strides = array<i32>} : memref<16x2048xf32, #tpu.memory_space<vmem>>, vector<1x16xf32>,
          %get3A_289 = vector.shape_cast %get3A_288 : vector<1x16xf32> to vector<16xf32>
          %swap3A = arith.index_cast %squeeze3A_239 : i32 to index
          %swap3A_290 = arith.index_cast %add3A_284 : i32 to index
          %swap3A_291 = tpu.vector_load %arg8[%swap3A, %swap3A_290] {strides = array<i32>} : memref<16x2048xf32, #tpu.memory_space<vmem>>, vector<1x16xf32>,
          %swap3A_292 = vector.shape_cast %swap3A_291 : vector<1x16xf32> to vector<16xf32>
          %swap3A_293 = vector.shape_cast %get3A_289 : vector<16xf32> to vector<1x16xf32>
          tpu.vector_store %arg8[%swap3A, %swap3A_290], %swap3A_293 {add = true, strides = array<i32>} : memref<16x2048xf32, #tpu.memory_space<vmem>>, vector<1x16xf32>,
        }
        %scan3A_244 = arith.constant 128 : i32
        %slice3A_245 = vector.extract_strided_slice %get3A_122 {offsets = [11], sizes = [1], strides = [1]} : vector<16xi32> to vector<1xi32>
        %squeeze3A_246 = vector.extract %slice3A_245[0] : i32 from vector<1xi32>
        %scan3A_247 = arith.constant 0 : i32
        %scan3A_248 = arith.constant 128 : i32
        %scan3A_249 = arith.addi %scan3A_247, %scan3A_248 : i32
        %scan3A_250 = arith.constant 1 : i32
        scf.for %scan3A_280 = %scan3A_247 to %scan3A_249 step %scan3A_250  : i32 {
          %mul3A_281 = arith.constant 16 : i32
          %mul3A_282 = arith.muli %scan3A_280, %mul3A_281 : i32
          %add3A_283 = arith.constant 0 : i32
          %add3A_284 = arith.addi %add3A_283, %mul3A_282 : i32
          %get3A_285 = arith.constant 11 : i32
          %get3A_286 = arith.index_cast %get3A_285 : i32 to index
          %get3A_287 = arith.index_cast %add3A_284 : i32 to index
          %get3A_288 = tpu.vector_load %arg7[%get3A_286, %get3A_287] {strides = array<i32>} : memref<16x2048xf32, #tpu.memory_space<vmem>>, vector<1x16xf32>,
          %get3A_289 = vector.shape_cast %get3A_288 : vector<1x16xf32> to vector<16xf32>
          %swap3A = arith.index_cast %squeeze3A_246 : i32 to index
          %swap3A_290 = arith.index_cast %add3A_284 : i32 to index
          %swap3A_291 = tpu.vector_load %arg8[%swap3A, %swap3A_290] {strides = array<i32>} : memref<16x2048xf32, #tpu.memory_space<vmem>>, vector<1x16xf32>,
          %swap3A_292 = vector.shape_cast %swap3A_291 : vector<1x16xf32> to vector<16xf32>
          %swap3A_293 = vector.shape_cast %get3A_289 : vector<16xf32> to vector<1x16xf32>
          tpu.vector_store %arg8[%swap3A, %swap3A_290], %swap3A_293 {add = true, strides = array<i32>} : memref<16x2048xf32, #tpu.memory_space<vmem>>, vector<1x16xf32>,
        }
        %scan3A_251 = arith.constant 128 : i32
        %slice3A_252 = vector.extract_strided_slice %get3A_122 {offsets = [12], sizes = [1], strides = [1]} : vector<16xi32> to vector<1xi32>
        %squeeze3A_253 = vector.extract %slice3A_252[0] : i32 from vector<1xi32>
        %scan3A_254 = arith.constant 0 : i32
        %scan3A_255 = arith.constant 128 : i32
        %scan3A_256 = arith.addi %scan3A_254, %scan3A_255 : i32
        %scan3A_257 = arith.constant 1 : i32
        scf.for %scan3A_280 = %scan3A_254 to %scan3A_256 step %scan3A_257  : i32 {
          %mul3A_281 = arith.constant 16 : i32
          %mul3A_282 = arith.muli %scan3A_280, %mul3A_281 : i32
          %add3A_283 = arith.constant 0 : i32
          %add3A_284 = arith.addi %add3A_283, %mul3A_282 : i32
          %get3A_285 = arith.constant 12 : i32
          %get3A_286 = arith.index_cast %get3A_285 : i32 to index
          %get3A_287 = arith.index_cast %add3A_284 : i32 to index
          %get3A_288 = tpu.vector_load %arg7[%get3A_286, %get3A_287] {strides = array<i32>} : memref<16x2048xf32, #tpu.memory_space<vmem>>, vector<1x16xf32>,
          %get3A_289 = vector.shape_cast %get3A_288 : vector<1x16xf32> to vector<16xf32>
          %swap3A = arith.index_cast %squeeze3A_253 : i32 to index
          %swap3A_290 = arith.index_cast %add3A_284 : i32 to index
          %swap3A_291 = tpu.vector_load %arg8[%swap3A, %swap3A_290] {strides = array<i32>} : memref<16x2048xf32, #tpu.memory_space<vmem>>, vector<1x16xf32>,
          %swap3A_292 = vector.shape_cast %swap3A_291 : vector<1x16xf32> to vector<16xf32>
          %swap3A_293 = vector.shape_cast %get3A_289 : vector<16xf32> to vector<1x16xf32>
          tpu.vector_store %arg8[%swap3A, %swap3A_290], %swap3A_293 {add = true, strides = array<i32>} : memref<16x2048xf32, #tpu.memory_space<vmem>>, vector<1x16xf32>,
        }
        %scan3A_258 = arith.constant 128 : i32
        %slice3A_259 = vector.extract_strided_slice %get3A_122 {offsets = [13], sizes = [1], strides = [1]} : vector<16xi32> to vector<1xi32>
        %squeeze3A_260 = vector.extract %slice3A_259[0] : i32 from vector<1xi32>
        %scan3A_261 = arith.constant 0 : i32
        %scan3A_262 = arith.constant 128 : i32
        %scan3A_263 = arith.addi %scan3A_261, %scan3A_262 : i32
        %scan3A_264 = arith.constant 1 : i32
        scf.for %scan3A_280 = %scan3A_261 to %scan3A_263 step %scan3A_264  : i32 {
          %mul3A_281 = arith.constant 16 : i32
          %mul3A_282 = arith.muli %scan3A_280, %mul3A_281 : i32
          %add3A_283 = arith.constant 0 : i32
          %add3A_284 = arith.addi %add3A_283, %mul3A_282 : i32
          %get3A_285 = arith.constant 13 : i32
          %get3A_286 = arith.index_cast %get3A_285 : i32 to index
          %get3A_287 = arith.index_cast %add3A_284 : i32 to index
          %get3A_288 = tpu.vector_load %arg7[%get3A_286, %get3A_287] {strides = array<i32>} : memref<16x2048xf32, #tpu.memory_space<vmem>>, vector<1x16xf32>,
          %get3A_289 = vector.shape_cast %get3A_288 : vector<1x16xf32> to vector<16xf32>
          %swap3A = arith.index_cast %squeeze3A_260 : i32 to index
          %swap3A_290 = arith.index_cast %add3A_284 : i32 to index
          %swap3A_291 = tpu.vector_load %arg8[%swap3A, %swap3A_290] {strides = array<i32>} : memref<16x2048xf32, #tpu.memory_space<vmem>>, vector<1x16xf32>,
          %swap3A_292 = vector.shape_cast %swap3A_291 : vector<1x16xf32> to vector<16xf32>
          %swap3A_293 = vector.shape_cast %get3A_289 : vector<16xf32> to vector<1x16xf32>
          tpu.vector_store %arg8[%swap3A, %swap3A_290], %swap3A_293 {add = true, strides = array<i32>} : memref<16x2048xf32, #tpu.memory_space<vmem>>, vector<1x16xf32>,
        }
        %scan3A_265 = arith.constant 128 : i32
        %slice3A_266 = vector.extract_strided_slice %get3A_122 {offsets = [14], sizes = [1], strides = [1]} : vector<16xi32> to vector<1xi32>
        %squeeze3A_267 = vector.extract %slice3A_266[0] : i32 from vector<1xi32>
        %scan3A_268 = arith.constant 0 : i32
        %scan3A_269 = arith.constant 128 : i32
        %scan3A_270 = arith.addi %scan3A_268, %scan3A_269 : i32
        %scan3A_271 = arith.constant 1 : i32
        scf.for %scan3A_280 = %scan3A_268 to %scan3A_270 step %scan3A_271  : i32 {
          %mul3A_281 = arith.constant 16 : i32
          %mul3A_282 = arith.muli %scan3A_280, %mul3A_281 : i32
          %add3A_283 = arith.constant 0 : i32
          %add3A_284 = arith.addi %add3A_283, %mul3A_282 : i32
          %get3A_285 = arith.constant 14 : i32
          %get3A_286 = arith.index_cast %get3A_285 : i32 to index
          %get3A_287 = arith.index_cast %add3A_284 : i32 to index
          %get3A_288 = tpu.vector_load %arg7[%get3A_286, %get3A_287] {strides = array<i32>} : memref<16x2048xf32, #tpu.memory_space<vmem>>, vector<1x16xf32>,
          %get3A_289 = vector.shape_cast %get3A_288 : vector<1x16xf32> to vector<16xf32>
          %swap3A = arith.index_cast %squeeze3A_267 : i32 to index
          %swap3A_290 = arith.index_cast %add3A_284 : i32 to index
          %swap3A_291 = tpu.vector_load %arg8[%swap3A, %swap3A_290] {strides = array<i32>} : memref<16x2048xf32, #tpu.memory_space<vmem>>, vector<1x16xf32>,
          %swap3A_292 = vector.shape_cast %swap3A_291 : vector<1x16xf32> to vector<16xf32>
          %swap3A_293 = vector.shape_cast %get3A_289 : vector<16xf32> to vector<1x16xf32>
          tpu.vector_store %arg8[%swap3A, %swap3A_290], %swap3A_293 {add = true, strides = array<i32>} : memref<16x2048xf32, #tpu.memory_space<vmem>>, vector<1x16xf32>,
        }
        %scan3A_272 = arith.constant 128 : i32
        %slice3A_273 = vector.extract_strided_slice %get3A_122 {offsets = [15], sizes = [1], strides = [1]} : vector<16xi32> to vector<1xi32>
        %squeeze3A_274 = vector.extract %slice3A_273[0] : i32 from vector<1xi32>
        %scan3A_275 = arith.constant 0 : i32
        %scan3A_276 = arith.constant 128 : i32
        %scan3A_277 = arith.addi %scan3A_275, %scan3A_276 : i32
        %scan3A_278 = arith.constant 1 : i32
        scf.for %scan3A_280 = %scan3A_275 to %scan3A_277 step %scan3A_278  : i32 {
          %mul3A_281 = arith.constant 16 : i32
          %mul3A_282 = arith.muli %scan3A_280, %mul3A_281 : i32
          %add3A_283 = arith.constant 0 : i32
          %add3A_284 = arith.addi %add3A_283, %mul3A_282 : i32
          %get3A_285 = arith.constant 15 : i32
          %get3A_286 = arith.index_cast %get3A_285 : i32 to index
          %get3A_287 = arith.index_cast %add3A_284 : i32 to index
          %get3A_288 = tpu.vector_load %arg7[%get3A_286, %get3A_287] {strides = array<i32>} : memref<16x2048xf32, #tpu.memory_space<vmem>>, vector<1x16xf32>,
          %get3A_289 = vector.shape_cast %get3A_288 : vector<1x16xf32> to vector<16xf32>
          %swap3A = arith.index_cast %squeeze3A_274 : i32 to index
          %swap3A_290 = arith.index_cast %add3A_284 : i32 to index
          %swap3A_291 = tpu.vector_load %arg8[%swap3A, %swap3A_290] {strides = array<i32>} : memref<16x2048xf32, #tpu.memory_space<vmem>>, vector<1x16xf32>,
          %swap3A_292 = vector.shape_cast %swap3A_291 : vector<1x16xf32> to vector<16xf32>
          %swap3A_293 = vector.shape_cast %get3A_289 : vector<16xf32> to vector<1x16xf32>
          tpu.vector_store %arg8[%swap3A, %swap3A_290], %swap3A_293 {add = true, strides = array<i32>} : memref<16x2048xf32, #tpu.memory_space<vmem>>, vector<1x16xf32>,
        }
        %scan3A_279 = arith.constant 128 : i32
      } else {
      }
      %add3A_136 = arith.constant 2 : i32
      %add3A_137 = arith.addi %add3A_102, %add3A_136 : i32
      %mul3A_138 = arith.constant 16 : i32
      %mul3A_139 = arith.muli %add3A_137, %mul3A_138 : i32
      %add3A_140 = arith.addi %add3A_30, %mul3A_139 : i32
      %dma_start3A_141 = arith.constant 0 : i32
      %dma_start3A_142 = tpu.memref_slice %arg2[%add3A_140, %dma_start3A_141] : memref<32768x2048xf32, #tpu.memory_space<hbm>> -> memref<16x2048xf32, #tpu.memory_space<hbm>>
      %dma_start3A_143 = arith.constant 0 : i32
      %dma_start3A_144 = tpu.memref_slice %arg2[%add3A_140, %dma_start3A_143] : memref<32768x2048xf32, #tpu.memory_space<hbm>> -> memref<16x2048xf32, #tpu.memory_space<hbm>>
      tpu.enqueue_dma source(%dma_start3A_144 : memref<16x2048xf32, #tpu.memory_space<hbm>>) target(%arg7 : memref<16x2048xf32, #tpu.memory_space<vmem>>) target_semaphore(%arg10 : memref<!tpu.dma_semaphore, #tpu.memory_space<semaphore_mem>>)
      %dma_wait3A_145 = arith.constant 0 : i32
      %dma_wait3A_146 = tpu.memref_slice %arg2[%add3A_107, %dma_wait3A_145] : memref<32768x2048xf32, #tpu.memory_space<hbm>> -> memref<16x2048xf32, #tpu.memory_space<hbm>>
      %dma_wait3A_147 = arith.constant 0 : i32
      %dma_wait3A_148 = tpu.memref_slice %arg2[%add3A_107, %dma_wait3A_147] : memref<32768x2048xf32, #tpu.memory_space<hbm>> -> memref<16x2048xf32, #tpu.memory_space<hbm>>
      tpu.wait_dma2 semaphore(%arg9 : memref<!tpu.dma_semaphore, #tpu.memory_space<semaphore_mem>>) src(%dma_wait3A_148 : memref<16x2048xf32, #tpu.memory_space<hbm>>) dst(%arg6 : memref<16x2048xf32, #tpu.memory_space<vmem>>)
      %add3A_149 = arith.constant 1 : i32
      %add3A_150 = arith.addi %add3A_102, %add3A_149 : i32
      %get3A_151 = arith.index_cast %add3A_150 : i32 to index
      %get3A_152 = arith.constant 0 : index
      %get3A_153 = tpu.vector_load %arg5[%get3A_151, %get3A_152] {strides = array<i32>} : memref<8x16xi32, #tpu.memory_space<vmem>>, vector<1x16xi32>,
      %get3A_154 = vector.shape_cast %get3A_153 : vector<1x16xi32> to vector<16xi32>
      %slice3A_155 = vector.extract_strided_slice %get3A_154 {offsets = [0], sizes = [1], strides = [1]} : vector<16xi32> to vector<1xi32>
      %squeeze3A_156 = vector.extract %slice3A_155[0] : i32 from vector<1xi32>
      %slice3A_157 = vector.extract_strided_slice %get3A_154 {offsets = [15], sizes = [1], strides = [1]} : vector<16xi32> to vector<1xi32>
      %squeeze3A_158 = vector.extract %slice3A_157[0] : i32 from vector<1xi32>
      %eq3A_159 = arith.cmpi eq, %squeeze3A_156, %squeeze3A_158 : i32
      %convert_element_type3A_160 = arith.extui %eq3A_159 : i1 to i32
      %cond3A_161 = arith.constant 0 : i32
      %cond3A_162 = arith.cmpi ne, %convert_element_type3A_160, %cond3A_161 : i32
      scf.if %cond3A_162 {
        %scan3A_168 = arith.constant 0 : i32
        %scan3A_169 = arith.constant 64 : i32
        %scan3A_170 = arith.addi %scan3A_168, %scan3A_169 : i32
        %scan3A_171 = arith.constant 1 : i32
        scf.for %scan3A_173 = %scan3A_168 to %scan3A_170 step %scan3A_171  : i32 {
          %mul3A_174 = arith.constant 32 : i32
          %mul3A_175 = arith.muli %scan3A_173, %mul3A_174 : i32
          %add3A_176 = arith.constant 0 : i32
          %add3A_177 = arith.addi %add3A_176, %mul3A_175 : i32
          %add3A_178 = arith.constant 16 : i32
          %add3A_179 = arith.addi %add3A_177, %add3A_178 : i32
          %get3A_180 = arith.constant 0 : i32
          %get3A_181 = arith.index_cast %get3A_180 : i32 to index
          %get3A_182 = arith.index_cast %add3A_177 : i32 to index
          %get3A_183 = tpu.vector_load %arg6[%get3A_181, %get3A_182] {strides = array<i32>} : memref<16x2048xf32, #tpu.memory_space<vmem>>, vector<1x16xf32>,
          %get3A_184 = vector.shape_cast %get3A_183 : vector<1x16xf32> to vector<16xf32>
          %get3A_185 = arith.constant 1 : i32
          %get3A_186 = arith.index_cast %get3A_185 : i32 to index
          %get3A_187 = arith.index_cast %add3A_177 : i32 to index
          %get3A_188 = tpu.vector_load %arg6[%get3A_186, %get3A_187] {strides = array<i32>} : memref<16x2048xf32, #tpu.memory_space<vmem>>, vector<1x16xf32>,
          %get3A_189 = vector.shape_cast %get3A_188 : vector<1x16xf32> to vector<16xf32>
          %get3A_190 = arith.constant 2 : i32
          %get3A_191 = arith.index_cast %get3A_190 : i32 to index
          %get3A_192 = arith.index_cast %add3A_177 : i32 to index
          %get3A_193 = tpu.vector_load %arg6[%get3A_191, %get3A_192] {strides = array<i32>} : memref<16x2048xf32, #tpu.memory_space<vmem>>, vector<1x16xf32>,
          %get3A_194 = vector.shape_cast %get3A_193 : vector<1x16xf32> to vector<16xf32>
          %get3A_195 = arith.constant 3 : i32
          %get3A_196 = arith.index_cast %get3A_195 : i32 to index
          %get3A_197 = arith.index_cast %add3A_177 : i32 to index
          %get3A_198 = tpu.vector_load %arg6[%get3A_196, %get3A_197] {strides = array<i32>} : memref<16x2048xf32, #tpu.memory_space<vmem>>, vector<1x16xf32>,
          %get3A_199 = vector.shape_cast %get3A_198 : vector<1x16xf32> to vector<16xf32>
          %get3A_200 = arith.constant 4 : i32
          %get3A_201 = arith.index_cast %get3A_200 : i32 to index
          %get3A_202 = arith.index_cast %add3A_177 : i32 to index
          %get3A_203 = tpu.vector_load %arg6[%get3A_201, %get3A_202] {strides = array<i32>} : memref<16x2048xf32, #tpu.memory_space<vmem>>, vector<1x16xf32>,
          %get3A_204 = vector.shape_cast %get3A_203 : vector<1x16xf32> to vector<16xf32>
          %get3A_205 = arith.constant 5 : i32
          %get3A_206 = arith.index_cast %get3A_205 : i32 to index
          %get3A_207 = arith.index_cast %add3A_177 : i32 to index
          %get3A_208 = tpu.vector_load %arg6[%get3A_206, %get3A_207] {strides = array<i32>} : memref<16x2048xf32, #tpu.memory_space<vmem>>, vector<1x16xf32>,
          %get3A_209 = vector.shape_cast %get3A_208 : vector<1x16xf32> to vector<16xf32>
          %get3A_210 = arith.constant 6 : i32
          %get3A_211 = arith.index_cast %get3A_210 : i32 to index
          %get3A_212 = arith.index_cast %add3A_177 : i32 to index
          %get3A_213 = tpu.vector_load %arg6[%get3A_211, %get3A_212] {strides = array<i32>} : memref<16x2048xf32, #tpu.memory_space<vmem>>, vector<1x16xf32>,
          %get3A_214 = vector.shape_cast %get3A_213 : vector<1x16xf32> to vector<16xf32>
          %get3A_215 = arith.constant 7 : i32
          %get3A_216 = arith.index_cast %get3A_215 : i32 to index
          %get3A_217 = arith.index_cast %add3A_177 : i32 to index
          %get3A_218 = tpu.vector_load %arg6[%get3A_216, %get3A_217] {strides = array<i32>} : memref<16x2048xf32, #tpu.memory_space<vmem>>, vector<1x16xf32>,
          %get3A_219 = vector.shape_cast %get3A_218 : vector<1x16xf32> to vector<16xf32>
          %get3A_220 = arith.constant 8 : i32
          %get3A_221 = arith.index_cast %get3A_220 : i32 to index
          %get3A_222 = arith.index_cast %add3A_177 : i32 to index
          %get3A_223 = tpu.vector_load %arg6[%get3A_221, %get3A_222] {strides = array<i32>} : memref<16x2048xf32, #tpu.memory_space<vmem>>, vector<1x16xf32>,
          %get3A_224 = vector.shape_cast %get3A_223 : vector<1x16xf32> to vector<16xf32>
          %get3A_225 = arith.constant 9 : i32
          %get3A_226 = arith.index_cast %get3A_225 : i32 to index
          %get3A_227 = arith.index_cast %add3A_177 : i32 to index
          %get3A_228 = tpu.vector_load %arg6[%get3A_226, %get3A_227] {strides = array<i32>} : memref<16x2048xf32, #tpu.memory_space<vmem>>, vector<1x16xf32>,
          %get3A_229 = vector.shape_cast %get3A_228 : vector<1x16xf32> to vector<16xf32>
          %get3A_230 = arith.constant 10 : i32
          %get3A_231 = arith.index_cast %get3A_230 : i32 to index
          %get3A_232 = arith.index_cast %add3A_177 : i32 to index
          %get3A_233 = tpu.vector_load %arg6[%get3A_231, %get3A_232] {strides = array<i32>} : memref<16x2048xf32, #tpu.memory_space<vmem>>, vector<1x16xf32>,
          %get3A_234 = vector.shape_cast %get3A_233 : vector<1x16xf32> to vector<16xf32>
          %get3A_235 = arith.constant 11 : i32
          %get3A_236 = arith.index_cast %get3A_235 : i32 to index
          %get3A_237 = arith.index_cast %add3A_177 : i32 to index
          %get3A_238 = tpu.vector_load %arg6[%get3A_236, %get3A_237] {strides = array<i32>} : memref<16x2048xf32, #tpu.memory_space<vmem>>, vector<1x16xf32>,
          %get3A_239 = vector.shape_cast %get3A_238 : vector<1x16xf32> to vector<16xf32>
          %get3A_240 = arith.constant 12 : i32
          %get3A_241 = arith.index_cast %get3A_240 : i32 to index
          %get3A_242 = arith.index_cast %add3A_177 : i32 to index
          %get3A_243 = tpu.vector_load %arg6[%get3A_241, %get3A_242] {strides = array<i32>} : memref<16x2048xf32, #tpu.memory_space<vmem>>, vector<1x16xf32>,
          %get3A_244 = vector.shape_cast %get3A_243 : vector<1x16xf32> to vector<16xf32>
          %get3A_245 = arith.constant 13 : i32
          %get3A_246 = arith.index_cast %get3A_245 : i32 to index
          %get3A_247 = arith.index_cast %add3A_177 : i32 to index
          %get3A_248 = tpu.vector_load %arg6[%get3A_246, %get3A_247] {strides = array<i32>} : memref<16x2048xf32, #tpu.memory_space<vmem>>, vector<1x16xf32>,
          %get3A_249 = vector.shape_cast %get3A_248 : vector<1x16xf32> to vector<16xf32>
          %get3A_250 = arith.constant 14 : i32
          %get3A_251 = arith.index_cast %get3A_250 : i32 to index
          %get3A_252 = arith.index_cast %add3A_177 : i32 to index
          %get3A_253 = tpu.vector_load %arg6[%get3A_251, %get3A_252] {strides = array<i32>} : memref<16x2048xf32, #tpu.memory_space<vmem>>, vector<1x16xf32>,
          %get3A_254 = vector.shape_cast %get3A_253 : vector<1x16xf32> to vector<16xf32>
          %get3A_255 = arith.constant 15 : i32
          %get3A_256 = arith.index_cast %get3A_255 : i32 to index
          %get3A_257 = arith.index_cast %add3A_177 : i32 to index
          %get3A_258 = tpu.vector_load %arg6[%get3A_256, %get3A_257] {strides = array<i32>} : memref<16x2048xf32, #tpu.memory_space<vmem>>, vector<1x16xf32>,
          %get3A_259 = vector.shape_cast %get3A_258 : vector<1x16xf32> to vector<16xf32>
          %get3A_260 = arith.constant 0 : i32
          %get3A_261 = arith.index_cast %get3A_260 : i32 to index
          %get3A_262 = arith.index_cast %add3A_179 : i32 to index
          %get3A_263 = tpu.vector_load %arg6[%get3A_261, %get3A_262] {strides = array<i32>} : memref<16x2048xf32, #tpu.memory_space<vmem>>, vector<1x16xf32>,
          %get3A_264 = vector.shape_cast %get3A_263 : vector<1x16xf32> to vector<16xf32>
          %get3A_265 = arith.constant 1 : i32
          %get3A_266 = arith.index_cast %get3A_265 : i32 to index
          %get3A_267 = arith.index_cast %add3A_179 : i32 to index
          %get3A_268 = tpu.vector_load %arg6[%get3A_266, %get3A_267] {strides = array<i32>} : memref<16x2048xf32, #tpu.memory_space<vmem>>, vector<1x16xf32>,
          %get3A_269 = vector.shape_cast %get3A_268 : vector<1x16xf32> to vector<16xf32>
          %get3A_270 = arith.constant 2 : i32
          %get3A_271 = arith.index_cast %get3A_270 : i32 to index
          %get3A_272 = arith.index_cast %add3A_179 : i32 to index
          %get3A_273 = tpu.vector_load %arg6[%get3A_271, %get3A_272] {strides = array<i32>} : memref<16x2048xf32, #tpu.memory_space<vmem>>, vector<1x16xf32>,
          %get3A_274 = vector.shape_cast %get3A_273 : vector<1x16xf32> to vector<16xf32>
          %get3A_275 = arith.constant 3 : i32
          %get3A_276 = arith.index_cast %get3A_275 : i32 to index
          %get3A_277 = arith.index_cast %add3A_179 : i32 to index
          %get3A_278 = tpu.vector_load %arg6[%get3A_276, %get3A_277] {strides = array<i32>} : memref<16x2048xf32, #tpu.memory_space<vmem>>, vector<1x16xf32>,
          %get3A_279 = vector.shape_cast %get3A_278 : vector<1x16xf32> to vector<16xf32>
          %get3A_280 = arith.constant 4 : i32
          %get3A_281 = arith.index_cast %get3A_280 : i32 to index
          %get3A_282 = arith.index_cast %add3A_179 : i32 to index
          %get3A_283 = tpu.vector_load %arg6[%get3A_281, %get3A_282] {strides = array<i32>} : memref<16x2048xf32, #tpu.memory_space<vmem>>, vector<1x16xf32>,
          %get3A_284 = vector.shape_cast %get3A_283 : vector<1x16xf32> to vector<16xf32>
          %get3A_285 = arith.constant 5 : i32
          %get3A_286 = arith.index_cast %get3A_285 : i32 to index
          %get3A_287 = arith.index_cast %add3A_179 : i32 to index
          %get3A_288 = tpu.vector_load %arg6[%get3A_286, %get3A_287] {strides = array<i32>} : memref<16x2048xf32, #tpu.memory_space<vmem>>, vector<1x16xf32>,
          %get3A_289 = vector.shape_cast %get3A_288 : vector<1x16xf32> to vector<16xf32>
          %get3A_290 = arith.constant 6 : i32
          %get3A_291 = arith.index_cast %get3A_290 : i32 to index
          %get3A_292 = arith.index_cast %add3A_179 : i32 to index
          %get3A_293 = tpu.vector_load %arg6[%get3A_291, %get3A_292] {strides = array<i32>} : memref<16x2048xf32, #tpu.memory_space<vmem>>, vector<1x16xf32>,
          %get3A_294 = vector.shape_cast %get3A_293 : vector<1x16xf32> to vector<16xf32>
          %get3A_295 = arith.constant 7 : i32
          %get3A_296 = arith.index_cast %get3A_295 : i32 to index
          %get3A_297 = arith.index_cast %add3A_179 : i32 to index
          %get3A_298 = tpu.vector_load %arg6[%get3A_296, %get3A_297] {strides = array<i32>} : memref<16x2048xf32, #tpu.memory_space<vmem>>, vector<1x16xf32>,
          %get3A_299 = vector.shape_cast %get3A_298 : vector<1x16xf32> to vector<16xf32>
          %get3A_300 = arith.constant 8 : i32
          %get3A_301 = arith.index_cast %get3A_300 : i32 to index
          %get3A_302 = arith.index_cast %add3A_179 : i32 to index
          %get3A_303 = tpu.vector_load %arg6[%get3A_301, %get3A_302] {strides = array<i32>} : memref<16x2048xf32, #tpu.memory_space<vmem>>, vector<1x16xf32>,
          %get3A_304 = vector.shape_cast %get3A_303 : vector<1x16xf32> to vector<16xf32>
          %get3A_305 = arith.constant 9 : i32
          %get3A_306 = arith.index_cast %get3A_305 : i32 to index
          %get3A_307 = arith.index_cast %add3A_179 : i32 to index
          %get3A_308 = tpu.vector_load %arg6[%get3A_306, %get3A_307] {strides = array<i32>} : memref<16x2048xf32, #tpu.memory_space<vmem>>, vector<1x16xf32>,
          %get3A_309 = vector.shape_cast %get3A_308 : vector<1x16xf32> to vector<16xf32>
          %get3A_310 = arith.constant 10 : i32
          %get3A_311 = arith.index_cast %get3A_310 : i32 to index
          %get3A_312 = arith.index_cast %add3A_179 : i32 to index
          %get3A_313 = tpu.vector_load %arg6[%get3A_311, %get3A_312] {strides = array<i32>} : memref<16x2048xf32, #tpu.memory_space<vmem>>, vector<1x16xf32>,
          %get3A_314 = vector.shape_cast %get3A_313 : vector<1x16xf32> to vector<16xf32>
          %get3A_315 = arith.constant 11 : i32
          %get3A_316 = arith.index_cast %get3A_315 : i32 to index
          %get3A_317 = arith.index_cast %add3A_179 : i32 to index
          %get3A_318 = tpu.vector_load %arg6[%get3A_316, %get3A_317] {strides = array<i32>} : memref<16x2048xf32, #tpu.memory_space<vmem>>, vector<1x16xf32>,
          %get3A_319 = vector.shape_cast %get3A_318 : vector<1x16xf32> to vector<16xf32>
          %get3A_320 = arith.constant 12 : i32
          %get3A_321 = arith.index_cast %get3A_320 : i32 to index
          %get3A_322 = arith.index_cast %add3A_179 : i32 to index
          %get3A_323 = tpu.vector_load %arg6[%get3A_321, %get3A_322] {strides = array<i32>} : memref<16x2048xf32, #tpu.memory_space<vmem>>, vector<1x16xf32>,
          %get3A_324 = vector.shape_cast %get3A_323 : vector<1x16xf32> to vector<16xf32>
          %get3A_325 = arith.constant 13 : i32
          %get3A_326 = arith.index_cast %get3A_325 : i32 to index
          %get3A_327 = arith.index_cast %add3A_179 : i32 to index
          %get3A_328 = tpu.vector_load %arg6[%get3A_326, %get3A_327] {strides = array<i32>} : memref<16x2048xf32, #tpu.memory_space<vmem>>, vector<1x16xf32>,
          %get3A_329 = vector.shape_cast %get3A_328 : vector<1x16xf32> to vector<16xf32>
          %get3A_330 = arith.constant 14 : i32
          %get3A_331 = arith.index_cast %get3A_330 : i32 to index
          %get3A_332 = arith.index_cast %add3A_179 : i32 to index
          %get3A_333 = tpu.vector_load %arg6[%get3A_331, %get3A_332] {strides = array<i32>} : memref<16x2048xf32, #tpu.memory_space<vmem>>, vector<1x16xf32>,
          %get3A_334 = vector.shape_cast %get3A_333 : vector<1x16xf32> to vector<16xf32>
          %get3A_335 = arith.constant 15 : i32
          %get3A_336 = arith.index_cast %get3A_335 : i32 to index
          %get3A_337 = arith.index_cast %add3A_179 : i32 to index
          %get3A_338 = tpu.vector_load %arg6[%get3A_336, %get3A_337] {strides = array<i32>} : memref<16x2048xf32, #tpu.memory_space<vmem>>, vector<1x16xf32>,
          %get3A_339 = vector.shape_cast %get3A_338 : vector<1x16xf32> to vector<16xf32>
          %add3A_340 = arith.addf %get3A_184, %get3A_189 : vector<16xf32>
          %add3A_341 = arith.addf %get3A_194, %get3A_199 : vector<16xf32>
          %add3A_342 = arith.addf %get3A_204, %get3A_209 : vector<16xf32>
          %add3A_343 = arith.addf %get3A_214, %get3A_219 : vector<16xf32>
          %add3A_344 = arith.addf %get3A_224, %get3A_229 : vector<16xf32>
          %add3A_345 = arith.addf %get3A_234, %get3A_239 : vector<16xf32>
          %add3A_346 = arith.addf %get3A_244, %get3A_249 : vector<16xf32>
          %add3A_347 = arith.addf %get3A_254, %get3A_259 : vector<16xf32>
          %add3A_348 = arith.addf %add3A_340, %add3A_341 : vector<16xf32>
          %add3A_349 = arith.addf %add3A_342, %add3A_343 : vector<16xf32>
          %add3A_350 = arith.addf %add3A_344, %add3A_345 : vector<16xf32>
          %add3A_351 = arith.addf %add3A_346, %add3A_347 : vector<16xf32>
          %add3A_352 = arith.addf %add3A_348, %add3A_349 : vector<16xf32>
          %add3A_353 = arith.addf %add3A_350, %add3A_351 : vector<16xf32>
          %add3A_354 = arith.addf %add3A_352, %add3A_353 : vector<16xf32>
          %add3A_355 = arith.addf %get3A_264, %get3A_269 : vector<16xf32>
          %add3A_356 = arith.addf %get3A_274, %get3A_279 : vector<16xf32>
          %add3A_357 = arith.addf %get3A_284, %get3A_289 : vector<16xf32>
          %add3A_358 = arith.addf %get3A_294, %get3A_299 : vector<16xf32>
          %add3A_359 = arith.addf %get3A_304, %get3A_309 : vector<16xf32>
          %add3A_360 = arith.addf %get3A_314, %get3A_319 : vector<16xf32>
          %add3A_361 = arith.addf %get3A_324, %get3A_329 : vector<16xf32>
          %add3A_362 = arith.addf %get3A_334, %get3A_339 : vector<16xf32>
          %add3A_363 = arith.addf %add3A_355, %add3A_356 : vector<16xf32>
          %add3A_364 = arith.addf %add3A_357, %add3A_358 : vector<16xf32>
          %add3A_365 = arith.addf %add3A_359, %add3A_360 : vector<16xf32>
          %add3A_366 = arith.addf %add3A_361, %add3A_362 : vector<16xf32>
          %add3A_367 = arith.addf %add3A_363, %add3A_364 : vector<16xf32>
          %add3A_368 = arith.addf %add3A_365, %add3A_366 : vector<16xf32>
          %add3A_369 = arith.addf %add3A_367, %add3A_368 : vector<16xf32>
          %swap3A = arith.index_cast %squeeze3A_156 : i32 to index
          %swap3A_370 = arith.index_cast %add3A_177 : i32 to index
          %swap3A_371 = tpu.vector_load %arg8[%swap3A, %swap3A_370] {strides = array<i32>} : memref<16x2048xf32, #tpu.memory_space<vmem>>, vector<1x16xf32>,
          %swap3A_372 = vector.shape_cast %swap3A_371 : vector<1x16xf32> to vector<16xf32>
          %swap3A_373 = vector.shape_cast %add3A_354 : vector<16xf32> to vector<1x16xf32>
          tpu.vector_store %arg8[%swap3A, %swap3A_370], %swap3A_373 {add = true, strides = array<i32>} : memref<16x2048xf32, #tpu.memory_space<vmem>>, vector<1x16xf32>,
          %swap3A_374 = arith.index_cast %squeeze3A_156 : i32 to index
          %swap3A_375 = arith.index_cast %add3A_179 : i32 to index
          %swap3A_376 = tpu.vector_load %arg8[%swap3A_374, %swap3A_375] {strides = array<i32>} : memref<16x2048xf32, #tpu.memory_space<vmem>>, vector<1x16xf32>,
          %swap3A_377 = vector.shape_cast %swap3A_376 : vector<1x16xf32> to vector<16xf32>
          %swap3A_378 = vector.shape_cast %add3A_369 : vector<16xf32> to vector<1x16xf32>
          tpu.vector_store %arg8[%swap3A_374, %swap3A_375], %swap3A_378 {add = true, strides = array<i32>} : memref<16x2048xf32, #tpu.memory_space<vmem>>, vector<1x16xf32>,
        }
        %scan3A_172 = arith.constant 64 : i32
      } else {
      }
      %not3A_163 = arith.constant true
      %not3A_164 = arith.xori %eq3A_159, %not3A_163 : i1
      %convert_element_type3A_165 = arith.extui %not3A_164 : i1 to i32
      %cond3A_166 = arith.constant 0 : i32
      %cond3A_167 = arith.cmpi ne, %convert_element_type3A_165, %cond3A_166 : i32
      scf.if %cond3A_167 {
        %slice3A_168 = vector.extract_strided_slice %get3A_154 {offsets = [0], sizes = [1], strides = [1]} : vector<16xi32> to vector<1xi32>
        %squeeze3A_169 = vector.extract %slice3A_168[0] : i32 from vector<1xi32>
        %scan3A_170 = arith.constant 0 : i32
        %scan3A_171 = arith.constant 128 : i32
        %scan3A_172 = arith.addi %scan3A_170, %scan3A_171 : i32
        %scan3A_173 = arith.constant 1 : i32
        scf.for %scan3A_280 = %scan3A_170 to %scan3A_172 step %scan3A_173  : i32 {
          %mul3A_281 = arith.constant 16 : i32
          %mul3A_282 = arith.muli %scan3A_280, %mul3A_281 : i32
          %add3A_283 = arith.constant 0 : i32
          %add3A_284 = arith.addi %add3A_283, %mul3A_282 : i32
          %get3A_285 = arith.constant 0 : i32
          %get3A_286 = arith.index_cast %get3A_285 : i32 to index
          %get3A_287 = arith.index_cast %add3A_284 : i32 to index
          %get3A_288 = tpu.vector_load %arg6[%get3A_286, %get3A_287] {strides = array<i32>} : memref<16x2048xf32, #tpu.memory_space<vmem>>, vector<1x16xf32>,
          %get3A_289 = vector.shape_cast %get3A_288 : vector<1x16xf32> to vector<16xf32>
          %swap3A = arith.index_cast %squeeze3A_169 : i32 to index
          %swap3A_290 = arith.index_cast %add3A_284 : i32 to index
          %swap3A_291 = tpu.vector_load %arg8[%swap3A, %swap3A_290] {strides = array<i32>} : memref<16x2048xf32, #tpu.memory_space<vmem>>, vector<1x16xf32>,
          %swap3A_292 = vector.shape_cast %swap3A_291 : vector<1x16xf32> to vector<16xf32>
          %swap3A_293 = vector.shape_cast %get3A_289 : vector<16xf32> to vector<1x16xf32>
          tpu.vector_store %arg8[%swap3A, %swap3A_290], %swap3A_293 {add = true, strides = array<i32>} : memref<16x2048xf32, #tpu.memory_space<vmem>>, vector<1x16xf32>,
        }
        %scan3A_174 = arith.constant 128 : i32
        %slice3A_175 = vector.extract_strided_slice %get3A_154 {offsets = [1], sizes = [1], strides = [1]} : vector<16xi32> to vector<1xi32>
        %squeeze3A_176 = vector.extract %slice3A_175[0] : i32 from vector<1xi32>
        %scan3A_177 = arith.constant 0 : i32
        %scan3A_178 = arith.constant 128 : i32
        %scan3A_179 = arith.addi %scan3A_177, %scan3A_178 : i32
        %scan3A_180 = arith.constant 1 : i32
        scf.for %scan3A_280 = %scan3A_177 to %scan3A_179 step %scan3A_180  : i32 {
          %mul3A_281 = arith.constant 16 : i32
          %mul3A_282 = arith.muli %scan3A_280, %mul3A_281 : i32
          %add3A_283 = arith.constant 0 : i32
          %add3A_284 = arith.addi %add3A_283, %mul3A_282 : i32
          %get3A_285 = arith.constant 1 : i32
          %get3A_286 = arith.index_cast %get3A_285 : i32 to index
          %get3A_287 = arith.index_cast %add3A_284 : i32 to index
          %get3A_288 = tpu.vector_load %arg6[%get3A_286, %get3A_287] {strides = array<i32>} : memref<16x2048xf32, #tpu.memory_space<vmem>>, vector<1x16xf32>,
          %get3A_289 = vector.shape_cast %get3A_288 : vector<1x16xf32> to vector<16xf32>
          %swap3A = arith.index_cast %squeeze3A_176 : i32 to index
          %swap3A_290 = arith.index_cast %add3A_284 : i32 to index
          %swap3A_291 = tpu.vector_load %arg8[%swap3A, %swap3A_290] {strides = array<i32>} : memref<16x2048xf32, #tpu.memory_space<vmem>>, vector<1x16xf32>,
          %swap3A_292 = vector.shape_cast %swap3A_291 : vector<1x16xf32> to vector<16xf32>
          %swap3A_293 = vector.shape_cast %get3A_289 : vector<16xf32> to vector<1x16xf32>
          tpu.vector_store %arg8[%swap3A, %swap3A_290], %swap3A_293 {add = true, strides = array<i32>} : memref<16x2048xf32, #tpu.memory_space<vmem>>, vector<1x16xf32>,
        }
        %scan3A_181 = arith.constant 128 : i32
        %slice3A_182 = vector.extract_strided_slice %get3A_154 {offsets = [2], sizes = [1], strides = [1]} : vector<16xi32> to vector<1xi32>
        %squeeze3A_183 = vector.extract %slice3A_182[0] : i32 from vector<1xi32>
        %scan3A_184 = arith.constant 0 : i32
        %scan3A_185 = arith.constant 128 : i32
        %scan3A_186 = arith.addi %scan3A_184, %scan3A_185 : i32
        %scan3A_187 = arith.constant 1 : i32
        scf.for %scan3A_280 = %scan3A_184 to %scan3A_186 step %scan3A_187  : i32 {
          %mul3A_281 = arith.constant 16 : i32
          %mul3A_282 = arith.muli %scan3A_280, %mul3A_281 : i32
          %add3A_283 = arith.constant 0 : i32
          %add3A_284 = arith.addi %add3A_283, %mul3A_282 : i32
          %get3A_285 = arith.constant 2 : i32
          %get3A_286 = arith.index_cast %get3A_285 : i32 to index
          %get3A_287 = arith.index_cast %add3A_284 : i32 to index
          %get3A_288 = tpu.vector_load %arg6[%get3A_286, %get3A_287] {strides = array<i32>} : memref<16x2048xf32, #tpu.memory_space<vmem>>, vector<1x16xf32>,
          %get3A_289 = vector.shape_cast %get3A_288 : vector<1x16xf32> to vector<16xf32>
          %swap3A = arith.index_cast %squeeze3A_183 : i32 to index
          %swap3A_290 = arith.index_cast %add3A_284 : i32 to index
          %swap3A_291 = tpu.vector_load %arg8[%swap3A, %swap3A_290] {strides = array<i32>} : memref<16x2048xf32, #tpu.memory_space<vmem>>, vector<1x16xf32>,
          %swap3A_292 = vector.shape_cast %swap3A_291 : vector<1x16xf32> to vector<16xf32>
          %swap3A_293 = vector.shape_cast %get3A_289 : vector<16xf32> to vector<1x16xf32>
          tpu.vector_store %arg8[%swap3A, %swap3A_290], %swap3A_293 {add = true, strides = array<i32>} : memref<16x2048xf32, #tpu.memory_space<vmem>>, vector<1x16xf32>,
        }
        %scan3A_188 = arith.constant 128 : i32
        %slice3A_189 = vector.extract_strided_slice %get3A_154 {offsets = [3], sizes = [1], strides = [1]} : vector<16xi32> to vector<1xi32>
        %squeeze3A_190 = vector.extract %slice3A_189[0] : i32 from vector<1xi32>
        %scan3A_191 = arith.constant 0 : i32
        %scan3A_192 = arith.constant 128 : i32
        %scan3A_193 = arith.addi %scan3A_191, %scan3A_192 : i32
        %scan3A_194 = arith.constant 1 : i32
        scf.for %scan3A_280 = %scan3A_191 to %scan3A_193 step %scan3A_194  : i32 {
          %mul3A_281 = arith.constant 16 : i32
          %mul3A_282 = arith.muli %scan3A_280, %mul3A_281 : i32
          %add3A_283 = arith.constant 0 : i32
          %add3A_284 = arith.addi %add3A_283, %mul3A_282 : i32
          %get3A_285 = arith.constant 3 : i32
          %get3A_286 = arith.index_cast %get3A_285 : i32 to index
          %get3A_287 = arith.index_cast %add3A_284 : i32 to index
          %get3A_288 = tpu.vector_load %arg6[%get3A_286, %get3A_287] {strides = array<i32>} : memref<16x2048xf32, #tpu.memory_space<vmem>>, vector<1x16xf32>,
          %get3A_289 = vector.shape_cast %get3A_288 : vector<1x16xf32> to vector<16xf32>
          %swap3A = arith.index_cast %squeeze3A_190 : i32 to index
          %swap3A_290 = arith.index_cast %add3A_284 : i32 to index
          %swap3A_291 = tpu.vector_load %arg8[%swap3A, %swap3A_290] {strides = array<i32>} : memref<16x2048xf32, #tpu.memory_space<vmem>>, vector<1x16xf32>,
          %swap3A_292 = vector.shape_cast %swap3A_291 : vector<1x16xf32> to vector<16xf32>
          %swap3A_293 = vector.shape_cast %get3A_289 : vector<16xf32> to vector<1x16xf32>
          tpu.vector_store %arg8[%swap3A, %swap3A_290], %swap3A_293 {add = true, strides = array<i32>} : memref<16x2048xf32, #tpu.memory_space<vmem>>, vector<1x16xf32>,
        }
        %scan3A_195 = arith.constant 128 : i32
        %slice3A_196 = vector.extract_strided_slice %get3A_154 {offsets = [4], sizes = [1], strides = [1]} : vector<16xi32> to vector<1xi32>
        %squeeze3A_197 = vector.extract %slice3A_196[0] : i32 from vector<1xi32>
        %scan3A_198 = arith.constant 0 : i32
        %scan3A_199 = arith.constant 128 : i32
        %scan3A_200 = arith.addi %scan3A_198, %scan3A_199 : i32
        %scan3A_201 = arith.constant 1 : i32
        scf.for %scan3A_280 = %scan3A_198 to %scan3A_200 step %scan3A_201  : i32 {
          %mul3A_281 = arith.constant 16 : i32
          %mul3A_282 = arith.muli %scan3A_280, %mul3A_281 : i32
          %add3A_283 = arith.constant 0 : i32
          %add3A_284 = arith.addi %add3A_283, %mul3A_282 : i32
          %get3A_285 = arith.constant 4 : i32
          %get3A_286 = arith.index_cast %get3A_285 : i32 to index
          %get3A_287 = arith.index_cast %add3A_284 : i32 to index
          %get3A_288 = tpu.vector_load %arg6[%get3A_286, %get3A_287] {strides = array<i32>} : memref<16x2048xf32, #tpu.memory_space<vmem>>, vector<1x16xf32>,
          %get3A_289 = vector.shape_cast %get3A_288 : vector<1x16xf32> to vector<16xf32>
          %swap3A = arith.index_cast %squeeze3A_197 : i32 to index
          %swap3A_290 = arith.index_cast %add3A_284 : i32 to index
          %swap3A_291 = tpu.vector_load %arg8[%swap3A, %swap3A_290] {strides = array<i32>} : memref<16x2048xf32, #tpu.memory_space<vmem>>, vector<1x16xf32>,
          %swap3A_292 = vector.shape_cast %swap3A_291 : vector<1x16xf32> to vector<16xf32>
          %swap3A_293 = vector.shape_cast %get3A_289 : vector<16xf32> to vector<1x16xf32>
          tpu.vector_store %arg8[%swap3A, %swap3A_290], %swap3A_293 {add = true, strides = array<i32>} : memref<16x2048xf32, #tpu.memory_space<vmem>>, vector<1x16xf32>,
        }
        %scan3A_202 = arith.constant 128 : i32
        %slice3A_203 = vector.extract_strided_slice %get3A_154 {offsets = [5], sizes = [1], strides = [1]} : vector<16xi32> to vector<1xi32>
        %squeeze3A_204 = vector.extract %slice3A_203[0] : i32 from vector<1xi32>
        %scan3A_205 = arith.constant 0 : i32
        %scan3A_206 = arith.constant 128 : i32
        %scan3A_207 = arith.addi %scan3A_205, %scan3A_206 : i32
        %scan3A_208 = arith.constant 1 : i32
        scf.for %scan3A_280 = %scan3A_205 to %scan3A_207 step %scan3A_208  : i32 {
          %mul3A_281 = arith.constant 16 : i32
          %mul3A_282 = arith.muli %scan3A_280, %mul3A_281 : i32
          %add3A_283 = arith.constant 0 : i32
          %add3A_284 = arith.addi %add3A_283, %mul3A_282 : i32
          %get3A_285 = arith.constant 5 : i32
          %get3A_286 = arith.index_cast %get3A_285 : i32 to index
          %get3A_287 = arith.index_cast %add3A_284 : i32 to index
          %get3A_288 = tpu.vector_load %arg6[%get3A_286, %get3A_287] {strides = array<i32>} : memref<16x2048xf32, #tpu.memory_space<vmem>>, vector<1x16xf32>,
          %get3A_289 = vector.shape_cast %get3A_288 : vector<1x16xf32> to vector<16xf32>
          %swap3A = arith.index_cast %squeeze3A_204 : i32 to index
          %swap3A_290 = arith.index_cast %add3A_284 : i32 to index
          %swap3A_291 = tpu.vector_load %arg8[%swap3A, %swap3A_290] {strides = array<i32>} : memref<16x2048xf32, #tpu.memory_space<vmem>>, vector<1x16xf32>,
          %swap3A_292 = vector.shape_cast %swap3A_291 : vector<1x16xf32> to vector<16xf32>
          %swap3A_293 = vector.shape_cast %get3A_289 : vector<16xf32> to vector<1x16xf32>
          tpu.vector_store %arg8[%swap3A, %swap3A_290], %swap3A_293 {add = true, strides = array<i32>} : memref<16x2048xf32, #tpu.memory_space<vmem>>, vector<1x16xf32>,
        }
        %scan3A_209 = arith.constant 128 : i32
        %slice3A_210 = vector.extract_strided_slice %get3A_154 {offsets = [6], sizes = [1], strides = [1]} : vector<16xi32> to vector<1xi32>
        %squeeze3A_211 = vector.extract %slice3A_210[0] : i32 from vector<1xi32>
        %scan3A_212 = arith.constant 0 : i32
        %scan3A_213 = arith.constant 128 : i32
        %scan3A_214 = arith.addi %scan3A_212, %scan3A_213 : i32
        %scan3A_215 = arith.constant 1 : i32
        scf.for %scan3A_280 = %scan3A_212 to %scan3A_214 step %scan3A_215  : i32 {
          %mul3A_281 = arith.constant 16 : i32
          %mul3A_282 = arith.muli %scan3A_280, %mul3A_281 : i32
          %add3A_283 = arith.constant 0 : i32
          %add3A_284 = arith.addi %add3A_283, %mul3A_282 : i32
          %get3A_285 = arith.constant 6 : i32
          %get3A_286 = arith.index_cast %get3A_285 : i32 to index
          %get3A_287 = arith.index_cast %add3A_284 : i32 to index
          %get3A_288 = tpu.vector_load %arg6[%get3A_286, %get3A_287] {strides = array<i32>} : memref<16x2048xf32, #tpu.memory_space<vmem>>, vector<1x16xf32>,
          %get3A_289 = vector.shape_cast %get3A_288 : vector<1x16xf32> to vector<16xf32>
          %swap3A = arith.index_cast %squeeze3A_211 : i32 to index
          %swap3A_290 = arith.index_cast %add3A_284 : i32 to index
          %swap3A_291 = tpu.vector_load %arg8[%swap3A, %swap3A_290] {strides = array<i32>} : memref<16x2048xf32, #tpu.memory_space<vmem>>, vector<1x16xf32>,
          %swap3A_292 = vector.shape_cast %swap3A_291 : vector<1x16xf32> to vector<16xf32>
          %swap3A_293 = vector.shape_cast %get3A_289 : vector<16xf32> to vector<1x16xf32>
          tpu.vector_store %arg8[%swap3A, %swap3A_290], %swap3A_293 {add = true, strides = array<i32>} : memref<16x2048xf32, #tpu.memory_space<vmem>>, vector<1x16xf32>,
        }
        %scan3A_216 = arith.constant 128 : i32
        %slice3A_217 = vector.extract_strided_slice %get3A_154 {offsets = [7], sizes = [1], strides = [1]} : vector<16xi32> to vector<1xi32>
        %squeeze3A_218 = vector.extract %slice3A_217[0] : i32 from vector<1xi32>
        %scan3A_219 = arith.constant 0 : i32
        %scan3A_220 = arith.constant 128 : i32
        %scan3A_221 = arith.addi %scan3A_219, %scan3A_220 : i32
        %scan3A_222 = arith.constant 1 : i32
        scf.for %scan3A_280 = %scan3A_219 to %scan3A_221 step %scan3A_222  : i32 {
          %mul3A_281 = arith.constant 16 : i32
          %mul3A_282 = arith.muli %scan3A_280, %mul3A_281 : i32
          %add3A_283 = arith.constant 0 : i32
          %add3A_284 = arith.addi %add3A_283, %mul3A_282 : i32
          %get3A_285 = arith.constant 7 : i32
          %get3A_286 = arith.index_cast %get3A_285 : i32 to index
          %get3A_287 = arith.index_cast %add3A_284 : i32 to index
          %get3A_288 = tpu.vector_load %arg6[%get3A_286, %get3A_287] {strides = array<i32>} : memref<16x2048xf32, #tpu.memory_space<vmem>>, vector<1x16xf32>,
          %get3A_289 = vector.shape_cast %get3A_288 : vector<1x16xf32> to vector<16xf32>
          %swap3A = arith.index_cast %squeeze3A_218 : i32 to index
          %swap3A_290 = arith.index_cast %add3A_284 : i32 to index
          %swap3A_291 = tpu.vector_load %arg8[%swap3A, %swap3A_290] {strides = array<i32>} : memref<16x2048xf32, #tpu.memory_space<vmem>>, vector<1x16xf32>,
          %swap3A_292 = vector.shape_cast %swap3A_291 : vector<1x16xf32> to vector<16xf32>
          %swap3A_293 = vector.shape_cast %get3A_289 : vector<16xf32> to vector<1x16xf32>
          tpu.vector_store %arg8[%swap3A, %swap3A_290], %swap3A_293 {add = true, strides = array<i32>} : memref<16x2048xf32, #tpu.memory_space<vmem>>, vector<1x16xf32>,
        }
        %scan3A_223 = arith.constant 128 : i32
        %slice3A_224 = vector.extract_strided_slice %get3A_154 {offsets = [8], sizes = [1], strides = [1]} : vector<16xi32> to vector<1xi32>
        %squeeze3A_225 = vector.extract %slice3A_224[0] : i32 from vector<1xi32>
        %scan3A_226 = arith.constant 0 : i32
        %scan3A_227 = arith.constant 128 : i32
        %scan3A_228 = arith.addi %scan3A_226, %scan3A_227 : i32
        %scan3A_229 = arith.constant 1 : i32
        scf.for %scan3A_280 = %scan3A_226 to %scan3A_228 step %scan3A_229  : i32 {
          %mul3A_281 = arith.constant 16 : i32
          %mul3A_282 = arith.muli %scan3A_280, %mul3A_281 : i32
          %add3A_283 = arith.constant 0 : i32
          %add3A_284 = arith.addi %add3A_283, %mul3A_282 : i32
          %get3A_285 = arith.constant 8 : i32
          %get3A_286 = arith.index_cast %get3A_285 : i32 to index
          %get3A_287 = arith.index_cast %add3A_284 : i32 to index
          %get3A_288 = tpu.vector_load %arg6[%get3A_286, %get3A_287] {strides = array<i32>} : memref<16x2048xf32, #tpu.memory_space<vmem>>, vector<1x16xf32>,
          %get3A_289 = vector.shape_cast %get3A_288 : vector<1x16xf32> to vector<16xf32>
          %swap3A = arith.index_cast %squeeze3A_225 : i32 to index
          %swap3A_290 = arith.index_cast %add3A_284 : i32 to index
          %swap3A_291 = tpu.vector_load %arg8[%swap3A, %swap3A_290] {strides = array<i32>} : memref<16x2048xf32, #tpu.memory_space<vmem>>, vector<1x16xf32>,
          %swap3A_292 = vector.shape_cast %swap3A_291 : vector<1x16xf32> to vector<16xf32>
          %swap3A_293 = vector.shape_cast %get3A_289 : vector<16xf32> to vector<1x16xf32>
          tpu.vector_store %arg8[%swap3A, %swap3A_290], %swap3A_293 {add = true, strides = array<i32>} : memref<16x2048xf32, #tpu.memory_space<vmem>>, vector<1x16xf32>,
        }
        %scan3A_230 = arith.constant 128 : i32
        %slice3A_231 = vector.extract_strided_slice %get3A_154 {offsets = [9], sizes = [1], strides = [1]} : vector<16xi32> to vector<1xi32>
        %squeeze3A_232 = vector.extract %slice3A_231[0] : i32 from vector<1xi32>
        %scan3A_233 = arith.constant 0 : i32
        %scan3A_234 = arith.constant 128 : i32
        %scan3A_235 = arith.addi %scan3A_233, %scan3A_234 : i32
        %scan3A_236 = arith.constant 1 : i32
        scf.for %scan3A_280 = %scan3A_233 to %scan3A_235 step %scan3A_236  : i32 {
          %mul3A_281 = arith.constant 16 : i32
          %mul3A_282 = arith.muli %scan3A_280, %mul3A_281 : i32
          %add3A_283 = arith.constant 0 : i32
          %add3A_284 = arith.addi %add3A_283, %mul3A_282 : i32
          %get3A_285 = arith.constant 9 : i32
          %get3A_286 = arith.index_cast %get3A_285 : i32 to index
          %get3A_287 = arith.index_cast %add3A_284 : i32 to index
          %get3A_288 = tpu.vector_load %arg6[%get3A_286, %get3A_287] {strides = array<i32>} : memref<16x2048xf32, #tpu.memory_space<vmem>>, vector<1x16xf32>,
          %get3A_289 = vector.shape_cast %get3A_288 : vector<1x16xf32> to vector<16xf32>
          %swap3A = arith.index_cast %squeeze3A_232 : i32 to index
          %swap3A_290 = arith.index_cast %add3A_284 : i32 to index
          %swap3A_291 = tpu.vector_load %arg8[%swap3A, %swap3A_290] {strides = array<i32>} : memref<16x2048xf32, #tpu.memory_space<vmem>>, vector<1x16xf32>,
          %swap3A_292 = vector.shape_cast %swap3A_291 : vector<1x16xf32> to vector<16xf32>
          %swap3A_293 = vector.shape_cast %get3A_289 : vector<16xf32> to vector<1x16xf32>
          tpu.vector_store %arg8[%swap3A, %swap3A_290], %swap3A_293 {add = true, strides = array<i32>} : memref<16x2048xf32, #tpu.memory_space<vmem>>, vector<1x16xf32>,
        }
        %scan3A_237 = arith.constant 128 : i32
        %slice3A_238 = vector.extract_strided_slice %get3A_154 {offsets = [10], sizes = [1], strides = [1]} : vector<16xi32> to vector<1xi32>
        %squeeze3A_239 = vector.extract %slice3A_238[0] : i32 from vector<1xi32>
        %scan3A_240 = arith.constant 0 : i32
        %scan3A_241 = arith.constant 128 : i32
        %scan3A_242 = arith.addi %scan3A_240, %scan3A_241 : i32
        %scan3A_243 = arith.constant 1 : i32
        scf.for %scan3A_280 = %scan3A_240 to %scan3A_242 step %scan3A_243  : i32 {
          %mul3A_281 = arith.constant 16 : i32
          %mul3A_282 = arith.muli %scan3A_280, %mul3A_281 : i32
          %add3A_283 = arith.constant 0 : i32
          %add3A_284 = arith.addi %add3A_283, %mul3A_282 : i32
          %get3A_285 = arith.constant 10 : i32
          %get3A_286 = arith.index_cast %get3A_285 : i32 to index
          %get3A_287 = arith.index_cast %add3A_284 : i32 to index
          %get3A_288 = tpu.vector_load %arg6[%get3A_286, %get3A_287] {strides = array<i32>} : memref<16x2048xf32, #tpu.memory_space<vmem>>, vector<1x16xf32>,
          %get3A_289 = vector.shape_cast %get3A_288 : vector<1x16xf32> to vector<16xf32>
          %swap3A = arith.index_cast %squeeze3A_239 : i32 to index
          %swap3A_290 = arith.index_cast %add3A_284 : i32 to index
          %swap3A_291 = tpu.vector_load %arg8[%swap3A, %swap3A_290] {strides = array<i32>} : memref<16x2048xf32, #tpu.memory_space<vmem>>, vector<1x16xf32>,
          %swap3A_292 = vector.shape_cast %swap3A_291 : vector<1x16xf32> to vector<16xf32>
          %swap3A_293 = vector.shape_cast %get3A_289 : vector<16xf32> to vector<1x16xf32>
          tpu.vector_store %arg8[%swap3A, %swap3A_290], %swap3A_293 {add = true, strides = array<i32>} : memref<16x2048xf32, #tpu.memory_space<vmem>>, vector<1x16xf32>,
        }
        %scan3A_244 = arith.constant 128 : i32
        %slice3A_245 = vector.extract_strided_slice %get3A_154 {offsets = [11], sizes = [1], strides = [1]} : vector<16xi32> to vector<1xi32>
        %squeeze3A_246 = vector.extract %slice3A_245[0] : i32 from vector<1xi32>
        %scan3A_247 = arith.constant 0 : i32
        %scan3A_248 = arith.constant 128 : i32
        %scan3A_249 = arith.addi %scan3A_247, %scan3A_248 : i32
        %scan3A_250 = arith.constant 1 : i32
        scf.for %scan3A_280 = %scan3A_247 to %scan3A_249 step %scan3A_250  : i32 {
          %mul3A_281 = arith.constant 16 : i32
          %mul3A_282 = arith.muli %scan3A_280, %mul3A_281 : i32
          %add3A_283 = arith.constant 0 : i32
          %add3A_284 = arith.addi %add3A_283, %mul3A_282 : i32
          %get3A_285 = arith.constant 11 : i32
          %get3A_286 = arith.index_cast %get3A_285 : i32 to index
          %get3A_287 = arith.index_cast %add3A_284 : i32 to index
          %get3A_288 = tpu.vector_load %arg6[%get3A_286, %get3A_287] {strides = array<i32>} : memref<16x2048xf32, #tpu.memory_space<vmem>>, vector<1x16xf32>,
          %get3A_289 = vector.shape_cast %get3A_288 : vector<1x16xf32> to vector<16xf32>
          %swap3A = arith.index_cast %squeeze3A_246 : i32 to index
          %swap3A_290 = arith.index_cast %add3A_284 : i32 to index
          %swap3A_291 = tpu.vector_load %arg8[%swap3A, %swap3A_290] {strides = array<i32>} : memref<16x2048xf32, #tpu.memory_space<vmem>>, vector<1x16xf32>,
          %swap3A_292 = vector.shape_cast %swap3A_291 : vector<1x16xf32> to vector<16xf32>
          %swap3A_293 = vector.shape_cast %get3A_289 : vector<16xf32> to vector<1x16xf32>
          tpu.vector_store %arg8[%swap3A, %swap3A_290], %swap3A_293 {add = true, strides = array<i32>} : memref<16x2048xf32, #tpu.memory_space<vmem>>, vector<1x16xf32>,
        }
        %scan3A_251 = arith.constant 128 : i32
        %slice3A_252 = vector.extract_strided_slice %get3A_154 {offsets = [12], sizes = [1], strides = [1]} : vector<16xi32> to vector<1xi32>
        %squeeze3A_253 = vector.extract %slice3A_252[0] : i32 from vector<1xi32>
        %scan3A_254 = arith.constant 0 : i32
        %scan3A_255 = arith.constant 128 : i32
        %scan3A_256 = arith.addi %scan3A_254, %scan3A_255 : i32
        %scan3A_257 = arith.constant 1 : i32
        scf.for %scan3A_280 = %scan3A_254 to %scan3A_256 step %scan3A_257  : i32 {
          %mul3A_281 = arith.constant 16 : i32
          %mul3A_282 = arith.muli %scan3A_280, %mul3A_281 : i32
          %add3A_283 = arith.constant 0 : i32
          %add3A_284 = arith.addi %add3A_283, %mul3A_282 : i32
          %get3A_285 = arith.constant 12 : i32
          %get3A_286 = arith.index_cast %get3A_285 : i32 to index
          %get3A_287 = arith.index_cast %add3A_284 : i32 to index
          %get3A_288 = tpu.vector_load %arg6[%get3A_286, %get3A_287] {strides = array<i32>} : memref<16x2048xf32, #tpu.memory_space<vmem>>, vector<1x16xf32>,
          %get3A_289 = vector.shape_cast %get3A_288 : vector<1x16xf32> to vector<16xf32>
          %swap3A = arith.index_cast %squeeze3A_253 : i32 to index
          %swap3A_290 = arith.index_cast %add3A_284 : i32 to index
          %swap3A_291 = tpu.vector_load %arg8[%swap3A, %swap3A_290] {strides = array<i32>} : memref<16x2048xf32, #tpu.memory_space<vmem>>, vector<1x16xf32>,
          %swap3A_292 = vector.shape_cast %swap3A_291 : vector<1x16xf32> to vector<16xf32>
          %swap3A_293 = vector.shape_cast %get3A_289 : vector<16xf32> to vector<1x16xf32>
          tpu.vector_store %arg8[%swap3A, %swap3A_290], %swap3A_293 {add = true, strides = array<i32>} : memref<16x2048xf32, #tpu.memory_space<vmem>>, vector<1x16xf32>,
        }
        %scan3A_258 = arith.constant 128 : i32
        %slice3A_259 = vector.extract_strided_slice %get3A_154 {offsets = [13], sizes = [1], strides = [1]} : vector<16xi32> to vector<1xi32>
        %squeeze3A_260 = vector.extract %slice3A_259[0] : i32 from vector<1xi32>
        %scan3A_261 = arith.constant 0 : i32
        %scan3A_262 = arith.constant 128 : i32
        %scan3A_263 = arith.addi %scan3A_261, %scan3A_262 : i32
        %scan3A_264 = arith.constant 1 : i32
        scf.for %scan3A_280 = %scan3A_261 to %scan3A_263 step %scan3A_264  : i32 {
          %mul3A_281 = arith.constant 16 : i32
          %mul3A_282 = arith.muli %scan3A_280, %mul3A_281 : i32
          %add3A_283 = arith.constant 0 : i32
          %add3A_284 = arith.addi %add3A_283, %mul3A_282 : i32
          %get3A_285 = arith.constant 13 : i32
          %get3A_286 = arith.index_cast %get3A_285 : i32 to index
          %get3A_287 = arith.index_cast %add3A_284 : i32 to index
          %get3A_288 = tpu.vector_load %arg6[%get3A_286, %get3A_287] {strides = array<i32>} : memref<16x2048xf32, #tpu.memory_space<vmem>>, vector<1x16xf32>,
          %get3A_289 = vector.shape_cast %get3A_288 : vector<1x16xf32> to vector<16xf32>
          %swap3A = arith.index_cast %squeeze3A_260 : i32 to index
          %swap3A_290 = arith.index_cast %add3A_284 : i32 to index
          %swap3A_291 = tpu.vector_load %arg8[%swap3A, %swap3A_290] {strides = array<i32>} : memref<16x2048xf32, #tpu.memory_space<vmem>>, vector<1x16xf32>,
          %swap3A_292 = vector.shape_cast %swap3A_291 : vector<1x16xf32> to vector<16xf32>
          %swap3A_293 = vector.shape_cast %get3A_289 : vector<16xf32> to vector<1x16xf32>
          tpu.vector_store %arg8[%swap3A, %swap3A_290], %swap3A_293 {add = true, strides = array<i32>} : memref<16x2048xf32, #tpu.memory_space<vmem>>, vector<1x16xf32>,
        }
        %scan3A_265 = arith.constant 128 : i32
        %slice3A_266 = vector.extract_strided_slice %get3A_154 {offsets = [14], sizes = [1], strides = [1]} : vector<16xi32> to vector<1xi32>
        %squeeze3A_267 = vector.extract %slice3A_266[0] : i32 from vector<1xi32>
        %scan3A_268 = arith.constant 0 : i32
        %scan3A_269 = arith.constant 128 : i32
        %scan3A_270 = arith.addi %scan3A_268, %scan3A_269 : i32
        %scan3A_271 = arith.constant 1 : i32
        scf.for %scan3A_280 = %scan3A_268 to %scan3A_270 step %scan3A_271  : i32 {
          %mul3A_281 = arith.constant 16 : i32
          %mul3A_282 = arith.muli %scan3A_280, %mul3A_281 : i32
          %add3A_283 = arith.constant 0 : i32
          %add3A_284 = arith.addi %add3A_283, %mul3A_282 : i32
          %get3A_285 = arith.constant 14 : i32
          %get3A_286 = arith.index_cast %get3A_285 : i32 to index
          %get3A_287 = arith.index_cast %add3A_284 : i32 to index
          %get3A_288 = tpu.vector_load %arg6[%get3A_286, %get3A_287] {strides = array<i32>} : memref<16x2048xf32, #tpu.memory_space<vmem>>, vector<1x16xf32>,
          %get3A_289 = vector.shape_cast %get3A_288 : vector<1x16xf32> to vector<16xf32>
          %swap3A = arith.index_cast %squeeze3A_267 : i32 to index
          %swap3A_290 = arith.index_cast %add3A_284 : i32 to index
          %swap3A_291 = tpu.vector_load %arg8[%swap3A, %swap3A_290] {strides = array<i32>} : memref<16x2048xf32, #tpu.memory_space<vmem>>, vector<1x16xf32>,
          %swap3A_292 = vector.shape_cast %swap3A_291 : vector<1x16xf32> to vector<16xf32>
          %swap3A_293 = vector.shape_cast %get3A_289 : vector<16xf32> to vector<1x16xf32>
          tpu.vector_store %arg8[%swap3A, %swap3A_290], %swap3A_293 {add = true, strides = array<i32>} : memref<16x2048xf32, #tpu.memory_space<vmem>>, vector<1x16xf32>,
        }
        %scan3A_272 = arith.constant 128 : i32
        %slice3A_273 = vector.extract_strided_slice %get3A_154 {offsets = [15], sizes = [1], strides = [1]} : vector<16xi32> to vector<1xi32>
        %squeeze3A_274 = vector.extract %slice3A_273[0] : i32 from vector<1xi32>
        %scan3A_275 = arith.constant 0 : i32
        %scan3A_276 = arith.constant 128 : i32
        %scan3A_277 = arith.addi %scan3A_275, %scan3A_276 : i32
        %scan3A_278 = arith.constant 1 : i32
        scf.for %scan3A_280 = %scan3A_275 to %scan3A_277 step %scan3A_278  : i32 {
          %mul3A_281 = arith.constant 16 : i32
          %mul3A_282 = arith.muli %scan3A_280, %mul3A_281 : i32
          %add3A_283 = arith.constant 0 : i32
          %add3A_284 = arith.addi %add3A_283, %mul3A_282 : i32
          %get3A_285 = arith.constant 15 : i32
          %get3A_286 = arith.index_cast %get3A_285 : i32 to index
          %get3A_287 = arith.index_cast %add3A_284 : i32 to index
          %get3A_288 = tpu.vector_load %arg6[%get3A_286, %get3A_287] {strides = array<i32>} : memref<16x2048xf32, #tpu.memory_space<vmem>>, vector<1x16xf32>,
          %get3A_289 = vector.shape_cast %get3A_288 : vector<1x16xf32> to vector<16xf32>
          %swap3A = arith.index_cast %squeeze3A_274 : i32 to index
          %swap3A_290 = arith.index_cast %add3A_284 : i32 to index
          %swap3A_291 = tpu.vector_load %arg8[%swap3A, %swap3A_290] {strides = array<i32>} : memref<16x2048xf32, #tpu.memory_space<vmem>>, vector<1x16xf32>,
          %swap3A_292 = vector.shape_cast %swap3A_291 : vector<1x16xf32> to vector<16xf32>
          %swap3A_293 = vector.shape_cast %get3A_289 : vector<16xf32> to vector<1x16xf32>
          tpu.vector_store %arg8[%swap3A, %swap3A_290], %swap3A_293 {add = true, strides = array<i32>} : memref<16x2048xf32, #tpu.memory_space<vmem>>, vector<1x16xf32>,
        }
        %scan3A_279 = arith.constant 128 : i32
      } else {
      }
    }
    %scan3A_57 = arith.constant 3 : i32
    %add3A_58 = arith.constant 112 : i32
    %add3A_59 = arith.addi %add3A_30, %add3A_58 : i32
    %dma_wait3A_60 = arith.constant 0 : i32
    %dma_wait3A_61 = tpu.memref_slice %arg2[%add3A_59, %dma_wait3A_60] : memref<32768x2048xf32, #tpu.memory_space<hbm>> -> memref<16x2048xf32, #tpu.memory_space<hbm>>
    %dma_wait3A_62 = arith.constant 0 : i32
    %dma_wait3A_63 = tpu.memref_slice %arg2[%add3A_59, %dma_wait3A_62] : memref<32768x2048xf32, #tpu.memory_space<hbm>> -> memref<16x2048xf32, #tpu.memory_space<hbm>>
    tpu.wait_dma2 semaphore(%arg10 : memref<!tpu.dma_semaphore, #tpu.memory_space<semaphore_mem>>) src(%dma_wait3A_63 : memref<16x2048xf32, #tpu.memory_space<hbm>>) dst(%arg7 : memref<16x2048xf32, #tpu.memory_space<vmem>>)
    %get3A_64 = arith.constant 7 : i32
    %get3A_65 = arith.index_cast %get3A_64 : i32 to index
    %get3A_66 = arith.constant 0 : index
    %get3A_67 = tpu.vector_load %arg5[%get3A_65, %get3A_66] {strides = array<i32>} : memref<8x16xi32, #tpu.memory_space<vmem>>, vector<1x16xi32>,
    %get3A_68 = vector.shape_cast %get3A_67 : vector<1x16xi32> to vector<16xi32>
    %slice3A_69 = vector.extract_strided_slice %get3A_68 {offsets = [0], sizes = [1], strides = [1]} : vector<16xi32> to vector<1xi32>
    %squeeze3A_70 = vector.extract %slice3A_69[0] : i32 from vector<1xi32>
    %slice3A_71 = vector.extract_strided_slice %get3A_68 {offsets = [15], sizes = [1], strides = [1]} : vector<16xi32> to vector<1xi32>
    %squeeze3A_72 = vector.extract %slice3A_71[0] : i32 from vector<1xi32>
    %eq3A_73 = arith.cmpi eq, %squeeze3A_70, %squeeze3A_72 : i32
    %convert_element_type3A_74 = arith.extui %eq3A_73 : i1 to i32
    %cond3A_75 = arith.constant 0 : i32
    %cond3A_76 = arith.cmpi ne, %convert_element_type3A_74, %cond3A_75 : i32
    scf.if %cond3A_76 {
      %scan3A_98 = arith.constant 0 : i32
      %scan3A_99 = arith.constant 64 : i32
      %scan3A_100 = arith.addi %scan3A_98, %scan3A_99 : i32
      %scan3A_101 = arith.constant 1 : i32
      scf.for %scan3A_103 = %scan3A_98 to %scan3A_100 step %scan3A_101  : i32 {
        %mul3A_104 = arith.constant 32 : i32
        %mul3A_105 = arith.muli %scan3A_103, %mul3A_104 : i32
        %add3A_106 = arith.constant 0 : i32
        %add3A_107 = arith.addi %add3A_106, %mul3A_105 : i32
        %add3A_108 = arith.constant 16 : i32
        %add3A_109 = arith.addi %add3A_107, %add3A_108 : i32
        %get3A_110 = arith.constant 0 : i32
        %get3A_111 = arith.index_cast %get3A_110 : i32 to index
        %get3A_112 = arith.index_cast %add3A_107 : i32 to index
        %get3A_113 = tpu.vector_load %arg7[%get3A_111, %get3A_112] {strides = array<i32>} : memref<16x2048xf32, #tpu.memory_space<vmem>>, vector<1x16xf32>,
        %get3A_114 = vector.shape_cast %get3A_113 : vector<1x16xf32> to vector<16xf32>
        %get3A_115 = arith.constant 1 : i32
        %get3A_116 = arith.index_cast %get3A_115 : i32 to index
        %get3A_117 = arith.index_cast %add3A_107 : i32 to index
        %get3A_118 = tpu.vector_load %arg7[%get3A_116, %get3A_117] {strides = array<i32>} : memref<16x2048xf32, #tpu.memory_space<vmem>>, vector<1x16xf32>,
        %get3A_119 = vector.shape_cast %get3A_118 : vector<1x16xf32> to vector<16xf32>
        %get3A_120 = arith.constant 2 : i32
        %get3A_121 = arith.index_cast %get3A_120 : i32 to index
        %get3A_122 = arith.index_cast %add3A_107 : i32 to index
        %get3A_123 = tpu.vector_load %arg7[%get3A_121, %get3A_122] {strides = array<i32>} : memref<16x2048xf32, #tpu.memory_space<vmem>>, vector<1x16xf32>,
        %get3A_124 = vector.shape_cast %get3A_123 : vector<1x16xf32> to vector<16xf32>
        %get3A_125 = arith.constant 3 : i32
        %get3A_126 = arith.index_cast %get3A_125 : i32 to index
        %get3A_127 = arith.index_cast %add3A_107 : i32 to index
        %get3A_128 = tpu.vector_load %arg7[%get3A_126, %get3A_127] {strides = array<i32>} : memref<16x2048xf32, #tpu.memory_space<vmem>>, vector<1x16xf32>,
        %get3A_129 = vector.shape_cast %get3A_128 : vector<1x16xf32> to vector<16xf32>
        %get3A_130 = arith.constant 4 : i32
        %get3A_131 = arith.index_cast %get3A_130 : i32 to index
        %get3A_132 = arith.index_cast %add3A_107 : i32 to index
        %get3A_133 = tpu.vector_load %arg7[%get3A_131, %get3A_132] {strides = array<i32>} : memref<16x2048xf32, #tpu.memory_space<vmem>>, vector<1x16xf32>,
        %get3A_134 = vector.shape_cast %get3A_133 : vector<1x16xf32> to vector<16xf32>
        %get3A_135 = arith.constant 5 : i32
        %get3A_136 = arith.index_cast %get3A_135 : i32 to index
        %get3A_137 = arith.index_cast %add3A_107 : i32 to index
        %get3A_138 = tpu.vector_load %arg7[%get3A_136, %get3A_137] {strides = array<i32>} : memref<16x2048xf32, #tpu.memory_space<vmem>>, vector<1x16xf32>,
        %get3A_139 = vector.shape_cast %get3A_138 : vector<1x16xf32> to vector<16xf32>
        %get3A_140 = arith.constant 6 : i32
        %get3A_141 = arith.index_cast %get3A_140 : i32 to index
        %get3A_142 = arith.index_cast %add3A_107 : i32 to index
        %get3A_143 = tpu.vector_load %arg7[%get3A_141, %get3A_142] {strides = array<i32>} : memref<16x2048xf32, #tpu.memory_space<vmem>>, vector<1x16xf32>,
        %get3A_144 = vector.shape_cast %get3A_143 : vector<1x16xf32> to vector<16xf32>
        %get3A_145 = arith.constant 7 : i32
        %get3A_146 = arith.index_cast %get3A_145 : i32 to index
        %get3A_147 = arith.index_cast %add3A_107 : i32 to index
        %get3A_148 = tpu.vector_load %arg7[%get3A_146, %get3A_147] {strides = array<i32>} : memref<16x2048xf32, #tpu.memory_space<vmem>>, vector<1x16xf32>,
        %get3A_149 = vector.shape_cast %get3A_148 : vector<1x16xf32> to vector<16xf32>
        %get3A_150 = arith.constant 8 : i32
        %get3A_151 = arith.index_cast %get3A_150 : i32 to index
        %get3A_152 = arith.index_cast %add3A_107 : i32 to index
        %get3A_153 = tpu.vector_load %arg7[%get3A_151, %get3A_152] {strides = array<i32>} : memref<16x2048xf32, #tpu.memory_space<vmem>>, vector<1x16xf32>,
        %get3A_154 = vector.shape_cast %get3A_153 : vector<1x16xf32> to vector<16xf32>
        %get3A_155 = arith.constant 9 : i32
        %get3A_156 = arith.index_cast %get3A_155 : i32 to index
        %get3A_157 = arith.index_cast %add3A_107 : i32 to index
        %get3A_158 = tpu.vector_load %arg7[%get3A_156, %get3A_157] {strides = array<i32>} : memref<16x2048xf32, #tpu.memory_space<vmem>>, vector<1x16xf32>,
        %get3A_159 = vector.shape_cast %get3A_158 : vector<1x16xf32> to vector<16xf32>
        %get3A_160 = arith.constant 10 : i32
        %get3A_161 = arith.index_cast %get3A_160 : i32 to index
        %get3A_162 = arith.index_cast %add3A_107 : i32 to index
        %get3A_163 = tpu.vector_load %arg7[%get3A_161, %get3A_162] {strides = array<i32>} : memref<16x2048xf32, #tpu.memory_space<vmem>>, vector<1x16xf32>,
        %get3A_164 = vector.shape_cast %get3A_163 : vector<1x16xf32> to vector<16xf32>
        %get3A_165 = arith.constant 11 : i32
        %get3A_166 = arith.index_cast %get3A_165 : i32 to index
        %get3A_167 = arith.index_cast %add3A_107 : i32 to index
        %get3A_168 = tpu.vector_load %arg7[%get3A_166, %get3A_167] {strides = array<i32>} : memref<16x2048xf32, #tpu.memory_space<vmem>>, vector<1x16xf32>,
        %get3A_169 = vector.shape_cast %get3A_168 : vector<1x16xf32> to vector<16xf32>
        %get3A_170 = arith.constant 12 : i32
        %get3A_171 = arith.index_cast %get3A_170 : i32 to index
        %get3A_172 = arith.index_cast %add3A_107 : i32 to index
        %get3A_173 = tpu.vector_load %arg7[%get3A_171, %get3A_172] {strides = array<i32>} : memref<16x2048xf32, #tpu.memory_space<vmem>>, vector<1x16xf32>,
        %get3A_174 = vector.shape_cast %get3A_173 : vector<1x16xf32> to vector<16xf32>
        %get3A_175 = arith.constant 13 : i32
        %get3A_176 = arith.index_cast %get3A_175 : i32 to index
        %get3A_177 = arith.index_cast %add3A_107 : i32 to index
        %get3A_178 = tpu.vector_load %arg7[%get3A_176, %get3A_177] {strides = array<i32>} : memref<16x2048xf32, #tpu.memory_space<vmem>>, vector<1x16xf32>,
        %get3A_179 = vector.shape_cast %get3A_178 : vector<1x16xf32> to vector<16xf32>
        %get3A_180 = arith.constant 14 : i32
        %get3A_181 = arith.index_cast %get3A_180 : i32 to index
        %get3A_182 = arith.index_cast %add3A_107 : i32 to index
        %get3A_183 = tpu.vector_load %arg7[%get3A_181, %get3A_182] {strides = array<i32>} : memref<16x2048xf32, #tpu.memory_space<vmem>>, vector<1x16xf32>,
        %get3A_184 = vector.shape_cast %get3A_183 : vector<1x16xf32> to vector<16xf32>
        %get3A_185 = arith.constant 15 : i32
        %get3A_186 = arith.index_cast %get3A_185 : i32 to index
        %get3A_187 = arith.index_cast %add3A_107 : i32 to index
        %get3A_188 = tpu.vector_load %arg7[%get3A_186, %get3A_187] {strides = array<i32>} : memref<16x2048xf32, #tpu.memory_space<vmem>>, vector<1x16xf32>,
        %get3A_189 = vector.shape_cast %get3A_188 : vector<1x16xf32> to vector<16xf32>
        %get3A_190 = arith.constant 0 : i32
        %get3A_191 = arith.index_cast %get3A_190 : i32 to index
        %get3A_192 = arith.index_cast %add3A_109 : i32 to index
        %get3A_193 = tpu.vector_load %arg7[%get3A_191, %get3A_192] {strides = array<i32>} : memref<16x2048xf32, #tpu.memory_space<vmem>>, vector<1x16xf32>,
        %get3A_194 = vector.shape_cast %get3A_193 : vector<1x16xf32> to vector<16xf32>
        %get3A_195 = arith.constant 1 : i32
        %get3A_196 = arith.index_cast %get3A_195 : i32 to index
        %get3A_197 = arith.index_cast %add3A_109 : i32 to index
        %get3A_198 = tpu.vector_load %arg7[%get3A_196, %get3A_197] {strides = array<i32>} : memref<16x2048xf32, #tpu.memory_space<vmem>>, vector<1x16xf32>,
        %get3A_199 = vector.shape_cast %get3A_198 : vector<1x16xf32> to vector<16xf32>
        %get3A_200 = arith.constant 2 : i32
        %get3A_201 = arith.index_cast %get3A_200 : i32 to index
        %get3A_202 = arith.index_cast %add3A_109 : i32 to index
        %get3A_203 = tpu.vector_load %arg7[%get3A_201, %get3A_202] {strides = array<i32>} : memref<16x2048xf32, #tpu.memory_space<vmem>>, vector<1x16xf32>,
        %get3A_204 = vector.shape_cast %get3A_203 : vector<1x16xf32> to vector<16xf32>
        %get3A_205 = arith.constant 3 : i32
        %get3A_206 = arith.index_cast %get3A_205 : i32 to index
        %get3A_207 = arith.index_cast %add3A_109 : i32 to index
        %get3A_208 = tpu.vector_load %arg7[%get3A_206, %get3A_207] {strides = array<i32>} : memref<16x2048xf32, #tpu.memory_space<vmem>>, vector<1x16xf32>,
        %get3A_209 = vector.shape_cast %get3A_208 : vector<1x16xf32> to vector<16xf32>
        %get3A_210 = arith.constant 4 : i32
        %get3A_211 = arith.index_cast %get3A_210 : i32 to index
        %get3A_212 = arith.index_cast %add3A_109 : i32 to index
        %get3A_213 = tpu.vector_load %arg7[%get3A_211, %get3A_212] {strides = array<i32>} : memref<16x2048xf32, #tpu.memory_space<vmem>>, vector<1x16xf32>,
        %get3A_214 = vector.shape_cast %get3A_213 : vector<1x16xf32> to vector<16xf32>
        %get3A_215 = arith.constant 5 : i32
        %get3A_216 = arith.index_cast %get3A_215 : i32 to index
        %get3A_217 = arith.index_cast %add3A_109 : i32 to index
        %get3A_218 = tpu.vector_load %arg7[%get3A_216, %get3A_217] {strides = array<i32>} : memref<16x2048xf32, #tpu.memory_space<vmem>>, vector<1x16xf32>,
        %get3A_219 = vector.shape_cast %get3A_218 : vector<1x16xf32> to vector<16xf32>
        %get3A_220 = arith.constant 6 : i32
        %get3A_221 = arith.index_cast %get3A_220 : i32 to index
        %get3A_222 = arith.index_cast %add3A_109 : i32 to index
        %get3A_223 = tpu.vector_load %arg7[%get3A_221, %get3A_222] {strides = array<i32>} : memref<16x2048xf32, #tpu.memory_space<vmem>>, vector<1x16xf32>,
        %get3A_224 = vector.shape_cast %get3A_223 : vector<1x16xf32> to vector<16xf32>
        %get3A_225 = arith.constant 7 : i32
        %get3A_226 = arith.index_cast %get3A_225 : i32 to index
        %get3A_227 = arith.index_cast %add3A_109 : i32 to index
        %get3A_228 = tpu.vector_load %arg7[%get3A_226, %get3A_227] {strides = array<i32>} : memref<16x2048xf32, #tpu.memory_space<vmem>>, vector<1x16xf32>,
        %get3A_229 = vector.shape_cast %get3A_228 : vector<1x16xf32> to vector<16xf32>
        %get3A_230 = arith.constant 8 : i32
        %get3A_231 = arith.index_cast %get3A_230 : i32 to index
        %get3A_232 = arith.index_cast %add3A_109 : i32 to index
        %get3A_233 = tpu.vector_load %arg7[%get3A_231, %get3A_232] {strides = array<i32>} : memref<16x2048xf32, #tpu.memory_space<vmem>>, vector<1x16xf32>,
        %get3A_234 = vector.shape_cast %get3A_233 : vector<1x16xf32> to vector<16xf32>
        %get3A_235 = arith.constant 9 : i32
        %get3A_236 = arith.index_cast %get3A_235 : i32 to index
        %get3A_237 = arith.index_cast %add3A_109 : i32 to index
        %get3A_238 = tpu.vector_load %arg7[%get3A_236, %get3A_237] {strides = array<i32>} : memref<16x2048xf32, #tpu.memory_space<vmem>>, vector<1x16xf32>,
        %get3A_239 = vector.shape_cast %get3A_238 : vector<1x16xf32> to vector<16xf32>
        %get3A_240 = arith.constant 10 : i32
        %get3A_241 = arith.index_cast %get3A_240 : i32 to index
        %get3A_242 = arith.index_cast %add3A_109 : i32 to index
        %get3A_243 = tpu.vector_load %arg7[%get3A_241, %get3A_242] {strides = array<i32>} : memref<16x2048xf32, #tpu.memory_space<vmem>>, vector<1x16xf32>,
        %get3A_244 = vector.shape_cast %get3A_243 : vector<1x16xf32> to vector<16xf32>
        %get3A_245 = arith.constant 11 : i32
        %get3A_246 = arith.index_cast %get3A_245 : i32 to index
        %get3A_247 = arith.index_cast %add3A_109 : i32 to index
        %get3A_248 = tpu.vector_load %arg7[%get3A_246, %get3A_247] {strides = array<i32>} : memref<16x2048xf32, #tpu.memory_space<vmem>>, vector<1x16xf32>,
        %get3A_249 = vector.shape_cast %get3A_248 : vector<1x16xf32> to vector<16xf32>
        %get3A_250 = arith.constant 12 : i32
        %get3A_251 = arith.index_cast %get3A_250 : i32 to index
        %get3A_252 = arith.index_cast %add3A_109 : i32 to index
        %get3A_253 = tpu.vector_load %arg7[%get3A_251, %get3A_252] {strides = array<i32>} : memref<16x2048xf32, #tpu.memory_space<vmem>>, vector<1x16xf32>,
        %get3A_254 = vector.shape_cast %get3A_253 : vector<1x16xf32> to vector<16xf32>
        %get3A_255 = arith.constant 13 : i32
        %get3A_256 = arith.index_cast %get3A_255 : i32 to index
        %get3A_257 = arith.index_cast %add3A_109 : i32 to index
        %get3A_258 = tpu.vector_load %arg7[%get3A_256, %get3A_257] {strides = array<i32>} : memref<16x2048xf32, #tpu.memory_space<vmem>>, vector<1x16xf32>,
        %get3A_259 = vector.shape_cast %get3A_258 : vector<1x16xf32> to vector<16xf32>
        %get3A_260 = arith.constant 14 : i32
        %get3A_261 = arith.index_cast %get3A_260 : i32 to index
        %get3A_262 = arith.index_cast %add3A_109 : i32 to index
        %get3A_263 = tpu.vector_load %arg7[%get3A_261, %get3A_262] {strides = array<i32>} : memref<16x2048xf32, #tpu.memory_space<vmem>>, vector<1x16xf32>,
        %get3A_264 = vector.shape_cast %get3A_263 : vector<1x16xf32> to vector<16xf32>
        %get3A_265 = arith.constant 15 : i32
        %get3A_266 = arith.index_cast %get3A_265 : i32 to index
        %get3A_267 = arith.index_cast %add3A_109 : i32 to index
        %get3A_268 = tpu.vector_load %arg7[%get3A_266, %get3A_267] {strides = array<i32>} : memref<16x2048xf32, #tpu.memory_space<vmem>>, vector<1x16xf32>,
        %get3A_269 = vector.shape_cast %get3A_268 : vector<1x16xf32> to vector<16xf32>
        %add3A_270 = arith.addf %get3A_114, %get3A_119 : vector<16xf32>
        %add3A_271 = arith.addf %get3A_124, %get3A_129 : vector<16xf32>
        %add3A_272 = arith.addf %get3A_134, %get3A_139 : vector<16xf32>
        %add3A_273 = arith.addf %get3A_144, %get3A_149 : vector<16xf32>
        %add3A_274 = arith.addf %get3A_154, %get3A_159 : vector<16xf32>
        %add3A_275 = arith.addf %get3A_164, %get3A_169 : vector<16xf32>
        %add3A_276 = arith.addf %get3A_174, %get3A_179 : vector<16xf32>
        %add3A_277 = arith.addf %get3A_184, %get3A_189 : vector<16xf32>
        %add3A_278 = arith.addf %add3A_270, %add3A_271 : vector<16xf32>
        %add3A_279 = arith.addf %add3A_272, %add3A_273 : vector<16xf32>
        %add3A_280 = arith.addf %add3A_274, %add3A_275 : vector<16xf32>
        %add3A_281 = arith.addf %add3A_276, %add3A_277 : vector<16xf32>
        %add3A_282 = arith.addf %add3A_278, %add3A_279 : vector<16xf32>
        %add3A_283 = arith.addf %add3A_280, %add3A_281 : vector<16xf32>
        %add3A_284 = arith.addf %add3A_282, %add3A_283 : vector<16xf32>
        %add3A_285 = arith.addf %get3A_194, %get3A_199 : vector<16xf32>
        %add3A_286 = arith.addf %get3A_204, %get3A_209 : vector<16xf32>
        %add3A_287 = arith.addf %get3A_214, %get3A_219 : vector<16xf32>
        %add3A_288 = arith.addf %get3A_224, %get3A_229 : vector<16xf32>
        %add3A_289 = arith.addf %get3A_234, %get3A_239 : vector<16xf32>
        %add3A_290 = arith.addf %get3A_244, %get3A_249 : vector<16xf32>
        %add3A_291 = arith.addf %get3A_254, %get3A_259 : vector<16xf32>
        %add3A_292 = arith.addf %get3A_264, %get3A_269 : vector<16xf32>
        %add3A_293 = arith.addf %add3A_285, %add3A_286 : vector<16xf32>
        %add3A_294 = arith.addf %add3A_287, %add3A_288 : vector<16xf32>
        %add3A_295 = arith.addf %add3A_289, %add3A_290 : vector<16xf32>
        %add3A_296 = arith.addf %add3A_291, %add3A_292 : vector<16xf32>
        %add3A_297 = arith.addf %add3A_293, %add3A_294 : vector<16xf32>
        %add3A_298 = arith.addf %add3A_295, %add3A_296 : vector<16xf32>
        %add3A_299 = arith.addf %add3A_297, %add3A_298 : vector<16xf32>
        %swap3A = arith.index_cast %squeeze3A_70 : i32 to index
        %swap3A_300 = arith.index_cast %add3A_107 : i32 to index
        %swap3A_301 = tpu.vector_load %arg8[%swap3A, %swap3A_300] {strides = array<i32>} : memref<16x2048xf32, #tpu.memory_space<vmem>>, vector<1x16xf32>,
        %swap3A_302 = vector.shape_cast %swap3A_301 : vector<1x16xf32> to vector<16xf32>
        %swap3A_303 = vector.shape_cast %add3A_284 : vector<16xf32> to vector<1x16xf32>
        tpu.vector_store %arg8[%swap3A, %swap3A_300], %swap3A_303 {add = true, strides = array<i32>} : memref<16x2048xf32, #tpu.memory_space<vmem>>, vector<1x16xf32>,
        %swap3A_304 = arith.index_cast %squeeze3A_70 : i32 to index
        %swap3A_305 = arith.index_cast %add3A_109 : i32 to index
        %swap3A_306 = tpu.vector_load %arg8[%swap3A_304, %swap3A_305] {strides = array<i32>} : memref<16x2048xf32, #tpu.memory_space<vmem>>, vector<1x16xf32>,
        %swap3A_307 = vector.shape_cast %swap3A_306 : vector<1x16xf32> to vector<16xf32>
        %swap3A_308 = vector.shape_cast %add3A_299 : vector<16xf32> to vector<1x16xf32>
        tpu.vector_store %arg8[%swap3A_304, %swap3A_305], %swap3A_308 {add = true, strides = array<i32>} : memref<16x2048xf32, #tpu.memory_space<vmem>>, vector<1x16xf32>,
      }
      %scan3A_102 = arith.constant 64 : i32
    } else {
    }
    %not3A_77 = arith.constant true
    %not3A_78 = arith.xori %eq3A_73, %not3A_77 : i1
    %convert_element_type3A_79 = arith.extui %not3A_78 : i1 to i32
    %cond3A_80 = arith.constant 0 : i32
    %cond3A_81 = arith.cmpi ne, %convert_element_type3A_79, %cond3A_80 : i32
    scf.if %cond3A_81 {
      %slice3A_98 = vector.extract_strided_slice %get3A_68 {offsets = [0], sizes = [1], strides = [1]} : vector<16xi32> to vector<1xi32>
      %squeeze3A_99 = vector.extract %slice3A_98[0] : i32 from vector<1xi32>
      %scan3A_100 = arith.constant 0 : i32
      %scan3A_101 = arith.constant 128 : i32
      %scan3A_102 = arith.addi %scan3A_100, %scan3A_101 : i32
      %scan3A_103 = arith.constant 1 : i32
      scf.for %scan3A_210 = %scan3A_100 to %scan3A_102 step %scan3A_103  : i32 {
        %mul3A_211 = arith.constant 16 : i32
        %mul3A_212 = arith.muli %scan3A_210, %mul3A_211 : i32
        %add3A_213 = arith.constant 0 : i32
        %add3A_214 = arith.addi %add3A_213, %mul3A_212 : i32
        %get3A_215 = arith.constant 0 : i32
        %get3A_216 = arith.index_cast %get3A_215 : i32 to index
        %get3A_217 = arith.index_cast %add3A_214 : i32 to index
        %get3A_218 = tpu.vector_load %arg7[%get3A_216, %get3A_217] {strides = array<i32>} : memref<16x2048xf32, #tpu.memory_space<vmem>>, vector<1x16xf32>,
        %get3A_219 = vector.shape_cast %get3A_218 : vector<1x16xf32> to vector<16xf32>
        %swap3A = arith.index_cast %squeeze3A_99 : i32 to index
        %swap3A_220 = arith.index_cast %add3A_214 : i32 to index
        %swap3A_221 = tpu.vector_load %arg8[%swap3A, %swap3A_220] {strides = array<i32>} : memref<16x2048xf32, #tpu.memory_space<vmem>>, vector<1x16xf32>,
        %swap3A_222 = vector.shape_cast %swap3A_221 : vector<1x16xf32> to vector<16xf32>
        %swap3A_223 = vector.shape_cast %get3A_219 : vector<16xf32> to vector<1x16xf32>
        tpu.vector_store %arg8[%swap3A, %swap3A_220], %swap3A_223 {add = true, strides = array<i32>} : memref<16x2048xf32, #tpu.memory_space<vmem>>, vector<1x16xf32>,
      }
      %scan3A_104 = arith.constant 128 : i32
      %slice3A_105 = vector.extract_strided_slice %get3A_68 {offsets = [1], sizes = [1], strides = [1]} : vector<16xi32> to vector<1xi32>
      %squeeze3A_106 = vector.extract %slice3A_105[0] : i32 from vector<1xi32>
      %scan3A_107 = arith.constant 0 : i32
      %scan3A_108 = arith.constant 128 : i32
      %scan3A_109 = arith.addi %scan3A_107, %scan3A_108 : i32
      %scan3A_110 = arith.constant 1 : i32
      scf.for %scan3A_210 = %scan3A_107 to %scan3A_109 step %scan3A_110  : i32 {
        %mul3A_211 = arith.constant 16 : i32
        %mul3A_212 = arith.muli %scan3A_210, %mul3A_211 : i32
        %add3A_213 = arith.constant 0 : i32
        %add3A_214 = arith.addi %add3A_213, %mul3A_212 : i32
        %get3A_215 = arith.constant 1 : i32
        %get3A_216 = arith.index_cast %get3A_215 : i32 to index
        %get3A_217 = arith.index_cast %add3A_214 : i32 to index
        %get3A_218 = tpu.vector_load %arg7[%get3A_216, %get3A_217] {strides = array<i32>} : memref<16x2048xf32, #tpu.memory_space<vmem>>, vector<1x16xf32>,
        %get3A_219 = vector.shape_cast %get3A_218 : vector<1x16xf32> to vector<16xf32>
        %swap3A = arith.index_cast %squeeze3A_106 : i32 to index
        %swap3A_220 = arith.index_cast %add3A_214 : i32 to index
        %swap3A_221 = tpu.vector_load %arg8[%swap3A, %swap3A_220] {strides = array<i32>} : memref<16x2048xf32, #tpu.memory_space<vmem>>, vector<1x16xf32>,
        %swap3A_222 = vector.shape_cast %swap3A_221 : vector<1x16xf32> to vector<16xf32>
        %swap3A_223 = vector.shape_cast %get3A_219 : vector<16xf32> to vector<1x16xf32>
        tpu.vector_store %arg8[%swap3A, %swap3A_220], %swap3A_223 {add = true, strides = array<i32>} : memref<16x2048xf32, #tpu.memory_space<vmem>>, vector<1x16xf32>,
      }
      %scan3A_111 = arith.constant 128 : i32
      %slice3A_112 = vector.extract_strided_slice %get3A_68 {offsets = [2], sizes = [1], strides = [1]} : vector<16xi32> to vector<1xi32>
      %squeeze3A_113 = vector.extract %slice3A_112[0] : i32 from vector<1xi32>
      %scan3A_114 = arith.constant 0 : i32
      %scan3A_115 = arith.constant 128 : i32
      %scan3A_116 = arith.addi %scan3A_114, %scan3A_115 : i32
      %scan3A_117 = arith.constant 1 : i32
      scf.for %scan3A_210 = %scan3A_114 to %scan3A_116 step %scan3A_117  : i32 {
        %mul3A_211 = arith.constant 16 : i32
        %mul3A_212 = arith.muli %scan3A_210, %mul3A_211 : i32
        %add3A_213 = arith.constant 0 : i32
        %add3A_214 = arith.addi %add3A_213, %mul3A_212 : i32
        %get3A_215 = arith.constant 2 : i32
        %get3A_216 = arith.index_cast %get3A_215 : i32 to index
        %get3A_217 = arith.index_cast %add3A_214 : i32 to index
        %get3A_218 = tpu.vector_load %arg7[%get3A_216, %get3A_217] {strides = array<i32>} : memref<16x2048xf32, #tpu.memory_space<vmem>>, vector<1x16xf32>,
        %get3A_219 = vector.shape_cast %get3A_218 : vector<1x16xf32> to vector<16xf32>
        %swap3A = arith.index_cast %squeeze3A_113 : i32 to index
        %swap3A_220 = arith.index_cast %add3A_214 : i32 to index
        %swap3A_221 = tpu.vector_load %arg8[%swap3A, %swap3A_220] {strides = array<i32>} : memref<16x2048xf32, #tpu.memory_space<vmem>>, vector<1x16xf32>,
        %swap3A_222 = vector.shape_cast %swap3A_221 : vector<1x16xf32> to vector<16xf32>
        %swap3A_223 = vector.shape_cast %get3A_219 : vector<16xf32> to vector<1x16xf32>
        tpu.vector_store %arg8[%swap3A, %swap3A_220], %swap3A_223 {add = true, strides = array<i32>} : memref<16x2048xf32, #tpu.memory_space<vmem>>, vector<1x16xf32>,
      }
      %scan3A_118 = arith.constant 128 : i32
      %slice3A_119 = vector.extract_strided_slice %get3A_68 {offsets = [3], sizes = [1], strides = [1]} : vector<16xi32> to vector<1xi32>
      %squeeze3A_120 = vector.extract %slice3A_119[0] : i32 from vector<1xi32>
      %scan3A_121 = arith.constant 0 : i32
      %scan3A_122 = arith.constant 128 : i32
      %scan3A_123 = arith.addi %scan3A_121, %scan3A_122 : i32
      %scan3A_124 = arith.constant 1 : i32
      scf.for %scan3A_210 = %scan3A_121 to %scan3A_123 step %scan3A_124  : i32 {
        %mul3A_211 = arith.constant 16 : i32
        %mul3A_212 = arith.muli %scan3A_210, %mul3A_211 : i32
        %add3A_213 = arith.constant 0 : i32
        %add3A_214 = arith.addi %add3A_213, %mul3A_212 : i32
        %get3A_215 = arith.constant 3 : i32
        %get3A_216 = arith.index_cast %get3A_215 : i32 to index
        %get3A_217 = arith.index_cast %add3A_214 : i32 to index
        %get3A_218 = tpu.vector_load %arg7[%get3A_216, %get3A_217] {strides = array<i32>} : memref<16x2048xf32, #tpu.memory_space<vmem>>, vector<1x16xf32>,
        %get3A_219 = vector.shape_cast %get3A_218 : vector<1x16xf32> to vector<16xf32>
        %swap3A = arith.index_cast %squeeze3A_120 : i32 to index
        %swap3A_220 = arith.index_cast %add3A_214 : i32 to index
        %swap3A_221 = tpu.vector_load %arg8[%swap3A, %swap3A_220] {strides = array<i32>} : memref<16x2048xf32, #tpu.memory_space<vmem>>, vector<1x16xf32>,
        %swap3A_222 = vector.shape_cast %swap3A_221 : vector<1x16xf32> to vector<16xf32>
        %swap3A_223 = vector.shape_cast %get3A_219 : vector<16xf32> to vector<1x16xf32>
        tpu.vector_store %arg8[%swap3A, %swap3A_220], %swap3A_223 {add = true, strides = array<i32>} : memref<16x2048xf32, #tpu.memory_space<vmem>>, vector<1x16xf32>,
      }
      %scan3A_125 = arith.constant 128 : i32
      %slice3A_126 = vector.extract_strided_slice %get3A_68 {offsets = [4], sizes = [1], strides = [1]} : vector<16xi32> to vector<1xi32>
      %squeeze3A_127 = vector.extract %slice3A_126[0] : i32 from vector<1xi32>
      %scan3A_128 = arith.constant 0 : i32
      %scan3A_129 = arith.constant 128 : i32
      %scan3A_130 = arith.addi %scan3A_128, %scan3A_129 : i32
      %scan3A_131 = arith.constant 1 : i32
      scf.for %scan3A_210 = %scan3A_128 to %scan3A_130 step %scan3A_131  : i32 {
        %mul3A_211 = arith.constant 16 : i32
        %mul3A_212 = arith.muli %scan3A_210, %mul3A_211 : i32
        %add3A_213 = arith.constant 0 : i32
        %add3A_214 = arith.addi %add3A_213, %mul3A_212 : i32
        %get3A_215 = arith.constant 4 : i32
        %get3A_216 = arith.index_cast %get3A_215 : i32 to index
        %get3A_217 = arith.index_cast %add3A_214 : i32 to index
        %get3A_218 = tpu.vector_load %arg7[%get3A_216, %get3A_217] {strides = array<i32>} : memref<16x2048xf32, #tpu.memory_space<vmem>>, vector<1x16xf32>,
        %get3A_219 = vector.shape_cast %get3A_218 : vector<1x16xf32> to vector<16xf32>
        %swap3A = arith.index_cast %squeeze3A_127 : i32 to index
        %swap3A_220 = arith.index_cast %add3A_214 : i32 to index
        %swap3A_221 = tpu.vector_load %arg8[%swap3A, %swap3A_220] {strides = array<i32>} : memref<16x2048xf32, #tpu.memory_space<vmem>>, vector<1x16xf32>,
        %swap3A_222 = vector.shape_cast %swap3A_221 : vector<1x16xf32> to vector<16xf32>
        %swap3A_223 = vector.shape_cast %get3A_219 : vector<16xf32> to vector<1x16xf32>
        tpu.vector_store %arg8[%swap3A, %swap3A_220], %swap3A_223 {add = true, strides = array<i32>} : memref<16x2048xf32, #tpu.memory_space<vmem>>, vector<1x16xf32>,
      }
      %scan3A_132 = arith.constant 128 : i32
      %slice3A_133 = vector.extract_strided_slice %get3A_68 {offsets = [5], sizes = [1], strides = [1]} : vector<16xi32> to vector<1xi32>
      %squeeze3A_134 = vector.extract %slice3A_133[0] : i32 from vector<1xi32>
      %scan3A_135 = arith.constant 0 : i32
      %scan3A_136 = arith.constant 128 : i32
      %scan3A_137 = arith.addi %scan3A_135, %scan3A_136 : i32
      %scan3A_138 = arith.constant 1 : i32
      scf.for %scan3A_210 = %scan3A_135 to %scan3A_137 step %scan3A_138  : i32 {
        %mul3A_211 = arith.constant 16 : i32
        %mul3A_212 = arith.muli %scan3A_210, %mul3A_211 : i32
        %add3A_213 = arith.constant 0 : i32
        %add3A_214 = arith.addi %add3A_213, %mul3A_212 : i32
        %get3A_215 = arith.constant 5 : i32
        %get3A_216 = arith.index_cast %get3A_215 : i32 to index
        %get3A_217 = arith.index_cast %add3A_214 : i32 to index
        %get3A_218 = tpu.vector_load %arg7[%get3A_216, %get3A_217] {strides = array<i32>} : memref<16x2048xf32, #tpu.memory_space<vmem>>, vector<1x16xf32>,
        %get3A_219 = vector.shape_cast %get3A_218 : vector<1x16xf32> to vector<16xf32>
        %swap3A = arith.index_cast %squeeze3A_134 : i32 to index
        %swap3A_220 = arith.index_cast %add3A_214 : i32 to index
        %swap3A_221 = tpu.vector_load %arg8[%swap3A, %swap3A_220] {strides = array<i32>} : memref<16x2048xf32, #tpu.memory_space<vmem>>, vector<1x16xf32>,
        %swap3A_222 = vector.shape_cast %swap3A_221 : vector<1x16xf32> to vector<16xf32>
        %swap3A_223 = vector.shape_cast %get3A_219 : vector<16xf32> to vector<1x16xf32>
        tpu.vector_store %arg8[%swap3A, %swap3A_220], %swap3A_223 {add = true, strides = array<i32>} : memref<16x2048xf32, #tpu.memory_space<vmem>>, vector<1x16xf32>,
      }
      %scan3A_139 = arith.constant 128 : i32
      %slice3A_140 = vector.extract_strided_slice %get3A_68 {offsets = [6], sizes = [1], strides = [1]} : vector<16xi32> to vector<1xi32>
      %squeeze3A_141 = vector.extract %slice3A_140[0] : i32 from vector<1xi32>
      %scan3A_142 = arith.constant 0 : i32
      %scan3A_143 = arith.constant 128 : i32
      %scan3A_144 = arith.addi %scan3A_142, %scan3A_143 : i32
      %scan3A_145 = arith.constant 1 : i32
      scf.for %scan3A_210 = %scan3A_142 to %scan3A_144 step %scan3A_145  : i32 {
        %mul3A_211 = arith.constant 16 : i32
        %mul3A_212 = arith.muli %scan3A_210, %mul3A_211 : i32
        %add3A_213 = arith.constant 0 : i32
        %add3A_214 = arith.addi %add3A_213, %mul3A_212 : i32
        %get3A_215 = arith.constant 6 : i32
        %get3A_216 = arith.index_cast %get3A_215 : i32 to index
        %get3A_217 = arith.index_cast %add3A_214 : i32 to index
        %get3A_218 = tpu.vector_load %arg7[%get3A_216, %get3A_217] {strides = array<i32>} : memref<16x2048xf32, #tpu.memory_space<vmem>>, vector<1x16xf32>,
        %get3A_219 = vector.shape_cast %get3A_218 : vector<1x16xf32> to vector<16xf32>
        %swap3A = arith.index_cast %squeeze3A_141 : i32 to index
        %swap3A_220 = arith.index_cast %add3A_214 : i32 to index
        %swap3A_221 = tpu.vector_load %arg8[%swap3A, %swap3A_220] {strides = array<i32>} : memref<16x2048xf32, #tpu.memory_space<vmem>>, vector<1x16xf32>,
        %swap3A_222 = vector.shape_cast %swap3A_221 : vector<1x16xf32> to vector<16xf32>
        %swap3A_223 = vector.shape_cast %get3A_219 : vector<16xf32> to vector<1x16xf32>
        tpu.vector_store %arg8[%swap3A, %swap3A_220], %swap3A_223 {add = true, strides = array<i32>} : memref<16x2048xf32, #tpu.memory_space<vmem>>, vector<1x16xf32>,
      }
      %scan3A_146 = arith.constant 128 : i32
      %slice3A_147 = vector.extract_strided_slice %get3A_68 {offsets = [7], sizes = [1], strides = [1]} : vector<16xi32> to vector<1xi32>
      %squeeze3A_148 = vector.extract %slice3A_147[0] : i32 from vector<1xi32>
      %scan3A_149 = arith.constant 0 : i32
      %scan3A_150 = arith.constant 128 : i32
      %scan3A_151 = arith.addi %scan3A_149, %scan3A_150 : i32
      %scan3A_152 = arith.constant 1 : i32
      scf.for %scan3A_210 = %scan3A_149 to %scan3A_151 step %scan3A_152  : i32 {
        %mul3A_211 = arith.constant 16 : i32
        %mul3A_212 = arith.muli %scan3A_210, %mul3A_211 : i32
        %add3A_213 = arith.constant 0 : i32
        %add3A_214 = arith.addi %add3A_213, %mul3A_212 : i32
        %get3A_215 = arith.constant 7 : i32
        %get3A_216 = arith.index_cast %get3A_215 : i32 to index
        %get3A_217 = arith.index_cast %add3A_214 : i32 to index
        %get3A_218 = tpu.vector_load %arg7[%get3A_216, %get3A_217] {strides = array<i32>} : memref<16x2048xf32, #tpu.memory_space<vmem>>, vector<1x16xf32>,
        %get3A_219 = vector.shape_cast %get3A_218 : vector<1x16xf32> to vector<16xf32>
        %swap3A = arith.index_cast %squeeze3A_148 : i32 to index
        %swap3A_220 = arith.index_cast %add3A_214 : i32 to index
        %swap3A_221 = tpu.vector_load %arg8[%swap3A, %swap3A_220] {strides = array<i32>} : memref<16x2048xf32, #tpu.memory_space<vmem>>, vector<1x16xf32>,
        %swap3A_222 = vector.shape_cast %swap3A_221 : vector<1x16xf32> to vector<16xf32>
        %swap3A_223 = vector.shape_cast %get3A_219 : vector<16xf32> to vector<1x16xf32>
        tpu.vector_store %arg8[%swap3A, %swap3A_220], %swap3A_223 {add = true, strides = array<i32>} : memref<16x2048xf32, #tpu.memory_space<vmem>>, vector<1x16xf32>,
      }
      %scan3A_153 = arith.constant 128 : i32
      %slice3A_154 = vector.extract_strided_slice %get3A_68 {offsets = [8], sizes = [1], strides = [1]} : vector<16xi32> to vector<1xi32>
      %squeeze3A_155 = vector.extract %slice3A_154[0] : i32 from vector<1xi32>
      %scan3A_156 = arith.constant 0 : i32
      %scan3A_157 = arith.constant 128 : i32
      %scan3A_158 = arith.addi %scan3A_156, %scan3A_157 : i32
      %scan3A_159 = arith.constant 1 : i32
      scf.for %scan3A_210 = %scan3A_156 to %scan3A_158 step %scan3A_159  : i32 {
        %mul3A_211 = arith.constant 16 : i32
        %mul3A_212 = arith.muli %scan3A_210, %mul3A_211 : i32
        %add3A_213 = arith.constant 0 : i32
        %add3A_214 = arith.addi %add3A_213, %mul3A_212 : i32
        %get3A_215 = arith.constant 8 : i32
        %get3A_216 = arith.index_cast %get3A_215 : i32 to index
        %get3A_217 = arith.index_cast %add3A_214 : i32 to index
        %get3A_218 = tpu.vector_load %arg7[%get3A_216, %get3A_217] {strides = array<i32>} : memref<16x2048xf32, #tpu.memory_space<vmem>>, vector<1x16xf32>,
        %get3A_219 = vector.shape_cast %get3A_218 : vector<1x16xf32> to vector<16xf32>
        %swap3A = arith.index_cast %squeeze3A_155 : i32 to index
        %swap3A_220 = arith.index_cast %add3A_214 : i32 to index
        %swap3A_221 = tpu.vector_load %arg8[%swap3A, %swap3A_220] {strides = array<i32>} : memref<16x2048xf32, #tpu.memory_space<vmem>>, vector<1x16xf32>,
        %swap3A_222 = vector.shape_cast %swap3A_221 : vector<1x16xf32> to vector<16xf32>
        %swap3A_223 = vector.shape_cast %get3A_219 : vector<16xf32> to vector<1x16xf32>
        tpu.vector_store %arg8[%swap3A, %swap3A_220], %swap3A_223 {add = true, strides = array<i32>} : memref<16x2048xf32, #tpu.memory_space<vmem>>, vector<1x16xf32>,
      }
      %scan3A_160 = arith.constant 128 : i32
      %slice3A_161 = vector.extract_strided_slice %get3A_68 {offsets = [9], sizes = [1], strides = [1]} : vector<16xi32> to vector<1xi32>
      %squeeze3A_162 = vector.extract %slice3A_161[0] : i32 from vector<1xi32>
      %scan3A_163 = arith.constant 0 : i32
      %scan3A_164 = arith.constant 128 : i32
      %scan3A_165 = arith.addi %scan3A_163, %scan3A_164 : i32
      %scan3A_166 = arith.constant 1 : i32
      scf.for %scan3A_210 = %scan3A_163 to %scan3A_165 step %scan3A_166  : i32 {
        %mul3A_211 = arith.constant 16 : i32
        %mul3A_212 = arith.muli %scan3A_210, %mul3A_211 : i32
        %add3A_213 = arith.constant 0 : i32
        %add3A_214 = arith.addi %add3A_213, %mul3A_212 : i32
        %get3A_215 = arith.constant 9 : i32
        %get3A_216 = arith.index_cast %get3A_215 : i32 to index
        %get3A_217 = arith.index_cast %add3A_214 : i32 to index
        %get3A_218 = tpu.vector_load %arg7[%get3A_216, %get3A_217] {strides = array<i32>} : memref<16x2048xf32, #tpu.memory_space<vmem>>, vector<1x16xf32>,
        %get3A_219 = vector.shape_cast %get3A_218 : vector<1x16xf32> to vector<16xf32>
        %swap3A = arith.index_cast %squeeze3A_162 : i32 to index
        %swap3A_220 = arith.index_cast %add3A_214 : i32 to index
        %swap3A_221 = tpu.vector_load %arg8[%swap3A, %swap3A_220] {strides = array<i32>} : memref<16x2048xf32, #tpu.memory_space<vmem>>, vector<1x16xf32>,
        %swap3A_222 = vector.shape_cast %swap3A_221 : vector<1x16xf32> to vector<16xf32>
        %swap3A_223 = vector.shape_cast %get3A_219 : vector<16xf32> to vector<1x16xf32>
        tpu.vector_store %arg8[%swap3A, %swap3A_220], %swap3A_223 {add = true, strides = array<i32>} : memref<16x2048xf32, #tpu.memory_space<vmem>>, vector<1x16xf32>,
      }
      %scan3A_167 = arith.constant 128 : i32
      %slice3A_168 = vector.extract_strided_slice %get3A_68 {offsets = [10], sizes = [1], strides = [1]} : vector<16xi32> to vector<1xi32>
      %squeeze3A_169 = vector.extract %slice3A_168[0] : i32 from vector<1xi32>
      %scan3A_170 = arith.constant 0 : i32
      %scan3A_171 = arith.constant 128 : i32
      %scan3A_172 = arith.addi %scan3A_170, %scan3A_171 : i32
      %scan3A_173 = arith.constant 1 : i32
      scf.for %scan3A_210 = %scan3A_170 to %scan3A_172 step %scan3A_173  : i32 {
        %mul3A_211 = arith.constant 16 : i32
        %mul3A_212 = arith.muli %scan3A_210, %mul3A_211 : i32
        %add3A_213 = arith.constant 0 : i32
        %add3A_214 = arith.addi %add3A_213, %mul3A_212 : i32
        %get3A_215 = arith.constant 10 : i32
        %get3A_216 = arith.index_cast %get3A_215 : i32 to index
        %get3A_217 = arith.index_cast %add3A_214 : i32 to index
        %get3A_218 = tpu.vector_load %arg7[%get3A_216, %get3A_217] {strides = array<i32>} : memref<16x2048xf32, #tpu.memory_space<vmem>>, vector<1x16xf32>,
        %get3A_219 = vector.shape_cast %get3A_218 : vector<1x16xf32> to vector<16xf32>
        %swap3A = arith.index_cast %squeeze3A_169 : i32 to index
        %swap3A_220 = arith.index_cast %add3A_214 : i32 to index
        %swap3A_221 = tpu.vector_load %arg8[%swap3A, %swap3A_220] {strides = array<i32>} : memref<16x2048xf32, #tpu.memory_space<vmem>>, vector<1x16xf32>,
        %swap3A_222 = vector.shape_cast %swap3A_221 : vector<1x16xf32> to vector<16xf32>
        %swap3A_223 = vector.shape_cast %get3A_219 : vector<16xf32> to vector<1x16xf32>
        tpu.vector_store %arg8[%swap3A, %swap3A_220], %swap3A_223 {add = true, strides = array<i32>} : memref<16x2048xf32, #tpu.memory_space<vmem>>, vector<1x16xf32>,
      }
      %scan3A_174 = arith.constant 128 : i32
      %slice3A_175 = vector.extract_strided_slice %get3A_68 {offsets = [11], sizes = [1], strides = [1]} : vector<16xi32> to vector<1xi32>
      %squeeze3A_176 = vector.extract %slice3A_175[0] : i32 from vector<1xi32>
      %scan3A_177 = arith.constant 0 : i32
      %scan3A_178 = arith.constant 128 : i32
      %scan3A_179 = arith.addi %scan3A_177, %scan3A_178 : i32
      %scan3A_180 = arith.constant 1 : i32
      scf.for %scan3A_210 = %scan3A_177 to %scan3A_179 step %scan3A_180  : i32 {
        %mul3A_211 = arith.constant 16 : i32
        %mul3A_212 = arith.muli %scan3A_210, %mul3A_211 : i32
        %add3A_213 = arith.constant 0 : i32
        %add3A_214 = arith.addi %add3A_213, %mul3A_212 : i32
        %get3A_215 = arith.constant 11 : i32
        %get3A_216 = arith.index_cast %get3A_215 : i32 to index
        %get3A_217 = arith.index_cast %add3A_214 : i32 to index
        %get3A_218 = tpu.vector_load %arg7[%get3A_216, %get3A_217] {strides = array<i32>} : memref<16x2048xf32, #tpu.memory_space<vmem>>, vector<1x16xf32>,
        %get3A_219 = vector.shape_cast %get3A_218 : vector<1x16xf32> to vector<16xf32>
        %swap3A = arith.index_cast %squeeze3A_176 : i32 to index
        %swap3A_220 = arith.index_cast %add3A_214 : i32 to index
        %swap3A_221 = tpu.vector_load %arg8[%swap3A, %swap3A_220] {strides = array<i32>} : memref<16x2048xf32, #tpu.memory_space<vmem>>, vector<1x16xf32>,
        %swap3A_222 = vector.shape_cast %swap3A_221 : vector<1x16xf32> to vector<16xf32>
        %swap3A_223 = vector.shape_cast %get3A_219 : vector<16xf32> to vector<1x16xf32>
        tpu.vector_store %arg8[%swap3A, %swap3A_220], %swap3A_223 {add = true, strides = array<i32>} : memref<16x2048xf32, #tpu.memory_space<vmem>>, vector<1x16xf32>,
      }
      %scan3A_181 = arith.constant 128 : i32
      %slice3A_182 = vector.extract_strided_slice %get3A_68 {offsets = [12], sizes = [1], strides = [1]} : vector<16xi32> to vector<1xi32>
      %squeeze3A_183 = vector.extract %slice3A_182[0] : i32 from vector<1xi32>
      %scan3A_184 = arith.constant 0 : i32
      %scan3A_185 = arith.constant 128 : i32
      %scan3A_186 = arith.addi %scan3A_184, %scan3A_185 : i32
      %scan3A_187 = arith.constant 1 : i32
      scf.for %scan3A_210 = %scan3A_184 to %scan3A_186 step %scan3A_187  : i32 {
        %mul3A_211 = arith.constant 16 : i32
        %mul3A_212 = arith.muli %scan3A_210, %mul3A_211 : i32
        %add3A_213 = arith.constant 0 : i32
        %add3A_214 = arith.addi %add3A_213, %mul3A_212 : i32
        %get3A_215 = arith.constant 12 : i32
        %get3A_216 = arith.index_cast %get3A_215 : i32 to index
        %get3A_217 = arith.index_cast %add3A_214 : i32 to index
        %get3A_218 = tpu.vector_load %arg7[%get3A_216, %get3A_217] {strides = array<i32>} : memref<16x2048xf32, #tpu.memory_space<vmem>>, vector<1x16xf32>,
        %get3A_219 = vector.shape_cast %get3A_218 : vector<1x16xf32> to vector<16xf32>
        %swap3A = arith.index_cast %squeeze3A_183 : i32 to index
        %swap3A_220 = arith.index_cast %add3A_214 : i32 to index
        %swap3A_221 = tpu.vector_load %arg8[%swap3A, %swap3A_220] {strides = array<i32>} : memref<16x2048xf32, #tpu.memory_space<vmem>>, vector<1x16xf32>,
        %swap3A_222 = vector.shape_cast %swap3A_221 : vector<1x16xf32> to vector<16xf32>
        %swap3A_223 = vector.shape_cast %get3A_219 : vector<16xf32> to vector<1x16xf32>
        tpu.vector_store %arg8[%swap3A, %swap3A_220], %swap3A_223 {add = true, strides = array<i32>} : memref<16x2048xf32, #tpu.memory_space<vmem>>, vector<1x16xf32>,
      }
      %scan3A_188 = arith.constant 128 : i32
      %slice3A_189 = vector.extract_strided_slice %get3A_68 {offsets = [13], sizes = [1], strides = [1]} : vector<16xi32> to vector<1xi32>
      %squeeze3A_190 = vector.extract %slice3A_189[0] : i32 from vector<1xi32>
      %scan3A_191 = arith.constant 0 : i32
      %scan3A_192 = arith.constant 128 : i32
      %scan3A_193 = arith.addi %scan3A_191, %scan3A_192 : i32
      %scan3A_194 = arith.constant 1 : i32
      scf.for %scan3A_210 = %scan3A_191 to %scan3A_193 step %scan3A_194  : i32 {
        %mul3A_211 = arith.constant 16 : i32
        %mul3A_212 = arith.muli %scan3A_210, %mul3A_211 : i32
        %add3A_213 = arith.constant 0 : i32
        %add3A_214 = arith.addi %add3A_213, %mul3A_212 : i32
        %get3A_215 = arith.constant 13 : i32
        %get3A_216 = arith.index_cast %get3A_215 : i32 to index
        %get3A_217 = arith.index_cast %add3A_214 : i32 to index
        %get3A_218 = tpu.vector_load %arg7[%get3A_216, %get3A_217] {strides = array<i32>} : memref<16x2048xf32, #tpu.memory_space<vmem>>, vector<1x16xf32>,
        %get3A_219 = vector.shape_cast %get3A_218 : vector<1x16xf32> to vector<16xf32>
        %swap3A = arith.index_cast %squeeze3A_190 : i32 to index
        %swap3A_220 = arith.index_cast %add3A_214 : i32 to index
        %swap3A_221 = tpu.vector_load %arg8[%swap3A, %swap3A_220] {strides = array<i32>} : memref<16x2048xf32, #tpu.memory_space<vmem>>, vector<1x16xf32>,
        %swap3A_222 = vector.shape_cast %swap3A_221 : vector<1x16xf32> to vector<16xf32>
        %swap3A_223 = vector.shape_cast %get3A_219 : vector<16xf32> to vector<1x16xf32>
        tpu.vector_store %arg8[%swap3A, %swap3A_220], %swap3A_223 {add = true, strides = array<i32>} : memref<16x2048xf32, #tpu.memory_space<vmem>>, vector<1x16xf32>,
      }
      %scan3A_195 = arith.constant 128 : i32
      %slice3A_196 = vector.extract_strided_slice %get3A_68 {offsets = [14], sizes = [1], strides = [1]} : vector<16xi32> to vector<1xi32>
      %squeeze3A_197 = vector.extract %slice3A_196[0] : i32 from vector<1xi32>
      %scan3A_198 = arith.constant 0 : i32
      %scan3A_199 = arith.constant 128 : i32
      %scan3A_200 = arith.addi %scan3A_198, %scan3A_199 : i32
      %scan3A_201 = arith.constant 1 : i32
      scf.for %scan3A_210 = %scan3A_198 to %scan3A_200 step %scan3A_201  : i32 {
        %mul3A_211 = arith.constant 16 : i32
        %mul3A_212 = arith.muli %scan3A_210, %mul3A_211 : i32
        %add3A_213 = arith.constant 0 : i32
        %add3A_214 = arith.addi %add3A_213, %mul3A_212 : i32
        %get3A_215 = arith.constant 14 : i32
        %get3A_216 = arith.index_cast %get3A_215 : i32 to index
        %get3A_217 = arith.index_cast %add3A_214 : i32 to index
        %get3A_218 = tpu.vector_load %arg7[%get3A_216, %get3A_217] {strides = array<i32>} : memref<16x2048xf32, #tpu.memory_space<vmem>>, vector<1x16xf32>,
        %get3A_219 = vector.shape_cast %get3A_218 : vector<1x16xf32> to vector<16xf32>
        %swap3A = arith.index_cast %squeeze3A_197 : i32 to index
        %swap3A_220 = arith.index_cast %add3A_214 : i32 to index
        %swap3A_221 = tpu.vector_load %arg8[%swap3A, %swap3A_220] {strides = array<i32>} : memref<16x2048xf32, #tpu.memory_space<vmem>>, vector<1x16xf32>,
        %swap3A_222 = vector.shape_cast %swap3A_221 : vector<1x16xf32> to vector<16xf32>
        %swap3A_223 = vector.shape_cast %get3A_219 : vector<16xf32> to vector<1x16xf32>
        tpu.vector_store %arg8[%swap3A, %swap3A_220], %swap3A_223 {add = true, strides = array<i32>} : memref<16x2048xf32, #tpu.memory_space<vmem>>, vector<1x16xf32>,
      }
      %scan3A_202 = arith.constant 128 : i32
      %slice3A_203 = vector.extract_strided_slice %get3A_68 {offsets = [15], sizes = [1], strides = [1]} : vector<16xi32> to vector<1xi32>
      %squeeze3A_204 = vector.extract %slice3A_203[0] : i32 from vector<1xi32>
      %scan3A_205 = arith.constant 0 : i32
      %scan3A_206 = arith.constant 128 : i32
      %scan3A_207 = arith.addi %scan3A_205, %scan3A_206 : i32
      %scan3A_208 = arith.constant 1 : i32
      scf.for %scan3A_210 = %scan3A_205 to %scan3A_207 step %scan3A_208  : i32 {
        %mul3A_211 = arith.constant 16 : i32
        %mul3A_212 = arith.muli %scan3A_210, %mul3A_211 : i32
        %add3A_213 = arith.constant 0 : i32
        %add3A_214 = arith.addi %add3A_213, %mul3A_212 : i32
        %get3A_215 = arith.constant 15 : i32
        %get3A_216 = arith.index_cast %get3A_215 : i32 to index
        %get3A_217 = arith.index_cast %add3A_214 : i32 to index
        %get3A_218 = tpu.vector_load %arg7[%get3A_216, %get3A_217] {strides = array<i32>} : memref<16x2048xf32, #tpu.memory_space<vmem>>, vector<1x16xf32>,
        %get3A_219 = vector.shape_cast %get3A_218 : vector<1x16xf32> to vector<16xf32>
        %swap3A = arith.index_cast %squeeze3A_204 : i32 to index
        %swap3A_220 = arith.index_cast %add3A_214 : i32 to index
        %swap3A_221 = tpu.vector_load %arg8[%swap3A, %swap3A_220] {strides = array<i32>} : memref<16x2048xf32, #tpu.memory_space<vmem>>, vector<1x16xf32>,
        %swap3A_222 = vector.shape_cast %swap3A_221 : vector<1x16xf32> to vector<16xf32>
        %swap3A_223 = vector.shape_cast %get3A_219 : vector<16xf32> to vector<1x16xf32>
        tpu.vector_store %arg8[%swap3A, %swap3A_220], %swap3A_223 {add = true, strides = array<i32>} : memref<16x2048xf32, #tpu.memory_space<vmem>>, vector<1x16xf32>,
      }
      %scan3A_209 = arith.constant 128 : i32
    } else {
    }
    %dma_start3A_82 = arith.constant 0 : i32
    %dma_start3A_83 = arith.constant 0 : i32
    %dma_start3A_84 = tpu.memref_slice %arg4[%add3A, %dma_start3A_82, %dma_start3A_83] : memref<32x16x2048xf32, #tpu.memory_space<hbm>> -> memref<1x16x2048xf32, #tpu.memory_space<hbm>>
    %dma_start3A_85 = tpu.memref_squeeze %dma_start3A_84 : memref<1x16x2048xf32, #tpu.memory_space<hbm>> -> memref<16x2048xf32, #tpu.memory_space<hbm>>
    %dma_start3A_86 = arith.constant 0 : i32
    %dma_start3A_87 = arith.constant 0 : i32
    %dma_start3A_88 = tpu.memref_slice %arg4[%add3A, %dma_start3A_86, %dma_start3A_87] : memref<32x16x2048xf32, #tpu.memory_space<hbm>> -> memref<1x16x2048xf32, #tpu.memory_space<hbm>>
    %dma_start3A_89 = tpu.memref_squeeze %dma_start3A_88 : memref<1x16x2048xf32, #tpu.memory_space<hbm>> -> memref<16x2048xf32, #tpu.memory_space<hbm>>
    tpu.enqueue_dma source(%arg8 : memref<16x2048xf32, #tpu.memory_space<vmem>>) target(%dma_start3A_89 : memref<16x2048xf32, #tpu.memory_space<hbm>>) target_semaphore(%arg9 : memref<!tpu.dma_semaphore, #tpu.memory_space<semaphore_mem>>)
    %dma_wait3A_90 = arith.constant 0 : i32
    %dma_wait3A_91 = arith.constant 0 : i32
    %dma_wait3A_92 = tpu.memref_slice %arg4[%add3A, %dma_wait3A_90, %dma_wait3A_91] : memref<32x16x2048xf32, #tpu.memory_space<hbm>> -> memref<1x16x2048xf32, #tpu.memory_space<hbm>>
    %dma_wait3A_93 = tpu.memref_squeeze %dma_wait3A_92 : memref<1x16x2048xf32, #tpu.memory_space<hbm>> -> memref<16x2048xf32, #tpu.memory_space<hbm>>
    %dma_wait3A_94 = arith.constant 0 : i32
    %dma_wait3A_95 = arith.constant 0 : i32
    %dma_wait3A_96 = tpu.memref_slice %arg4[%add3A, %dma_wait3A_94, %dma_wait3A_95] : memref<32x16x2048xf32, #tpu.memory_space<hbm>> -> memref<1x16x2048xf32, #tpu.memory_space<hbm>>
    %dma_wait3A_97 = tpu.memref_squeeze %dma_wait3A_96 : memref<1x16x2048xf32, #tpu.memory_space<hbm>> -> memref<16x2048xf32, #tpu.memory_space<hbm>>
    tpu.wait_dma2 semaphore(%arg9 : memref<!tpu.dma_semaphore, #tpu.memory_space<semaphore_mem>>) src(%arg8 : memref<16x2048xf32, #tpu.memory_space<vmem>>) dst(%dma_wait3A_97 : memref<16x2048xf32, #tpu.memory_space<hbm>>)
    return
  }
}

module attributes {stable_mosaic.version = 14 : i64} {
  func.func @_combine_body(%arg0: memref<1x32768xi32, #tpu.memory_space<vmem>>, %arg1: memref<16x2048xf32, #tpu.memory_space<vmem>>, %arg2: memref<32x16x2048xf32, #tpu.memory_space<vmem>>, %arg3: memref<16x2048xf32, #tpu.memory_space<vmem>>) attributes {dimension_semantics = [], scalar_prefetch = 0 : i64, scratch_operands = 0 : i64, tpu.core_type = #tpu.core_type<tc>} {
    %get3A = arith.constant 0 : index
    %get3A_0 = arith.constant 0 : index
    %get3A_1 = vector.load %arg0[%get3A, %get3A_0] : memref<1x32768xi32, #tpu.memory_space<vmem>>, vector<1x32768xi32>
    %get3A_2 = vector.shape_cast %get3A_1 : vector<1x32768xi32> to vector<32768xi32>
    %broadcast_in_dim3A = vector.shape_cast %get3A_2 : vector<32768xi32> to vector<1x32768xi32>
    %iota3A = tpu.iota {dimensions = array<i32: 0>} : vector<16x32768xi32>
    %eq3A = vector.broadcast %broadcast_in_dim3A : vector<1x32768xi32> to vector<16x32768xi32>
    %eq3A_3 = arith.cmpi eq, %eq3A, %iota3A : vector<16x32768xi32>
    %convert_element_type3A = arith.extui %eq3A_3 : vector<16x32768xi1> to vector<16x32768xi32>
    %convert_element_type3A_4 = arith.sitofp %convert_element_type3A : vector<16x32768xi32> to vector<16x32768xf32>
    %reduce_sum3A = arith.constant dense<0.000000e+00> : vector<16xf32>
    %reduce_sum3A_5 = vector.multi_reduction <add>, %convert_element_type3A_4, %reduce_sum3A [1] : vector<16x32768xf32> to vector<16xf32>
    %get3A_6 = arith.constant 0 : index
    %get3A_7 = arith.constant 0 : index
    %get3A_8 = vector.load %arg1[%get3A_6, %get3A_7] : memref<16x2048xf32, #tpu.memory_space<vmem>>, vector<16x2048xf32>
    %get3A_9 = arith.constant 0 : index
    %get3A_10 = arith.constant 0 : index
    %get3A_11 = arith.constant 0 : index
    %get3A_12 = vector.load %arg2[%get3A_9, %get3A_10, %get3A_11] : memref<32x16x2048xf32, #tpu.memory_space<vmem>>, vector<32x16x2048xf32>
    %reduce_sum3A_13 = arith.constant dense<0.000000e+00> : vector<16x2048xf32>
    %reduce_sum3A_14 = vector.multi_reduction <add>, %get3A_12, %reduce_sum3A_13 [0] : vector<32x16x2048xf32> to vector<16x2048xf32>
    %add3A = arith.addf %get3A_8, %reduce_sum3A_14 : vector<16x2048xf32>
    %max3A = arith.constant 1.000000e+00 : f32
    %max3A_15 = vector.broadcast %max3A : f32 to vector<16xf32>
    %max3A_16 = arith.maximumf %reduce_sum3A_5, %max3A_15 : vector<16xf32>
    %broadcast_in_dim3A_17 = vector.shape_cast %max3A_16 : vector<16xf32> to vector<16x1xf32>
    %div3A = vector.broadcast %broadcast_in_dim3A_17 : vector<16x1xf32> to vector<16x2048xf32>
    %div3A_18 = arith.divf %add3A, %div3A : vector<16x2048xf32>
    %swap3A = arith.constant 0 : index
    %swap3A_19 = arith.constant 0 : index
    %swap3A_20 = vector.load %arg3[%swap3A, %swap3A_19] : memref<16x2048xf32, #tpu.memory_space<vmem>>, vector<16x2048xf32>
    tpu.vector_store %arg3[%swap3A, %swap3A_19], %div3A_18 {strides = array<i32>} : memref<16x2048xf32, #tpu.memory_space<vmem>>, vector<16x2048xf32>,
    return
  }
}

module attributes {stable_mosaic.version = 14 : i64} {
  func.func @_tc_partial_body(%arg0: i32, %arg1: memref<1x1x512xi32, #tpu.memory_space<vmem>>, %arg2: memref<512x2048xf32, #tpu.memory_space<vmem>>, %arg3: memref<16x2048xf32, #tpu.memory_space<vmem>>) attributes {dimension_semantics = [#tpu.dimension_semantics<arbitrary>], iteration_bounds = array<i64: 56>, scalar_prefetch = 0 : i64, scratch_operands = 0 : i64, tpu.core_type = #tpu.core_type<tc>, window_params = [{transform_indices = @transform_0, window_bounds = array<i64: 1, 1, 512>}, {transform_indices = @transform_1, window_bounds = array<i64: 512, 2048>}, {pipeline_mode = #tpu.pipeline_mode<synchronous>, transform_indices = @transform_2, window_bounds = array<i64: 16, 2048>}]} {
    %eq3A = arith.constant 0 : i32
    %eq3A_0 = arith.cmpi eq, %arg0, %eq3A : i32
    %convert_element_type3A = arith.extui %eq3A_0 : i1 to i32
    %cond3A = arith.constant 0 : i32
    %cond3A_1 = arith.cmpi ne, %convert_element_type3A, %cond3A : i32
    scf.if %cond3A_1 {
      %broadcast_in_dim3A_19 = arith.constant 0.000000e+00 : f32
      %broadcast_in_dim3A_20 = vector.broadcast %broadcast_in_dim3A_19 : f32 to vector<16x2048xf32>
      %swap3A_21 = arith.constant 0 : index
      %swap3A_22 = arith.constant 0 : index
      %swap3A_23 = vector.load %arg3[%swap3A_21, %swap3A_22] : memref<16x2048xf32, #tpu.memory_space<vmem>>, vector<16x2048xf32>
      tpu.vector_store %arg3[%swap3A_21, %swap3A_22], %broadcast_in_dim3A_20 {strides = array<i32>} : memref<16x2048xf32, #tpu.memory_space<vmem>>, vector<16x2048xf32>,
    } else {
    }
    %get3A = arith.constant 0 : index
    %get3A_2 = arith.constant 0 : index
    %get3A_3 = arith.constant 0 : index
    %get3A_4 = vector.load %arg1[%get3A, %get3A_2, %get3A_3] : memref<1x1x512xi32, #tpu.memory_space<vmem>>, vector<1x1x512xi32>
    %get3A_5 = vector.shape_cast %get3A_4 : vector<1x1x512xi32> to vector<512xi32>
    %broadcast_in_dim3A = vector.shape_cast %get3A_5 : vector<512xi32> to vector<512x1xi32>
    %iota3A = tpu.iota {dimensions = array<i32: 1>} : vector<512x16xi32>
    %eq3A_6 = vector.broadcast %broadcast_in_dim3A : vector<512x1xi32> to vector<512x16xi32>
    %eq3A_7 = arith.cmpi eq, %eq3A_6, %iota3A : vector<512x16xi32>
    %convert_element_type3A_8 = arith.extui %eq3A_7 : vector<512x16xi1> to vector<512x16xi32>
    %convert_element_type3A_9 = arith.sitofp %convert_element_type3A_8 : vector<512x16xi32> to vector<512x16xf32>
    %get3A_10 = arith.constant 0 : index
    %get3A_11 = arith.constant 0 : index
    %get3A_12 = vector.load %arg3[%get3A_10, %get3A_11] : memref<16x2048xf32, #tpu.memory_space<vmem>>, vector<16x2048xf32>
    %get3A_13 = arith.constant 0 : index
    %get3A_14 = arith.constant 0 : index
    %get3A_15 = vector.load %arg2[%get3A_13, %get3A_14] : memref<512x2048xf32, #tpu.memory_space<vmem>>, vector<512x2048xf32>
    %dot_general3A = arith.constant dense<0.000000e+00> : vector<16x2048xf32>
    %dot_general3A_16 = tpu.matmul %convert_element_type3A_9, %get3A_15, %dot_general3A {dimension_numbers = #tpu.dot_dimension_numbers<[0], [0], [1], [1], [0, 1, 1, 1], [], []>, transpose_lhs_hint = false} : vector<512x16xf32>, vector<512x2048xf32>, vector<16x2048xf32> -> vector<16x2048xf32>
    %add3A = arith.addf %get3A_12, %dot_general3A_16 : vector<16x2048xf32>
    %swap3A = arith.constant 0 : index
    %swap3A_17 = arith.constant 0 : index
    %swap3A_18 = vector.load %arg3[%swap3A, %swap3A_17] : memref<16x2048xf32, #tpu.memory_space<vmem>>, vector<16x2048xf32>
    tpu.vector_store %arg3[%swap3A, %swap3A_17], %add3A {strides = array<i32>} : memref<16x2048xf32, #tpu.memory_space<vmem>>, vector<16x2048xf32>,
    return
  }
  func.func @transform_0(%arg0: i32) -> (i32, i32, i32) {
    %c0_i32 = arith.constant 0 : i32
    %c0_i32_0 = arith.constant 0 : i32
    %c0_i32_1 = arith.constant 0 : i32
    return %arg0, %c0_i32, %c0_i32_0 : i32, i32, i32
  }
  func.func @transform_1(%arg0: i32) -> (i32, i32) {
    %c0_i32 = arith.constant 0 : i32
    %c0_i32_0 = arith.constant 0 : i32
    return %arg0, %c0_i32 : i32, i32
  }
  func.func @transform_2(%arg0: i32) -> (i32, i32) {
    %c0_i32 = arith.constant 0 : i32
    %c0_i32_0 = arith.constant 0 : i32
    %c0_i32_1 = arith.constant 0 : i32
    return %c0_i32, %c0_i32_0 : i32, i32
  }
}

</mosaic_0001>

<sc_bundles>
// kernel: kernel.5.cloned.1.call-start
scs
__scs_entry_jumppad:
0x0: {  	(pc) =	sbr.rel $0x88, $3  }
0x1: {  	(tag) =	ssettag $0x0;
	lr =	simm.s32 $0x1  }
0x2: {  	[smem:$0x3F9F] =	sst lr;
	_ =	strace $0xD0000000  }
0x3: {  	_ = 	snop  }
0x4: {  	_ = 	snop  }
0x5: {  	_ = 	snop  }
0x6: {  	_ = 	snop  }
0x7: {  	_ = 	snop  }
__scs_overlays_trampoline_lowered:
0x8: {  	[smem:$0x3FAE] =	sst s0  }
0x9: {  	[smem:$0x3FAF] =	sst s1  }
0xa: {  	[smem:$0x3FB0] =	sst s2  }
0xb: {  	[smem:$0x3FB1] =	sst s3  }
0xc: {  	[smem:$0x3FB2] =	sst s4  }
0xd: {  	[smem:$0x3FB3] =	sst s5  }
0xe: {  	[smem:$0x3FB4] =	sst s6  }
0xf: {  	[smem:$0x3FB5] =	sst s7  }
0x10: {  	[smem:$0x3FB6] =	sst s8  }
0x11: {  	[smem:$0x3FB7] =	sst s9;
	s0 =	simm.s32 @!p0 $0x0  }
0x12: {  	s1 =	sld [smem:$0x3F9D];
	s0 =	simm.s32 @p0 $0x1  }
0x13: {  	[smem:$0x3FB8] =	sst s0;
	s0 =	simm.s32 @!p1 $0x0  }
0x14: {  	s2 =	sld [smem:$0x3F9C];
	s0 =	simm.s32 @p1 $0x1  }
0x15: {  	[smem:$0x3FB9] =	sst s0;
	s0 =	simm.s32 @!p2 $0x0  }
0x16: {  	s3 =	sld [smem:$0x3FDB];
	s0 =	simm.s32 @p2 $0x1  }
0x17: {  	s4 =	simm.s32 $0x1BF5;
	[smem:$0x3FBB] =	sst s0  }
0x18: {  	s0 =	sld [smem:$0x3F9E];
	_ =	swait.ge [sflag:s4], $0x0  }
0x19: {  	s7 =	sld [smem:$0x3F9F]  }
0x1a: {  	s8 =	sadd.s32 $0xFFFFE003, lr  }
0x1b: {  	s9 =	sadd.s32 $0xFFFFFEF7, lr;
	s5 =	simm.s32 $0xFFFFFFFF;
	p2 =	slt.u32 s8, $0xFFFFF086  }
0x1c: {  	p1 =	slt.u32 s9, $0xF7A;
	s5 =	simm.s32 @!p2 $0x0  }
0x1d: {  	s5 =	simm.s32 @p1 $0x1;
	p0 =	seq.s32 s7, s2  }
0x1e: {  	s7 =	smul.u32 @!p0 $0xF7A, s2;
	p2 =	seq.s32 @!p0 s5, $0x0  }
0x1f: {  	s9 =	smul.u32 $0xF7A, s1;
	s8 =	simm.s32 @!p0 $0x1BF5;
	p2 =	por !p2, p0  }
0x20: {  	[sflag:s8] =	ssyncset.s32 @!p0 $0xFFFFF086;
	s6 =	sadd.s32 @!p0 s3, s7;
	s7 =	simm.s32 @!p0 $0x108  }
0x21: {  	s3 =	sadd.s32 s3, s9;
	s6 =	sadd.s32 @!p0 $0x88, s6;
	s7 =	simm.s32 @p2 $0x1082  }
0x22: {  	[simem:s7], [sflag:s8] =	dma.local @!p0 [hbm:s6], $0xF7A  }
0x23: {  	s9 =	sor.u32 $0xD0000000, s2;
	s6 =	simm.s32 $0x108;
	_ =	swait.ge @!p0 [sflag:s8], $0x0  }
0x24: {  	s3 =	sadd.s32 $0x88, s3;
	s6 =	simm.s32 @!p1 $0x1082;
	[sflag:s4] =	ssyncset.s32 $0xFFFFF086  }
0x25: {  	[simem:s6], [sflag:s4] =	dma.local [hbm:s3], $0xF7A  }
0x26: {  	[smem:$0x3F9F] =	sst s1;
	(tag) =	ssettag s2;
	_ =	strace s9  }
0x27: {  	s1 =	sld [smem:$0x3FAF]  }
0x28: {  	s2 =	sld [smem:$0x3FB0]  }
0x29: {  	s4 =	sld [smem:$0x3FB2]  }
0x2a: {  	p0 =	seq.s32 s5, $0x0;
	s5 =	sld [smem:$0x3FB3]  }
0x2b: {  	s6 =	sld [smem:$0x3FB4]  }
0x2c: {  	s7 =	sld [smem:$0x3FB5]  }
0x2d: {  	s3 =	simm.s32 $0x108;
	s8 =	sld [smem:$0x3FB6]  }
0x2e: {  	s3 =	simm.s32 @!p0 $0x1082;
	s9 =	sld [smem:$0x3FB7]  }
0x2f: {  	lr =	sadd.s32 s0, s3;
	s0 =	sld [smem:$0x3FAE]  }
0x30: {  	s3 =	sld [smem:$0x3FB1]  }
0x31: {  	[smem:$0x3FBA] =	sst s10  }
0x32: {  	s10 =	sld [smem:$0x3FB8];
	_ =	sdelay $0x3  }
0x33: {  	p0 =	seq.s32 s10, $0x1;
	s10 =	sld [smem:$0x3FBA];
	_ =	sdelay $0x3  }
0x34: {  	[smem:$0x3FBA] =	sst s10  }
0x35: {  	s10 =	sld [smem:$0x3FB9];
	_ =	sdelay $0x3  }
0x36: {  	p1 =	seq.s32 s10, $0x1;
	s10 =	sld [smem:$0x3FBA];
	_ =	sdelay $0x3  }
0x37: {  	[smem:$0x3FBA] =	sst s10  }
0x38: {  	s10 =	sld [smem:$0x3FBB]  }
0x39: {  	_ = 	snop;
	(pc) =	sbr.ind lr, $3  }
0x3a: {  	_ = 	snop  }
0x3b: {  	_ = 	snop  }
0x3c: {  	p2 =	seq.s32 s10, $0x1;
	s10 =	sld [smem:$0x3FBA]  }
0x3d: {  	_ =	shalt  }
0x3e: {  	_ =	shalt  }
0x3f: {  	_ =	shalt  }
0x40: {  	_ =	shalt  }
0x41: {  	_ =	shalt  }
0x42: {  	_ =	shalt  }
0x43: {  	_ =	shalt  }
0x44: {  	_ =	shalt  }
0x45: {  	_ =	shalt  }
0x46: {  	_ =	shalt  }
0x47: {  	_ =	shalt  }
0x48: {  	_ =	shalt  }
0x49: {  	_ =	shalt  }
0x4a: {  	_ =	shalt  }
0x4b: {  	_ =	shalt  }
0x4c: {  	_ =	shalt  }
0x4d: {  	_ =	shalt  }
0x4e: {  	_ =	shalt  }
0x4f: {  	_ =	shalt  }
0x50: {  	_ =	shalt  }
0x51: {  	_ =	shalt  }
0x52: {  	_ =	shalt  }
0x53: {  	_ =	shalt  }
0x54: {  	_ =	shalt  }
0x55: {  	_ =	shalt  }
0x56: {  	_ =	shalt  }
0x57: {  	_ =	shalt  }
0x58: {  	_ =	shalt  }
0x59: {  	_ =	shalt  }
0x5a: {  	_ =	shalt  }
0x5b: {  	_ =	shalt  }
0x5c: {  	_ =	shalt  }
0x5d: {  	_ =	shalt  }
0x5e: {  	_ =	shalt  }
0x5f: {  	_ =	shalt  }
0x60: {  	_ =	shalt  }
0x61: {  	_ =	shalt  }
0x62: {  	_ =	shalt  }
0x63: {  	_ =	shalt  }
0x64: {  	_ =	shalt  }
0x65: {  	_ =	shalt  }
0x66: {  	_ =	shalt  }
0x67: {  	_ =	shalt  }
0x68: {  	_ =	shalt  }
0x69: {  	_ =	shalt  }
0x6a: {  	_ =	shalt  }
0x6b: {  	_ =	shalt  }
0x6c: {  	_ =	shalt  }
0x6d: {  	_ =	shalt  }
0x6e: {  	_ =	shalt  }
0x6f: {  	_ =	shalt  }
0x70: {  	_ =	shalt  }
0x71: {  	_ =	shalt  }
0x72: {  	_ =	shalt  }
0x73: {  	_ =	shalt  }
0x74: {  	_ =	shalt  }
0x75: {  	_ =	shalt  }
0x76: {  	_ =	shalt  }
0x77: {  	_ =	shalt  }
0x78: {  	_ =	shalt  }
0x79: {  	_ =	shalt  }
0x7a: {  	_ =	shalt  }
0x7b: {  	_ =	shalt  }
0x7c: {  	_ =	shalt  }
0x7d: {  	_ =	shalt  }
0x7e: {  	_ =	shalt  }
0x7f: {  	_ =	shalt  }
0x80: {  	_ =	shalt  }
0x81: {  	_ =	shalt  }
0x82: {  	_ =	shalt  }
0x83: {  	_ =	shalt  }
0x84: {  	_ =	shalt  }
0x85: {  	_ =	shalt  }
0x86: {  	_ =	shalt  }
0x87: {  	_ =	shalt  }
.Lfunc_end0:
.L_simem_size_0:
called_computation_lowered:
.L_overlay_start_0:
0x88: {  	s2 =	sld [smem:$0x3FD9]  }
0x89: {  	s3 =	sld [smem:$0x3FFE];
	_ =	sdelay $0x1  }
0x8a: {  	s1 =	srdreg.scid  }
0x8b: {  	s0 =	sand.u32 $0x1, s1  }
0x8c: {  	s17 =	sshll.u32 s0, $0xA;
	s2 =	sadd.s32 s3, s2  }
0x8d: {  	s2 =	sadd.s32 s2, s17  }
0x8e: {  	[smem:$0x3FC6] =	sst s2  }
0x8f: {  	_ = 	snop  }
0x90: {  	s2 =	sld [smem:$0x3FC9]  }
0x91: {  	s18 =	sld [smem:$0x3FD0];
	(tm) =	ssettm $0x1  }
0x92: {  	s4 =	sld [smem:$0x3FFB];
	_ =	sdelay $0x3  }
0x93: {  	_ =	strace s4  }
0x94: {  	s4 =	sld [smem:$0x3FFC];
	_ =	sdelay $0x3  }
0x95: {  	_ =	strace s4  }
0x96: {  	s4 =	sld [smem:$0x3FFD];
	_ =	sdelay $0x3  }
0x97: {  	_ =	strace s4  }
0x98: {  	_ =	strace $0x8FFFFFFF  }
0x99: {  	s19 =	sld [smem:$0x3FDB];
	_ =	sdelay $0x1  }
0x9a: {  	s5 =	simm.s32 $_scs_section_size  }
0x9b: {  	s6 =	simm.s32 $_size__tile_overlayer_lowered;
	s7 =	simm.s32 $_tile_overlayer_lowered  }
0x9c: {  	s22 =	simm.s32 $0x1BFF;
	s21 =	sshll.u32 s7, $0x1;
	s4 =	sadd.s32 s5, s19  }
0x9d: {  	s8 =	simm.s32 $0x0;
	s20 =	sshll.u32 s6, $0x1;
	s6 =	sadd.s32 s21, s4  }
0x9e: {  	[timem:s8], [sflag:s22] =	dma.local [hbm:s6], s20  }
0x9f: {  	_ =	swait.ge [sflag:s22], s20  }
0xa0: {  	s5 =	ssub.s32 $0x0, s20;
	[sflag:s22] =	ssyncset.done $0x0  }
0xa1: {  	[sflag:s22] =	ssyncadd.s32 s5;
	_ =	sdelay $0x1  }
0xa2: {  	s23 =	simm.s32 $0x1B8B  }
0xa3: {  	_ =	swait.ge [sflag:s23], $0x1  }
0xa4: {  	[sflag:s23] =	ssyncset.done $0x0  }
0xa5: {  	s25 =	simm.s32 $0x1B8E;
	s24 =	sld [smem:$0x3FFE];
	[sflag:s23] =	ssyncadd.s32 $0xFFFFFFFF  }
0xa6: {  	s26 =	simm.s32 $execute0_lowered;
	[smem:$0x3FD2] =	sst s25  }
0xa7: {  	s6 =	sshll.u32 s26, $0x1;
	_ =	strace $0x80000046;
	[dreg:$0x1] =	wrdreg $0xFFFFFFFF  }
0xa8: {  	s28 =	simm.s32 $_size_execute0_lowered;
	s4 =	sadd.s32 s4, s6;
	[dreg:$0x0] =	wrdreg $0x0  }
0xa9: {  	s6 =	sshll.u32 s28, $0x1;
	[dreg:$0x2] =	wrdreg s4  }
0xaa: {  	[dreg:$0x3] =	wrdreg s6  }
0xab: {  	[dreg:$0x4] =	wrdreg $0xC0  }
0xac: {  	_ =	task [dreg:s8], $0x5FFFF  }
0xad: {  	[dreg:$0x1] =	wrdreg $0xFFFFFFFF  }
0xae: {  	[dreg:$0x0] =	wrdreg $0x60  }
0xaf: {  	[dreg:$0x2] =	wrdreg s2  }
0xb0: {  	[dreg:$0x3] =	wrdreg s18  }
0xb1: {  	[dreg:$0x4] =	wrdreg s24  }
0xb2: {  	[dreg:$0x5] =	wrdreg $0x9  }
0xb3: {  	_ =	task.clear_ibuf [dreg:s8], $0x6FFFF;
	_ =	strace $0x90000046  }
0xb4: {  	s29 =	simm.s32 $0x9;
	_ =	strace $0x80000048  }
0xb5: {  	_ =	swait.ge [sflag:s29], $0x1  }
0xb6: {  	[sflag:s29] =	ssyncadd.s32 $0xFFFFFFFF  }
0xb7: {  	_ =	strace $0x90000048  }
0xb8: {  	_ =	sfence  }
0xb9: {  	s30 =	sld [smem:$0x0];
	_ =	sdelay $0x2  }
0xba: {  	s31 =	sshll.u32 s1, $0xD;
	s1 =	sshrl.u32 s1, $0x2  }
0xbb: {  	s3 =	sand.u32 $0x4000, s31;
	s1 =	sadd.s32 s1, s30  }
0xbc: {  	s0 =	sor.u32 s3, s0;
	s1 =	sshll.u32 s1, $0x11  }
0xbd: {  	s0 =	sor.u32 s1, s0  }
0xbe: {  	s0 =	sadd.s32 $0x8F2B, s0  }
0xbf: {  	[sflag:s0] =	ssyncadd.remote.s32 $0x1  }
0xc0: {  	_ =	sfence.sel $0xFFFF  }
0xc1: {  	[dreg:$0x0] =	wrdreg $0xFFFFFFFF;
	(pc) =	sbr.abs _section_cstart, $3  }
0xc2: {  	[dreg:$0x1] =	wrdreg $0xFFFFFFFF  }
0xc3: {  	_ =	task.clear_ibuf [dreg:s8], $0x2FFFF;
	_ =	strace $0x9FFFFFFF  }
0xc4: {  	(tm) =	ssettm $0x7FFFFFFF  }
0xc5: {  	_ =	shalt  }
tec
execute0_lowered:
.L_overlay_start_1:
0x0: {  	(tag) =	ssettag $0x1  }
0x1: {  	s4 =	rddreg [dreg:$0x0]  }
0x2: {  	s0 =	srdreg.scid;
	s3 =	rddreg [dreg:$0x1]  }
0x3: {  	s6 =	rddreg [dreg:$0x2];
	s22 =	stileid.u32  }
0x4: {  	s1 =	simm.s32 $0x0;
	s31 =	simm.s32 $0x8400;
	s5 =	sand.u32 $0x1, s0  }
0x5: {  	[smem:$0x7FF] =	sst s1;
	s7 =	sshll.u32 s5, $0x4;
	s5 =	ssub.s32 $0x2, s5  }
0x6: {  	_ =	strace $0x80000047;
	s7 =	sor.u32 s22, s7;
	s23 =	sshrl.u32 s5, $0x1  }
0x7: {  	s8 =	sshll.u32 s7, $0xC;
	s9 =	sshll.u32 s7, $0x7;
	s7 =	sshll.u32 s7, $0xF  }
0x8: {  	s6 =	sadd.s32 s8, s6;
	s24 =	sadd.s32 s3, s9;
	s25 =	sadd.s32 s7, s4  }
.Ltmp0:
0x9: {  	[dreg:$0x4] =	wrdreg s24;
	s26 =	sadd.s32 $0x701000, s25;
	(pc) =	sbr.rel .LBB2_1-.Ltmp0, $4  }
0xa: {  	s8 =	ssub.s32 s5, s23;
	s28 =	sadd.s32 $0x800, s6;
	[dreg:$0x5] =	wrdreg s26  }
0xb: {  	s12 =	simm.s32 $0x1;
	s29 =	smax.u32 s8, $0x1;
	[dreg:$0x6] =	wrdreg s28  }
0xc: {  	s13 =	simm.s32 $0x2;
	s30 =	sadd.s32 $0x703000, s25;
	[dreg:$0x7] =	wrdreg s29  }
0xd: {  	v0 =	vimm.f32 $0.0e+00;
	s2 =	simm.s32 $0x0;
	s4 =	sadd.s32 $0x700000, s25;
	[dreg:$0x8] =	wrdreg s30  }
.LBB2_155:
0xe: {  	s1 =	simm.s32 $0x0;
	s0 =	rddreg [dreg:$0x6];
	s2 =	simm.s32 $0x10400  }
0xf: {  	[hbm4b:s0+s1] =	stream.linear.scatter [tilespmem:s2], [sflag:$0x1], $0x8000, $0x38;
	[tilespmem:$0x18400] =	vst v63  }
0x10: {  	_ =	swait.ge [sflag:s12], $0x8000  }
0x11: {  	s2 =	sadd.s32 $0x1, s3;
	s30 =	rddreg [dreg:$0x7]  }
0x12: {  	p0 =	sne.s32 s2, s30  }
.Ltmp1:
0x13: {  	_ = 	snop;
	(pc) =	sbr.rel @!p0 .LBB2_156-.Ltmp1, $3  }
0x14: {  	_ =	sdelay $0x1  }
0x15: {  	[sflag:s12] =	ssyncset.done $0x0  }
0x16: {  	[sflag:s12] =	ssyncadd.s32 $0xFFFF8000  }
.LBB2_1:
0x17: {  	s0 =	rddreg [dreg:$0x4]  }
0x18: {  	[tilespmem:s1], [sflag:$0x3] =	stream.linear.gather [hbm4b:s0+s1], $0x400, $0x38;
	[tilespmem:$0x18400] =	vst v63  }
0x19: {  	s29 =	simm.s32 $0x400  }
0x1a: {  	[tilespmem:s29], [sflag:$0x1] =	stream.linear.gather [hbm4b:s4+s1], $0x8000, $0x38;
	[tilespmem:$0x18400] =	vst v63  }
0x1b: {  	s30 =	rddreg [dreg:$0x5];
	s16 =	simm.s32 $0x0  }
0x1c: {  	[tilespmem:s31], [sflag:$0x2] =	stream.linear.gather [hbm4b:s30+s1], $0x8000, $0x38;
	[tilespmem:$0x18400] =	vst v63  }
.LBB2_2:
0x1d: {  	s17 =	sshll.u32 s16, $0xB;
	s18 =	sshll.u32 s16, $0x7  }
0x1e: {  	s17 =	sand.u32 $0x4000, s17;
	s18 =	sand.u32 $0x380, s18  }
0x1f: {  	s18 =	sor.u32 s18, s17;
	s17 =	simm.s32 $0x0  }
0x20: {  	s18 =	sor.u32 $0x10400, s18;
	s19 =	sand.u32 $0x3C00, s17  }
0x21: {  	s20 =	sand.u32 $0x70, s17;
	s21 =	sadd.s32 s19, s18  }
0x22: {  	s19 =	simm.s32 $0x10;
	s20 =	sadd.s32 s20, s21  }
.LBB2_3:
0x23: {  	p0 =	sne.s32 s19, $0x7F0  }
0x24: {  	[tilespmem:s20+$0x0] =	vst v0;
	s17 =	sadd.s32 $0x80, s17;
	s20 =	smov.u32 s19;
	s19 =	sadd.s32 $0x10, s19  }
.Ltmp2:
0x25: {  	(pc) =	sbr.rel @p0 .LBB2_3-.Ltmp2, $4  }
0x26: {  	_ = 	snop  }
0x27: {  	s21 =	sand.u32 $0x3C00, s17  }
0x28: {  	s20 =	sand.u32 $0x70, s20;
	s21 =	sadd.s32 s21, s18  }
0x29: {  	s20 =	sadd.s32 s20, s21  }
0x2a: {  	s16 =	sadd.s32 $0x1, s16  }
0x2b: {  	p0 =	sne.s32 s16, $0x10  }
.Ltmp3:
0x2c: {  	_ = 	snop;
	(pc) =	sbr.rel @p0 .LBB2_2-.Ltmp3, $2  }
0x2d: {  	_ =	sdelay $0x2  }
0x2e: {  	[tilespmem:s20+$0x0] =	vst v0  }
0x2f: {  	[dreg:$0x9] =	wrdreg s2;
	s0 =	simm.s32 $0x3  }
0x30: {  	_ =	swait.ge [sflag:s0], $0x400  }
0x31: {  	[sflag:s0] =	ssyncset.done $0x0  }
0x32: {  	[sflag:s0] =	ssyncadd.s32 $0xFFFFFC00  }
0x33: {  	_ =	swait.ge [sflag:s12], $0x8000  }
0x34: {  	[sflag:s12] =	ssyncset.done $0x0  }
0x35: {  	[sflag:s12] =	ssyncadd.s32 $0xFFFF8000  }
0x36: {  	v1 =	vld [tilespmem:$0x0];
	_ =	sdelay $0x4  }
0x37: {  	(v2sf) =	vpush v1, $0x0  }
0x38: {  	(v2sf) =	vpush v1, $0xF;
	_ =	sdelay $0xd  }
0x39: {  	s17 =	spop (v2sf)  }
0x3a: {  	s16 =	spop (v2sf)  }
0x3b: {  	p0 =	sne.s32 s17, s16  }
.Ltmp4:
0x3c: {  	_ = 	snop;
	(pc) =	sbr.rel @p0 .LBB2_9-.Ltmp4, $4  }
0x3d: {  	s18 =	sshll.u32 s17, $0xB;
	s19 =	sshll.u32 s17, $0x7  }
0x3e: {  	s18 =	sand.u32 $0xFFFFC000, s18;
	s19 =	sand.u32 $0x380, s19  }
0x3f: {  	s30 =	sor.u32 s19, s18  }
0x40: {  	s20 =	simm.s32 $0x0;
	s17 =	sadd.s32 $0x10400, s30  }
0x41: {  	s18 =	sand.u32 $0x3C00, s20  }
0x42: {  	s16 =	sand.u32 $0x60, s20;
	s21 =	sadd.s32 $0x400, s18  }
0x43: {  	s22 =	sor.u32 s16, s21  }
0x44: {  	s23 =	sadd.s32 $0x4600, s18;
	v1 =	vld [tilespmem:s22+$0x180]  }
0x45: {  	s24 =	sadd.s32 $0x4700, s18;
	s19 =	sor.u32 s16, s23;
	v2 =	vld [tilespmem:s22+$0x0]  }
0x46: {  	s25 =	sadd.s32 $0x4680, s18;
	s0 =	sor.u32 s16, s24;
	v3 =	vld [tilespmem:s19+$0x0]  }
0x47: {  	s26 =	sor.u32 s16, s25;
	v4 =	vld [tilespmem:s0+$0x0]  }
0x48: {  	v5 =	vld [tilespmem:s26+$0x0]  }
0x49: {  	s1 =	sor.u32 $0x10, s16;
	s2 =	sadd.s32 $0x4780, s18;
	v6 =	vld [tilespmem:s22+$0x80]  }
0x4a: {  	s28 =	sor.u32 s1, s2;
	v7 =	vld [tilespmem:s22+$0x100]  }
0x4b: {  	s21 =	sor.u32 s1, s21;
	v8 =	vld [tilespmem:s28+$0x0]  }
0x4c: {  	v9 =	vld [tilespmem:s21+$0x280]  }
0x4d: {  	v10 =	vld [tilespmem:s21+$0x200]  }
0x4e: {  	v11 =	vld [tilespmem:s21+$0x180]  }
0x4f: {  	v12 =	vld [tilespmem:s21+$0x0]  }
0x50: {  	v13 =	vld [tilespmem:s21+$0x80]  }
0x51: {  	s24 =	sor.u32 s1, s24;
	v14 =	vld [tilespmem:s21+$0x100]  }
0x52: {  	s3 =	sor.u32 s1, s25;
	v15 =	vld [tilespmem:s24+$0x0]  }
0x53: {  	s5 =	sadd.s32 $0x4480, s18;
	s23 =	sor.u32 s1, s23;
	v16 =	vld [tilespmem:s3+$0x0]  }
0x54: {  	s6 =	sor.u32 s16, s5;
	v17 =	vld [tilespmem:s23+$0x0]  }
0x55: {  	s8 =	sadd.s32 $0x4500, s18;
	s7 =	sor.u32 s16, s2;
	v18 =	vld [tilespmem:s6+$0x0]  }
0x56: {  	s9 =	sadd.s32 $0x4400, s18;
	s10 =	sor.u32 s1, s8;
	v19 =	vld [tilespmem:s7+$0x0]  }
0x57: {  	s11 =	sadd.s32 $0x4580, s18;
	s14 =	sor.u32 s1, s9;
	v21 =	vld [tilespmem:s10+$0x0]  }
0x58: {  	s15 =	sor.u32 s1, s11;
	v22 =	vld [tilespmem:s14+$0x0]  }
0x59: {  	v23 =	vld [tilespmem:s15+$0x0]  }
0x5a: {  	v25 =	vld [tilespmem:s22+$0x280]  }
0x5b: {  	s21 =	sor.u32 s16, s8;
	v26 =	vld [tilespmem:s22+$0x200]  }
0x5c: {  	s24 =	sor.u32 s1, s5;
	v24 =	vld [tilespmem:s21+$0x0];
	s21 =	sand.u32 $0x3, s20  }
0x5d: {  	s26 =	sor.u32 s16, s9;
	v20 =	vld [tilespmem:s24+$0x0];
	s20 =	sshll.u32 s21, $0x5  }
0x5e: {  	s25 =	sor.u32 s16, s11;
	v51 =	vld [tilespmem:s26+$0x0];
	s20 =	sadd.s32 $0x0, s20;
	v3 =	vadd.f32 v5, v3;
	v5 =	vadd.f32 v9, v10  }
0x5f: {  	v27 =	vld [tilespmem:s25+$0x0];
	s28 =	sor.u32 $0x300, s20;
	v1 =	vadd.f32 v1, v7;
	v52 =	vadd.f32 v13, v12  }
0x60: {  	s29 =	sadd.s32 $0x10, s20;
	s20 =	sor.u32 $0x380, s20;
	v53 =	vld [tilespmem:s28+$0x400];
	v8 =	vadd.f32 v8, v15;
	v54 =	vadd.f32 v16, v17  }
0x61: {  	s30 =	sor.u32 $0x380, s29;
	v57 =	vadd.f32 v23, v21;
	v58 =	vld [tilespmem:s20+$0x400];
	v2 =	vadd.f32 v6, v2  }
0x62: {  	s31 =	sor.u32 $0x300, s29;
	v11 =	vadd.f32 v11, v14;
	v4 =	vadd.f32 v19, v4;
	v55 =	vld [tilespmem:s30+$0x400]  }
0x63: {  	v56 =	vadd.f32 v20, v22;
	v60 =	vld [tilespmem:s31+$0x400];
	v9 =	vadd.f32 v18, v51  }
0x64: {  	v62 =	vadd.f32 v27, v24;
	v59 =	vadd.f32 v8, v54  }
0x65: {  	v1 =	vadd.f32 v1, v2;
	v2 =	vadd.f32 v25, v26  }
0x66: {  	v3 =	vadd.f32 v4, v3;
	v10 =	vadd.f32 v58, v53  }
0x67: {  	v4 =	vadd.f32 v11, v52;
	v9 =	vadd.f32 v62, v9  }
0x68: {  	v8 =	vadd.f32 v55, v60;
	v2 =	vadd.f32 v10, v2  }
0x69: {  	v61 =	vadd.f32 v57, v56;
	v63 =	vadd.f32 v3, v9  }
0x6a: {  	s18 =	sadd.s32 s18, s17;
	v5 =	vadd.f32 v8, v5;
	v1 =	vadd.f32 v2, v1  }
0x6b: {  	s26 =	simm.s32 $0x20;
	s21 =	sadd.s32 s16, s18;
	v3 =	vadd.f32 v59, v61  }
0x6c: {  	s16 =	simm.s32 $0x100;
	s20 =	sadd.s32 s1, s18;
	s18 =	simm.s32 $0x1;
	v2 =	vadd.f32 v5, v4;
	v1 =	vadd.f32 v63, v1  }
.LBB2_7:
0x6d: {  	s19 =	smov.u32 s26  }
0x6e: {  	s29 =	sand.u32 $0x60, s26;
	s30 =	sand.u32 $0x3C00, s16;
	v2 =	vadd.f32 v3, v2;
	s19 =	sadd.s32 $0x20, s26  }
0x6f: {  	s31 =	sadd.s32 $0x400, s30;
	s0 =	sadd.s32 $0x4480, s30;
	s1 =	sor.u32 $0x10, s29;
	[tilespmem:s21+$0x0] =	vst.add.f32.msk $0xffff, v1  }
0x70: {  	s22 =	sor.u32 s29, s31;
	s25 =	sor.u32 s29, s0;
	s21 =	sadd.s32 $0x4780, s30;
	[tilespmem:s20+$0x0] =	vst.add.f32.msk $0xffff, v2  }
0x71: {  	s14 =	sadd.s32 $0x4680, s30;
	s3 =	sadd.s32 $0x4700, s30;
	s20 =	sadd.s32 $0x4600, s30;
	v1 =	vld [tilespmem:s22+$0x180]  }
0x72: {  	s5 =	sor.u32 s29, s14;
	s6 =	sor.u32 s29, s21;
	s23 =	sor.u32 s29, s20;
	v2 =	vld [tilespmem:s22+$0x0]  }
0x73: {  	s7 =	sadd.s32 $0x4400, s30;
	s11 =	sadd.s32 $0x4500, s30;
	s24 =	sor.u32 s29, s3;
	v3 =	vld [tilespmem:s23+$0x0]  }
0x74: {  	s2 =	sadd.s32 $0x4580, s30;
	s28 =	sor.u32 s29, s11;
	s23 =	sor.u32 s29, s7;
	v4 =	vld [tilespmem:s24+$0x0]  }
0x75: {  	s24 =	sor.u32 s29, s2;
	s2 =	sor.u32 s1, s2;
	v5 =	vld [tilespmem:s5+$0x0];
	s5 =	sor.u32 s1, s11  }
0x76: {  	s0 =	sor.u32 s1, s0;
	s7 =	sor.u32 s1, s7;
	s11 =	sor.u32 s1, s20;
	v6 =	vld [tilespmem:s22+$0x80]  }
0x77: {  	s14 =	sor.u32 s1, s14;
	s3 =	sor.u32 s1, s3;
	s20 =	sor.u32 s1, s21;
	v7 =	vld [tilespmem:s22+$0x100]  }
0x78: {  	p0 =	seq.s32 s26, $0x7E0;
	s31 =	sor.u32 s1, s31;
	v8 =	vld [tilespmem:s20+$0x0];
	s20 =	sadd.s32 s30, s17  }
0x79: {  	v9 =	vld [tilespmem:s31+$0x280];
	s21 =	sadd.s32 s29, s20;
	s20 =	sadd.s32 s1, s20  }
0x7a: {  	v10 =	vld [tilespmem:s31+$0x200];
	v3 =	vadd.f32 v5, v3  }
0x7b: {  	v5 =	vld [tilespmem:s31+$0x180]  }
0x7c: {  	v11 =	vld [tilespmem:s31+$0x0]  }
0x7d: {  	v12 =	vld [tilespmem:s31+$0x80]  }
0x7e: {  	v13 =	vld [tilespmem:s31+$0x100]  }
0x7f: {  	v14 =	vld [tilespmem:s3+$0x0];
	v9 =	vadd.f32 v9, v10  }
0x80: {  	v10 =	vld [tilespmem:s14+$0x0]  }
0x81: {  	v1 =	vadd.f32 v1, v7;
	v15 =	vld [tilespmem:s11+$0x0]  }
0x82: {  	v7 =	vld [tilespmem:s25+$0x0];
	v11 =	vadd.f32 v12, v11  }
0x83: {  	v2 =	vadd.f32 v6, v2;
	v12 =	vld [tilespmem:s6+$0x0]  }
0x84: {  	v6 =	vld [tilespmem:s0+$0x0];
	v8 =	vadd.f32 v8, v14  }
0x85: {  	v14 =	vld [tilespmem:s5+$0x0]  }
0x86: {  	v16 =	vld [tilespmem:s7+$0x0];
	v10 =	vadd.f32 v10, v15  }
0x87: {  	v15 =	vld [tilespmem:s2+$0x0]  }
0x88: {  	v17 =	vld [tilespmem:s28+$0x0];
	v8 =	vadd.f32 v8, v10  }
0x89: {  	s0 =	sand.u32 $0x3, s18;
	v10 =	vld [tilespmem:s22+$0x280]  }
0x8a: {  	s0 =	sshll.u32 s0, $0x5;
	v18 =	vld [tilespmem:s22+$0x200]  }
0x8b: {  	s0 =	sadd.s32 s0, s16;
	v19 =	vld [tilespmem:s24+$0x0];
	v6 =	vadd.f32 v6, v16  }
0x8c: {  	s1 =	sor.u32 $0x300, s0;
	s2 =	sor.u32 $0x380, s0;
	s0 =	sadd.s32 $0x10, s0;
	v16 =	vld [tilespmem:s23+$0x0];
	v14 =	vadd.f32 v15, v14  }
0x8d: {  	v15 =	vld [tilespmem:s1+$0x400];
	s1 =	sor.u32 $0x300, s0;
	s0 =	sor.u32 $0x380, s0  }
0x8e: {  	v20 =	vld [tilespmem:s0+$0x400];
	v6 =	vadd.f32 v14, v6  }
0x8f: {  	v14 =	vld [tilespmem:s2+$0x400]  }
0x90: {  	v21 =	vld [tilespmem:s1+$0x400]  }
0x91: {  	v5 =	vadd.f32 v5, v13  }
0x92: {  	v1 =	vadd.f32 v1, v2;
	v7 =	vadd.f32 v7, v16  }
0x93: {  	v2 =	vadd.f32 v10, v18;
	v10 =	vadd.f32 v19, v17  }
0x94: {  	v4 =	vadd.f32 v12, v4;
	v13 =	vadd.f32 v14, v15  }
0x95: {  	v7 =	vadd.f32 v10, v7;
	v10 =	vadd.f32 v20, v21  }
.Ltmp5:
0x96: {  	v3 =	vadd.f32 v4, v3;
	v2 =	vadd.f32 v13, v2;
	(pc) =	sbr.rel @!p0 .LBB2_7-.Ltmp5, $4  }
0x97: {  	v4 =	vadd.f32 v5, v11;
	v5 =	vadd.f32 v10, v9  }
0x98: {  	v7 =	vadd.f32 v3, v7;
	v1 =	vadd.f32 v2, v1  }
0x99: {  	v3 =	vadd.f32 v8, v6;
	v2 =	vadd.f32 v5, v4  }
0x9a: {  	s26 =	smov.u32 s19;
	s18 =	sadd.s32 $0x1, s18;
	s16 =	sadd.s32 $0x100, s16;
	v1 =	vadd.f32 v7, v1  }
.Ltmp6:
0x9b: {  	(pc) =	sbr.rel .LBB2_42-.Ltmp6, $4  }
0x9c: {  	_ = 	snop  }
0x9d: {  	v2 =	vadd.f32 v3, v2  }
0x9e: {  	[tilespmem:s21+$0x0] =	vst.add.f32.msk $0xffff, v1  }
0x9f: {  	s31 =	simm.s32 $0x8400;
	[tilespmem:s20+$0x0] =	vst.add.f32.msk $0xffff, v2  }
.LBB2_9:
0xa0: {  	s18 =	sand.u32 $0x70, s20;
	s19 =	sand.u32 $0x3C00, s20  }
0xa1: {  	s0 =	sor.u32 s18, s19  }
0xa2: {  	v2 =	vld [tilespmem:s0+$0x400]  }
0xa3: {  	s20 =	simm.s32 $0x10;
	s21 =	simm.s32 $0x80  }
.LBB2_10:
0xa4: {  	s0 =	sand.u32 $0x70, s20  }
0xa5: {  	s1 =	sadd.s32 s19, s17;
	s19 =	sand.u32 $0x3C00, s21;
	p0 =	sne.s32 s20, $0x7F0  }
.Ltmp7:
0xa6: {  	s20 =	sadd.s32 $0x10, s20;
	s1 =	sadd.s32 s18, s1;
	(pc) =	sbr.rel @p0 .LBB2_10-.Ltmp7, $3  }
0xa7: {  	s2 =	sor.u32 s0, s19;
	s18 =	smov.u32 s0;
	[tilespmem:s1+$0x0] =	vst.add.f32.msk $0xffff, v2  }
0xa8: {  	v2 =	vld [tilespmem:s2+$0x400];
	_ =	sdelay $0x1  }
0xa9: {  	s21 =	sadd.s32 $0x80, s21  }
0xaa: {  	(v2sf) =	vpush v1, $0x1;
	_ =	sdelay $0xd  }
0xab: {  	s0 =	sadd.s32 s19, s17;
	s3 =	simm.s32 $0x0  }
0xac: {  	s0 =	sadd.s32 s18, s0;
	s17 =	sand.u32 $0x70, s3;
	s1 =	spop (v2sf)  }
0xad: {  	s18 =	sand.u32 $0x3C00, s3;
	s2 =	sshll.u32 s1, $0xB;
	s1 =	sshll.u32 s1, $0x7  }
0xae: {  	[tilespmem:s0+$0x0] =	vst.add.f32.msk $0xffff, v2;
	s30 =	sor.u32 s17, s18;
	s2 =	sand.u32 $0xFFFFC000, s2;
	s1 =	sand.u32 $0x380, s1  }
0xaf: {  	v2 =	vld [tilespmem:s30+$0x480];
	s29 =	sor.u32 s1, s2  }
0xb0: {  	s20 =	simm.s32 $0x10;
	s21 =	simm.s32 $0x80;
	s19 =	sadd.s32 $0x10400, s29  }
.LBB2_12:
0xb1: {  	s0 =	sand.u32 $0x70, s20  }
0xb2: {  	s1 =	sadd.s32 s18, s19;
	s18 =	sand.u32 $0x3C00, s21;
	p0 =	sne.s32 s20, $0x7F0  }
.Ltmp8:
0xb3: {  	s20 =	sadd.s32 $0x10, s20;
	s1 =	sadd.s32 s17, s1;
	(pc) =	sbr.rel @p0 .LBB2_12-.Ltmp8, $3  }
0xb4: {  	s2 =	sor.u32 s0, s18;
	s17 =	smov.u32 s0;
	[tilespmem:s1+$0x0] =	vst.add.f32.msk $0xffff, v2  }
0xb5: {  	v2 =	vld [tilespmem:s2+$0x480];
	_ =	sdelay $0x1  }
0xb6: {  	s21 =	sadd.s32 $0x80, s21  }
0xb7: {  	(v2sf) =	vpush v1, $0x2;
	_ =	sdelay $0xd  }
0xb8: {  	s0 =	sadd.s32 s18, s19;
	s3 =	simm.s32 $0x0  }
0xb9: {  	s0 =	sadd.s32 s17, s0;
	s17 =	sand.u32 $0x70, s3;
	s1 =	spop (v2sf)  }
0xba: {  	s18 =	sand.u32 $0x3C00, s3;
	s2 =	sshll.u32 s1, $0xB;
	s1 =	sshll.u32 s1, $0x7  }
0xbb: {  	[tilespmem:s0+$0x0] =	vst.add.f32.msk $0xffff, v2;
	s30 =	sor.u32 s17, s18;
	s2 =	sand.u32 $0xFFFFC000, s2;
	s1 =	sand.u32 $0x380, s1  }
0xbc: {  	v2 =	vld [tilespmem:s30+$0x500];
	s29 =	sor.u32 s1, s2  }
0xbd: {  	s20 =	simm.s32 $0x10;
	s21 =	simm.s32 $0x80;
	s19 =	sadd.s32 $0x10400, s29  }
.LBB2_14:
0xbe: {  	s0 =	sand.u32 $0x70, s20  }
0xbf: {  	s1 =	sadd.s32 s18, s19;
	s18 =	sand.u32 $0x3C00, s21;
	p0 =	sne.s32 s20, $0x7F0  }
.Ltmp9:
0xc0: {  	s20 =	sadd.s32 $0x10, s20;
	s1 =	sadd.s32 s17, s1;
	(pc) =	sbr.rel @p0 .LBB2_14-.Ltmp9, $3  }
0xc1: {  	s2 =	sor.u32 s0, s18;
	s17 =	smov.u32 s0;
	[tilespmem:s1+$0x0] =	vst.add.f32.msk $0xffff, v2  }
0xc2: {  	v2 =	vld [tilespmem:s2+$0x500];
	_ =	sdelay $0x1  }
0xc3: {  	s21 =	sadd.s32 $0x80, s21  }
0xc4: {  	(v2sf) =	vpush v1, $0x3;
	_ =	sdelay $0xd  }
0xc5: {  	s0 =	sadd.s32 s18, s19;
	s3 =	simm.s32 $0x0  }
0xc6: {  	s0 =	sadd.s32 s17, s0;
	s17 =	sand.u32 $0x70, s3;
	s1 =	spop (v2sf)  }
0xc7: {  	s18 =	sand.u32 $0x3C00, s3;
	s2 =	sshll.u32 s1, $0xB;
	s1 =	sshll.u32 s1, $0x7  }
0xc8: {  	[tilespmem:s0+$0x0] =	vst.add.f32.msk $0xffff, v2;
	s30 =	sor.u32 s17, s18;
	s2 =	sand.u32 $0xFFFFC000, s2;
	s1 =	sand.u32 $0x380, s1  }
0xc9: {  	v2 =	vld [tilespmem:s30+$0x580];
	s29 =	sor.u32 s1, s2  }
0xca: {  	s20 =	simm.s32 $0x10;
	s21 =	simm.s32 $0x80;
	s19 =	sadd.s32 $0x10400, s29  }
.LBB2_16:
0xcb: {  	s0 =	sand.u32 $0x70, s20  }
0xcc: {  	s1 =	sadd.s32 s18, s19;
	s18 =	sand.u32 $0x3C00, s21;
	p0 =	sne.s32 s20, $0x7F0  }
.Ltmp10:
0xcd: {  	s20 =	sadd.s32 $0x10, s20;
	s1 =	sadd.s32 s17, s1;
	(pc) =	sbr.rel @p0 .LBB2_16-.Ltmp10, $3  }
0xce: {  	s2 =	sor.u32 s0, s18;
	s17 =	smov.u32 s0;
	[tilespmem:s1+$0x0] =	vst.add.f32.msk $0xffff, v2  }
0xcf: {  	v2 =	vld [tilespmem:s2+$0x580];
	_ =	sdelay $0x1  }
0xd0: {  	s21 =	sadd.s32 $0x80, s21  }
0xd1: {  	(v2sf) =	vpush v1, $0x4;
	_ =	sdelay $0xd  }
0xd2: {  	s0 =	sadd.s32 s18, s19;
	s3 =	simm.s32 $0x0  }
0xd3: {  	s0 =	sadd.s32 s17, s0;
	s17 =	sand.u32 $0x70, s3;
	s1 =	spop (v2sf)  }
0xd4: {  	s18 =	sand.u32 $0x3C00, s3;
	s2 =	sshll.u32 s1, $0xB;
	s1 =	sshll.u32 s1, $0x7  }
0xd5: {  	[tilespmem:s0+$0x0] =	vst.add.f32.msk $0xffff, v2;
	s30 =	sor.u32 s17, s18;
	s2 =	sand.u32 $0xFFFFC000, s2;
	s1 =	sand.u32 $0x380, s1  }
0xd6: {  	v2 =	vld [tilespmem:s30+$0x600];
	s29 =	sor.u32 s1, s2  }
0xd7: {  	s20 =	simm.s32 $0x10;
	s21 =	simm.s32 $0x80;
	s19 =	sadd.s32 $0x10400, s29  }
.LBB2_18:
0xd8: {  	s0 =	sand.u32 $0x70, s20  }
0xd9: {  	s1 =	sadd.s32 s18, s19;
	s18 =	sand.u32 $0x3C00, s21;
	p0 =	sne.s32 s20, $0x7F0  }
.Ltmp11:
0xda: {  	s20 =	sadd.s32 $0x10, s20;
	s1 =	sadd.s32 s17, s1;
	(pc) =	sbr.rel @p0 .LBB2_18-.Ltmp11, $3  }
0xdb: {  	s2 =	sor.u32 s0, s18;
	s17 =	smov.u32 s0;
	[tilespmem:s1+$0x0] =	vst.add.f32.msk $0xffff, v2  }
0xdc: {  	v2 =	vld [tilespmem:s2+$0x600];
	_ =	sdelay $0x1  }
0xdd: {  	s21 =	sadd.s32 $0x80, s21  }
0xde: {  	(v2sf) =	vpush v1, $0x5;
	_ =	sdelay $0xd  }
0xdf: {  	s0 =	sadd.s32 s18, s19;
	s3 =	simm.s32 $0x0  }
0xe0: {  	s0 =	sadd.s32 s17, s0;
	s17 =	sand.u32 $0x70, s3;
	s1 =	spop (v2sf)  }
0xe1: {  	s18 =	sand.u32 $0x3C00, s3;
	s2 =	sshll.u32 s1, $0xB;
	s1 =	sshll.u32 s1, $0x7  }
0xe2: {  	[tilespmem:s0+$0x0] =	vst.add.f32.msk $0xffff, v2;
	s30 =	sor.u32 s17, s18;
	s2 =	sand.u32 $0xFFFFC000, s2;
	s1 =	sand.u32 $0x380, s1  }
0xe3: {  	v2 =	vld [tilespmem:s30+$0x680];
	s29 =	sor.u32 s1, s2  }
0xe4: {  	s20 =	simm.s32 $0x10;
	s21 =	simm.s32 $0x80;
	s19 =	sadd.s32 $0x10400, s29  }
.LBB2_20:
0xe5: {  	s0 =	sand.u32 $0x70, s20  }
0xe6: {  	s1 =	sadd.s32 s18, s19;
	s18 =	sand.u32 $0x3C00, s21;
	p0 =	sne.s32 s20, $0x7F0  }
.Ltmp12:
0xe7: {  	s20 =	sadd.s32 $0x10, s20;
	s1 =	sadd.s32 s17, s1;
	(pc) =	sbr.rel @p0 .LBB2_20-.Ltmp12, $3  }
0xe8: {  	s2 =	sor.u32 s0, s18;
	s17 =	smov.u32 s0;
	[tilespmem:s1+$0x0] =	vst.add.f32.msk $0xffff, v2  }
0xe9: {  	v2 =	vld [tilespmem:s2+$0x680];
	_ =	sdelay $0x1  }
0xea: {  	s21 =	sadd.s32 $0x80, s21  }
0xeb: {  	(v2sf) =	vpush v1, $0x6;
	_ =	sdelay $0xd  }
0xec: {  	s0 =	sadd.s32 s18, s19;
	s3 =	simm.s32 $0x0  }
0xed: {  	s0 =	sadd.s32 s17, s0;
	s18 =	sand.u32 $0x70, s3;
	s1 =	spop (v2sf)  }
0xee: {  	s17 =	sand.u32 $0x3C00, s3;
	s2 =	sshll.u32 s1, $0xB;
	s1 =	sshll.u32 s1, $0x7  }
0xef: {  	[tilespmem:s0+$0x0] =	vst.add.f32.msk $0xffff, v2;
	s30 =	sor.u32 s18, s17;
	s2 =	sand.u32 $0xFFFFC000, s2;
	s1 =	sand.u32 $0x380, s1  }
0xf0: {  	v2 =	vld [tilespmem:s30+$0x700];
	s29 =	sor.u32 s1, s2  }
0xf1: {  	s20 =	simm.s32 $0x10;
	s21 =	simm.s32 $0x80;
	s19 =	sadd.s32 $0x10400, s29  }
.LBB2_22:
0xf2: {  	s0 =	sand.u32 $0x70, s20  }
0xf3: {  	s1 =	sadd.s32 s17, s19;
	s17 =	sand.u32 $0x3C00, s21;
	p0 =	sne.s32 s20, $0x7F0  }
.Ltmp13:
0xf4: {  	s20 =	sadd.s32 $0x10, s20;
	s1 =	sadd.s32 s18, s1;
	(pc) =	sbr.rel @p0 .LBB2_22-.Ltmp13, $3  }
0xf5: {  	s2 =	sor.u32 s0, s17;
	s18 =	smov.u32 s0;
	[tilespmem:s1+$0x0] =	vst.add.f32.msk $0xffff, v2  }
0xf6: {  	v2 =	vld [tilespmem:s2+$0x700];
	_ =	sdelay $0x1  }
0xf7: {  	s21 =	sadd.s32 $0x80, s21  }
0xf8: {  	(v2sf) =	vpush v1, $0x7;
	_ =	sdelay $0xd  }
0xf9: {  	s0 =	sadd.s32 s17, s19;
	s17 =	simm.s32 $0x0;
	s19 =	simm.s32 $0x10  }
0xfa: {  	s3 =	sand.u32 $0x7, s17;
	s0 =	sadd.s32 s18, s0;
	s1 =	spop (v2sf)  }
0xfb: {  	s3 =	sshll.u32 s3, $0x4;
	s2 =	sshll.u32 s1, $0xB;
	s1 =	sshll.u32 s1, $0x7  }
0xfc: {  	s29 =	sadd.s32 $0x0, s3;
	s2 =	sand.u32 $0xFFFFC000, s2;
	s1 =	sand.u32 $0x380, s1  }
0xfd: {  	s20 =	simm.s32 $0x80;
	[tilespmem:s0+$0x0] =	vst.add.f32.msk $0xffff, v2;
	s30 =	sor.u32 $0x380, s29;
	s1 =	sor.u32 s1, s2  }
0xfe: {  	s21 =	simm.s32 $0x1;
	s22 =	sand.u32 $0x3C00, s17;
	v2 =	vld [tilespmem:s30+$0x400];
	s18 =	sadd.s32 $0x10400, s1  }
.LBB2_24:
0xff: {  	s0 =	sand.u32 $0x7, s21;
	p0 =	sne.s32 s19, $0x7F0  }
0x100: {  	s1 =	smov.u32 s19;
	s19 =	sadd.s32 $0x10, s19;
	s2 =	sand.u32 $0x70, s17  }
.Ltmp14:
0x101: {  	s3 =	sadd.s32 s22, s18;
	s0 =	sshll.u32 s0, $0x4;
	(pc) =	sbr.rel @p0 .LBB2_24-.Ltmp14, $4  }
0x102: {  	s2 =	sadd.s32 s2, s3;
	s17 =	smov.u32 s1;
	s0 =	sadd.s32 s0, s20  }
0x103: {  	s0 =	sor.u32 $0x380, s0;
	[tilespmem:s2+$0x0] =	vst.add.f32.msk $0xffff, v2  }
0x104: {  	v2 =	vld [tilespmem:s0+$0x400]  }
0x105: {  	s22 =	sand.u32 $0x3C00, s20;
	s21 =	sadd.s32 $0x1, s21;
	s20 =	sadd.s32 $0x80, s20  }
0x106: {  	(v2sf) =	vpush v1, $0x8;
	_ =	sdelay $0xd  }
0x107: {  	s0 =	sand.u32 $0x70, s17;
	s1 =	sadd.s32 s22, s18;
	s3 =	simm.s32 $0x0  }
0x108: {  	s0 =	sadd.s32 s0, s1;
	s17 =	sand.u32 $0x70, s3;
	s2 =	spop (v2sf)  }
0x109: {  	s18 =	sand.u32 $0x3C00, s3;
	s28 =	sshll.u32 s2, $0xB;
	s2 =	sshll.u32 s2, $0x7  }
0x10a: {  	s30 =	sor.u32 s17, s18;
	[tilespmem:s0+$0x0] =	vst.add.f32.msk $0xffff, v2;
	s1 =	sand.u32 $0xFFFFC000, s28;
	s2 =	sand.u32 $0x380, s2  }
0x10b: {  	v2 =	vld [tilespmem:s30+$0x4400];
	s29 =	sor.u32 s2, s1  }
0x10c: {  	s20 =	simm.s32 $0x10;
	s21 =	simm.s32 $0x80;
	s19 =	sadd.s32 $0x10400, s29  }
.LBB2_26:
0x10d: {  	s0 =	sand.u32 $0x70, s20  }
0x10e: {  	s1 =	sadd.s32 s18, s19;
	s18 =	sand.u32 $0x3C00, s21;
	p0 =	sne.s32 s20, $0x7F0  }
.Ltmp15:
0x10f: {  	s20 =	sadd.s32 $0x10, s20;
	s1 =	sadd.s32 s17, s1;
	(pc) =	sbr.rel @p0 .LBB2_26-.Ltmp15, $3  }
0x110: {  	s2 =	sor.u32 s0, s18;
	s17 =	smov.u32 s0;
	[tilespmem:s1+$0x0] =	vst.add.f32.msk $0xffff, v2  }
0x111: {  	v2 =	vld [tilespmem:s2+$0x4400];
	_ =	sdelay $0x1  }
0x112: {  	s21 =	sadd.s32 $0x80, s21  }
0x113: {  	(v2sf) =	vpush v1, $0x9;
	_ =	sdelay $0xd  }
0x114: {  	s0 =	sadd.s32 s18, s19;
	s3 =	simm.s32 $0x0  }
0x115: {  	s0 =	sadd.s32 s17, s0;
	s17 =	sand.u32 $0x70, s3;
	s1 =	spop (v2sf)  }
0x116: {  	s18 =	sand.u32 $0x3C00, s3;
	s2 =	sshll.u32 s1, $0xB;
	s1 =	sshll.u32 s1, $0x7  }
0x117: {  	[tilespmem:s0+$0x0] =	vst.add.f32.msk $0xffff, v2;
	s30 =	sor.u32 s17, s18;
	s2 =	sand.u32 $0xFFFFC000, s2;
	s1 =	sand.u32 $0x380, s1  }
0x118: {  	v2 =	vld [tilespmem:s30+$0x4480];
	s29 =	sor.u32 s1, s2  }
0x119: {  	s20 =	simm.s32 $0x10;
	s21 =	simm.s32 $0x80;
	s19 =	sadd.s32 $0x10400, s29  }
.LBB2_28:
0x11a: {  	s0 =	sand.u32 $0x70, s20  }
0x11b: {  	s1 =	sadd.s32 s18, s19;
	s18 =	sand.u32 $0x3C00, s21;
	p0 =	sne.s32 s20, $0x7F0  }
.Ltmp16:
0x11c: {  	s20 =	sadd.s32 $0x10, s20;
	s1 =	sadd.s32 s17, s1;
	(pc) =	sbr.rel @p0 .LBB2_28-.Ltmp16, $3  }
0x11d: {  	s2 =	sor.u32 s0, s18;
	s17 =	smov.u32 s0;
	[tilespmem:s1+$0x0] =	vst.add.f32.msk $0xffff, v2  }
0x11e: {  	v2 =	vld [tilespmem:s2+$0x4480];
	_ =	sdelay $0x1  }
0x11f: {  	s21 =	sadd.s32 $0x80, s21  }
0x120: {  	(v2sf) =	vpush v1, $0xA;
	_ =	sdelay $0xd  }
0x121: {  	s0 =	sadd.s32 s18, s19;
	s3 =	simm.s32 $0x0  }
0x122: {  	s0 =	sadd.s32 s17, s0;
	s17 =	sand.u32 $0x70, s3;
	s1 =	spop (v2sf)  }
0x123: {  	s18 =	sand.u32 $0x3C00, s3;
	s2 =	sshll.u32 s1, $0xB;
	s1 =	sshll.u32 s1, $0x7  }
0x124: {  	[tilespmem:s0+$0x0] =	vst.add.f32.msk $0xffff, v2;
	s30 =	sor.u32 s17, s18;
	s2 =	sand.u32 $0xFFFFC000, s2;
	s1 =	sand.u32 $0x380, s1  }
0x125: {  	v2 =	vld [tilespmem:s30+$0x4500];
	s29 =	sor.u32 s1, s2  }
0x126: {  	s20 =	simm.s32 $0x10;
	s21 =	simm.s32 $0x80;
	s19 =	sadd.s32 $0x10400, s29  }
.LBB2_30:
0x127: {  	s0 =	sand.u32 $0x70, s20  }
0x128: {  	s1 =	sadd.s32 s18, s19;
	s18 =	sand.u32 $0x3C00, s21;
	p0 =	sne.s32 s20, $0x7F0  }
.Ltmp17:
0x129: {  	s20 =	sadd.s32 $0x10, s20;
	s1 =	sadd.s32 s17, s1;
	(pc) =	sbr.rel @p0 .LBB2_30-.Ltmp17, $3  }
0x12a: {  	s2 =	sor.u32 s0, s18;
	s17 =	smov.u32 s0;
	[tilespmem:s1+$0x0] =	vst.add.f32.msk $0xffff, v2  }
0x12b: {  	v2 =	vld [tilespmem:s2+$0x4500];
	_ =	sdelay $0x1  }
0x12c: {  	s21 =	sadd.s32 $0x80, s21  }
0x12d: {  	(v2sf) =	vpush v1, $0xB;
	_ =	sdelay $0xd  }
0x12e: {  	s0 =	sadd.s32 s18, s19;
	s3 =	simm.s32 $0x0  }
0x12f: {  	s0 =	sadd.s32 s17, s0;
	s17 =	sand.u32 $0x70, s3;
	s1 =	spop (v2sf)  }
0x130: {  	s18 =	sand.u32 $0x3C00, s3;
	s2 =	sshll.u32 s1, $0xB;
	s1 =	sshll.u32 s1, $0x7  }
0x131: {  	[tilespmem:s0+$0x0] =	vst.add.f32.msk $0xffff, v2;
	s30 =	sor.u32 s17, s18;
	s2 =	sand.u32 $0xFFFFC000, s2;
	s1 =	sand.u32 $0x380, s1  }
0x132: {  	v2 =	vld [tilespmem:s30+$0x4580];
	s29 =	sor.u32 s1, s2  }
0x133: {  	s20 =	simm.s32 $0x10;
	s21 =	simm.s32 $0x80;
	s19 =	sadd.s32 $0x10400, s29  }
.LBB2_32:
0x134: {  	s0 =	sand.u32 $0x70, s20  }
0x135: {  	s1 =	sadd.s32 s18, s19;
	s18 =	sand.u32 $0x3C00, s21;
	p0 =	sne.s32 s20, $0x7F0  }
.Ltmp18:
0x136: {  	s20 =	sadd.s32 $0x10, s20;
	s1 =	sadd.s32 s17, s1;
	(pc) =	sbr.rel @p0 .LBB2_32-.Ltmp18, $3  }
0x137: {  	s2 =	sor.u32 s0, s18;
	s17 =	smov.u32 s0;
	[tilespmem:s1+$0x0] =	vst.add.f32.msk $0xffff, v2  }
0x138: {  	v2 =	vld [tilespmem:s2+$0x4580];
	_ =	sdelay $0x1  }
0x139: {  	s21 =	sadd.s32 $0x80, s21  }
0x13a: {  	(v2sf) =	vpush v1, $0xC;
	_ =	sdelay $0xd  }
0x13b: {  	s0 =	sadd.s32 s18, s19;
	s3 =	simm.s32 $0x0  }
0x13c: {  	s0 =	sadd.s32 s17, s0;
	s17 =	sand.u32 $0x70, s3;
	s1 =	spop (v2sf)  }
0x13d: {  	s18 =	sand.u32 $0x3C00, s3;
	s2 =	sshll.u32 s1, $0xB;
	s1 =	sshll.u32 s1, $0x7  }
0x13e: {  	[tilespmem:s0+$0x0] =	vst.add.f32.msk $0xffff, v2;
	s30 =	sor.u32 s17, s18;
	s2 =	sand.u32 $0xFFFFC000, s2;
	s1 =	sand.u32 $0x380, s1  }
0x13f: {  	v2 =	vld [tilespmem:s30+$0x4600];
	s29 =	sor.u32 s1, s2  }
0x140: {  	s20 =	simm.s32 $0x10;
	s21 =	simm.s32 $0x80;
	s19 =	sadd.s32 $0x10400, s29  }
.LBB2_34:
0x141: {  	s0 =	sand.u32 $0x70, s20  }
0x142: {  	s1 =	sadd.s32 s18, s19;
	s18 =	sand.u32 $0x3C00, s21;
	p0 =	sne.s32 s20, $0x7F0  }
.Ltmp19:
0x143: {  	s20 =	sadd.s32 $0x10, s20;
	s1 =	sadd.s32 s17, s1;
	(pc) =	sbr.rel @p0 .LBB2_34-.Ltmp19, $3  }
0x144: {  	s2 =	sor.u32 s0, s18;
	s17 =	smov.u32 s0;
	[tilespmem:s1+$0x0] =	vst.add.f32.msk $0xffff, v2  }
0x145: {  	v2 =	vld [tilespmem:s2+$0x4600];
	_ =	sdelay $0x1  }
0x146: {  	s21 =	sadd.s32 $0x80, s21  }
0x147: {  	(v2sf) =	vpush v1, $0xD;
	_ =	sdelay $0xd  }
0x148: {  	s0 =	sadd.s32 s18, s19;
	s3 =	simm.s32 $0x0  }
0x149: {  	s0 =	sadd.s32 s17, s0;
	s17 =	sand.u32 $0x70, s3;
	s1 =	spop (v2sf)  }
0x14a: {  	s18 =	sand.u32 $0x3C00, s3;
	s2 =	sshll.u32 s1, $0xB;
	s1 =	sshll.u32 s1, $0x7  }
0x14b: {  	[tilespmem:s0+$0x0] =	vst.add.f32.msk $0xffff, v2;
	s30 =	sor.u32 s17, s18;
	s2 =	sand.u32 $0xFFFFC000, s2;
	s1 =	sand.u32 $0x380, s1  }
0x14c: {  	v2 =	vld [tilespmem:s30+$0x4680];
	s29 =	sor.u32 s1, s2  }
0x14d: {  	s20 =	simm.s32 $0x10;
	s21 =	simm.s32 $0x80;
	s19 =	sadd.s32 $0x10400, s29  }
.LBB2_36:
0x14e: {  	s0 =	sand.u32 $0x70, s20  }
0x14f: {  	s1 =	sadd.s32 s18, s19;
	s18 =	sand.u32 $0x3C00, s21;
	p0 =	sne.s32 s20, $0x7F0  }
.Ltmp20:
0x150: {  	s20 =	sadd.s32 $0x10, s20;
	s1 =	sadd.s32 s17, s1;
	(pc) =	sbr.rel @p0 .LBB2_36-.Ltmp20, $3  }
0x151: {  	s2 =	sor.u32 s0, s18;
	s17 =	smov.u32 s0;
	[tilespmem:s1+$0x0] =	vst.add.f32.msk $0xffff, v2  }
0x152: {  	v2 =	vld [tilespmem:s2+$0x4680];
	_ =	sdelay $0x1  }
0x153: {  	s21 =	sadd.s32 $0x80, s21  }
0x154: {  	(v2sf) =	vpush v1, $0xE;
	_ =	sdelay $0xd  }
0x155: {  	s2 =	sadd.s32 s18, s19;
	s29 =	simm.s32 $0x0  }
0x156: {  	s2 =	sadd.s32 s17, s2;
	s19 =	sand.u32 $0x70, s29;
	s0 =	spop (v2sf)  }
0x157: {  	s18 =	sand.u32 $0x3C00, s29;
	s1 =	sshll.u32 s0, $0xB;
	s0 =	sshll.u32 s0, $0x7  }
0x158: {  	[tilespmem:s2+$0x0] =	vst.add.f32.msk $0xffff, v2;
	s30 =	sor.u32 s19, s18;
	s1 =	sand.u32 $0xFFFFC000, s1;
	s0 =	sand.u32 $0x380, s0  }
0x159: {  	v1 =	vld [tilespmem:s30+$0x4700];
	s0 =	sor.u32 s0, s1  }
0x15a: {  	s20 =	simm.s32 $0x10;
	s21 =	simm.s32 $0x80;
	s17 =	sadd.s32 $0x10400, s0  }
.LBB2_38:
0x15b: {  	s0 =	sand.u32 $0x70, s20  }
0x15c: {  	s1 =	sadd.s32 s18, s17;
	s18 =	sand.u32 $0x3C00, s21;
	p0 =	seq.s32 s20, $0x7F0  }
.Ltmp21:
0x15d: {  	s20 =	sadd.s32 $0x10, s20;
	s1 =	sadd.s32 s19, s1;
	(pc) =	sbr.rel @!p0 .LBB2_38-.Ltmp21, $3  }
0x15e: {  	s2 =	sor.u32 s0, s18;
	s19 =	smov.u32 s0;
	[tilespmem:s1+$0x0] =	vst.add.f32.msk $0xffff, v1  }
0x15f: {  	v1 =	vld [tilespmem:s2+$0x4700];
	_ =	sdelay $0x1  }
0x160: {  	s21 =	sadd.s32 $0x80, s21  }
0x161: {  	s0 =	sadd.s32 s18, s17  }
0x162: {  	s28 =	sshll.u32 s16, $0xB;
	s1 =	sshll.u32 s16, $0x7;
	s29 =	simm.s32 $0x0  }
0x163: {  	s0 =	sadd.s32 s19, s0;
	s18 =	sand.u32 $0x70, s29;
	s17 =	sand.u32 $0x3C00, s29  }
0x164: {  	s1 =	sand.u32 $0x380, s1;
	[tilespmem:s0+$0x0] =	vst.add.f32.msk $0xffff, v1;
	s0 =	sand.u32 $0xFFFFC000, s28;
	s30 =	sor.u32 s18, s17  }
0x165: {  	s0 =	sor.u32 s1, s0;
	v1 =	vld [tilespmem:s30+$0x4780]  }
0x166: {  	s20 =	simm.s32 $0x80;
	s19 =	simm.s32 $0x10;
	s16 =	sadd.s32 $0x10400, s0  }
.LBB2_40:
0x167: {  	s0 =	sand.u32 $0x70, s19  }
0x168: {  	s1 =	sadd.s32 s17, s16;
	s17 =	sand.u32 $0x3C00, s20;
	p0 =	sne.s32 s19, $0x7F0  }
.Ltmp22:
0x169: {  	s19 =	sadd.s32 $0x10, s19;
	s1 =	sadd.s32 s18, s1;
	(pc) =	sbr.rel @p0 .LBB2_40-.Ltmp22, $3  }
0x16a: {  	s2 =	sor.u32 s0, s17;
	s18 =	smov.u32 s0;
	[tilespmem:s1+$0x0] =	vst.add.f32.msk $0xffff, v1  }
0x16b: {  	v1 =	vld [tilespmem:s2+$0x4780];
	_ =	sdelay $0x1  }
0x16c: {  	s20 =	sadd.s32 $0x80, s20  }
0x16d: {  	s0 =	sadd.s32 s17, s16  }
0x16e: {  	s0 =	sadd.s32 s18, s0  }
0x16f: {  	[tilespmem:s0+$0x0] =	vst.add.f32.msk $0xffff, v1  }
.LBB2_42:
.Ltmp23:
0x170: {  	(pc) =	sbr.rel .LBB2_43-.Ltmp23, $2  }
0x171: {  	_ =	sdelay $0x2  }
0x172: {  	s16 =	simm.s32 $0x0;
	s17 =	simm.s32 $0x0  }
.LBB2_117:
0x173: {  	s17 =	sadd.s32 $0x1, s17  }
0x174: {  	p0 =	sne.s32 s17, $0x3  }
.Ltmp24:
0x175: {  	_ = 	snop;
	(pc) =	sbr.rel @!p0 .LBB2_118-.Ltmp24, $1  }
0x176: {  	_ =	sdelay $0x3  }
.LBB2_43:
0x177: {  	s0 =	sshll.u32 s17, $0x1  }
0x178: {  	s18 =	sadd.s32 $0x2, s0  }
0x179: {  	s0 =	sshll.u32 s18, $0xC  }
0x17a: {  	s1 =	simm.s32 $0x400;
	s0 =	sadd.s32 s0, s4  }
0x17b: {  	[tilespmem:s1], [sflag:$0x1] =	stream.linear.gather [hbm4b:s0+s16], $0x8000, $0x38;
	[tilespmem:$0x18400] =	vst v63  }
0x17c: {  	_ =	swait.ge [sflag:s13], $0x8000  }
0x17d: {  	s26 =	sshll.u32 s17, $0x8;
	[sflag:s13] =	ssyncset.done $0x0  }
0x17e: {  	s0 =	sand.u32 $0x3FFFFF00, s26;
	[sflag:s13] =	ssyncadd.s32 $0xFFFF8000  }
0x17f: {  	v1 =	vld [tilespmem:s0+$0x80];
	_ =	sdelay $0x4  }
0x180: {  	(v2sf) =	vpush v1, $0x0  }
0x181: {  	(v2sf) =	vpush v1, $0xF;
	_ =	sdelay $0xd  }
0x182: {  	s28 =	spop (v2sf)  }
0x183: {  	s19 =	spop (v2sf)  }
0x184: {  	p0 =	sne.s32 s28, s19  }
.Ltmp25:
0x185: {  	_ = 	snop;
	(pc) =	sbr.rel @p0 .LBB2_47-.Ltmp25, $4  }
0x186: {  	s29 =	sshll.u32 s28, $0xB;
	s2 =	sshll.u32 s28, $0x7  }
0x187: {  	s1 =	sand.u32 $0xFFFFC000, s29;
	s2 =	sand.u32 $0x380, s2  }
0x188: {  	s30 =	sor.u32 s2, s1  }
0x189: {  	s20 =	sadd.s32 $0x10400, s30  }
0x18a: {  	s21 =	sand.u32 $0x3C00, s16  }
0x18b: {  	s19 =	sand.u32 $0x60, s16;
	s0 =	sadd.s32 $0x8400, s21  }
0x18c: {  	s1 =	sor.u32 s19, s0  }
0x18d: {  	s2 =	sadd.s32 $0xC600, s21;
	v1 =	vld [tilespmem:s1+$0x180]  }
0x18e: {  	s3 =	sadd.s32 $0xC700, s21;
	s5 =	sor.u32 s19, s2;
	v2 =	vld [tilespmem:s1+$0x0]  }
0x18f: {  	s6 =	sadd.s32 $0xC680, s21;
	s26 =	sor.u32 s19, s3;
	v3 =	vld [tilespmem:s5+$0x0]  }
0x190: {  	s7 =	sor.u32 s19, s6;
	v4 =	vld [tilespmem:s26+$0x0]  }
0x191: {  	v5 =	vld [tilespmem:s7+$0x0]  }
0x192: {  	s22 =	sor.u32 $0x10, s19;
	s28 =	sadd.s32 $0xC780, s21;
	v6 =	vld [tilespmem:s1+$0x80]  }
0x193: {  	s29 =	sor.u32 s22, s28;
	v7 =	vld [tilespmem:s1+$0x100]  }
0x194: {  	s0 =	sor.u32 s22, s0;
	v8 =	vld [tilespmem:s29+$0x0]  }
0x195: {  	v9 =	vld [tilespmem:s0+$0x280]  }
0x196: {  	v10 =	vld [tilespmem:s0+$0x200]  }
0x197: {  	v11 =	vld [tilespmem:s0+$0x180]  }
0x198: {  	v12 =	vld [tilespmem:s0+$0x0]  }
0x199: {  	v13 =	vld [tilespmem:s0+$0x80]  }
0x19a: {  	s3 =	sor.u32 s22, s3;
	v14 =	vld [tilespmem:s0+$0x100]  }
0x19b: {  	s31 =	sor.u32 s22, s6;
	v15 =	vld [tilespmem:s3+$0x0]  }
0x19c: {  	s2 =	sor.u32 s22, s2;
	v16 =	vld [tilespmem:s31+$0x0]  }
0x19d: {  	s9 =	sadd.s32 $0xC500, s21;
	s8 =	sor.u32 s19, s28;
	v17 =	vld [tilespmem:s2+$0x0]  }
0x19e: {  	s10 =	sadd.s32 $0xC400, s21;
	s11 =	sor.u32 s22, s9;
	v19 =	vld [tilespmem:s8+$0x0]  }
0x19f: {  	s14 =	sadd.s32 $0xC580, s21;
	s15 =	sor.u32 s22, s10;
	v21 =	vld [tilespmem:s11+$0x0]  }
0x1a0: {  	s23 =	sor.u32 s22, s14;
	v22 =	vld [tilespmem:s15+$0x0]  }
0x1a1: {  	v23 =	vld [tilespmem:s23+$0x0]  }
0x1a2: {  	v25 =	vld [tilespmem:s1+$0x280]  }
0x1a3: {  	s6 =	sadd.s32 $0xC480, s21;
	s25 =	sor.u32 s19, s10;
	v26 =	vld [tilespmem:s1+$0x200]  }
0x1a4: {  	s7 =	sor.u32 s19, s6;
	v51 =	vld [tilespmem:s25+$0x0]  }
0x1a5: {  	s24 =	sand.u32 $0x3, s16;
	s0 =	sor.u32 s19, s9;
	v18 =	vld [tilespmem:s7+$0x0]  }
0x1a6: {  	s3 =	sor.u32 s22, s6;
	v24 =	vld [tilespmem:s0+$0x0];
	s0 =	sshll.u32 s24, $0x5  }
0x1a7: {  	v20 =	vld [tilespmem:s3+$0x0];
	s3 =	sor.u32 s19, s14;
	s0 =	sadd.s32 $0x0, s0;
	v3 =	vadd.f32 v5, v3;
	v5 =	vadd.f32 v9, v10  }
0x1a8: {  	v27 =	vld [tilespmem:s3+$0x0];
	s26 =	sor.u32 $0x300, s0;
	v1 =	vadd.f32 v1, v7;
	v52 =	vadd.f32 v13, v12  }
0x1a9: {  	s28 =	sadd.s32 $0x10, s0;
	s0 =	sor.u32 $0x380, s0;
	v53 =	vld [tilespmem:s26+$0x8400];
	v8 =	vadd.f32 v8, v15;
	v54 =	vadd.f32 v16, v17  }
0x1aa: {  	s29 =	sor.u32 $0x380, s28;
	v58 =	vld [tilespmem:s0+$0x8400];
	v57 =	vadd.f32 v23, v21;
	v2 =	vadd.f32 v6, v2  }
0x1ab: {  	s1 =	sor.u32 $0x300, s28;
	v55 =	vld [tilespmem:s29+$0x8400];
	v11 =	vadd.f32 v11, v14;
	v4 =	vadd.f32 v19, v4  }
0x1ac: {  	v60 =	vld [tilespmem:s1+$0x8400];
	v56 =	vadd.f32 v20, v22;
	v9 =	vadd.f32 v18, v51  }
0x1ad: {  	v59 =	vadd.f32 v8, v54;
	v1 =	vadd.f32 v1, v2  }
0x1ae: {  	v2 =	vadd.f32 v25, v26;
	v62 =	vadd.f32 v27, v24  }
0x1af: {  	v3 =	vadd.f32 v4, v3;
	v10 =	vadd.f32 v58, v53  }
0x1b0: {  	v4 =	vadd.f32 v11, v52;
	v9 =	vadd.f32 v62, v9  }
0x1b1: {  	v8 =	vadd.f32 v55, v60;
	v2 =	vadd.f32 v10, v2  }
0x1b2: {  	v61 =	vadd.f32 v57, v56;
	v63 =	vadd.f32 v3, v9  }
0x1b3: {  	v5 =	vadd.f32 v8, v5;
	v1 =	vadd.f32 v2, v1  }
0x1b4: {  	s30 =	simm.s32 $0x20;
	s31 =	sadd.s32 s21, s20;
	s21 =	simm.s32 $0x1;
	v3 =	vadd.f32 v59, v61  }
0x1b5: {  	s24 =	sadd.s32 s19, s31;
	s23 =	sadd.s32 s22, s31;
	s19 =	simm.s32 $0x100;
	v2 =	vadd.f32 v5, v4;
	v1 =	vadd.f32 v63, v1  }
.LBB2_45:
0x1b6: {  	s0 =	sand.u32 $0x60, s30  }
0x1b7: {  	s1 =	sand.u32 $0x3C00, s19;
	v2 =	vadd.f32 v3, v2;
	s2 =	smov.u32 s30;
	s22 =	sadd.s32 $0x20, s30  }
0x1b8: {  	s2 =	sadd.s32 $0x8400, s1;
	s3 =	sadd.s32 $0xC480, s1;
	s5 =	sor.u32 $0x10, s0;
	[tilespmem:s24+$0x0] =	vst.add.f32.msk $0xffff, v1  }
0x1b9: {  	s6 =	sadd.s32 $0xC780, s1;
	s25 =	sor.u32 s0, s2;
	s29 =	sor.u32 s0, s3;
	[tilespmem:s23+$0x0] =	vst.add.f32.msk $0xffff, v2  }
0x1ba: {  	s7 =	sadd.s32 $0xC600, s1;
	s11 =	sadd.s32 $0xC680, s1;
	s14 =	sadd.s32 $0xC700, s1;
	v1 =	vld [tilespmem:s25+$0x180]  }
0x1bb: {  	s23 =	sor.u32 s0, s7;
	s24 =	sor.u32 s0, s11;
	s15 =	sor.u32 s0, s6;
	v2 =	vld [tilespmem:s25+$0x0]  }
0x1bc: {  	s9 =	sadd.s32 $0xC400, s1;
	s10 =	sadd.s32 $0xC500, s1;
	v3 =	vld [tilespmem:s23+$0x0];
	s23 =	sor.u32 s0, s14  }
0x1bd: {  	s8 =	sadd.s32 $0xC580, s1;
	s26 =	sor.u32 s0, s9;
	s31 =	sor.u32 s0, s10;
	v4 =	vld [tilespmem:s23+$0x0]  }
0x1be: {  	s28 =	sor.u32 s0, s8;
	s10 =	sor.u32 s5, s10;
	s8 =	sor.u32 s5, s8;
	v5 =	vld [tilespmem:s24+$0x0]  }
0x1bf: {  	s9 =	sor.u32 s5, s9;
	s3 =	sor.u32 s5, s3;
	s7 =	sor.u32 s5, s7;
	v6 =	vld [tilespmem:s25+$0x80]  }
0x1c0: {  	s11 =	sor.u32 s5, s11;
	s6 =	sor.u32 s5, s6;
	s14 =	sor.u32 s5, s14;
	v7 =	vld [tilespmem:s25+$0x100]  }
0x1c1: {  	p0 =	seq.s32 s30, $0x7E0;
	s1 =	sadd.s32 s1, s20;
	s2 =	sor.u32 s5, s2;
	v8 =	vld [tilespmem:s6+$0x0]  }
0x1c2: {  	s23 =	sadd.s32 s5, s1;
	s24 =	sadd.s32 s0, s1;
	v9 =	vld [tilespmem:s2+$0x280]  }
0x1c3: {  	v10 =	vld [tilespmem:s2+$0x200];
	v3 =	vadd.f32 v5, v3  }
0x1c4: {  	v5 =	vld [tilespmem:s2+$0x180]  }
0x1c5: {  	v11 =	vld [tilespmem:s2+$0x0]  }
0x1c6: {  	v12 =	vld [tilespmem:s2+$0x80]  }
0x1c7: {  	v13 =	vld [tilespmem:s2+$0x100]  }
0x1c8: {  	v14 =	vld [tilespmem:s14+$0x0];
	v9 =	vadd.f32 v9, v10  }
0x1c9: {  	v10 =	vld [tilespmem:s11+$0x0]  }
0x1ca: {  	v1 =	vadd.f32 v1, v7;
	v15 =	vld [tilespmem:s7+$0x0]  }
0x1cb: {  	v7 =	vld [tilespmem:s29+$0x0];
	v11 =	vadd.f32 v12, v11  }
0x1cc: {  	v2 =	vadd.f32 v6, v2;
	v12 =	vld [tilespmem:s15+$0x0]  }
0x1cd: {  	v6 =	vld [tilespmem:s3+$0x0];
	v8 =	vadd.f32 v8, v14  }
0x1ce: {  	v14 =	vld [tilespmem:s10+$0x0]  }
0x1cf: {  	v16 =	vld [tilespmem:s9+$0x0];
	v10 =	vadd.f32 v10, v15  }
0x1d0: {  	v15 =	vld [tilespmem:s8+$0x0]  }
0x1d1: {  	v17 =	vld [tilespmem:s31+$0x0];
	v8 =	vadd.f32 v8, v10  }
0x1d2: {  	s0 =	sand.u32 $0x3, s21;
	v10 =	vld [tilespmem:s25+$0x280]  }
0x1d3: {  	s0 =	sshll.u32 s0, $0x5;
	v18 =	vld [tilespmem:s25+$0x200]  }
0x1d4: {  	s0 =	sadd.s32 s0, s19;
	v19 =	vld [tilespmem:s28+$0x0];
	v6 =	vadd.f32 v6, v16  }
0x1d5: {  	s1 =	sor.u32 $0x300, s0;
	s2 =	sor.u32 $0x380, s0;
	s0 =	sadd.s32 $0x10, s0;
	v16 =	vld [tilespmem:s26+$0x0];
	v14 =	vadd.f32 v15, v14  }
0x1d6: {  	v15 =	vld [tilespmem:s1+$0x8400];
	s1 =	sor.u32 $0x300, s0;
	s0 =	sor.u32 $0x380, s0  }
0x1d7: {  	v20 =	vld [tilespmem:s0+$0x8400];
	v6 =	vadd.f32 v14, v6  }
0x1d8: {  	v14 =	vld [tilespmem:s2+$0x8400]  }
0x1d9: {  	v21 =	vld [tilespmem:s1+$0x8400]  }
0x1da: {  	v5 =	vadd.f32 v5, v13  }
0x1db: {  	v1 =	vadd.f32 v1, v2;
	v7 =	vadd.f32 v7, v16  }
0x1dc: {  	v2 =	vadd.f32 v10, v18;
	v10 =	vadd.f32 v19, v17  }
0x1dd: {  	v4 =	vadd.f32 v12, v4;
	v13 =	vadd.f32 v14, v15  }
0x1de: {  	v7 =	vadd.f32 v10, v7;
	v10 =	vadd.f32 v20, v21  }
.Ltmp26:
0x1df: {  	v3 =	vadd.f32 v4, v3;
	v2 =	vadd.f32 v13, v2;
	(pc) =	sbr.rel @!p0 .LBB2_45-.Ltmp26, $4  }
0x1e0: {  	v4 =	vadd.f32 v5, v11;
	v5 =	vadd.f32 v10, v9  }
0x1e1: {  	v7 =	vadd.f32 v3, v7;
	v1 =	vadd.f32 v2, v1  }
0x1e2: {  	v3 =	vadd.f32 v8, v6;
	v2 =	vadd.f32 v5, v4  }
0x1e3: {  	s30 =	smov.u32 s22;
	s21 =	sadd.s32 $0x1, s21;
	s19 =	sadd.s32 $0x100, s19;
	v1 =	vadd.f32 v7, v1  }
.Ltmp27:
0x1e4: {  	(pc) =	sbr.rel .LBB2_80-.Ltmp27, $4  }
0x1e5: {  	_ = 	snop  }
0x1e6: {  	v2 =	vadd.f32 v3, v2  }
0x1e7: {  	[tilespmem:s24+$0x0] =	vst.add.f32.msk $0xffff, v1  }
0x1e8: {  	s31 =	simm.s32 $0x8400;
	[tilespmem:s23+$0x0] =	vst.add.f32.msk $0xffff, v2  }
.LBB2_47:
0x1e9: {  	s21 =	sand.u32 $0x70, s16;
	s22 =	sand.u32 $0x3C00, s16  }
0x1ea: {  	s0 =	sor.u32 s21, s22  }
0x1eb: {  	v2 =	vld [tilespmem:s0+$0x8400]  }
0x1ec: {  	s23 =	simm.s32 $0x10;
	s24 =	simm.s32 $0x80  }
.LBB2_48:
0x1ed: {  	s0 =	sand.u32 $0x70, s23  }
0x1ee: {  	s1 =	sadd.s32 s22, s20;
	s22 =	sand.u32 $0x3C00, s24;
	p0 =	sne.s32 s23, $0x7F0  }
.Ltmp28:
0x1ef: {  	s23 =	sadd.s32 $0x10, s23;
	s1 =	sadd.s32 s21, s1;
	(pc) =	sbr.rel @p0 .LBB2_48-.Ltmp28, $3  }
0x1f0: {  	s2 =	sor.u32 s0, s22;
	s21 =	smov.u32 s0;
	[tilespmem:s1+$0x0] =	vst.add.f32.msk $0xffff, v2  }
0x1f1: {  	v2 =	vld [tilespmem:s2+$0x8400];
	_ =	sdelay $0x1  }
0x1f2: {  	s24 =	sadd.s32 $0x80, s24  }
0x1f3: {  	(v2sf) =	vpush v1, $0x1;
	_ =	sdelay $0xd  }
0x1f4: {  	s0 =	sadd.s32 s22, s20;
	s3 =	simm.s32 $0x0  }
0x1f5: {  	s0 =	sadd.s32 s21, s0;
	s20 =	sand.u32 $0x70, s3;
	s1 =	spop (v2sf)  }
0x1f6: {  	s21 =	sand.u32 $0x3C00, s3;
	s2 =	sshll.u32 s1, $0xB;
	s1 =	sshll.u32 s1, $0x7  }
0x1f7: {  	[tilespmem:s0+$0x0] =	vst.add.f32.msk $0xffff, v2;
	s30 =	sor.u32 s20, s21;
	s2 =	sand.u32 $0xFFFFC000, s2;
	s1 =	sand.u32 $0x380, s1  }
0x1f8: {  	v2 =	vld [tilespmem:s30+$0x8480];
	s29 =	sor.u32 s1, s2  }
0x1f9: {  	s23 =	simm.s32 $0x10;
	s24 =	simm.s32 $0x80;
	s22 =	sadd.s32 $0x10400, s29  }
.LBB2_50:
0x1fa: {  	s0 =	sand.u32 $0x70, s23  }
0x1fb: {  	s1 =	sadd.s32 s21, s22;
	s21 =	sand.u32 $0x3C00, s24;
	p0 =	sne.s32 s23, $0x7F0  }
.Ltmp29:
0x1fc: {  	s23 =	sadd.s32 $0x10, s23;
	s1 =	sadd.s32 s20, s1;
	(pc) =	sbr.rel @p0 .LBB2_50-.Ltmp29, $3  }
0x1fd: {  	s2 =	sor.u32 s0, s21;
	s20 =	smov.u32 s0;
	[tilespmem:s1+$0x0] =	vst.add.f32.msk $0xffff, v2  }
0x1fe: {  	v2 =	vld [tilespmem:s2+$0x8480];
	_ =	sdelay $0x1  }
0x1ff: {  	s24 =	sadd.s32 $0x80, s24  }
0x200: {  	(v2sf) =	vpush v1, $0x2;
	_ =	sdelay $0xd  }
0x201: {  	s0 =	sadd.s32 s21, s22;
	s3 =	simm.s32 $0x0  }
0x202: {  	s0 =	sadd.s32 s20, s0;
	s20 =	sand.u32 $0x70, s3;
	s1 =	spop (v2sf)  }
0x203: {  	s21 =	sand.u32 $0x3C00, s3;
	s2 =	sshll.u32 s1, $0xB;
	s1 =	sshll.u32 s1, $0x7  }
0x204: {  	[tilespmem:s0+$0x0] =	vst.add.f32.msk $0xffff, v2;
	s30 =	sor.u32 s20, s21;
	s2 =	sand.u32 $0xFFFFC000, s2;
	s1 =	sand.u32 $0x380, s1  }
0x205: {  	v2 =	vld [tilespmem:s30+$0x8500];
	s29 =	sor.u32 s1, s2  }
0x206: {  	s23 =	simm.s32 $0x10;
	s24 =	simm.s32 $0x80;
	s22 =	sadd.s32 $0x10400, s29  }
.LBB2_52:
0x207: {  	s0 =	sand.u32 $0x70, s23  }
0x208: {  	s1 =	sadd.s32 s21, s22;
	s21 =	sand.u32 $0x3C00, s24;
	p0 =	sne.s32 s23, $0x7F0  }
.Ltmp30:
0x209: {  	s23 =	sadd.s32 $0x10, s23;
	s1 =	sadd.s32 s20, s1;
	(pc) =	sbr.rel @p0 .LBB2_52-.Ltmp30, $3  }
0x20a: {  	s2 =	sor.u32 s0, s21;
	s20 =	smov.u32 s0;
	[tilespmem:s1+$0x0] =	vst.add.f32.msk $0xffff, v2  }
0x20b: {  	v2 =	vld [tilespmem:s2+$0x8500];
	_ =	sdelay $0x1  }
0x20c: {  	s24 =	sadd.s32 $0x80, s24  }
0x20d: {  	(v2sf) =	vpush v1, $0x3;
	_ =	sdelay $0xd  }
0x20e: {  	s0 =	sadd.s32 s21, s22;
	s3 =	simm.s32 $0x0  }
0x20f: {  	s0 =	sadd.s32 s20, s0;
	s20 =	sand.u32 $0x70, s3;
	s1 =	spop (v2sf)  }
0x210: {  	s21 =	sand.u32 $0x3C00, s3;
	s2 =	sshll.u32 s1, $0xB;
	s1 =	sshll.u32 s1, $0x7  }
0x211: {  	[tilespmem:s0+$0x0] =	vst.add.f32.msk $0xffff, v2;
	s30 =	sor.u32 s20, s21;
	s2 =	sand.u32 $0xFFFFC000, s2;
	s1 =	sand.u32 $0x380, s1  }
0x212: {  	v2 =	vld [tilespmem:s30+$0x8580];
	s29 =	sor.u32 s1, s2  }
0x213: {  	s23 =	simm.s32 $0x10;
	s24 =	simm.s32 $0x80;
	s22 =	sadd.s32 $0x10400, s29  }
.LBB2_54:
0x214: {  	s0 =	sand.u32 $0x70, s23  }
0x215: {  	s1 =	sadd.s32 s21, s22;
	s21 =	sand.u32 $0x3C00, s24;
	p0 =	sne.s32 s23, $0x7F0  }
.Ltmp31:
0x216: {  	s23 =	sadd.s32 $0x10, s23;
	s1 =	sadd.s32 s20, s1;
	(pc) =	sbr.rel @p0 .LBB2_54-.Ltmp31, $3  }
0x217: {  	s2 =	sor.u32 s0, s21;
	s20 =	smov.u32 s0;
	[tilespmem:s1+$0x0] =	vst.add.f32.msk $0xffff, v2  }
0x218: {  	v2 =	vld [tilespmem:s2+$0x8580];
	_ =	sdelay $0x1  }
0x219: {  	s24 =	sadd.s32 $0x80, s24  }
0x21a: {  	(v2sf) =	vpush v1, $0x4;
	_ =	sdelay $0xd  }
0x21b: {  	s0 =	sadd.s32 s21, s22;
	s3 =	simm.s32 $0x0  }
0x21c: {  	s0 =	sadd.s32 s20, s0;
	s20 =	sand.u32 $0x70, s3;
	s1 =	spop (v2sf)  }
0x21d: {  	s21 =	sand.u32 $0x3C00, s3;
	s2 =	sshll.u32 s1, $0xB;
	s1 =	sshll.u32 s1, $0x7  }
0x21e: {  	[tilespmem:s0+$0x0] =	vst.add.f32.msk $0xffff, v2;
	s30 =	sor.u32 s20, s21;
	s2 =	sand.u32 $0xFFFFC000, s2;
	s1 =	sand.u32 $0x380, s1  }
0x21f: {  	v2 =	vld [tilespmem:s30+$0x8600];
	s29 =	sor.u32 s1, s2  }
0x220: {  	s23 =	simm.s32 $0x10;
	s24 =	simm.s32 $0x80;
	s22 =	sadd.s32 $0x10400, s29  }
.LBB2_56:
0x221: {  	s0 =	sand.u32 $0x70, s23  }
0x222: {  	s1 =	sadd.s32 s21, s22;
	s21 =	sand.u32 $0x3C00, s24;
	p0 =	sne.s32 s23, $0x7F0  }
.Ltmp32:
0x223: {  	s23 =	sadd.s32 $0x10, s23;
	s1 =	sadd.s32 s20, s1;
	(pc) =	sbr.rel @p0 .LBB2_56-.Ltmp32, $3  }
0x224: {  	s2 =	sor.u32 s0, s21;
	s20 =	smov.u32 s0;
	[tilespmem:s1+$0x0] =	vst.add.f32.msk $0xffff, v2  }
0x225: {  	v2 =	vld [tilespmem:s2+$0x8600];
	_ =	sdelay $0x1  }
0x226: {  	s24 =	sadd.s32 $0x80, s24  }
0x227: {  	(v2sf) =	vpush v1, $0x5;
	_ =	sdelay $0xd  }
0x228: {  	s0 =	sadd.s32 s21, s22;
	s3 =	simm.s32 $0x0  }
0x229: {  	s0 =	sadd.s32 s20, s0;
	s20 =	sand.u32 $0x70, s3;
	s1 =	spop (v2sf)  }
0x22a: {  	s21 =	sand.u32 $0x3C00, s3;
	s2 =	sshll.u32 s1, $0xB;
	s1 =	sshll.u32 s1, $0x7  }
0x22b: {  	[tilespmem:s0+$0x0] =	vst.add.f32.msk $0xffff, v2;
	s30 =	sor.u32 s20, s21;
	s2 =	sand.u32 $0xFFFFC000, s2;
	s1 =	sand.u32 $0x380, s1  }
0x22c: {  	v2 =	vld [tilespmem:s30+$0x8680];
	s29 =	sor.u32 s1, s2  }
0x22d: {  	s23 =	simm.s32 $0x10;
	s24 =	simm.s32 $0x80;
	s22 =	sadd.s32 $0x10400, s29  }
.LBB2_58:
0x22e: {  	s0 =	sand.u32 $0x70, s23  }
0x22f: {  	s1 =	sadd.s32 s21, s22;
	s21 =	sand.u32 $0x3C00, s24;
	p0 =	sne.s32 s23, $0x7F0  }
.Ltmp33:
0x230: {  	s23 =	sadd.s32 $0x10, s23;
	s1 =	sadd.s32 s20, s1;
	(pc) =	sbr.rel @p0 .LBB2_58-.Ltmp33, $3  }
0x231: {  	s2 =	sor.u32 s0, s21;
	s20 =	smov.u32 s0;
	[tilespmem:s1+$0x0] =	vst.add.f32.msk $0xffff, v2  }
0x232: {  	v2 =	vld [tilespmem:s2+$0x8680];
	_ =	sdelay $0x1  }
0x233: {  	s24 =	sadd.s32 $0x80, s24  }
0x234: {  	(v2sf) =	vpush v1, $0x6;
	_ =	sdelay $0xd  }
0x235: {  	s0 =	sadd.s32 s21, s22;
	s3 =	simm.s32 $0x0  }
0x236: {  	s0 =	sadd.s32 s20, s0;
	s21 =	sand.u32 $0x70, s3;
	s1 =	spop (v2sf)  }
0x237: {  	s20 =	sand.u32 $0x3C00, s3;
	s2 =	sshll.u32 s1, $0xB;
	s1 =	sshll.u32 s1, $0x7  }
0x238: {  	[tilespmem:s0+$0x0] =	vst.add.f32.msk $0xffff, v2;
	s30 =	sor.u32 s21, s20;
	s2 =	sand.u32 $0xFFFFC000, s2;
	s1 =	sand.u32 $0x380, s1  }
0x239: {  	v2 =	vld [tilespmem:s30+$0x8700];
	s29 =	sor.u32 s1, s2  }
0x23a: {  	s23 =	simm.s32 $0x10;
	s24 =	simm.s32 $0x80;
	s22 =	sadd.s32 $0x10400, s29  }
.LBB2_60:
0x23b: {  	s0 =	sand.u32 $0x70, s23  }
0x23c: {  	s1 =	sadd.s32 s20, s22;
	s20 =	sand.u32 $0x3C00, s24;
	p0 =	sne.s32 s23, $0x7F0  }
.Ltmp34:
0x23d: {  	s23 =	sadd.s32 $0x10, s23;
	s1 =	sadd.s32 s21, s1;
	(pc) =	sbr.rel @p0 .LBB2_60-.Ltmp34, $3  }
0x23e: {  	s2 =	sor.u32 s0, s20;
	s21 =	smov.u32 s0;
	[tilespmem:s1+$0x0] =	vst.add.f32.msk $0xffff, v2  }
0x23f: {  	v2 =	vld [tilespmem:s2+$0x8700];
	_ =	sdelay $0x1  }
0x240: {  	s24 =	sadd.s32 $0x80, s24  }
0x241: {  	(v2sf) =	vpush v1, $0x7;
	_ =	sdelay $0xd  }
0x242: {  	s0 =	sadd.s32 s20, s22;
	s20 =	simm.s32 $0x0;
	s22 =	simm.s32 $0x10  }
0x243: {  	s3 =	sand.u32 $0x7, s20;
	s0 =	sadd.s32 s21, s0;
	s1 =	spop (v2sf)  }
0x244: {  	s3 =	sshll.u32 s3, $0x4;
	s2 =	sshll.u32 s1, $0xB;
	s1 =	sshll.u32 s1, $0x7  }
0x245: {  	s29 =	sadd.s32 $0x0, s3;
	s2 =	sand.u32 $0xFFFFC000, s2;
	s1 =	sand.u32 $0x380, s1  }
0x246: {  	s23 =	simm.s32 $0x80;
	[tilespmem:s0+$0x0] =	vst.add.f32.msk $0xffff, v2;
	s30 =	sor.u32 $0x380, s29;
	s1 =	sor.u32 s1, s2  }
0x247: {  	s24 =	simm.s32 $0x1;
	s25 =	sand.u32 $0x3C00, s20;
	v2 =	vld [tilespmem:s30+$0x8400];
	s21 =	sadd.s32 $0x10400, s1  }
.LBB2_62:
0x248: {  	s0 =	sand.u32 $0x7, s24;
	p0 =	sne.s32 s22, $0x7F0  }
0x249: {  	s1 =	smov.u32 s22;
	s22 =	sadd.s32 $0x10, s22;
	s2 =	sand.u32 $0x70, s20  }
.Ltmp35:
0x24a: {  	s3 =	sadd.s32 s25, s21;
	s0 =	sshll.u32 s0, $0x4;
	(pc) =	sbr.rel @p0 .LBB2_62-.Ltmp35, $4  }
0x24b: {  	s2 =	sadd.s32 s2, s3;
	s20 =	smov.u32 s1;
	s0 =	sadd.s32 s0, s23  }
0x24c: {  	s0 =	sor.u32 $0x380, s0;
	[tilespmem:s2+$0x0] =	vst.add.f32.msk $0xffff, v2  }
0x24d: {  	v2 =	vld [tilespmem:s0+$0x8400]  }
0x24e: {  	s25 =	sand.u32 $0x3C00, s23;
	s24 =	sadd.s32 $0x1, s24;
	s23 =	sadd.s32 $0x80, s23  }
0x24f: {  	(v2sf) =	vpush v1, $0x8;
	_ =	sdelay $0xd  }
0x250: {  	s0 =	sand.u32 $0x70, s20;
	s1 =	sadd.s32 s25, s21;
	s3 =	simm.s32 $0x0  }
0x251: {  	s0 =	sadd.s32 s0, s1;
	s20 =	sand.u32 $0x70, s3;
	s2 =	spop (v2sf)  }
0x252: {  	s21 =	sand.u32 $0x3C00, s3;
	s28 =	sshll.u32 s2, $0xB;
	s2 =	sshll.u32 s2, $0x7  }
0x253: {  	s30 =	sor.u32 s20, s21;
	[tilespmem:s0+$0x0] =	vst.add.f32.msk $0xffff, v2;
	s1 =	sand.u32 $0xFFFFC000, s28;
	s2 =	sand.u32 $0x380, s2  }
0x254: {  	v2 =	vld [tilespmem:s30+$0xC400];
	s29 =	sor.u32 s2, s1  }
0x255: {  	s23 =	simm.s32 $0x10;
	s24 =	simm.s32 $0x80;
	s22 =	sadd.s32 $0x10400, s29  }
.LBB2_64:
0x256: {  	s0 =	sand.u32 $0x70, s23  }
0x257: {  	s1 =	sadd.s32 s21, s22;
	s21 =	sand.u32 $0x3C00, s24;
	p0 =	sne.s32 s23, $0x7F0  }
.Ltmp36:
0x258: {  	s23 =	sadd.s32 $0x10, s23;
	s1 =	sadd.s32 s20, s1;
	(pc) =	sbr.rel @p0 .LBB2_64-.Ltmp36, $3  }
0x259: {  	s2 =	sor.u32 s0, s21;
	s20 =	smov.u32 s0;
	[tilespmem:s1+$0x0] =	vst.add.f32.msk $0xffff, v2  }
0x25a: {  	v2 =	vld [tilespmem:s2+$0xC400];
	_ =	sdelay $0x1  }
0x25b: {  	s24 =	sadd.s32 $0x80, s24  }
0x25c: {  	(v2sf) =	vpush v1, $0x9;
	_ =	sdelay $0xd  }
0x25d: {  	s0 =	sadd.s32 s21, s22;
	s3 =	simm.s32 $0x0  }
0x25e: {  	s0 =	sadd.s32 s20, s0;
	s20 =	sand.u32 $0x70, s3;
	s1 =	spop (v2sf)  }
0x25f: {  	s21 =	sand.u32 $0x3C00, s3;
	s2 =	sshll.u32 s1, $0xB;
	s1 =	sshll.u32 s1, $0x7  }
0x260: {  	[tilespmem:s0+$0x0] =	vst.add.f32.msk $0xffff, v2;
	s30 =	sor.u32 s20, s21;
	s2 =	sand.u32 $0xFFFFC000, s2;
	s1 =	sand.u32 $0x380, s1  }
0x261: {  	v2 =	vld [tilespmem:s30+$0xC480];
	s29 =	sor.u32 s1, s2  }
0x262: {  	s23 =	simm.s32 $0x10;
	s24 =	simm.s32 $0x80;
	s22 =	sadd.s32 $0x10400, s29  }
.LBB2_66:
0x263: {  	s0 =	sand.u32 $0x70, s23  }
0x264: {  	s1 =	sadd.s32 s21, s22;
	s21 =	sand.u32 $0x3C00, s24;
	p0 =	sne.s32 s23, $0x7F0  }
.Ltmp37:
0x265: {  	s23 =	sadd.s32 $0x10, s23;
	s1 =	sadd.s32 s20, s1;
	(pc) =	sbr.rel @p0 .LBB2_66-.Ltmp37, $3  }
0x266: {  	s2 =	sor.u32 s0, s21;
	s20 =	smov.u32 s0;
	[tilespmem:s1+$0x0] =	vst.add.f32.msk $0xffff, v2  }
0x267: {  	v2 =	vld [tilespmem:s2+$0xC480];
	_ =	sdelay $0x1  }
0x268: {  	s24 =	sadd.s32 $0x80, s24  }
0x269: {  	(v2sf) =	vpush v1, $0xA;
	_ =	sdelay $0xd  }
0x26a: {  	s0 =	sadd.s32 s21, s22;
	s3 =	simm.s32 $0x0  }
0x26b: {  	s0 =	sadd.s32 s20, s0;
	s20 =	sand.u32 $0x70, s3;
	s1 =	spop (v2sf)  }
0x26c: {  	s21 =	sand.u32 $0x3C00, s3;
	s2 =	sshll.u32 s1, $0xB;
	s1 =	sshll.u32 s1, $0x7  }
0x26d: {  	[tilespmem:s0+$0x0] =	vst.add.f32.msk $0xffff, v2;
	s30 =	sor.u32 s20, s21;
	s2 =	sand.u32 $0xFFFFC000, s2;
	s1 =	sand.u32 $0x380, s1  }
0x26e: {  	v2 =	vld [tilespmem:s30+$0xC500];
	s29 =	sor.u32 s1, s2  }
0x26f: {  	s23 =	simm.s32 $0x10;
	s24 =	simm.s32 $0x80;
	s22 =	sadd.s32 $0x10400, s29  }
.LBB2_68:
0x270: {  	s0 =	sand.u32 $0x70, s23  }
0x271: {  	s1 =	sadd.s32 s21, s22;
	s21 =	sand.u32 $0x3C00, s24;
	p0 =	sne.s32 s23, $0x7F0  }
.Ltmp38:
0x272: {  	s23 =	sadd.s32 $0x10, s23;
	s1 =	sadd.s32 s20, s1;
	(pc) =	sbr.rel @p0 .LBB2_68-.Ltmp38, $3  }
0x273: {  	s2 =	sor.u32 s0, s21;
	s20 =	smov.u32 s0;
	[tilespmem:s1+$0x0] =	vst.add.f32.msk $0xffff, v2  }
0x274: {  	v2 =	vld [tilespmem:s2+$0xC500];
	_ =	sdelay $0x1  }
0x275: {  	s24 =	sadd.s32 $0x80, s24  }
0x276: {  	(v2sf) =	vpush v1, $0xB;
	_ =	sdelay $0xd  }
0x277: {  	s0 =	sadd.s32 s21, s22;
	s3 =	simm.s32 $0x0  }
0x278: {  	s0 =	sadd.s32 s20, s0;
	s20 =	sand.u32 $0x70, s3;
	s1 =	spop (v2sf)  }
0x279: {  	s21 =	sand.u32 $0x3C00, s3;
	s2 =	sshll.u32 s1, $0xB;
	s1 =	sshll.u32 s1, $0x7  }
0x27a: {  	[tilespmem:s0+$0x0] =	vst.add.f32.msk $0xffff, v2;
	s30 =	sor.u32 s20, s21;
	s2 =	sand.u32 $0xFFFFC000, s2;
	s1 =	sand.u32 $0x380, s1  }
0x27b: {  	v2 =	vld [tilespmem:s30+$0xC580];
	s29 =	sor.u32 s1, s2  }
0x27c: {  	s23 =	simm.s32 $0x10;
	s24 =	simm.s32 $0x80;
	s22 =	sadd.s32 $0x10400, s29  }
.LBB2_70:
0x27d: {  	s0 =	sand.u32 $0x70, s23  }
0x27e: {  	s1 =	sadd.s32 s21, s22;
	s21 =	sand.u32 $0x3C00, s24;
	p0 =	sne.s32 s23, $0x7F0  }
.Ltmp39:
0x27f: {  	s23 =	sadd.s32 $0x10, s23;
	s1 =	sadd.s32 s20, s1;
	(pc) =	sbr.rel @p0 .LBB2_70-.Ltmp39, $3  }
0x280: {  	s2 =	sor.u32 s0, s21;
	s20 =	smov.u32 s0;
	[tilespmem:s1+$0x0] =	vst.add.f32.msk $0xffff, v2  }
0x281: {  	v2 =	vld [tilespmem:s2+$0xC580];
	_ =	sdelay $0x1  }
0x282: {  	s24 =	sadd.s32 $0x80, s24  }
0x283: {  	(v2sf) =	vpush v1, $0xC;
	_ =	sdelay $0xd  }
0x284: {  	s0 =	sadd.s32 s21, s22;
	s3 =	simm.s32 $0x0  }
0x285: {  	s0 =	sadd.s32 s20, s0;
	s20 =	sand.u32 $0x70, s3;
	s1 =	spop (v2sf)  }
0x286: {  	s21 =	sand.u32 $0x3C00, s3;
	s2 =	sshll.u32 s1, $0xB;
	s1 =	sshll.u32 s1, $0x7  }
0x287: {  	[tilespmem:s0+$0x0] =	vst.add.f32.msk $0xffff, v2;
	s30 =	sor.u32 s20, s21;
	s2 =	sand.u32 $0xFFFFC000, s2;
	s1 =	sand.u32 $0x380, s1  }
0x288: {  	v2 =	vld [tilespmem:s30+$0xC600];
	s29 =	sor.u32 s1, s2  }
0x289: {  	s23 =	simm.s32 $0x10;
	s24 =	simm.s32 $0x80;
	s22 =	sadd.s32 $0x10400, s29  }
.LBB2_72:
0x28a: {  	s0 =	sand.u32 $0x70, s23  }
0x28b: {  	s1 =	sadd.s32 s21, s22;
	s21 =	sand.u32 $0x3C00, s24;
	p0 =	sne.s32 s23, $0x7F0  }
.Ltmp40:
0x28c: {  	s23 =	sadd.s32 $0x10, s23;
	s1 =	sadd.s32 s20, s1;
	(pc) =	sbr.rel @p0 .LBB2_72-.Ltmp40, $3  }
0x28d: {  	s2 =	sor.u32 s0, s21;
	s20 =	smov.u32 s0;
	[tilespmem:s1+$0x0] =	vst.add.f32.msk $0xffff, v2  }
0x28e: {  	v2 =	vld [tilespmem:s2+$0xC600];
	_ =	sdelay $0x1  }
0x28f: {  	s24 =	sadd.s32 $0x80, s24  }
0x290: {  	(v2sf) =	vpush v1, $0xD;
	_ =	sdelay $0xd  }
0x291: {  	s0 =	sadd.s32 s21, s22;
	s3 =	simm.s32 $0x0  }
0x292: {  	s0 =	sadd.s32 s20, s0;
	s20 =	sand.u32 $0x70, s3;
	s1 =	spop (v2sf)  }
0x293: {  	s21 =	sand.u32 $0x3C00, s3;
	s2 =	sshll.u32 s1, $0xB;
	s1 =	sshll.u32 s1, $0x7  }
0x294: {  	[tilespmem:s0+$0x0] =	vst.add.f32.msk $0xffff, v2;
	s30 =	sor.u32 s20, s21;
	s2 =	sand.u32 $0xFFFFC000, s2;
	s1 =	sand.u32 $0x380, s1  }
0x295: {  	v2 =	vld [tilespmem:s30+$0xC680];
	s29 =	sor.u32 s1, s2  }
0x296: {  	s23 =	simm.s32 $0x10;
	s24 =	simm.s32 $0x80;
	s22 =	sadd.s32 $0x10400, s29  }
.LBB2_74:
0x297: {  	s0 =	sand.u32 $0x70, s23  }
0x298: {  	s1 =	sadd.s32 s21, s22;
	s21 =	sand.u32 $0x3C00, s24;
	p0 =	sne.s32 s23, $0x7F0  }
.Ltmp41:
0x299: {  	s23 =	sadd.s32 $0x10, s23;
	s1 =	sadd.s32 s20, s1;
	(pc) =	sbr.rel @p0 .LBB2_74-.Ltmp41, $3  }
0x29a: {  	s2 =	sor.u32 s0, s21;
	s20 =	smov.u32 s0;
	[tilespmem:s1+$0x0] =	vst.add.f32.msk $0xffff, v2  }
0x29b: {  	v2 =	vld [tilespmem:s2+$0xC680];
	_ =	sdelay $0x1  }
0x29c: {  	s24 =	sadd.s32 $0x80, s24  }
0x29d: {  	(v2sf) =	vpush v1, $0xE;
	_ =	sdelay $0xd  }
0x29e: {  	s2 =	sadd.s32 s21, s22;
	s29 =	simm.s32 $0x0  }
0x29f: {  	s2 =	sadd.s32 s20, s2;
	s22 =	sand.u32 $0x70, s29;
	s0 =	spop (v2sf)  }
0x2a0: {  	s21 =	sand.u32 $0x3C00, s29;
	s1 =	sshll.u32 s0, $0xB;
	s0 =	sshll.u32 s0, $0x7  }
0x2a1: {  	[tilespmem:s2+$0x0] =	vst.add.f32.msk $0xffff, v2;
	s30 =	sor.u32 s22, s21;
	s1 =	sand.u32 $0xFFFFC000, s1;
	s0 =	sand.u32 $0x380, s0  }
0x2a2: {  	v1 =	vld [tilespmem:s30+$0xC700];
	s0 =	sor.u32 s0, s1  }
0x2a3: {  	s23 =	simm.s32 $0x10;
	s24 =	simm.s32 $0x80;
	s20 =	sadd.s32 $0x10400, s0  }
.LBB2_76:
0x2a4: {  	s0 =	sand.u32 $0x70, s23  }
0x2a5: {  	s1 =	sadd.s32 s21, s20;
	s21 =	sand.u32 $0x3C00, s24;
	p0 =	seq.s32 s23, $0x7F0  }
.Ltmp42:
0x2a6: {  	s23 =	sadd.s32 $0x10, s23;
	s1 =	sadd.s32 s22, s1;
	(pc) =	sbr.rel @!p0 .LBB2_76-.Ltmp42, $3  }
0x2a7: {  	s2 =	sor.u32 s0, s21;
	s22 =	smov.u32 s0;
	[tilespmem:s1+$0x0] =	vst.add.f32.msk $0xffff, v1  }
0x2a8: {  	v1 =	vld [tilespmem:s2+$0xC700];
	_ =	sdelay $0x1  }
0x2a9: {  	s24 =	sadd.s32 $0x80, s24  }
0x2aa: {  	s0 =	sadd.s32 s21, s20  }
0x2ab: {  	s28 =	sshll.u32 s19, $0xB;
	s1 =	sshll.u32 s19, $0x7;
	s29 =	simm.s32 $0x0  }
0x2ac: {  	s0 =	sadd.s32 s22, s0;
	s21 =	sand.u32 $0x70, s29;
	s20 =	sand.u32 $0x3C00, s29  }
0x2ad: {  	s1 =	sand.u32 $0x380, s1;
	[tilespmem:s0+$0x0] =	vst.add.f32.msk $0xffff, v1;
	s0 =	sand.u32 $0xFFFFC000, s28;
	s30 =	sor.u32 s21, s20  }
0x2ae: {  	s0 =	sor.u32 s1, s0;
	v1 =	vld [tilespmem:s30+$0xC780]  }
0x2af: {  	s23 =	simm.s32 $0x80;
	s22 =	simm.s32 $0x10;
	s19 =	sadd.s32 $0x10400, s0  }
.LBB2_78:
0x2b0: {  	s0 =	sand.u32 $0x70, s22  }
0x2b1: {  	s1 =	sadd.s32 s20, s19;
	s20 =	sand.u32 $0x3C00, s23;
	p0 =	sne.s32 s22, $0x7F0  }
.Ltmp43:
0x2b2: {  	s22 =	sadd.s32 $0x10, s22;
	s1 =	sadd.s32 s21, s1;
	(pc) =	sbr.rel @p0 .LBB2_78-.Ltmp43, $3  }
0x2b3: {  	s2 =	sor.u32 s0, s20;
	s21 =	smov.u32 s0;
	[tilespmem:s1+$0x0] =	vst.add.f32.msk $0xffff, v1  }
0x2b4: {  	v1 =	vld [tilespmem:s2+$0xC780];
	_ =	sdelay $0x1  }
0x2b5: {  	s23 =	sadd.s32 $0x80, s23  }
0x2b6: {  	s0 =	sadd.s32 s20, s19  }
0x2b7: {  	s0 =	sadd.s32 s21, s0  }
0x2b8: {  	[tilespmem:s0+$0x0] =	vst.add.f32.msk $0xffff, v1  }
.LBB2_80:
0x2b9: {  	s0 =	sshll.u32 s17, $0xD;
	s1 =	rddreg [dreg:$0x8]  }
0x2ba: {  	s22 =	simm.s32 $0x0;
	s0 =	sadd.s32 s1, s0  }
0x2bb: {  	[tilespmem:s31], [sflag:$0x2] =	stream.linear.gather [hbm4b:s0+s22], $0x8000, $0x38;
	[tilespmem:$0x18400] =	vst v63  }
0x2bc: {  	_ =	swait.ge [sflag:s12], $0x8000  }
0x2bd: {  	s26 =	sshll.u32 s18, $0x7;
	[sflag:s12] =	ssyncset.done $0x0  }
0x2be: {  	s0 =	sand.u32 $0x3FFFFF80, s26;
	[sflag:s12] =	ssyncadd.s32 $0xFFFF8000  }
0x2bf: {  	v1 =	vld [tilespmem:s0+$0x0];
	_ =	sdelay $0x4  }
0x2c0: {  	(v2sf) =	vpush v1, $0x0  }
0x2c1: {  	(v2sf) =	vpush v1, $0xF;
	_ =	sdelay $0xd  }
0x2c2: {  	s28 =	spop (v2sf)  }
0x2c3: {  	s18 =	spop (v2sf)  }
0x2c4: {  	p0 =	sne.s32 s28, s18  }
.Ltmp44:
0x2c5: {  	_ = 	snop;
	(pc) =	sbr.rel @p0 .LBB2_84-.Ltmp44, $4  }
0x2c6: {  	s29 =	sshll.u32 s28, $0xB;
	s2 =	sshll.u32 s28, $0x7  }
0x2c7: {  	s1 =	sand.u32 $0xFFFFC000, s29;
	s2 =	sand.u32 $0x380, s2  }
0x2c8: {  	s30 =	sor.u32 s2, s1  }
0x2c9: {  	s19 =	sadd.s32 $0x10400, s30  }
0x2ca: {  	s20 =	sand.u32 $0x3C00, s22  }
0x2cb: {  	s18 =	sand.u32 $0x60, s22;
	s0 =	sadd.s32 $0x400, s20  }
0x2cc: {  	s1 =	sor.u32 s18, s0  }
0x2cd: {  	s2 =	sadd.s32 $0x4600, s20;
	v1 =	vld [tilespmem:s1+$0x180]  }
0x2ce: {  	s3 =	sadd.s32 $0x4700, s20;
	s5 =	sor.u32 s18, s2;
	v2 =	vld [tilespmem:s1+$0x0]  }
0x2cf: {  	s6 =	sadd.s32 $0x4680, s20;
	s24 =	sor.u32 s18, s3;
	v3 =	vld [tilespmem:s5+$0x0]  }
0x2d0: {  	s7 =	sor.u32 s18, s6;
	v4 =	vld [tilespmem:s24+$0x0]  }
0x2d1: {  	v5 =	vld [tilespmem:s7+$0x0]  }
0x2d2: {  	s21 =	sor.u32 $0x10, s18;
	s25 =	sadd.s32 $0x4780, s20;
	v6 =	vld [tilespmem:s1+$0x80]  }
0x2d3: {  	s26 =	sor.u32 s21, s25;
	v7 =	vld [tilespmem:s1+$0x100]  }
0x2d4: {  	s0 =	sor.u32 s21, s0;
	v8 =	vld [tilespmem:s26+$0x0]  }
0x2d5: {  	v9 =	vld [tilespmem:s0+$0x280]  }
0x2d6: {  	v10 =	vld [tilespmem:s0+$0x200]  }
0x2d7: {  	v11 =	vld [tilespmem:s0+$0x180]  }
0x2d8: {  	v12 =	vld [tilespmem:s0+$0x0]  }
0x2d9: {  	v13 =	vld [tilespmem:s0+$0x80]  }
0x2da: {  	s3 =	sor.u32 s21, s3;
	v14 =	vld [tilespmem:s0+$0x100]  }
0x2db: {  	s28 =	sor.u32 s21, s6;
	v15 =	vld [tilespmem:s3+$0x0]  }
0x2dc: {  	s30 =	sadd.s32 $0x4480, s20;
	s2 =	sor.u32 s21, s2;
	v16 =	vld [tilespmem:s28+$0x0]  }
0x2dd: {  	s8 =	sadd.s32 $0x4500, s20;
	s6 =	sor.u32 s18, s30;
	v17 =	vld [tilespmem:s2+$0x0]  }
0x2de: {  	s9 =	sadd.s32 $0x4400, s20;
	s10 =	sor.u32 s21, s8;
	v18 =	vld [tilespmem:s6+$0x0]  }
0x2df: {  	s11 =	sadd.s32 $0x4580, s20;
	s14 =	sor.u32 s21, s9;
	v21 =	vld [tilespmem:s10+$0x0]  }
0x2e0: {  	s15 =	sor.u32 s21, s11;
	v22 =	vld [tilespmem:s14+$0x0]  }
0x2e1: {  	v23 =	vld [tilespmem:s15+$0x0]  }
0x2e2: {  	v25 =	vld [tilespmem:s1+$0x280]  }
0x2e3: {  	s7 =	sor.u32 s18, s25;
	v26 =	vld [tilespmem:s1+$0x200]  }
0x2e4: {  	s3 =	sor.u32 s21, s30;
	v19 =	vld [tilespmem:s7+$0x0]  }
0x2e5: {  	s23 =	sand.u32 $0x3, s22;
	s0 =	sor.u32 s18, s8;
	v20 =	vld [tilespmem:s3+$0x0]  }
0x2e6: {  	s24 =	sor.u32 s18, s9;
	v24 =	vld [tilespmem:s0+$0x0];
	s0 =	sshll.u32 s23, $0x5  }
0x2e7: {  	s3 =	sor.u32 s18, s11;
	v51 =	vld [tilespmem:s24+$0x0];
	s0 =	sadd.s32 $0x0, s0;
	v3 =	vadd.f32 v5, v3;
	v5 =	vadd.f32 v9, v10  }
0x2e8: {  	v27 =	vld [tilespmem:s3+$0x0];
	s25 =	sor.u32 $0x300, s0;
	v1 =	vadd.f32 v1, v7;
	v52 =	vadd.f32 v13, v12  }
0x2e9: {  	s26 =	sadd.s32 $0x10, s0;
	s0 =	sor.u32 $0x380, s0;
	v53 =	vld [tilespmem:s25+$0x400];
	v8 =	vadd.f32 v8, v15;
	v54 =	vadd.f32 v16, v17  }
0x2ea: {  	s28 =	sor.u32 $0x380, s26;
	v58 =	vld [tilespmem:s0+$0x400];
	v57 =	vadd.f32 v23, v21;
	v2 =	vadd.f32 v6, v2  }
0x2eb: {  	s1 =	sor.u32 $0x300, s26;
	v55 =	vld [tilespmem:s28+$0x400];
	v11 =	vadd.f32 v11, v14;
	v56 =	vadd.f32 v20, v22  }
0x2ec: {  	v60 =	vld [tilespmem:s1+$0x400];
	v9 =	vadd.f32 v18, v51;
	v4 =	vadd.f32 v19, v4  }
0x2ed: {  	v59 =	vadd.f32 v8, v54;
	v1 =	vadd.f32 v1, v2  }
0x2ee: {  	v2 =	vadd.f32 v25, v26;
	v62 =	vadd.f32 v27, v24  }
0x2ef: {  	v61 =	vadd.f32 v57, v56;
	v10 =	vadd.f32 v58, v53  }
0x2f0: {  	v3 =	vadd.f32 v4, v3;
	v9 =	vadd.f32 v62, v9  }
0x2f1: {  	v8 =	vadd.f32 v55, v60;
	v2 =	vadd.f32 v10, v2  }
0x2f2: {  	v4 =	vadd.f32 v11, v52;
	v63 =	vadd.f32 v3, v9  }
0x2f3: {  	v5 =	vadd.f32 v8, v5;
	v1 =	vadd.f32 v2, v1  }
0x2f4: {  	s29 =	simm.s32 $0x20;
	s30 =	sadd.s32 s20, s19;
	s20 =	simm.s32 $0x1;
	v3 =	vadd.f32 v59, v61  }
0x2f5: {  	s23 =	sadd.s32 s18, s30;
	s22 =	sadd.s32 s21, s30;
	s18 =	simm.s32 $0x100;
	v2 =	vadd.f32 v5, v4;
	v1 =	vadd.f32 v63, v1  }
.LBB2_82:
0x2f6: {  	s0 =	sand.u32 $0x60, s29  }
0x2f7: {  	s1 =	sand.u32 $0x3C00, s18;
	v2 =	vadd.f32 v3, v2;
	s2 =	smov.u32 s29;
	s21 =	sadd.s32 $0x20, s29  }
0x2f8: {  	s2 =	sadd.s32 $0x400, s1;
	s3 =	sadd.s32 $0x4480, s1;
	s5 =	sor.u32 $0x10, s0;
	[tilespmem:s23+$0x0] =	vst.add.f32.msk $0xffff, v1  }
0x2f9: {  	s6 =	sadd.s32 $0x4780, s1;
	s24 =	sor.u32 s0, s2;
	s28 =	sor.u32 s0, s3;
	[tilespmem:s22+$0x0] =	vst.add.f32.msk $0xffff, v2  }
0x2fa: {  	s7 =	sadd.s32 $0x4600, s1;
	s8 =	sadd.s32 $0x4680, s1;
	s9 =	sadd.s32 $0x4700, s1;
	v1 =	vld [tilespmem:s24+$0x180]  }
0x2fb: {  	s10 =	sor.u32 s0, s7;
	s11 =	sor.u32 s0, s8;
	s14 =	sor.u32 s0, s6;
	v2 =	vld [tilespmem:s24+$0x0]  }
0x2fc: {  	s15 =	sadd.s32 $0x4400, s1;
	s22 =	sadd.s32 $0x4500, s1;
	v3 =	vld [tilespmem:s10+$0x0];
	s10 =	sor.u32 s0, s9  }
0x2fd: {  	s23 =	sadd.s32 $0x4580, s1;
	s25 =	sor.u32 s0, s15;
	s30 =	sor.u32 s0, s22;
	v4 =	vld [tilespmem:s10+$0x0]  }
0x2fe: {  	s26 =	sor.u32 s0, s23;
	s10 =	sor.u32 s5, s22;
	v5 =	vld [tilespmem:s11+$0x0];
	s11 =	sor.u32 s5, s23  }
0x2ff: {  	s15 =	sor.u32 s5, s15;
	s3 =	sor.u32 s5, s3;
	s7 =	sor.u32 s5, s7;
	v6 =	vld [tilespmem:s24+$0x80]  }
0x300: {  	s8 =	sor.u32 s5, s8;
	s6 =	sor.u32 s5, s6;
	s9 =	sor.u32 s5, s9;
	v7 =	vld [tilespmem:s24+$0x100]  }
0x301: {  	p0 =	seq.s32 s29, $0x7E0;
	s2 =	sor.u32 s5, s2;
	s1 =	sadd.s32 s1, s19;
	v8 =	vld [tilespmem:s6+$0x0]  }
0x302: {  	s22 =	sadd.s32 s5, s1;
	s23 =	sadd.s32 s0, s1;
	v9 =	vld [tilespmem:s2+$0x280]  }
0x303: {  	v10 =	vld [tilespmem:s2+$0x200];
	v3 =	vadd.f32 v5, v3  }
0x304: {  	v5 =	vld [tilespmem:s2+$0x180]  }
0x305: {  	v11 =	vld [tilespmem:s2+$0x0]  }
0x306: {  	v12 =	vld [tilespmem:s2+$0x80]  }
0x307: {  	v13 =	vld [tilespmem:s2+$0x100]  }
0x308: {  	v14 =	vld [tilespmem:s9+$0x0];
	v9 =	vadd.f32 v9, v10  }
0x309: {  	v10 =	vld [tilespmem:s8+$0x0]  }
0x30a: {  	v1 =	vadd.f32 v1, v7;
	v15 =	vld [tilespmem:s7+$0x0]  }
0x30b: {  	v7 =	vld [tilespmem:s28+$0x0];
	v11 =	vadd.f32 v12, v11  }
0x30c: {  	v2 =	vadd.f32 v6, v2;
	v12 =	vld [tilespmem:s14+$0x0]  }
0x30d: {  	v6 =	vld [tilespmem:s3+$0x0];
	v8 =	vadd.f32 v8, v14  }
0x30e: {  	v14 =	vld [tilespmem:s10+$0x0]  }
0x30f: {  	v16 =	vld [tilespmem:s15+$0x0];
	v10 =	vadd.f32 v10, v15  }
0x310: {  	v15 =	vld [tilespmem:s11+$0x0]  }
0x311: {  	v17 =	vld [tilespmem:s30+$0x0];
	v8 =	vadd.f32 v8, v10  }
0x312: {  	s0 =	sand.u32 $0x3, s20;
	v10 =	vld [tilespmem:s24+$0x280]  }
0x313: {  	s0 =	sshll.u32 s0, $0x5;
	v18 =	vld [tilespmem:s24+$0x200]  }
0x314: {  	s0 =	sadd.s32 s0, s18;
	v19 =	vld [tilespmem:s26+$0x0];
	v6 =	vadd.f32 v6, v16  }
0x315: {  	s1 =	sor.u32 $0x300, s0;
	s2 =	sor.u32 $0x380, s0;
	s0 =	sadd.s32 $0x10, s0;
	v16 =	vld [tilespmem:s25+$0x0];
	v14 =	vadd.f32 v15, v14  }
0x316: {  	v15 =	vld [tilespmem:s1+$0x400];
	s1 =	sor.u32 $0x300, s0;
	s0 =	sor.u32 $0x380, s0  }
0x317: {  	v20 =	vld [tilespmem:s0+$0x400];
	v6 =	vadd.f32 v14, v6  }
0x318: {  	v14 =	vld [tilespmem:s2+$0x400]  }
0x319: {  	v21 =	vld [tilespmem:s1+$0x400]  }
0x31a: {  	v5 =	vadd.f32 v5, v13  }
0x31b: {  	v1 =	vadd.f32 v1, v2;
	v7 =	vadd.f32 v7, v16  }
0x31c: {  	v2 =	vadd.f32 v10, v18;
	v10 =	vadd.f32 v19, v17  }
0x31d: {  	v4 =	vadd.f32 v12, v4;
	v13 =	vadd.f32 v14, v15  }
0x31e: {  	v7 =	vadd.f32 v10, v7;
	v10 =	vadd.f32 v20, v21  }
.Ltmp45:
0x31f: {  	v3 =	vadd.f32 v4, v3;
	v2 =	vadd.f32 v13, v2;
	(pc) =	sbr.rel @!p0 .LBB2_82-.Ltmp45, $4  }
0x320: {  	v4 =	vadd.f32 v5, v11;
	v5 =	vadd.f32 v10, v9  }
0x321: {  	v7 =	vadd.f32 v3, v7;
	v1 =	vadd.f32 v2, v1  }
0x322: {  	v3 =	vadd.f32 v8, v6;
	v2 =	vadd.f32 v5, v4  }
0x323: {  	s29 =	smov.u32 s21;
	s20 =	sadd.s32 $0x1, s20;
	s18 =	sadd.s32 $0x100, s18;
	v1 =	vadd.f32 v7, v1  }
.Ltmp46:
0x324: {  	(pc) =	sbr.rel .LBB2_117-.Ltmp46, $4  }
0x325: {  	_ = 	snop  }
0x326: {  	v2 =	vadd.f32 v3, v2  }
0x327: {  	[tilespmem:s23+$0x0] =	vst.add.f32.msk $0xffff, v1  }
0x328: {  	[tilespmem:s22+$0x0] =	vst.add.f32.msk $0xffff, v2  }
.LBB2_84:
0x329: {  	s20 =	sand.u32 $0x70, s22;
	s21 =	sand.u32 $0x3C00, s22  }
0x32a: {  	s0 =	sor.u32 s20, s21  }
0x32b: {  	v2 =	vld [tilespmem:s0+$0x400]  }
0x32c: {  	s22 =	simm.s32 $0x10;
	s23 =	simm.s32 $0x80  }
.LBB2_85:
0x32d: {  	s0 =	sand.u32 $0x70, s22  }
0x32e: {  	s1 =	sadd.s32 s21, s19;
	s21 =	sand.u32 $0x3C00, s23;
	p0 =	sne.s32 s22, $0x7F0  }
.Ltmp47:
0x32f: {  	s22 =	sadd.s32 $0x10, s22;
	s1 =	sadd.s32 s20, s1;
	(pc) =	sbr.rel @p0 .LBB2_85-.Ltmp47, $3  }
0x330: {  	s2 =	sor.u32 s0, s21;
	s20 =	smov.u32 s0;
	[tilespmem:s1+$0x0] =	vst.add.f32.msk $0xffff, v2  }
0x331: {  	v2 =	vld [tilespmem:s2+$0x400];
	_ =	sdelay $0x1  }
0x332: {  	s23 =	sadd.s32 $0x80, s23  }
0x333: {  	(v2sf) =	vpush v1, $0x1;
	_ =	sdelay $0xd  }
0x334: {  	s0 =	sadd.s32 s21, s19;
	s3 =	simm.s32 $0x0  }
0x335: {  	s0 =	sadd.s32 s20, s0;
	s19 =	sand.u32 $0x70, s3;
	s1 =	spop (v2sf)  }
0x336: {  	s20 =	sand.u32 $0x3C00, s3;
	s2 =	sshll.u32 s1, $0xB;
	s1 =	sshll.u32 s1, $0x7  }
0x337: {  	[tilespmem:s0+$0x0] =	vst.add.f32.msk $0xffff, v2;
	s30 =	sor.u32 s19, s20;
	s2 =	sand.u32 $0xFFFFC000, s2;
	s1 =	sand.u32 $0x380, s1  }
0x338: {  	v2 =	vld [tilespmem:s30+$0x480];
	s29 =	sor.u32 s1, s2  }
0x339: {  	s22 =	simm.s32 $0x10;
	s23 =	simm.s32 $0x80;
	s21 =	sadd.s32 $0x10400, s29  }
.LBB2_87:
0x33a: {  	s0 =	sand.u32 $0x70, s22  }
0x33b: {  	s1 =	sadd.s32 s20, s21;
	s20 =	sand.u32 $0x3C00, s23;
	p0 =	sne.s32 s22, $0x7F0  }
.Ltmp48:
0x33c: {  	s22 =	sadd.s32 $0x10, s22;
	s1 =	sadd.s32 s19, s1;
	(pc) =	sbr.rel @p0 .LBB2_87-.Ltmp48, $3  }
0x33d: {  	s2 =	sor.u32 s0, s20;
	s19 =	smov.u32 s0;
	[tilespmem:s1+$0x0] =	vst.add.f32.msk $0xffff, v2  }
0x33e: {  	v2 =	vld [tilespmem:s2+$0x480];
	_ =	sdelay $0x1  }
0x33f: {  	s23 =	sadd.s32 $0x80, s23  }
0x340: {  	(v2sf) =	vpush v1, $0x2;
	_ =	sdelay $0xd  }
0x341: {  	s0 =	sadd.s32 s20, s21;
	s3 =	simm.s32 $0x0  }
0x342: {  	s0 =	sadd.s32 s19, s0;
	s19 =	sand.u32 $0x70, s3;
	s1 =	spop (v2sf)  }
0x343: {  	s20 =	sand.u32 $0x3C00, s3;
	s2 =	sshll.u32 s1, $0xB;
	s1 =	sshll.u32 s1, $0x7  }
0x344: {  	[tilespmem:s0+$0x0] =	vst.add.f32.msk $0xffff, v2;
	s30 =	sor.u32 s19, s20;
	s2 =	sand.u32 $0xFFFFC000, s2;
	s1 =	sand.u32 $0x380, s1  }
0x345: {  	v2 =	vld [tilespmem:s30+$0x500];
	s29 =	sor.u32 s1, s2  }
0x346: {  	s22 =	simm.s32 $0x10;
	s23 =	simm.s32 $0x80;
	s21 =	sadd.s32 $0x10400, s29  }
.LBB2_89:
0x347: {  	s0 =	sand.u32 $0x70, s22  }
0x348: {  	s1 =	sadd.s32 s20, s21;
	s20 =	sand.u32 $0x3C00, s23;
	p0 =	sne.s32 s22, $0x7F0  }
.Ltmp49:
0x349: {  	s22 =	sadd.s32 $0x10, s22;
	s1 =	sadd.s32 s19, s1;
	(pc) =	sbr.rel @p0 .LBB2_89-.Ltmp49, $3  }
0x34a: {  	s2 =	sor.u32 s0, s20;
	s19 =	smov.u32 s0;
	[tilespmem:s1+$0x0] =	vst.add.f32.msk $0xffff, v2  }
0x34b: {  	v2 =	vld [tilespmem:s2+$0x500];
	_ =	sdelay $0x1  }
0x34c: {  	s23 =	sadd.s32 $0x80, s23  }
0x34d: {  	(v2sf) =	vpush v1, $0x3;
	_ =	sdelay $0xd  }
0x34e: {  	s0 =	sadd.s32 s20, s21;
	s3 =	simm.s32 $0x0  }
0x34f: {  	s0 =	sadd.s32 s19, s0;
	s19 =	sand.u32 $0x70, s3;
	s1 =	spop (v2sf)  }
0x350: {  	s20 =	sand.u32 $0x3C00, s3;
	s2 =	sshll.u32 s1, $0xB;
	s1 =	sshll.u32 s1, $0x7  }
0x351: {  	[tilespmem:s0+$0x0] =	vst.add.f32.msk $0xffff, v2;
	s30 =	sor.u32 s19, s20;
	s2 =	sand.u32 $0xFFFFC000, s2;
	s1 =	sand.u32 $0x380, s1  }
0x352: {  	v2 =	vld [tilespmem:s30+$0x580];
	s29 =	sor.u32 s1, s2  }
0x353: {  	s22 =	simm.s32 $0x10;
	s23 =	simm.s32 $0x80;
	s21 =	sadd.s32 $0x10400, s29  }
.LBB2_91:
0x354: {  	s0 =	sand.u32 $0x70, s22  }
0x355: {  	s1 =	sadd.s32 s20, s21;
	s20 =	sand.u32 $0x3C00, s23;
	p0 =	sne.s32 s22, $0x7F0  }
.Ltmp50:
0x356: {  	s22 =	sadd.s32 $0x10, s22;
	s1 =	sadd.s32 s19, s1;
	(pc) =	sbr.rel @p0 .LBB2_91-.Ltmp50, $3  }
0x357: {  	s2 =	sor.u32 s0, s20;
	s19 =	smov.u32 s0;
	[tilespmem:s1+$0x0] =	vst.add.f32.msk $0xffff, v2  }
0x358: {  	v2 =	vld [tilespmem:s2+$0x580];
	_ =	sdelay $0x1  }
0x359: {  	s23 =	sadd.s32 $0x80, s23  }
0x35a: {  	(v2sf) =	vpush v1, $0x4;
	_ =	sdelay $0xd  }
0x35b: {  	s0 =	sadd.s32 s20, s21;
	s3 =	simm.s32 $0x0  }
0x35c: {  	s0 =	sadd.s32 s19, s0;
	s19 =	sand.u32 $0x70, s3;
	s1 =	spop (v2sf)  }
0x35d: {  	s20 =	sand.u32 $0x3C00, s3;
	s2 =	sshll.u32 s1, $0xB;
	s1 =	sshll.u32 s1, $0x7  }
0x35e: {  	[tilespmem:s0+$0x0] =	vst.add.f32.msk $0xffff, v2;
	s30 =	sor.u32 s19, s20;
	s2 =	sand.u32 $0xFFFFC000, s2;
	s1 =	sand.u32 $0x380, s1  }
0x35f: {  	v2 =	vld [tilespmem:s30+$0x600];
	s29 =	sor.u32 s1, s2  }
0x360: {  	s22 =	simm.s32 $0x10;
	s23 =	simm.s32 $0x80;
	s21 =	sadd.s32 $0x10400, s29  }
.LBB2_93:
0x361: {  	s0 =	sand.u32 $0x70, s22  }
0x362: {  	s1 =	sadd.s32 s20, s21;
	s20 =	sand.u32 $0x3C00, s23;
	p0 =	sne.s32 s22, $0x7F0  }
.Ltmp51:
0x363: {  	s22 =	sadd.s32 $0x10, s22;
	s1 =	sadd.s32 s19, s1;
	(pc) =	sbr.rel @p0 .LBB2_93-.Ltmp51, $3  }
0x364: {  	s2 =	sor.u32 s0, s20;
	s19 =	smov.u32 s0;
	[tilespmem:s1+$0x0] =	vst.add.f32.msk $0xffff, v2  }
0x365: {  	v2 =	vld [tilespmem:s2+$0x600];
	_ =	sdelay $0x1  }
0x366: {  	s23 =	sadd.s32 $0x80, s23  }
0x367: {  	(v2sf) =	vpush v1, $0x5;
	_ =	sdelay $0xd  }
0x368: {  	s0 =	sadd.s32 s20, s21;
	s3 =	simm.s32 $0x0  }
0x369: {  	s0 =	sadd.s32 s19, s0;
	s19 =	sand.u32 $0x70, s3;
	s1 =	spop (v2sf)  }
0x36a: {  	s20 =	sand.u32 $0x3C00, s3;
	s2 =	sshll.u32 s1, $0xB;
	s1 =	sshll.u32 s1, $0x7  }
0x36b: {  	[tilespmem:s0+$0x0] =	vst.add.f32.msk $0xffff, v2;
	s30 =	sor.u32 s19, s20;
	s2 =	sand.u32 $0xFFFFC000, s2;
	s1 =	sand.u32 $0x380, s1  }
0x36c: {  	v2 =	vld [tilespmem:s30+$0x680];
	s29 =	sor.u32 s1, s2  }
0x36d: {  	s22 =	simm.s32 $0x10;
	s23 =	simm.s32 $0x80;
	s21 =	sadd.s32 $0x10400, s29  }
.LBB2_95:
0x36e: {  	s0 =	sand.u32 $0x70, s22  }
0x36f: {  	s1 =	sadd.s32 s20, s21;
	s20 =	sand.u32 $0x3C00, s23;
	p0 =	sne.s32 s22, $0x7F0  }
.Ltmp52:
0x370: {  	s22 =	sadd.s32 $0x10, s22;
	s1 =	sadd.s32 s19, s1;
	(pc) =	sbr.rel @p0 .LBB2_95-.Ltmp52, $3  }
0x371: {  	s2 =	sor.u32 s0, s20;
	s19 =	smov.u32 s0;
	[tilespmem:s1+$0x0] =	vst.add.f32.msk $0xffff, v2  }
0x372: {  	v2 =	vld [tilespmem:s2+$0x680];
	_ =	sdelay $0x1  }
0x373: {  	s23 =	sadd.s32 $0x80, s23  }
0x374: {  	(v2sf) =	vpush v1, $0x6;
	_ =	sdelay $0xd  }
0x375: {  	s0 =	sadd.s32 s20, s21;
	s3 =	simm.s32 $0x0  }
0x376: {  	s0 =	sadd.s32 s19, s0;
	s20 =	sand.u32 $0x70, s3;
	s1 =	spop (v2sf)  }
0x377: {  	s19 =	sand.u32 $0x3C00, s3;
	s2 =	sshll.u32 s1, $0xB;
	s1 =	sshll.u32 s1, $0x7  }
0x378: {  	[tilespmem:s0+$0x0] =	vst.add.f32.msk $0xffff, v2;
	s30 =	sor.u32 s20, s19;
	s2 =	sand.u32 $0xFFFFC000, s2;
	s1 =	sand.u32 $0x380, s1  }
0x379: {  	v2 =	vld [tilespmem:s30+$0x700];
	s29 =	sor.u32 s1, s2  }
0x37a: {  	s22 =	simm.s32 $0x10;
	s23 =	simm.s32 $0x80;
	s21 =	sadd.s32 $0x10400, s29  }
.LBB2_97:
0x37b: {  	s0 =	sand.u32 $0x70, s22  }
0x37c: {  	s1 =	sadd.s32 s19, s21;
	s19 =	sand.u32 $0x3C00, s23;
	p0 =	sne.s32 s22, $0x7F0  }
.Ltmp53:
0x37d: {  	s22 =	sadd.s32 $0x10, s22;
	s1 =	sadd.s32 s20, s1;
	(pc) =	sbr.rel @p0 .LBB2_97-.Ltmp53, $3  }
0x37e: {  	s2 =	sor.u32 s0, s19;
	s20 =	smov.u32 s0;
	[tilespmem:s1+$0x0] =	vst.add.f32.msk $0xffff, v2  }
0x37f: {  	v2 =	vld [tilespmem:s2+$0x700];
	_ =	sdelay $0x1  }
0x380: {  	s23 =	sadd.s32 $0x80, s23  }
0x381: {  	(v2sf) =	vpush v1, $0x7;
	_ =	sdelay $0xd  }
0x382: {  	s0 =	sadd.s32 s19, s21;
	s19 =	simm.s32 $0x0;
	s21 =	simm.s32 $0x10  }
0x383: {  	s3 =	sand.u32 $0x7, s19;
	s0 =	sadd.s32 s20, s0;
	s1 =	spop (v2sf)  }
0x384: {  	s3 =	sshll.u32 s3, $0x4;
	s2 =	sshll.u32 s1, $0xB;
	s1 =	sshll.u32 s1, $0x7  }
0x385: {  	s29 =	sadd.s32 $0x0, s3;
	s2 =	sand.u32 $0xFFFFC000, s2;
	s1 =	sand.u32 $0x380, s1  }
0x386: {  	s22 =	simm.s32 $0x80;
	[tilespmem:s0+$0x0] =	vst.add.f32.msk $0xffff, v2;
	s30 =	sor.u32 $0x380, s29;
	s1 =	sor.u32 s1, s2  }
0x387: {  	s23 =	simm.s32 $0x1;
	s24 =	sand.u32 $0x3C00, s19;
	v2 =	vld [tilespmem:s30+$0x400];
	s20 =	sadd.s32 $0x10400, s1  }
.LBB2_99:
0x388: {  	s0 =	sand.u32 $0x7, s23;
	p0 =	sne.s32 s21, $0x7F0  }
0x389: {  	s1 =	smov.u32 s21;
	s21 =	sadd.s32 $0x10, s21;
	s2 =	sand.u32 $0x70, s19  }
.Ltmp54:
0x38a: {  	s3 =	sadd.s32 s24, s20;
	s0 =	sshll.u32 s0, $0x4;
	(pc) =	sbr.rel @p0 .LBB2_99-.Ltmp54, $4  }
0x38b: {  	s2 =	sadd.s32 s2, s3;
	s19 =	smov.u32 s1;
	s0 =	sadd.s32 s0, s22  }
0x38c: {  	s0 =	sor.u32 $0x380, s0;
	[tilespmem:s2+$0x0] =	vst.add.f32.msk $0xffff, v2  }
0x38d: {  	v2 =	vld [tilespmem:s0+$0x400]  }
0x38e: {  	s24 =	sand.u32 $0x3C00, s22;
	s23 =	sadd.s32 $0x1, s23;
	s22 =	sadd.s32 $0x80, s22  }
0x38f: {  	(v2sf) =	vpush v1, $0x8;
	_ =	sdelay $0xd  }
0x390: {  	s0 =	sand.u32 $0x70, s19;
	s1 =	sadd.s32 s24, s20;
	s3 =	simm.s32 $0x0  }
0x391: {  	s0 =	sadd.s32 s0, s1;
	s19 =	sand.u32 $0x70, s3;
	s2 =	spop (v2sf)  }
0x392: {  	s20 =	sand.u32 $0x3C00, s3;
	s28 =	sshll.u32 s2, $0xB;
	s2 =	sshll.u32 s2, $0x7  }
0x393: {  	s30 =	sor.u32 s19, s20;
	[tilespmem:s0+$0x0] =	vst.add.f32.msk $0xffff, v2;
	s1 =	sand.u32 $0xFFFFC000, s28;
	s2 =	sand.u32 $0x380, s2  }
0x394: {  	v2 =	vld [tilespmem:s30+$0x4400];
	s29 =	sor.u32 s2, s1  }
0x395: {  	s22 =	simm.s32 $0x10;
	s23 =	simm.s32 $0x80;
	s21 =	sadd.s32 $0x10400, s29  }
.LBB2_101:
0x396: {  	s0 =	sand.u32 $0x70, s22  }
0x397: {  	s1 =	sadd.s32 s20, s21;
	s20 =	sand.u32 $0x3C00, s23;
	p0 =	sne.s32 s22, $0x7F0  }
.Ltmp55:
0x398: {  	s22 =	sadd.s32 $0x10, s22;
	s1 =	sadd.s32 s19, s1;
	(pc) =	sbr.rel @p0 .LBB2_101-.Ltmp55, $3  }
0x399: {  	s2 =	sor.u32 s0, s20;
	s19 =	smov.u32 s0;
	[tilespmem:s1+$0x0] =	vst.add.f32.msk $0xffff, v2  }
0x39a: {  	v2 =	vld [tilespmem:s2+$0x4400];
	_ =	sdelay $0x1  }
0x39b: {  	s23 =	sadd.s32 $0x80, s23  }
0x39c: {  	(v2sf) =	vpush v1, $0x9;
	_ =	sdelay $0xd  }
0x39d: {  	s0 =	sadd.s32 s20, s21;
	s3 =	simm.s32 $0x0  }
0x39e: {  	s0 =	sadd.s32 s19, s0;
	s19 =	sand.u32 $0x70, s3;
	s1 =	spop (v2sf)  }
0x39f: {  	s20 =	sand.u32 $0x3C00, s3;
	s2 =	sshll.u32 s1, $0xB;
	s1 =	sshll.u32 s1, $0x7  }
0x3a0: {  	[tilespmem:s0+$0x0] =	vst.add.f32.msk $0xffff, v2;
	s30 =	sor.u32 s19, s20;
	s2 =	sand.u32 $0xFFFFC000, s2;
	s1 =	sand.u32 $0x380, s1  }
0x3a1: {  	v2 =	vld [tilespmem:s30+$0x4480];
	s29 =	sor.u32 s1, s2  }
0x3a2: {  	s22 =	simm.s32 $0x10;
	s23 =	simm.s32 $0x80;
	s21 =	sadd.s32 $0x10400, s29  }
.LBB2_103:
0x3a3: {  	s0 =	sand.u32 $0x70, s22  }
0x3a4: {  	s1 =	sadd.s32 s20, s21;
	s20 =	sand.u32 $0x3C00, s23;
	p0 =	sne.s32 s22, $0x7F0  }
.Ltmp56:
0x3a5: {  	s22 =	sadd.s32 $0x10, s22;
	s1 =	sadd.s32 s19, s1;
	(pc) =	sbr.rel @p0 .LBB2_103-.Ltmp56, $3  }
0x3a6: {  	s2 =	sor.u32 s0, s20;
	s19 =	smov.u32 s0;
	[tilespmem:s1+$0x0] =	vst.add.f32.msk $0xffff, v2  }
0x3a7: {  	v2 =	vld [tilespmem:s2+$0x4480];
	_ =	sdelay $0x1  }
0x3a8: {  	s23 =	sadd.s32 $0x80, s23  }
0x3a9: {  	(v2sf) =	vpush v1, $0xA;
	_ =	sdelay $0xd  }
0x3aa: {  	s0 =	sadd.s32 s20, s21;
	s3 =	simm.s32 $0x0  }
0x3ab: {  	s0 =	sadd.s32 s19, s0;
	s19 =	sand.u32 $0x70, s3;
	s1 =	spop (v2sf)  }
0x3ac: {  	s20 =	sand.u32 $0x3C00, s3;
	s2 =	sshll.u32 s1, $0xB;
	s1 =	sshll.u32 s1, $0x7  }
0x3ad: {  	[tilespmem:s0+$0x0] =	vst.add.f32.msk $0xffff, v2;
	s30 =	sor.u32 s19, s20;
	s2 =	sand.u32 $0xFFFFC000, s2;
	s1 =	sand.u32 $0x380, s1  }
0x3ae: {  	v2 =	vld [tilespmem:s30+$0x4500];
	s29 =	sor.u32 s1, s2  }
0x3af: {  	s22 =	simm.s32 $0x10;
	s23 =	simm.s32 $0x80;
	s21 =	sadd.s32 $0x10400, s29  }
.LBB2_105:
0x3b0: {  	s0 =	sand.u32 $0x70, s22  }
0x3b1: {  	s1 =	sadd.s32 s20, s21;
	s20 =	sand.u32 $0x3C00, s23;
	p0 =	sne.s32 s22, $0x7F0  }
.Ltmp57:
0x3b2: {  	s22 =	sadd.s32 $0x10, s22;
	s1 =	sadd.s32 s19, s1;
	(pc) =	sbr.rel @p0 .LBB2_105-.Ltmp57, $3  }
0x3b3: {  	s2 =	sor.u32 s0, s20;
	s19 =	smov.u32 s0;
	[tilespmem:s1+$0x0] =	vst.add.f32.msk $0xffff, v2  }
0x3b4: {  	v2 =	vld [tilespmem:s2+$0x4500];
	_ =	sdelay $0x1  }
0x3b5: {  	s23 =	sadd.s32 $0x80, s23  }
0x3b6: {  	(v2sf) =	vpush v1, $0xB;
	_ =	sdelay $0xd  }
0x3b7: {  	s0 =	sadd.s32 s20, s21;
	s3 =	simm.s32 $0x0  }
0x3b8: {  	s0 =	sadd.s32 s19, s0;
	s19 =	sand.u32 $0x70, s3;
	s1 =	spop (v2sf)  }
0x3b9: {  	s20 =	sand.u32 $0x3C00, s3;
	s2 =	sshll.u32 s1, $0xB;
	s1 =	sshll.u32 s1, $0x7  }
0x3ba: {  	[tilespmem:s0+$0x0] =	vst.add.f32.msk $0xffff, v2;
	s30 =	sor.u32 s19, s20;
	s2 =	sand.u32 $0xFFFFC000, s2;
	s1 =	sand.u32 $0x380, s1  }
0x3bb: {  	v2 =	vld [tilespmem:s30+$0x4580];
	s29 =	sor.u32 s1, s2  }
0x3bc: {  	s22 =	simm.s32 $0x10;
	s23 =	simm.s32 $0x80;
	s21 =	sadd.s32 $0x10400, s29  }
.LBB2_107:
0x3bd: {  	s0 =	sand.u32 $0x70, s22  }
0x3be: {  	s1 =	sadd.s32 s20, s21;
	s20 =	sand.u32 $0x3C00, s23;
	p0 =	sne.s32 s22, $0x7F0  }
.Ltmp58:
0x3bf: {  	s22 =	sadd.s32 $0x10, s22;
	s1 =	sadd.s32 s19, s1;
	(pc) =	sbr.rel @p0 .LBB2_107-.Ltmp58, $3  }
0x3c0: {  	s2 =	sor.u32 s0, s20;
	s19 =	smov.u32 s0;
	[tilespmem:s1+$0x0] =	vst.add.f32.msk $0xffff, v2  }
0x3c1: {  	v2 =	vld [tilespmem:s2+$0x4580];
	_ =	sdelay $0x1  }
0x3c2: {  	s23 =	sadd.s32 $0x80, s23  }
0x3c3: {  	(v2sf) =	vpush v1, $0xC;
	_ =	sdelay $0xd  }
0x3c4: {  	s0 =	sadd.s32 s20, s21;
	s3 =	simm.s32 $0x0  }
0x3c5: {  	s0 =	sadd.s32 s19, s0;
	s19 =	sand.u32 $0x70, s3;
	s1 =	spop (v2sf)  }
0x3c6: {  	s20 =	sand.u32 $0x3C00, s3;
	s2 =	sshll.u32 s1, $0xB;
	s1 =	sshll.u32 s1, $0x7  }
0x3c7: {  	[tilespmem:s0+$0x0] =	vst.add.f32.msk $0xffff, v2;
	s30 =	sor.u32 s19, s20;
	s2 =	sand.u32 $0xFFFFC000, s2;
	s1 =	sand.u32 $0x380, s1  }
0x3c8: {  	v2 =	vld [tilespmem:s30+$0x4600];
	s29 =	sor.u32 s1, s2  }
0x3c9: {  	s22 =	simm.s32 $0x10;
	s23 =	simm.s32 $0x80;
	s21 =	sadd.s32 $0x10400, s29  }
.LBB2_109:
0x3ca: {  	s0 =	sand.u32 $0x70, s22  }
0x3cb: {  	s1 =	sadd.s32 s20, s21;
	s20 =	sand.u32 $0x3C00, s23;
	p0 =	sne.s32 s22, $0x7F0  }
.Ltmp59:
0x3cc: {  	s22 =	sadd.s32 $0x10, s22;
	s1 =	sadd.s32 s19, s1;
	(pc) =	sbr.rel @p0 .LBB2_109-.Ltmp59, $3  }
0x3cd: {  	s2 =	sor.u32 s0, s20;
	s19 =	smov.u32 s0;
	[tilespmem:s1+$0x0] =	vst.add.f32.msk $0xffff, v2  }
0x3ce: {  	v2 =	vld [tilespmem:s2+$0x4600];
	_ =	sdelay $0x1  }
0x3cf: {  	s23 =	sadd.s32 $0x80, s23  }
0x3d0: {  	(v2sf) =	vpush v1, $0xD;
	_ =	sdelay $0xd  }
0x3d1: {  	s0 =	sadd.s32 s20, s21;
	s3 =	simm.s32 $0x0  }
0x3d2: {  	s0 =	sadd.s32 s19, s0;
	s19 =	sand.u32 $0x70, s3;
	s1 =	spop (v2sf)  }
0x3d3: {  	s20 =	sand.u32 $0x3C00, s3;
	s2 =	sshll.u32 s1, $0xB;
	s1 =	sshll.u32 s1, $0x7  }
0x3d4: {  	[tilespmem:s0+$0x0] =	vst.add.f32.msk $0xffff, v2;
	s30 =	sor.u32 s19, s20;
	s2 =	sand.u32 $0xFFFFC000, s2;
	s1 =	sand.u32 $0x380, s1  }
0x3d5: {  	v2 =	vld [tilespmem:s30+$0x4680];
	s29 =	sor.u32 s1, s2  }
0x3d6: {  	s22 =	simm.s32 $0x10;
	s23 =	simm.s32 $0x80;
	s21 =	sadd.s32 $0x10400, s29  }
.LBB2_111:
0x3d7: {  	s0 =	sand.u32 $0x70, s22  }
0x3d8: {  	s1 =	sadd.s32 s20, s21;
	s20 =	sand.u32 $0x3C00, s23;
	p0 =	sne.s32 s22, $0x7F0  }
.Ltmp60:
0x3d9: {  	s22 =	sadd.s32 $0x10, s22;
	s1 =	sadd.s32 s19, s1;
	(pc) =	sbr.rel @p0 .LBB2_111-.Ltmp60, $3  }
0x3da: {  	s2 =	sor.u32 s0, s20;
	s19 =	smov.u32 s0;
	[tilespmem:s1+$0x0] =	vst.add.f32.msk $0xffff, v2  }
0x3db: {  	v2 =	vld [tilespmem:s2+$0x4680];
	_ =	sdelay $0x1  }
0x3dc: {  	s23 =	sadd.s32 $0x80, s23  }
0x3dd: {  	(v2sf) =	vpush v1, $0xE;
	_ =	sdelay $0xd  }
0x3de: {  	s2 =	sadd.s32 s20, s21;
	s29 =	simm.s32 $0x0  }
0x3df: {  	s2 =	sadd.s32 s19, s2;
	s21 =	sand.u32 $0x70, s29;
	s0 =	spop (v2sf)  }
0x3e0: {  	s20 =	sand.u32 $0x3C00, s29;
	s1 =	sshll.u32 s0, $0xB;
	s0 =	sshll.u32 s0, $0x7  }
0x3e1: {  	[tilespmem:s2+$0x0] =	vst.add.f32.msk $0xffff, v2;
	s30 =	sor.u32 s21, s20;
	s1 =	sand.u32 $0xFFFFC000, s1;
	s0 =	sand.u32 $0x380, s0  }
0x3e2: {  	v1 =	vld [tilespmem:s30+$0x4700];
	s0 =	sor.u32 s0, s1  }
0x3e3: {  	s22 =	simm.s32 $0x10;
	s23 =	simm.s32 $0x80;
	s19 =	sadd.s32 $0x10400, s0  }
.LBB2_113:
0x3e4: {  	s0 =	sand.u32 $0x70, s22  }
0x3e5: {  	s1 =	sadd.s32 s20, s19;
	s20 =	sand.u32 $0x3C00, s23;
	p0 =	seq.s32 s22, $0x7F0  }
.Ltmp61:
0x3e6: {  	s22 =	sadd.s32 $0x10, s22;
	s1 =	sadd.s32 s21, s1;
	(pc) =	sbr.rel @!p0 .LBB2_113-.Ltmp61, $3  }
0x3e7: {  	s2 =	sor.u32 s0, s20;
	s21 =	smov.u32 s0;
	[tilespmem:s1+$0x0] =	vst.add.f32.msk $0xffff, v1  }
0x3e8: {  	v1 =	vld [tilespmem:s2+$0x4700];
	_ =	sdelay $0x1  }
0x3e9: {  	s23 =	sadd.s32 $0x80, s23  }
0x3ea: {  	s0 =	sadd.s32 s20, s19  }
0x3eb: {  	s28 =	sshll.u32 s18, $0xB;
	s1 =	sshll.u32 s18, $0x7;
	s29 =	simm.s32 $0x0  }
0x3ec: {  	s0 =	sadd.s32 s21, s0;
	s20 =	sand.u32 $0x70, s29;
	s19 =	sand.u32 $0x3C00, s29  }
0x3ed: {  	s1 =	sand.u32 $0x380, s1;
	[tilespmem:s0+$0x0] =	vst.add.f32.msk $0xffff, v1;
	s0 =	sand.u32 $0xFFFFC000, s28;
	s30 =	sor.u32 s20, s19  }
0x3ee: {  	s0 =	sor.u32 s1, s0;
	v1 =	vld [tilespmem:s30+$0x4780]  }
0x3ef: {  	s22 =	simm.s32 $0x80;
	s21 =	simm.s32 $0x10;
	s18 =	sadd.s32 $0x10400, s0  }
.LBB2_115:
0x3f0: {  	s0 =	sand.u32 $0x70, s21  }
0x3f1: {  	s1 =	sadd.s32 s19, s18;
	s19 =	sand.u32 $0x3C00, s22;
	p0 =	sne.s32 s21, $0x7F0  }
.Ltmp62:
0x3f2: {  	s21 =	sadd.s32 $0x10, s21;
	s1 =	sadd.s32 s20, s1;
	(pc) =	sbr.rel @p0 .LBB2_115-.Ltmp62, $3  }
0x3f3: {  	s2 =	sor.u32 s0, s19;
	s20 =	smov.u32 s0;
	[tilespmem:s1+$0x0] =	vst.add.f32.msk $0xffff, v1  }
0x3f4: {  	v1 =	vld [tilespmem:s2+$0x4780];
	_ =	sdelay $0x1  }
0x3f5: {  	s22 =	sadd.s32 $0x80, s22  }
.Ltmp63:
0x3f6: {  	(pc) =	sbr.rel .LBB2_117-.Ltmp63, $4  }
0x3f7: {  	_ = 	snop  }
0x3f8: {  	s0 =	sadd.s32 s19, s18  }
0x3f9: {  	s0 =	sadd.s32 s20, s0  }
0x3fa: {  	[tilespmem:s0+$0x0] =	vst.add.f32.msk $0xffff, v1  }
.LBB2_118:
0x3fb: {  	_ =	swait.ge [sflag:s13], $0x8000  }
0x3fc: {  	[sflag:s13] =	ssyncset.done $0x0  }
0x3fd: {  	[sflag:s13] =	ssyncadd.s32 $0xFFFF8000  }
0x3fe: {  	v1 =	vld [tilespmem:$0x380];
	_ =	sdelay $0x4  }
0x3ff: {  	(v2sf) =	vpush v1, $0x0  }
0x400: {  	(v2sf) =	vpush v1, $0xF;
	_ =	sdelay $0xd  }
0x401: {  	s0 =	spop (v2sf)  }
0x402: {  	s16 =	spop (v2sf)  }
0x403: {  	p0 =	sne.s32 s0, s16  }
.Ltmp64:
0x404: {  	_ = 	snop;
	(pc) =	sbr.rel @p0 .LBB2_122-.Ltmp64, $4  }
0x405: {  	s1 =	sshll.u32 s0, $0xB;
	s2 =	sshll.u32 s0, $0x7  }
0x406: {  	s1 =	sand.u32 $0xFFFFC000, s1;
	s2 =	sand.u32 $0x380, s2  }
0x407: {  	s30 =	sor.u32 s2, s1  }
0x408: {  	s20 =	simm.s32 $0x0;
	s17 =	sadd.s32 $0x10400, s30  }
0x409: {  	s18 =	sand.u32 $0x3C00, s20  }
0x40a: {  	s16 =	sand.u32 $0x60, s20;
	s0 =	sadd.s32 $0x8400, s18  }
0x40b: {  	s1 =	sor.u32 s16, s0  }
0x40c: {  	s2 =	sadd.s32 $0xC600, s18;
	v1 =	vld [tilespmem:s1+$0x180]  }
0x40d: {  	s3 =	sadd.s32 $0xC700, s18;
	s5 =	sor.u32 s16, s2;
	v2 =	vld [tilespmem:s1+$0x0]  }
0x40e: {  	s6 =	sadd.s32 $0xC680, s18;
	s28 =	sor.u32 s16, s3;
	v3 =	vld [tilespmem:s5+$0x0]  }
0x40f: {  	s7 =	sor.u32 s16, s6;
	v4 =	vld [tilespmem:s28+$0x0]  }
0x410: {  	v5 =	vld [tilespmem:s7+$0x0]  }
0x411: {  	s19 =	sor.u32 $0x10, s16;
	s29 =	sadd.s32 $0xC780, s18;
	v6 =	vld [tilespmem:s1+$0x80]  }
0x412: {  	s30 =	sor.u32 s19, s29;
	v7 =	vld [tilespmem:s1+$0x100]  }
0x413: {  	s0 =	sor.u32 s19, s0;
	v8 =	vld [tilespmem:s30+$0x0]  }
0x414: {  	v9 =	vld [tilespmem:s0+$0x280]  }
0x415: {  	v10 =	vld [tilespmem:s0+$0x200]  }
0x416: {  	v11 =	vld [tilespmem:s0+$0x180]  }
0x417: {  	v12 =	vld [tilespmem:s0+$0x0]  }
0x418: {  	v13 =	vld [tilespmem:s0+$0x80]  }
0x419: {  	s3 =	sor.u32 s19, s3;
	v14 =	vld [tilespmem:s0+$0x100]  }
0x41a: {  	s8 =	sadd.s32 $0xC480, s18;
	s2 =	sor.u32 s19, s2;
	v15 =	vld [tilespmem:s3+$0x0]  }
0x41b: {  	s9 =	sor.u32 s16, s8;
	v17 =	vld [tilespmem:s2+$0x0]  }
0x41c: {  	s11 =	sadd.s32 $0xC500, s18;
	s10 =	sor.u32 s16, s29;
	v18 =	vld [tilespmem:s9+$0x0]  }
0x41d: {  	s14 =	sadd.s32 $0xC400, s18;
	s15 =	sor.u32 s19, s11;
	v19 =	vld [tilespmem:s10+$0x0]  }
0x41e: {  	s21 =	sadd.s32 $0xC580, s18;
	s22 =	sor.u32 s19, s14;
	v21 =	vld [tilespmem:s15+$0x0]  }
0x41f: {  	s23 =	sor.u32 s19, s21;
	v22 =	vld [tilespmem:s22+$0x0]  }
0x420: {  	v23 =	vld [tilespmem:s23+$0x0]  }
0x421: {  	v25 =	vld [tilespmem:s1+$0x280]  }
0x422: {  	s25 =	sor.u32 s16, s14;
	v26 =	vld [tilespmem:s1+$0x200]  }
0x423: {  	s7 =	sor.u32 s19, s6;
	v51 =	vld [tilespmem:s25+$0x0]  }
0x424: {  	s24 =	sand.u32 $0x3, s20;
	s0 =	sor.u32 s16, s11;
	v16 =	vld [tilespmem:s7+$0x0]  }
0x425: {  	s3 =	sor.u32 s19, s8;
	v24 =	vld [tilespmem:s0+$0x0];
	s0 =	sshll.u32 s24, $0x5  }
0x426: {  	v20 =	vld [tilespmem:s3+$0x0];
	s3 =	sor.u32 s16, s21;
	s0 =	sadd.s32 $0x0, s0;
	v3 =	vadd.f32 v5, v3;
	v5 =	vadd.f32 v9, v10  }
0x427: {  	v27 =	vld [tilespmem:s3+$0x0];
	s26 =	sor.u32 $0x300, s0;
	v1 =	vadd.f32 v1, v7;
	v52 =	vadd.f32 v13, v12  }
0x428: {  	s28 =	sadd.s32 $0x10, s0;
	s0 =	sor.u32 $0x380, s0;
	v53 =	vld [tilespmem:s26+$0x8400];
	v8 =	vadd.f32 v8, v15;
	v57 =	vadd.f32 v23, v21  }
0x429: {  	s29 =	sor.u32 $0x380, s28;
	v58 =	vld [tilespmem:s0+$0x8400];
	v2 =	vadd.f32 v6, v2;
	v11 =	vadd.f32 v11, v14  }
0x42a: {  	s1 =	sor.u32 $0x300, s28;
	v55 =	vld [tilespmem:s29+$0x8400];
	v9 =	vadd.f32 v18, v51;
	v4 =	vadd.f32 v19, v4  }
0x42b: {  	v60 =	vld [tilespmem:s1+$0x8400];
	v54 =	vadd.f32 v16, v17;
	v56 =	vadd.f32 v20, v22  }
0x42c: {  	v1 =	vadd.f32 v1, v2;
	v2 =	vadd.f32 v25, v26  }
0x42d: {  	v62 =	vadd.f32 v27, v24;
	v3 =	vadd.f32 v4, v3  }
0x42e: {  	v4 =	vadd.f32 v11, v52;
	v10 =	vadd.f32 v58, v53  }
0x42f: {  	v59 =	vadd.f32 v8, v54;
	v9 =	vadd.f32 v62, v9  }
0x430: {  	v8 =	vadd.f32 v55, v60;
	v2 =	vadd.f32 v10, v2  }
0x431: {  	v61 =	vadd.f32 v57, v56;
	v63 =	vadd.f32 v3, v9  }
0x432: {  	s30 =	sadd.s32 s18, s17;
	v5 =	vadd.f32 v8, v5;
	v1 =	vadd.f32 v2, v1  }
0x433: {  	s18 =	simm.s32 $0x1;
	s21 =	sadd.s32 s16, s30;
	v3 =	vadd.f32 v59, v61  }
0x434: {  	s20 =	sadd.s32 s19, s30;
	s16 =	simm.s32 $0x100;
	s26 =	simm.s32 $0x20;
	v2 =	vadd.f32 v5, v4;
	v1 =	vadd.f32 v63, v1  }
.LBB2_120:
0x435: {  	s0 =	sand.u32 $0x60, s26  }
0x436: {  	s1 =	sand.u32 $0x3C00, s16;
	v2 =	vadd.f32 v3, v2;
	s2 =	smov.u32 s26;
	s19 =	sadd.s32 $0x20, s26  }
0x437: {  	s2 =	sadd.s32 $0x8400, s1;
	s3 =	sadd.s32 $0xC480, s1;
	s5 =	sor.u32 $0x10, s0;
	[tilespmem:s21+$0x0] =	vst.add.f32.msk $0xffff, v1  }
0x438: {  	s6 =	sadd.s32 $0xC780, s1;
	s22 =	sor.u32 s0, s2;
	s25 =	sor.u32 s0, s3;
	[tilespmem:s20+$0x0] =	vst.add.f32.msk $0xffff, v2  }
0x439: {  	s7 =	sadd.s32 $0xC600, s1;
	s8 =	sadd.s32 $0xC680, s1;
	s9 =	sadd.s32 $0xC700, s1;
	v1 =	vld [tilespmem:s22+$0x180]  }
0x43a: {  	s10 =	sor.u32 s0, s7;
	s11 =	sor.u32 s0, s8;
	s14 =	sor.u32 s0, s6;
	v2 =	vld [tilespmem:s22+$0x0]  }
0x43b: {  	s15 =	sadd.s32 $0xC400, s1;
	s20 =	sadd.s32 $0xC500, s1;
	v3 =	vld [tilespmem:s10+$0x0];
	s10 =	sor.u32 s0, s9  }
0x43c: {  	s21 =	sadd.s32 $0xC580, s1;
	s23 =	sor.u32 s0, s15;
	s28 =	sor.u32 s0, s20;
	v4 =	vld [tilespmem:s10+$0x0]  }
0x43d: {  	s24 =	sor.u32 s0, s21;
	s10 =	sor.u32 s5, s20;
	v5 =	vld [tilespmem:s11+$0x0];
	s11 =	sor.u32 s5, s21  }
0x43e: {  	s15 =	sor.u32 s5, s15;
	s3 =	sor.u32 s5, s3;
	s7 =	sor.u32 s5, s7;
	v6 =	vld [tilespmem:s22+$0x80]  }
0x43f: {  	s8 =	sor.u32 s5, s8;
	s6 =	sor.u32 s5, s6;
	s9 =	sor.u32 s5, s9;
	v7 =	vld [tilespmem:s22+$0x100]  }
0x440: {  	p0 =	seq.s32 s26, $0x7E0;
	s2 =	sor.u32 s5, s2;
	s1 =	sadd.s32 s1, s17;
	v8 =	vld [tilespmem:s6+$0x0]  }
0x441: {  	s20 =	sadd.s32 s5, s1;
	s21 =	sadd.s32 s0, s1;
	v9 =	vld [tilespmem:s2+$0x280]  }
0x442: {  	v10 =	vld [tilespmem:s2+$0x200];
	v3 =	vadd.f32 v5, v3  }
0x443: {  	v5 =	vld [tilespmem:s2+$0x180]  }
0x444: {  	v11 =	vld [tilespmem:s2+$0x0]  }
0x445: {  	v12 =	vld [tilespmem:s2+$0x80]  }
0x446: {  	v13 =	vld [tilespmem:s2+$0x100]  }
0x447: {  	v14 =	vld [tilespmem:s9+$0x0];
	v9 =	vadd.f32 v9, v10  }
0x448: {  	v10 =	vld [tilespmem:s8+$0x0]  }
0x449: {  	v1 =	vadd.f32 v1, v7;
	v15 =	vld [tilespmem:s7+$0x0]  }
0x44a: {  	v7 =	vld [tilespmem:s25+$0x0];
	v11 =	vadd.f32 v12, v11  }
0x44b: {  	v2 =	vadd.f32 v6, v2;
	v12 =	vld [tilespmem:s14+$0x0]  }
0x44c: {  	v6 =	vld [tilespmem:s3+$0x0];
	v8 =	vadd.f32 v8, v14  }
0x44d: {  	v14 =	vld [tilespmem:s10+$0x0]  }
0x44e: {  	v16 =	vld [tilespmem:s15+$0x0];
	v10 =	vadd.f32 v10, v15  }
0x44f: {  	v15 =	vld [tilespmem:s11+$0x0]  }
0x450: {  	v17 =	vld [tilespmem:s28+$0x0];
	v8 =	vadd.f32 v8, v10  }
0x451: {  	s0 =	sand.u32 $0x3, s18;
	v10 =	vld [tilespmem:s22+$0x280]  }
0x452: {  	s0 =	sshll.u32 s0, $0x5;
	v18 =	vld [tilespmem:s22+$0x200]  }
0x453: {  	s0 =	sadd.s32 s0, s16;
	v19 =	vld [tilespmem:s24+$0x0];
	v6 =	vadd.f32 v6, v16  }
0x454: {  	s1 =	sor.u32 $0x300, s0;
	s2 =	sor.u32 $0x380, s0;
	s0 =	sadd.s32 $0x10, s0;
	v16 =	vld [tilespmem:s23+$0x0];
	v14 =	vadd.f32 v15, v14  }
0x455: {  	v15 =	vld [tilespmem:s1+$0x8400];
	s1 =	sor.u32 $0x300, s0;
	s0 =	sor.u32 $0x380, s0  }
0x456: {  	v20 =	vld [tilespmem:s0+$0x8400];
	v6 =	vadd.f32 v14, v6  }
0x457: {  	v14 =	vld [tilespmem:s2+$0x8400]  }
0x458: {  	v21 =	vld [tilespmem:s1+$0x8400]  }
0x459: {  	v5 =	vadd.f32 v5, v13  }
0x45a: {  	v1 =	vadd.f32 v1, v2;
	v7 =	vadd.f32 v7, v16  }
0x45b: {  	v2 =	vadd.f32 v10, v18;
	v10 =	vadd.f32 v19, v17  }
0x45c: {  	v4 =	vadd.f32 v12, v4;
	v13 =	vadd.f32 v14, v15  }
0x45d: {  	v7 =	vadd.f32 v10, v7;
	v10 =	vadd.f32 v20, v21  }
.Ltmp65:
0x45e: {  	v3 =	vadd.f32 v4, v3;
	v2 =	vadd.f32 v13, v2;
	(pc) =	sbr.rel @!p0 .LBB2_120-.Ltmp65, $4  }
0x45f: {  	v4 =	vadd.f32 v5, v11;
	v5 =	vadd.f32 v10, v9  }
0x460: {  	v7 =	vadd.f32 v3, v7;
	v1 =	vadd.f32 v2, v1  }
0x461: {  	v3 =	vadd.f32 v8, v6;
	v2 =	vadd.f32 v5, v4  }
0x462: {  	s26 =	smov.u32 s19;
	s18 =	sadd.s32 $0x1, s18;
	s16 =	sadd.s32 $0x100, s16;
	v1 =	vadd.f32 v7, v1  }
.Ltmp66:
0x463: {  	(pc) =	sbr.rel .LBB2_155-.Ltmp66, $4  }
0x464: {  	_ = 	snop  }
0x465: {  	v2 =	vadd.f32 v3, v2  }
0x466: {  	[tilespmem:s21+$0x0] =	vst.add.f32.msk $0xffff, v1  }
0x467: {  	s3 =	rddreg [dreg:$0x9];
	[tilespmem:s20+$0x0] =	vst.add.f32.msk $0xffff, v2  }
.LBB2_122:
0x468: {  	s18 =	sand.u32 $0x70, s20;
	s19 =	sand.u32 $0x3C00, s20  }
0x469: {  	s0 =	sor.u32 s18, s19  }
0x46a: {  	v2 =	vld [tilespmem:s0+$0x8400]  }
0x46b: {  	s20 =	simm.s32 $0x10;
	s21 =	simm.s32 $0x80  }
.LBB2_123:
0x46c: {  	s0 =	sand.u32 $0x70, s20  }
0x46d: {  	s1 =	sadd.s32 s19, s17;
	s19 =	sand.u32 $0x3C00, s21;
	p0 =	sne.s32 s20, $0x7F0  }
.Ltmp67:
0x46e: {  	s20 =	sadd.s32 $0x10, s20;
	s1 =	sadd.s32 s18, s1;
	(pc) =	sbr.rel @p0 .LBB2_123-.Ltmp67, $3  }
0x46f: {  	s2 =	sor.u32 s0, s19;
	s18 =	smov.u32 s0;
	[tilespmem:s1+$0x0] =	vst.add.f32.msk $0xffff, v2  }
0x470: {  	v2 =	vld [tilespmem:s2+$0x8400];
	_ =	sdelay $0x1  }
0x471: {  	s21 =	sadd.s32 $0x80, s21  }
0x472: {  	(v2sf) =	vpush v1, $0x1;
	_ =	sdelay $0xd  }
0x473: {  	s0 =	sadd.s32 s19, s17;
	s3 =	simm.s32 $0x0  }
0x474: {  	s0 =	sadd.s32 s18, s0;
	s17 =	sand.u32 $0x70, s3;
	s1 =	spop (v2sf)  }
0x475: {  	s18 =	sand.u32 $0x3C00, s3;
	s2 =	sshll.u32 s1, $0xB;
	s1 =	sshll.u32 s1, $0x7  }
0x476: {  	[tilespmem:s0+$0x0] =	vst.add.f32.msk $0xffff, v2;
	s30 =	sor.u32 s17, s18;
	s2 =	sand.u32 $0xFFFFC000, s2;
	s1 =	sand.u32 $0x380, s1  }
0x477: {  	v2 =	vld [tilespmem:s30+$0x8480];
	s29 =	sor.u32 s1, s2  }
0x478: {  	s20 =	simm.s32 $0x10;
	s21 =	simm.s32 $0x80;
	s19 =	sadd.s32 $0x10400, s29  }
.LBB2_125:
0x479: {  	s0 =	sand.u32 $0x70, s20  }
0x47a: {  	s1 =	sadd.s32 s18, s19;
	s18 =	sand.u32 $0x3C00, s21;
	p0 =	sne.s32 s20, $0x7F0  }
.Ltmp68:
0x47b: {  	s20 =	sadd.s32 $0x10, s20;
	s1 =	sadd.s32 s17, s1;
	(pc) =	sbr.rel @p0 .LBB2_125-.Ltmp68, $3  }
0x47c: {  	s2 =	sor.u32 s0, s18;
	s17 =	smov.u32 s0;
	[tilespmem:s1+$0x0] =	vst.add.f32.msk $0xffff, v2  }
0x47d: {  	v2 =	vld [tilespmem:s2+$0x8480];
	_ =	sdelay $0x1  }
0x47e: {  	s21 =	sadd.s32 $0x80, s21  }
0x47f: {  	(v2sf) =	vpush v1, $0x2;
	_ =	sdelay $0xd  }
0x480: {  	s0 =	sadd.s32 s18, s19;
	s3 =	simm.s32 $0x0  }
0x481: {  	s0 =	sadd.s32 s17, s0;
	s17 =	sand.u32 $0x70, s3;
	s1 =	spop (v2sf)  }
0x482: {  	s18 =	sand.u32 $0x3C00, s3;
	s2 =	sshll.u32 s1, $0xB;
	s1 =	sshll.u32 s1, $0x7  }
0x483: {  	[tilespmem:s0+$0x0] =	vst.add.f32.msk $0xffff, v2;
	s30 =	sor.u32 s17, s18;
	s2 =	sand.u32 $0xFFFFC000, s2;
	s1 =	sand.u32 $0x380, s1  }
0x484: {  	v2 =	vld [tilespmem:s30+$0x8500];
	s29 =	sor.u32 s1, s2  }
0x485: {  	s20 =	simm.s32 $0x10;
	s21 =	simm.s32 $0x80;
	s19 =	sadd.s32 $0x10400, s29  }
.LBB2_127:
0x486: {  	s0 =	sand.u32 $0x70, s20  }
0x487: {  	s1 =	sadd.s32 s18, s19;
	s18 =	sand.u32 $0x3C00, s21;
	p0 =	sne.s32 s20, $0x7F0  }
.Ltmp69:
0x488: {  	s20 =	sadd.s32 $0x10, s20;
	s1 =	sadd.s32 s17, s1;
	(pc) =	sbr.rel @p0 .LBB2_127-.Ltmp69, $3  }
0x489: {  	s2 =	sor.u32 s0, s18;
	s17 =	smov.u32 s0;
	[tilespmem:s1+$0x0] =	vst.add.f32.msk $0xffff, v2  }
0x48a: {  	v2 =	vld [tilespmem:s2+$0x8500];
	_ =	sdelay $0x1  }
0x48b: {  	s21 =	sadd.s32 $0x80, s21  }
0x48c: {  	(v2sf) =	vpush v1, $0x3;
	_ =	sdelay $0xd  }
0x48d: {  	s0 =	sadd.s32 s18, s19;
	s3 =	simm.s32 $0x0  }
0x48e: {  	s0 =	sadd.s32 s17, s0;
	s17 =	sand.u32 $0x70, s3;
	s1 =	spop (v2sf)  }
0x48f: {  	s18 =	sand.u32 $0x3C00, s3;
	s2 =	sshll.u32 s1, $0xB;
	s1 =	sshll.u32 s1, $0x7  }
0x490: {  	[tilespmem:s0+$0x0] =	vst.add.f32.msk $0xffff, v2;
	s30 =	sor.u32 s17, s18;
	s2 =	sand.u32 $0xFFFFC000, s2;
	s1 =	sand.u32 $0x380, s1  }
0x491: {  	v2 =	vld [tilespmem:s30+$0x8580];
	s29 =	sor.u32 s1, s2  }
0x492: {  	s20 =	simm.s32 $0x10;
	s21 =	simm.s32 $0x80;
	s19 =	sadd.s32 $0x10400, s29  }
.LBB2_129:
0x493: {  	s0 =	sand.u32 $0x70, s20  }
0x494: {  	s1 =	sadd.s32 s18, s19;
	s18 =	sand.u32 $0x3C00, s21;
	p0 =	sne.s32 s20, $0x7F0  }
.Ltmp70:
0x495: {  	s20 =	sadd.s32 $0x10, s20;
	s1 =	sadd.s32 s17, s1;
	(pc) =	sbr.rel @p0 .LBB2_129-.Ltmp70, $3  }
0x496: {  	s2 =	sor.u32 s0, s18;
	s17 =	smov.u32 s0;
	[tilespmem:s1+$0x0] =	vst.add.f32.msk $0xffff, v2  }
0x497: {  	v2 =	vld [tilespmem:s2+$0x8580];
	_ =	sdelay $0x1  }
0x498: {  	s21 =	sadd.s32 $0x80, s21  }
0x499: {  	(v2sf) =	vpush v1, $0x4;
	_ =	sdelay $0xd  }
0x49a: {  	s0 =	sadd.s32 s18, s19;
	s3 =	simm.s32 $0x0  }
0x49b: {  	s0 =	sadd.s32 s17, s0;
	s17 =	sand.u32 $0x70, s3;
	s1 =	spop (v2sf)  }
0x49c: {  	s18 =	sand.u32 $0x3C00, s3;
	s2 =	sshll.u32 s1, $0xB;
	s1 =	sshll.u32 s1, $0x7  }
0x49d: {  	[tilespmem:s0+$0x0] =	vst.add.f32.msk $0xffff, v2;
	s30 =	sor.u32 s17, s18;
	s2 =	sand.u32 $0xFFFFC000, s2;
	s1 =	sand.u32 $0x380, s1  }
0x49e: {  	v2 =	vld [tilespmem:s30+$0x8600];
	s29 =	sor.u32 s1, s2  }
0x49f: {  	s20 =	simm.s32 $0x10;
	s21 =	simm.s32 $0x80;
	s19 =	sadd.s32 $0x10400, s29  }
.LBB2_131:
0x4a0: {  	s0 =	sand.u32 $0x70, s20  }
0x4a1: {  	s1 =	sadd.s32 s18, s19;
	s18 =	sand.u32 $0x3C00, s21;
	p0 =	sne.s32 s20, $0x7F0  }
.Ltmp71:
0x4a2: {  	s20 =	sadd.s32 $0x10, s20;
	s1 =	sadd.s32 s17, s1;
	(pc) =	sbr.rel @p0 .LBB2_131-.Ltmp71, $3  }
0x4a3: {  	s2 =	sor.u32 s0, s18;
	s17 =	smov.u32 s0;
	[tilespmem:s1+$0x0] =	vst.add.f32.msk $0xffff, v2  }
0x4a4: {  	v2 =	vld [tilespmem:s2+$0x8600];
	_ =	sdelay $0x1  }
0x4a5: {  	s21 =	sadd.s32 $0x80, s21  }
0x4a6: {  	(v2sf) =	vpush v1, $0x5;
	_ =	sdelay $0xd  }
0x4a7: {  	s0 =	sadd.s32 s18, s19;
	s3 =	simm.s32 $0x0  }
0x4a8: {  	s0 =	sadd.s32 s17, s0;
	s17 =	sand.u32 $0x70, s3;
	s1 =	spop (v2sf)  }
0x4a9: {  	s18 =	sand.u32 $0x3C00, s3;
	s2 =	sshll.u32 s1, $0xB;
	s1 =	sshll.u32 s1, $0x7  }
0x4aa: {  	[tilespmem:s0+$0x0] =	vst.add.f32.msk $0xffff, v2;
	s30 =	sor.u32 s17, s18;
	s2 =	sand.u32 $0xFFFFC000, s2;
	s1 =	sand.u32 $0x380, s1  }
0x4ab: {  	v2 =	vld [tilespmem:s30+$0x8680];
	s29 =	sor.u32 s1, s2  }
0x4ac: {  	s20 =	simm.s32 $0x10;
	s21 =	simm.s32 $0x80;
	s19 =	sadd.s32 $0x10400, s29  }
.LBB2_133:
0x4ad: {  	s0 =	sand.u32 $0x70, s20  }
0x4ae: {  	s1 =	sadd.s32 s18, s19;
	s18 =	sand.u32 $0x3C00, s21;
	p0 =	sne.s32 s20, $0x7F0  }
.Ltmp72:
0x4af: {  	s20 =	sadd.s32 $0x10, s20;
	s1 =	sadd.s32 s17, s1;
	(pc) =	sbr.rel @p0 .LBB2_133-.Ltmp72, $3  }
0x4b0: {  	s2 =	sor.u32 s0, s18;
	s17 =	smov.u32 s0;
	[tilespmem:s1+$0x0] =	vst.add.f32.msk $0xffff, v2  }
0x4b1: {  	v2 =	vld [tilespmem:s2+$0x8680];
	_ =	sdelay $0x1  }
0x4b2: {  	s21 =	sadd.s32 $0x80, s21  }
0x4b3: {  	(v2sf) =	vpush v1, $0x6;
	_ =	sdelay $0xd  }
0x4b4: {  	s0 =	sadd.s32 s18, s19;
	s3 =	simm.s32 $0x0  }
0x4b5: {  	s0 =	sadd.s32 s17, s0;
	s18 =	sand.u32 $0x70, s3;
	s1 =	spop (v2sf)  }
0x4b6: {  	s17 =	sand.u32 $0x3C00, s3;
	s2 =	sshll.u32 s1, $0xB;
	s1 =	sshll.u32 s1, $0x7  }
0x4b7: {  	[tilespmem:s0+$0x0] =	vst.add.f32.msk $0xffff, v2;
	s30 =	sor.u32 s18, s17;
	s2 =	sand.u32 $0xFFFFC000, s2;
	s1 =	sand.u32 $0x380, s1  }
0x4b8: {  	v2 =	vld [tilespmem:s30+$0x8700];
	s29 =	sor.u32 s1, s2  }
0x4b9: {  	s20 =	simm.s32 $0x10;
	s21 =	simm.s32 $0x80;
	s19 =	sadd.s32 $0x10400, s29  }
.LBB2_135:
0x4ba: {  	s0 =	sand.u32 $0x70, s20  }
0x4bb: {  	s1 =	sadd.s32 s17, s19;
	s17 =	sand.u32 $0x3C00, s21;
	p0 =	sne.s32 s20, $0x7F0  }
.Ltmp73:
0x4bc: {  	s20 =	sadd.s32 $0x10, s20;
	s1 =	sadd.s32 s18, s1;
	(pc) =	sbr.rel @p0 .LBB2_135-.Ltmp73, $3  }
0x4bd: {  	s2 =	sor.u32 s0, s17;
	s18 =	smov.u32 s0;
	[tilespmem:s1+$0x0] =	vst.add.f32.msk $0xffff, v2  }
0x4be: {  	v2 =	vld [tilespmem:s2+$0x8700];
	_ =	sdelay $0x1  }
0x4bf: {  	s21 =	sadd.s32 $0x80, s21  }
0x4c0: {  	(v2sf) =	vpush v1, $0x7;
	_ =	sdelay $0xd  }
0x4c1: {  	s0 =	sadd.s32 s17, s19;
	s17 =	simm.s32 $0x0;
	s19 =	simm.s32 $0x10  }
0x4c2: {  	s3 =	sand.u32 $0x7, s17;
	s0 =	sadd.s32 s18, s0;
	s1 =	spop (v2sf)  }
0x4c3: {  	s3 =	sshll.u32 s3, $0x4;
	s2 =	sshll.u32 s1, $0xB;
	s1 =	sshll.u32 s1, $0x7  }
0x4c4: {  	s29 =	sadd.s32 $0x0, s3;
	s2 =	sand.u32 $0xFFFFC000, s2;
	s1 =	sand.u32 $0x380, s1  }
0x4c5: {  	s20 =	simm.s32 $0x80;
	[tilespmem:s0+$0x0] =	vst.add.f32.msk $0xffff, v2;
	s30 =	sor.u32 $0x380, s29;
	s1 =	sor.u32 s1, s2  }
0x4c6: {  	s21 =	simm.s32 $0x1;
	s22 =	sand.u32 $0x3C00, s17;
	v2 =	vld [tilespmem:s30+$0x8400];
	s18 =	sadd.s32 $0x10400, s1  }
.LBB2_137:
0x4c7: {  	s0 =	sand.u32 $0x7, s21;
	p0 =	sne.s32 s19, $0x7F0  }
0x4c8: {  	s1 =	smov.u32 s19;
	s19 =	sadd.s32 $0x10, s19;
	s2 =	sand.u32 $0x70, s17  }
.Ltmp74:
0x4c9: {  	s3 =	sadd.s32 s22, s18;
	s0 =	sshll.u32 s0, $0x4;
	(pc) =	sbr.rel @p0 .LBB2_137-.Ltmp74, $4  }
0x4ca: {  	s2 =	sadd.s32 s2, s3;
	s17 =	smov.u32 s1;
	s0 =	sadd.s32 s0, s20  }
0x4cb: {  	s0 =	sor.u32 $0x380, s0;
	[tilespmem:s2+$0x0] =	vst.add.f32.msk $0xffff, v2  }
0x4cc: {  	v2 =	vld [tilespmem:s0+$0x8400]  }
0x4cd: {  	s22 =	sand.u32 $0x3C00, s20;
	s21 =	sadd.s32 $0x1, s21;
	s20 =	sadd.s32 $0x80, s20  }
0x4ce: {  	(v2sf) =	vpush v1, $0x8;
	_ =	sdelay $0xd  }
0x4cf: {  	s0 =	sand.u32 $0x70, s17;
	s1 =	sadd.s32 s22, s18;
	s3 =	simm.s32 $0x0  }
0x4d0: {  	s0 =	sadd.s32 s0, s1;
	s17 =	sand.u32 $0x70, s3;
	s2 =	spop (v2sf)  }
0x4d1: {  	s18 =	sand.u32 $0x3C00, s3;
	s28 =	sshll.u32 s2, $0xB;
	s2 =	sshll.u32 s2, $0x7  }
0x4d2: {  	s30 =	sor.u32 s17, s18;
	[tilespmem:s0+$0x0] =	vst.add.f32.msk $0xffff, v2;
	s1 =	sand.u32 $0xFFFFC000, s28;
	s2 =	sand.u32 $0x380, s2  }
0x4d3: {  	v2 =	vld [tilespmem:s30+$0xC400];
	s29 =	sor.u32 s2, s1  }
0x4d4: {  	s20 =	simm.s32 $0x10;
	s21 =	simm.s32 $0x80;
	s19 =	sadd.s32 $0x10400, s29  }
.LBB2_139:
0x4d5: {  	s0 =	sand.u32 $0x70, s20  }
0x4d6: {  	s1 =	sadd.s32 s18, s19;
	s18 =	sand.u32 $0x3C00, s21;
	p0 =	sne.s32 s20, $0x7F0  }
.Ltmp75:
0x4d7: {  	s20 =	sadd.s32 $0x10, s20;
	s1 =	sadd.s32 s17, s1;
	(pc) =	sbr.rel @p0 .LBB2_139-.Ltmp75, $3  }
0x4d8: {  	s2 =	sor.u32 s0, s18;
	s17 =	smov.u32 s0;
	[tilespmem:s1+$0x0] =	vst.add.f32.msk $0xffff, v2  }
0x4d9: {  	v2 =	vld [tilespmem:s2+$0xC400];
	_ =	sdelay $0x1  }
0x4da: {  	s21 =	sadd.s32 $0x80, s21  }
0x4db: {  	(v2sf) =	vpush v1, $0x9;
	_ =	sdelay $0xd  }
0x4dc: {  	s0 =	sadd.s32 s18, s19;
	s3 =	simm.s32 $0x0  }
0x4dd: {  	s0 =	sadd.s32 s17, s0;
	s17 =	sand.u32 $0x70, s3;
	s1 =	spop (v2sf)  }
0x4de: {  	s18 =	sand.u32 $0x3C00, s3;
	s2 =	sshll.u32 s1, $0xB;
	s1 =	sshll.u32 s1, $0x7  }
0x4df: {  	[tilespmem:s0+$0x0] =	vst.add.f32.msk $0xffff, v2;
	s30 =	sor.u32 s17, s18;
	s2 =	sand.u32 $0xFFFFC000, s2;
	s1 =	sand.u32 $0x380, s1  }
0x4e0: {  	v2 =	vld [tilespmem:s30+$0xC480];
	s29 =	sor.u32 s1, s2  }
0x4e1: {  	s20 =	simm.s32 $0x10;
	s21 =	simm.s32 $0x80;
	s19 =	sadd.s32 $0x10400, s29  }
.LBB2_141:
0x4e2: {  	s0 =	sand.u32 $0x70, s20  }
0x4e3: {  	s1 =	sadd.s32 s18, s19;
	s18 =	sand.u32 $0x3C00, s21;
	p0 =	sne.s32 s20, $0x7F0  }
.Ltmp76:
0x4e4: {  	s20 =	sadd.s32 $0x10, s20;
	s1 =	sadd.s32 s17, s1;
	(pc) =	sbr.rel @p0 .LBB2_141-.Ltmp76, $3  }
0x4e5: {  	s2 =	sor.u32 s0, s18;
	s17 =	smov.u32 s0;
	[tilespmem:s1+$0x0] =	vst.add.f32.msk $0xffff, v2  }
0x4e6: {  	v2 =	vld [tilespmem:s2+$0xC480];
	_ =	sdelay $0x1  }
0x4e7: {  	s21 =	sadd.s32 $0x80, s21  }
0x4e8: {  	(v2sf) =	vpush v1, $0xA;
	_ =	sdelay $0xd  }
0x4e9: {  	s0 =	sadd.s32 s18, s19;
	s3 =	simm.s32 $0x0  }
0x4ea: {  	s0 =	sadd.s32 s17, s0;
	s17 =	sand.u32 $0x70, s3;
	s1 =	spop (v2sf)  }
0x4eb: {  	s18 =	sand.u32 $0x3C00, s3;
	s2 =	sshll.u32 s1, $0xB;
	s1 =	sshll.u32 s1, $0x7  }
0x4ec: {  	[tilespmem:s0+$0x0] =	vst.add.f32.msk $0xffff, v2;
	s30 =	sor.u32 s17, s18;
	s2 =	sand.u32 $0xFFFFC000, s2;
	s1 =	sand.u32 $0x380, s1  }
0x4ed: {  	v2 =	vld [tilespmem:s30+$0xC500];
	s29 =	sor.u32 s1, s2  }
0x4ee: {  	s20 =	simm.s32 $0x10;
	s21 =	simm.s32 $0x80;
	s19 =	sadd.s32 $0x10400, s29  }
.LBB2_143:
0x4ef: {  	s0 =	sand.u32 $0x70, s20  }
0x4f0: {  	s1 =	sadd.s32 s18, s19;
	s18 =	sand.u32 $0x3C00, s21;
	p0 =	sne.s32 s20, $0x7F0  }
.Ltmp77:
0x4f1: {  	s20 =	sadd.s32 $0x10, s20;
	s1 =	sadd.s32 s17, s1;
	(pc) =	sbr.rel @p0 .LBB2_143-.Ltmp77, $3  }
0x4f2: {  	s2 =	sor.u32 s0, s18;
	s17 =	smov.u32 s0;
	[tilespmem:s1+$0x0] =	vst.add.f32.msk $0xffff, v2  }
0x4f3: {  	v2 =	vld [tilespmem:s2+$0xC500];
	_ =	sdelay $0x1  }
0x4f4: {  	s21 =	sadd.s32 $0x80, s21  }
0x4f5: {  	(v2sf) =	vpush v1, $0xB;
	_ =	sdelay $0xd  }
0x4f6: {  	s0 =	sadd.s32 s18, s19;
	s3 =	simm.s32 $0x0  }
0x4f7: {  	s0 =	sadd.s32 s17, s0;
	s17 =	sand.u32 $0x70, s3;
	s1 =	spop (v2sf)  }
0x4f8: {  	s18 =	sand.u32 $0x3C00, s3;
	s2 =	sshll.u32 s1, $0xB;
	s1 =	sshll.u32 s1, $0x7  }
0x4f9: {  	[tilespmem:s0+$0x0] =	vst.add.f32.msk $0xffff, v2;
	s30 =	sor.u32 s17, s18;
	s2 =	sand.u32 $0xFFFFC000, s2;
	s1 =	sand.u32 $0x380, s1  }
0x4fa: {  	v2 =	vld [tilespmem:s30+$0xC580];
	s29 =	sor.u32 s1, s2  }
0x4fb: {  	s20 =	simm.s32 $0x10;
	s21 =	simm.s32 $0x80;
	s19 =	sadd.s32 $0x10400, s29  }
.LBB2_145:
0x4fc: {  	s0 =	sand.u32 $0x70, s20  }
0x4fd: {  	s1 =	sadd.s32 s18, s19;
	s18 =	sand.u32 $0x3C00, s21;
	p0 =	sne.s32 s20, $0x7F0  }
.Ltmp78:
0x4fe: {  	s20 =	sadd.s32 $0x10, s20;
	s1 =	sadd.s32 s17, s1;
	(pc) =	sbr.rel @p0 .LBB2_145-.Ltmp78, $3  }
0x4ff: {  	s2 =	sor.u32 s0, s18;
	s17 =	smov.u32 s0;
	[tilespmem:s1+$0x0] =	vst.add.f32.msk $0xffff, v2  }
0x500: {  	v2 =	vld [tilespmem:s2+$0xC580];
	_ =	sdelay $0x1  }
0x501: {  	s21 =	sadd.s32 $0x80, s21  }
0x502: {  	(v2sf) =	vpush v1, $0xC;
	_ =	sdelay $0xd  }
0x503: {  	s0 =	sadd.s32 s18, s19;
	s3 =	simm.s32 $0x0  }
0x504: {  	s0 =	sadd.s32 s17, s0;
	s17 =	sand.u32 $0x70, s3;
	s1 =	spop (v2sf)  }
0x505: {  	s18 =	sand.u32 $0x3C00, s3;
	s2 =	sshll.u32 s1, $0xB;
	s1 =	sshll.u32 s1, $0x7  }
0x506: {  	[tilespmem:s0+$0x0] =	vst.add.f32.msk $0xffff, v2;
	s30 =	sor.u32 s17, s18;
	s2 =	sand.u32 $0xFFFFC000, s2;
	s1 =	sand.u32 $0x380, s1  }
0x507: {  	v2 =	vld [tilespmem:s30+$0xC600];
	s29 =	sor.u32 s1, s2  }
0x508: {  	s20 =	simm.s32 $0x10;
	s21 =	simm.s32 $0x80;
	s19 =	sadd.s32 $0x10400, s29  }
.LBB2_147:
0x509: {  	s0 =	sand.u32 $0x70, s20  }
0x50a: {  	s1 =	sadd.s32 s18, s19;
	s18 =	sand.u32 $0x3C00, s21;
	p0 =	sne.s32 s20, $0x7F0  }
.Ltmp79:
0x50b: {  	s20 =	sadd.s32 $0x10, s20;
	s1 =	sadd.s32 s17, s1;
	(pc) =	sbr.rel @p0 .LBB2_147-.Ltmp79, $3  }
0x50c: {  	s2 =	sor.u32 s0, s18;
	s17 =	smov.u32 s0;
	[tilespmem:s1+$0x0] =	vst.add.f32.msk $0xffff, v2  }
0x50d: {  	v2 =	vld [tilespmem:s2+$0xC600];
	_ =	sdelay $0x1  }
0x50e: {  	s21 =	sadd.s32 $0x80, s21  }
0x50f: {  	(v2sf) =	vpush v1, $0xD;
	_ =	sdelay $0xd  }
0x510: {  	s0 =	sadd.s32 s18, s19;
	s3 =	simm.s32 $0x0  }
0x511: {  	s0 =	sadd.s32 s17, s0;
	s17 =	sand.u32 $0x70, s3;
	s1 =	spop (v2sf)  }
0x512: {  	s18 =	sand.u32 $0x3C00, s3;
	s2 =	sshll.u32 s1, $0xB;
	s1 =	sshll.u32 s1, $0x7  }
0x513: {  	[tilespmem:s0+$0x0] =	vst.add.f32.msk $0xffff, v2;
	s30 =	sor.u32 s17, s18;
	s2 =	sand.u32 $0xFFFFC000, s2;
	s1 =	sand.u32 $0x380, s1  }
0x514: {  	v2 =	vld [tilespmem:s30+$0xC680];
	s29 =	sor.u32 s1, s2  }
0x515: {  	s20 =	simm.s32 $0x10;
	s21 =	simm.s32 $0x80;
	s19 =	sadd.s32 $0x10400, s29  }
.LBB2_149:
0x516: {  	s0 =	sand.u32 $0x70, s20  }
0x517: {  	s1 =	sadd.s32 s18, s19;
	s18 =	sand.u32 $0x3C00, s21;
	p0 =	sne.s32 s20, $0x7F0  }
.Ltmp80:
0x518: {  	s20 =	sadd.s32 $0x10, s20;
	s1 =	sadd.s32 s17, s1;
	(pc) =	sbr.rel @p0 .LBB2_149-.Ltmp80, $3  }
0x519: {  	s2 =	sor.u32 s0, s18;
	s17 =	smov.u32 s0;
	[tilespmem:s1+$0x0] =	vst.add.f32.msk $0xffff, v2  }
0x51a: {  	v2 =	vld [tilespmem:s2+$0xC680];
	_ =	sdelay $0x1  }
0x51b: {  	s21 =	sadd.s32 $0x80, s21  }
0x51c: {  	(v2sf) =	vpush v1, $0xE;
	_ =	sdelay $0xd  }
0x51d: {  	s2 =	sadd.s32 s18, s19;
	s29 =	simm.s32 $0x0  }
0x51e: {  	s2 =	sadd.s32 s17, s2;
	s19 =	sand.u32 $0x70, s29;
	s0 =	spop (v2sf)  }
0x51f: {  	s18 =	sand.u32 $0x3C00, s29;
	s1 =	sshll.u32 s0, $0xB;
	s0 =	sshll.u32 s0, $0x7  }
0x520: {  	[tilespmem:s2+$0x0] =	vst.add.f32.msk $0xffff, v2;
	s30 =	sor.u32 s19, s18;
	s1 =	sand.u32 $0xFFFFC000, s1;
	s0 =	sand.u32 $0x380, s0  }
0x521: {  	v1 =	vld [tilespmem:s30+$0xC700];
	s0 =	sor.u32 s0, s1  }
0x522: {  	s20 =	simm.s32 $0x10;
	s21 =	simm.s32 $0x80;
	s17 =	sadd.s32 $0x10400, s0  }
.LBB2_151:
0x523: {  	s0 =	sand.u32 $0x70, s20  }
0x524: {  	s1 =	sadd.s32 s18, s17;
	s18 =	sand.u32 $0x3C00, s21;
	p0 =	seq.s32 s20, $0x7F0  }
.Ltmp81:
0x525: {  	s20 =	sadd.s32 $0x10, s20;
	s1 =	sadd.s32 s19, s1;
	(pc) =	sbr.rel @!p0 .LBB2_151-.Ltmp81, $3  }
0x526: {  	s2 =	sor.u32 s0, s18;
	s19 =	smov.u32 s0;
	[tilespmem:s1+$0x0] =	vst.add.f32.msk $0xffff, v1  }
0x527: {  	v1 =	vld [tilespmem:s2+$0xC700];
	_ =	sdelay $0x1  }
0x528: {  	s21 =	sadd.s32 $0x80, s21  }
0x529: {  	s0 =	sadd.s32 s18, s17  }
0x52a: {  	s28 =	sshll.u32 s16, $0xB;
	s1 =	sshll.u32 s16, $0x7;
	s29 =	simm.s32 $0x0  }
0x52b: {  	s0 =	sadd.s32 s19, s0;
	s18 =	sand.u32 $0x70, s29;
	s17 =	sand.u32 $0x3C00, s29  }
0x52c: {  	s1 =	sand.u32 $0x380, s1;
	[tilespmem:s0+$0x0] =	vst.add.f32.msk $0xffff, v1;
	s0 =	sand.u32 $0xFFFFC000, s28;
	s30 =	sor.u32 s18, s17  }
0x52d: {  	s0 =	sor.u32 s1, s0;
	v1 =	vld [tilespmem:s30+$0xC780]  }
0x52e: {  	s20 =	simm.s32 $0x80;
	s19 =	simm.s32 $0x10;
	s16 =	sadd.s32 $0x10400, s0  }
.LBB2_153:
0x52f: {  	s0 =	sand.u32 $0x70, s19  }
0x530: {  	s1 =	sadd.s32 s17, s16;
	s17 =	sand.u32 $0x3C00, s20;
	p0 =	sne.s32 s19, $0x7F0  }
.Ltmp82:
0x531: {  	s19 =	sadd.s32 $0x10, s19;
	s1 =	sadd.s32 s18, s1;
	(pc) =	sbr.rel @p0 .LBB2_153-.Ltmp82, $3  }
0x532: {  	s2 =	sor.u32 s0, s17;
	s18 =	smov.u32 s0;
	[tilespmem:s1+$0x0] =	vst.add.f32.msk $0xffff, v1  }
0x533: {  	v1 =	vld [tilespmem:s2+$0xC780];
	_ =	sdelay $0x1  }
0x534: {  	s20 =	sadd.s32 $0x80, s20  }
.Ltmp83:
0x535: {  	(pc) =	sbr.rel .LBB2_155-.Ltmp83, $4  }
0x536: {  	_ = 	snop  }
0x537: {  	s0 =	sadd.s32 s17, s16  }
0x538: {  	s0 =	sadd.s32 s18, s0  }
0x539: {  	s3 =	rddreg [dreg:$0x9];
	[tilespmem:s0+$0x0] =	vst.add.f32.msk $0xffff, v1  }
.LBB2_156:
0x53a: {  	_ =	sfence.sel $0x180000  }
0x53b: {  	[bflag:$0x0] =	sbarrier.arrive $0xFFFF  }
0x53c: {  	_ =	strace $0x90000047  }
0x53d: {  	s0 =	stileid.u32;
	[bflag:$0x2] =	sbarrier.arrive $0xFFFF  }
0x53e: {  	p0 =	sne.s32 s0, $0x0;
	s0 =	rddreg [dreg:$0x3]  }
0x53f: {  	s0 =	sadd.s32 @!p0 $0x100000, s0  }
0x540: {  	[sflag:s0] =	ssyncadd.tile.s32 @!p0 $0x1;
	_ =	shalt  }
.Lfunc_end2:
_tile_overlayer_lowered:
.L_overlay_start_2:
0x541: {  	(tag) =	ssettag $0x2  }
0x542: {  	s0 =	rddreg [dreg:$0x0];
	s2 =	stileid.u32  }
0x543: {  	s1 =	rddreg [dreg:$0x1];
	p0 =	sne.s32 s2, $0x0  }
0x544: {  	s3 =	rddreg [dreg:$0x2];
	[bflag:$0x3] =	sbarrier.arrive $0xFFFF;
	s2 =	simm.s32 @!p0 $0x1C04  }
0x545: {  	[timem:s3], [sflag:s2] =	dma.local @!p0 [hbm:s0], s1  }
0x546: {  	s0 =	simm.s32 @!p0 $0x4  }
0x547: {  	_ =	swait.ge @!p0 [sflag:s0], s1  }
0x548: {  	s1 =	ssub.s32 @!p0 $0x0, s1;
	[sflag:s0] =	ssyncset.done @!p0 $0x0  }
0x549: {  	[sflag:s0] =	ssyncadd.s32 @!p0 s1  }
0x54a: {  	[bflag:$0x3] =	sbarrier.arrive $0xFFFF  }
0x54b: {  	_ =	shalt  }

</sc_bundles>
